<compile_context>
chip_gen: v7x
topology: tpu7x:2x2x1
jax: 0.10.2.dev20260603
libtpu: 0.0.44.dev20260713+nightly
codegen_flags: <defaults>
</compile_context>

<pallas_src>
import functools

import jax
import jax.numpy as jnp
from jax import lax
from jax.experimental import pallas as pl
from jax.experimental.pallas import tpu as pltpu
from jax.experimental.pallas import tpu_sc as plsc

NUM_USER = 10000
NUM_MOVIES = 5000
EMB = 32
BATCH = 16384

_SLOPE = 0.01

_NC, _NS, _L = 2, 16, 16
_NW = _NC * _NS
_BPW = BATCH // _NW
_ICH = 128
_NCH = _BPW // _ICH


def _leaky(z):
    return jnp.where(z >= 0, z, _SLOPE * z)


def _movie_pass_body(adj_ref, rhs_ref, prev_ref, W_ref, b_ref, out_ref):
    dot = lambda x, y: jax.lax.dot_general(
        x, y, (((1,), (0,)), ((), ())), preferred_element_type=jnp.float32)
    p = dot(adj_ref[...], rhs_ref[...])
    b = b_ref[...]
    z = (dot(p, W_ref[...]) + b) + (dot(prev_ref[...], W_ref[...]) + b)
    out_ref[...] = _leaky(z)


def _movie_pass(adj, rhs, prev, W, b, bm):
    n = adj.shape[0]
    k = adj.shape[1]
    grid = ((n + bm - 1) // bm,)
    return pl.pallas_call(
        _movie_pass_body,
        grid=grid,
        in_specs=[
            pl.BlockSpec((bm, k), lambda i: (i, 0)),
            pl.BlockSpec((k, EMB), lambda i: (0, 0)),
            pl.BlockSpec((bm, EMB), lambda i: (i, 0)),
            pl.BlockSpec((EMB, EMB), lambda i: (0, 0)),
            pl.BlockSpec((1, EMB), lambda i: (0, 0)),
        ],
        out_specs=pl.BlockSpec((bm, EMB), lambda i: (i, 0)),
        out_shape=jax.ShapeDtypeStruct((n, EMB), jnp.float32),
        compiler_params=pltpu.CompilerParams(
            vmem_limit_bytes=64 * 1024 * 1024),
    )(adj, rhs, prev, W, b)


def _user_pass_body(adj_ref, mm_ref, u0_ref, uW_ref, ub_ref,
                    u1_ref, u2_ref):
    dot = lambda x, y: jax.lax.dot_general(
        x, y, (((1,), (0,)), ((), ())), preferred_element_type=jnp.float32)
    a = adj_ref[...]
    u0 = u0_ref[...]
    q = dot(a, mm_ref[...])
    b0, b1 = ub_ref[0], ub_ref[1]
    u1 = _leaky((dot(q[:, :EMB], uW_ref[0]) + b0) + (dot(u0, uW_ref[0]) + b0))
    u2 = _leaky((dot(q[:, EMB:], uW_ref[1]) + b1) + (dot(u1, uW_ref[1]) + b1))
    u1_ref[...] = u1
    u2_ref[...] = u2


def _user_pass(adj, mm, u0, uW, ub, bm):
    n = adj.shape[0]
    k = adj.shape[1]
    grid = ((n + bm - 1) // bm,)
    blk = lambda r, c: pl.BlockSpec((r, c), lambda i: (i, 0))
    full = lambda shape: pl.BlockSpec(shape, lambda i: tuple(0 for _ in shape))
    return pl.pallas_call(
        _user_pass_body,
        grid=grid,
        in_specs=[
            blk(bm, k),
            full((k, 2 * EMB)),
            blk(bm, EMB),
            full((2, EMB, EMB)),
            full((2, 1, EMB)),
        ],
        out_specs=[
            pl.BlockSpec((bm, EMB), lambda i: (i, 0)),
            pl.BlockSpec((bm, EMB), lambda i: (i, 0)),
        ],
        out_shape=[
            jax.ShapeDtypeStruct((n, EMB), jnp.float32),
            jax.ShapeDtypeStruct((n, EMB), jnp.float32),
        ],
        compiler_params=pltpu.CompilerParams(
            vmem_limit_bytes=64 * 1024 * 1024),
    )(adj, mm, u0, uW, ub)


def _bf16_round(x):
    u = plsc.bitcast(x, jnp.int32)
    u = (u + 0x7FFF + ((u >> 16) & 1)) & ~0xFFFF
    return plsc.bitcast(u, jnp.float32)


def _interact_groups(tables, wch, outv, init_of_group, acc0):
    onehots = [(lax.iota(jnp.int32, _L) == j).astype(jnp.float32)
               for j in range(_L)]

    def body(g, carry):
        res = init_of_group(g)
        for j in range(_L):
            acc = acc0
            for gu, gm, w0 in tables:
                i = g * _L + j
                for c in range(2):
                    a = gu[i, pl.ds(c * _L, _L)]
                    b = gm[i, pl.ds(c * _L, _L)]
                    acc = acc + _bf16_round(a * b) * wch[w0 + c]
            s = jnp.sum(acc, axis=0)
            res = res + jnp.full((_L,), s, jnp.float32) * onehots[j]
        outv[pl.ds(g * _L, _L)] = res
        return carry

    lax.fori_loop(0, _BPW // _L, body, 0)


def _gather_all(pairs, sem):
    copies = []
    for tbl, idxv, buf in pairs:
        for j in range(_NCH):
            copies.append(pltpu.async_copy(
                tbl.at[idxv.at[j]], buf.at[pl.ds(j * _ICH, _ICH)], sem))
    for cp in copies:
        cp.wait()


def _sc_a_body(uid_hbm, mid_hbm, u0_hbm, u1_hbm, m0_hbm, m1_hbm,
               wb_hbm, bvec_hbm, out_hbm,
               idx_u, idx_m, gu0, gu1, gm0, gm1, wv, bv_ref, outv, sem):
    wid = lax.axis_index("s") * _NC + lax.axis_index("c")
    pltpu.sync_copy(uid_hbm.at[wid], idx_u)
    pltpu.sync_copy(mid_hbm.at[wid], idx_m)
    pltpu.sync_copy(wb_hbm, wv)
    pltpu.sync_copy(bvec_hbm, bv_ref)
    _gather_all(((u0_hbm, idx_u, gu0), (u1_hbm, idx_u, gu1),
                 (m0_hbm, idx_m, gm0), (m1_hbm, idx_m, gm1)), sem)
    wch = [wv[pl.ds(c * _L, _L)] for c in range(4)]
    bv = bv_ref[...]
    zero = jnp.zeros((_L,), jnp.float32)
    _interact_groups([(gu0, gm0, 0), (gu1, gm1, 2)], wch, outv,
                     lambda g: zero, bv)
    pltpu.sync_copy(outv, out_hbm.at[pl.ds(wid * _BPW, _BPW)])


def _sc_b_body(uid_hbm, mid_hbm, u2_hbm, m2_hbm, wb_hbm, part_hbm, out_hbm,
               idx_u, idx_m, gu2, gm2, wv, partv, outv, sem):
    wid = lax.axis_index("s") * _NC + lax.axis_index("c")
    pltpu.sync_copy(uid_hbm.at[wid], idx_u)
    pltpu.sync_copy(mid_hbm.at[wid], idx_m)
    pltpu.sync_copy(wb_hbm, wv)
    pltpu.sync_copy(part_hbm.at[pl.ds(wid * _BPW, _BPW)], partv)
    _gather_all(((u2_hbm, idx_u, gu2), (m2_hbm, idx_m, gm2)), sem)
    wch = [None, None, None, None,
           wv[pl.ds(4 * _L, _L)], wv[pl.ds(5 * _L, _L)]]
    zero = jnp.zeros((_L,), jnp.float32)
    _interact_groups([(gu2, gm2, 4)], wch, outv,
                     lambda g: partv[pl.ds(g * _L, _L)], zero)
    pltpu.sync_copy(outv, out_hbm.at[pl.ds(wid * _BPW, _BPW)])


def _sc_common(body, n_tables, n_w):
    mesh = plsc.VectorSubcoreMesh(core_axis_name="c", subcore_axis_name="s")
    scratch = [
        pltpu.VMEM((_NCH, _ICH), jnp.int32),
        pltpu.VMEM((_NCH, _ICH), jnp.int32),
    ] + [pltpu.VMEM((_BPW, EMB), jnp.float32)] * n_tables + [
        pltpu.VMEM((6 * _L,), jnp.float32),
    ] + n_w + [
        pltpu.VMEM((_BPW,), jnp.float32),
        pltpu.SemaphoreType.DMA,
    ]
    return pl.kernel(
        body,
        out_type=jax.ShapeDtypeStruct((BATCH,), jnp.float32),
        mesh=mesh,
        compiler_params=pltpu.CompilerParams(use_tc_tiling_on_sc=False,
                                             needs_layout_passes=False),
        scratch_types=scratch,
    )


@functools.lru_cache(maxsize=1)
def _sc_a():
    return _sc_common(_sc_a_body, 4, [pltpu.VMEM((_L,), jnp.float32)])


@functools.lru_cache(maxsize=1)
def _sc_b():
    return _sc_common(_sc_b_body, 2, [pltpu.VMEM((_BPW,), jnp.float32)])


def kernel(user_adj, movie_adj, user_id, movie_id, user_table, movie_table,
           user_W, user_b, movie_W, movie_b, out_W, out_b):
    u0 = user_table
    m0 = movie_table
    ub = user_b.reshape(2, 1, EMB)
    mb = movie_b.reshape(2, 1, EMB)
    w = out_W.reshape(1, 3 * EMB)

    m1 = _movie_pass(movie_adj, u0, m0, movie_W[0], mb[0], bm=512)
    mm = jnp.concatenate([m0, m1], axis=1)
    u1, u2 = _user_pass(user_adj, mm, u0, user_W, ub, bm=1024)
    m2 = _movie_pass(movie_adj, u1, m1, movie_W[1], mb[1], bm=512)

    uid = user_id.astype(jnp.int32).reshape(_NW, _NCH, _ICH)
    mid = movie_id.astype(jnp.int32).reshape(_NW, _NCH, _ICH)
    wb = out_W.reshape(-1).astype(jnp.bfloat16).astype(jnp.float32)
    bvec = jnp.zeros((_L,), jnp.float32).at[0].set(out_b[0])
    part = _sc_a()(uid, mid, u0, u1, m0, m1, wb, bvec)
    return _sc_b()(uid, mid, u2, m2, wb, part)

# --- scband reference (transcript-rebuilt; emitter-appended) ---
"""Pipeline reference for scband-gccf-80960133529714 (READ-ONLY COPY).

The authoritative reference and input builder live on the scoring server;
editing this copy changes nothing except your own understanding.
"""

import jax, jax.numpy as jnp
import numpy as np

NUM_USER = 10000
NUM_MOVIES = 5000
EMB = 32
NUM_LAYERS = 2
BATCH = 16384


def setup_inputs(seed: int = 0) -> dict:
    key = jax.random.key(seed)
    ks = jax.random.split(key, 16)
    inp = {}
    inp["user_adj"] = jax.random.uniform(ks[0], (NUM_USER, NUM_MOVIES), dtype=jnp.float32)
    inp["movie_adj"] = jax.random.uniform(ks[1], (NUM_MOVIES, NUM_USER), dtype=jnp.float32)
    inp["user_id"] = jax.random.randint(ks[2], (BATCH,), 0, NUM_USER, dtype=jnp.int64 if jax.config.jax_enable_x64 else jnp.int32)
    inp["movie_id"] = jax.random.randint(ks[3], (BATCH,), 0, NUM_MOVIES, dtype=jnp.int64 if jax.config.jax_enable_x64 else jnp.int32)
    # learned parameters (xavier-like scale)
    inp["user_table"] = jax.random.normal(ks[4], (NUM_USER, EMB), dtype=jnp.float32) * 0.05
    inp["movie_table"] = jax.random.normal(ks[5], (NUM_MOVIES, EMB), dtype=jnp.float32) * 0.05
    # per-layer Linear weights stored stacked; torch Linear y = x @ W.T + b, here W stored as (in, out)
    inp["user_W"] = jax.random.normal(ks[6], (NUM_LAYERS, EMB, EMB), dtype=jnp.float32) * (1.0 / np.sqrt(EMB))
    inp["user_b"] = jnp.zeros((NUM_LAYERS, EMB), dtype=jnp.float32)
    inp["movie_W"] = jax.random.normal(ks[7], (NUM_LAYERS, EMB, EMB), dtype=jnp.float32) * (1.0 / np.sqrt(EMB))
    inp["movie_b"] = jnp.zeros((NUM_LAYERS, EMB), dtype=jnp.float32)
    out_in = (NUM_LAYERS + 1) * EMB
    inp["out_W"] = jax.random.normal(ks[8], (out_in, 1), dtype=jnp.float32) * (1.0 / np.sqrt(out_in))
    inp["out_b"] = jnp.zeros((1,), dtype=jnp.float32)
    return inp


def _leaky_relu(x, slope=0.01):
    return jnp.where(x >= 0, x, slope * x)


def reference(user_adj, movie_adj, user_id, movie_id, user_table, movie_table, user_W, user_b, movie_W, movie_b, out_W, out_b):
    user_embeddings = [user_table]
    movie_embeddings = [movie_table]
    for i in range(NUM_LAYERS):
        uW, ub = user_W[i], user_b[i]
        mW, mb = movie_W[i], movie_b[i]
        # user_layer(user_adj @ movie_emb) + user_layer(user_emb)
        u = ((user_adj @ movie_embeddings[-1]) @ uW + ub) + (user_embeddings[-1] @ uW + ub)
        u = _leaky_relu(u)
        m = ((movie_adj @ user_embeddings[-1]) @ mW + mb) + (movie_embeddings[-1] @ mW + mb)
        m = _leaky_relu(m)
        user_embeddings.append(u)
        movie_embeddings.append(m)
    interactions = []
    for ue, me in zip(user_embeddings, movie_embeddings):
        interactions.append(jnp.take(ue, user_id, axis=0) * jnp.take(me, movie_id, axis=0))
    interactions = jnp.concatenate(interactions, axis=1)
    # dropout p=0.0 (eval / identity)
    output = interactions @ out_W + out_b
    return output.reshape(-1)

if __name__ == "__main__":
    import jax
    _d = setup_inputs()
    print(jax.jit(kernel)(*tuple(_d.values())))

</pallas_src>

<mosaic_0001>
#map = affine_map<(d0, d1) -> (0, 0, 0)>
#map1 = affine_map<(d0, d1) -> (0, 0)>
#map2 = affine_map<(d0, d1) -> (0)>
module attributes {stable_mosaic.version = 14 : i64} {
  func.func @_sc_a_body(%arg0: i32, %arg1: i32, %arg2: memref<32x4x128xi32, #tpu.memory_space<hbm>>, %arg3: memref<32x4x128xi32, #tpu.memory_space<hbm>>, %arg4: memref<10000x32xf32, #tpu.memory_space<hbm>>, %arg5: memref<10000x32xf32, #tpu.memory_space<hbm>>, %arg6: memref<5000x32xf32, #tpu.memory_space<hbm>>, %arg7: memref<5000x32xf32, #tpu.memory_space<hbm>>, %arg8: memref<96xf32, #tpu.memory_space<hbm>>, %arg9: memref<16xf32, #tpu.memory_space<hbm>>, %arg10: memref<16384xf32, #tpu.memory_space<hbm>>, %arg11: memref<4x128xi32, #tpu.memory_space<vmem>>, %arg12: memref<4x128xi32, #tpu.memory_space<vmem>>, %arg13: memref<512x32xf32, #tpu.memory_space<vmem>>, %arg14: memref<512x32xf32, #tpu.memory_space<vmem>>, %arg15: memref<512x32xf32, #tpu.memory_space<vmem>>, %arg16: memref<512x32xf32, #tpu.memory_space<vmem>>, %arg17: memref<96xf32, #tpu.memory_space<vmem>>, %arg18: memref<16xf32, #tpu.memory_space<vmem>>, %arg19: memref<512xf32, #tpu.memory_space<vmem>>, %arg20: memref<!tpu.dma_semaphore, #tpu.memory_space<semaphore_mem>>) attributes {dimension_semantics = [#tpu.dimension_semantics<core_parallel>, #tpu.dimension_semantics<subcore_parallel>], iteration_bounds = array<i64: 2, 16>, scalar_prefetch = 0 : i64, scratch_operands = 10 : i64, tpu.core_type = #tpu.core_type<sc_vector_subcore>, window_params = [{transform_indices = #map}, {transform_indices = #map}, {transform_indices = #map1}, {transform_indices = #map1}, {transform_indices = #map1}, {transform_indices = #map1}, {transform_indices = #map2}, {transform_indices = #map2}, {transform_indices = #map2}]} {
    %mul3A = arith.constant 2 : i32
    %mul3A_0 = arith.muli %arg1, %mul3A : i32
    %add3A = arith.addi %mul3A_0, %arg0 : i32
    "tpu.region"() ({
      %run_scoped3A = tpu.sem_alloc : memref<!tpu.dma_semaphore, #tpu.memory_space<semaphore_mem>>
      %dma_start3A_429 = arith.constant 0 : i32
      %dma_start3A_430 = arith.constant 0 : i32
      %dma_start3A_431 = tpu.memref_slice %arg2[%add3A, %dma_start3A_429, %dma_start3A_430] : memref<32x4x128xi32, #tpu.memory_space<hbm>> -> memref<1x4x128xi32, #tpu.memory_space<hbm>>
      %dma_start3A_432 = tpu.memref_squeeze %dma_start3A_431 : memref<1x4x128xi32, #tpu.memory_space<hbm>> -> memref<4x128xi32, #tpu.memory_space<hbm>>
      %dma_start3A_433 = arith.constant 0 : i32
      %dma_start3A_434 = arith.constant 0 : i32
      %dma_start3A_435 = tpu.memref_slice %arg2[%add3A, %dma_start3A_433, %dma_start3A_434] : memref<32x4x128xi32, #tpu.memory_space<hbm>> -> memref<1x4x128xi32, #tpu.memory_space<hbm>>
      %dma_start3A_436 = tpu.memref_squeeze %dma_start3A_435 : memref<1x4x128xi32, #tpu.memory_space<hbm>> -> memref<4x128xi32, #tpu.memory_space<hbm>>
      tpu.enqueue_dma source(%dma_start3A_436 : memref<4x128xi32, #tpu.memory_space<hbm>>) target(%arg11 : memref<4x128xi32, #tpu.memory_space<vmem>>) target_semaphore(%run_scoped3A : memref<!tpu.dma_semaphore, #tpu.memory_space<semaphore_mem>>)
      %dma_wait3A_437 = arith.constant 0 : i32
      %dma_wait3A_438 = arith.constant 0 : i32
      %dma_wait3A_439 = tpu.memref_slice %arg2[%add3A, %dma_wait3A_437, %dma_wait3A_438] : memref<32x4x128xi32, #tpu.memory_space<hbm>> -> memref<1x4x128xi32, #tpu.memory_space<hbm>>
      %dma_wait3A_440 = tpu.memref_squeeze %dma_wait3A_439 : memref<1x4x128xi32, #tpu.memory_space<hbm>> -> memref<4x128xi32, #tpu.memory_space<hbm>>
      %dma_wait3A_441 = arith.constant 0 : i32
      %dma_wait3A_442 = arith.constant 0 : i32
      %dma_wait3A_443 = tpu.memref_slice %arg2[%add3A, %dma_wait3A_441, %dma_wait3A_442] : memref<32x4x128xi32, #tpu.memory_space<hbm>> -> memref<1x4x128xi32, #tpu.memory_space<hbm>>
      %dma_wait3A_444 = tpu.memref_squeeze %dma_wait3A_443 : memref<1x4x128xi32, #tpu.memory_space<hbm>> -> memref<4x128xi32, #tpu.memory_space<hbm>>
      tpu.wait_dma2 semaphore(%run_scoped3A : memref<!tpu.dma_semaphore, #tpu.memory_space<semaphore_mem>>) src(%dma_wait3A_444 : memref<4x128xi32, #tpu.memory_space<hbm>>) dst(%arg11 : memref<4x128xi32, #tpu.memory_space<vmem>>)
      tpu.yield
    }) : () -> ()
    "tpu.region"() ({
      %run_scoped3A = tpu.sem_alloc : memref<!tpu.dma_semaphore, #tpu.memory_space<semaphore_mem>>
      %dma_start3A_429 = arith.constant 0 : i32
      %dma_start3A_430 = arith.constant 0 : i32
      %dma_start3A_431 = tpu.memref_slice %arg3[%add3A, %dma_start3A_429, %dma_start3A_430] : memref<32x4x128xi32, #tpu.memory_space<hbm>> -> memref<1x4x128xi32, #tpu.memory_space<hbm>>
      %dma_start3A_432 = tpu.memref_squeeze %dma_start3A_431 : memref<1x4x128xi32, #tpu.memory_space<hbm>> -> memref<4x128xi32, #tpu.memory_space<hbm>>
      %dma_start3A_433 = arith.constant 0 : i32
      %dma_start3A_434 = arith.constant 0 : i32
      %dma_start3A_435 = tpu.memref_slice %arg3[%add3A, %dma_start3A_433, %dma_start3A_434] : memref<32x4x128xi32, #tpu.memory_space<hbm>> -> memref<1x4x128xi32, #tpu.memory_space<hbm>>
      %dma_start3A_436 = tpu.memref_squeeze %dma_start3A_435 : memref<1x4x128xi32, #tpu.memory_space<hbm>> -> memref<4x128xi32, #tpu.memory_space<hbm>>
      tpu.enqueue_dma source(%dma_start3A_436 : memref<4x128xi32, #tpu.memory_space<hbm>>) target(%arg12 : memref<4x128xi32, #tpu.memory_space<vmem>>) target_semaphore(%run_scoped3A : memref<!tpu.dma_semaphore, #tpu.memory_space<semaphore_mem>>)
      %dma_wait3A_437 = arith.constant 0 : i32
      %dma_wait3A_438 = arith.constant 0 : i32
      %dma_wait3A_439 = tpu.memref_slice %arg3[%add3A, %dma_wait3A_437, %dma_wait3A_438] : memref<32x4x128xi32, #tpu.memory_space<hbm>> -> memref<1x4x128xi32, #tpu.memory_space<hbm>>
      %dma_wait3A_440 = tpu.memref_squeeze %dma_wait3A_439 : memref<1x4x128xi32, #tpu.memory_space<hbm>> -> memref<4x128xi32, #tpu.memory_space<hbm>>
      %dma_wait3A_441 = arith.constant 0 : i32
      %dma_wait3A_442 = arith.constant 0 : i32
      %dma_wait3A_443 = tpu.memref_slice %arg3[%add3A, %dma_wait3A_441, %dma_wait3A_442] : memref<32x4x128xi32, #tpu.memory_space<hbm>> -> memref<1x4x128xi32, #tpu.memory_space<hbm>>
      %dma_wait3A_444 = tpu.memref_squeeze %dma_wait3A_443 : memref<1x4x128xi32, #tpu.memory_space<hbm>> -> memref<4x128xi32, #tpu.memory_space<hbm>>
      tpu.wait_dma2 semaphore(%run_scoped3A : memref<!tpu.dma_semaphore, #tpu.memory_space<semaphore_mem>>) src(%dma_wait3A_444 : memref<4x128xi32, #tpu.memory_space<hbm>>) dst(%arg12 : memref<4x128xi32, #tpu.memory_space<vmem>>)
      tpu.yield
    }) : () -> ()
    "tpu.region"() ({
      %run_scoped3A = tpu.sem_alloc : memref<!tpu.dma_semaphore, #tpu.memory_space<semaphore_mem>>
      tpu.enqueue_dma source(%arg8 : memref<96xf32, #tpu.memory_space<hbm>>) target(%arg17 : memref<96xf32, #tpu.memory_space<vmem>>) target_semaphore(%run_scoped3A : memref<!tpu.dma_semaphore, #tpu.memory_space<semaphore_mem>>)
      tpu.wait_dma2 semaphore(%run_scoped3A : memref<!tpu.dma_semaphore, #tpu.memory_space<semaphore_mem>>) src(%arg8 : memref<96xf32, #tpu.memory_space<hbm>>) dst(%arg17 : memref<96xf32, #tpu.memory_space<vmem>>)
      tpu.yield
    }) : () -> ()
    "tpu.region"() ({
      %run_scoped3A = tpu.sem_alloc : memref<!tpu.dma_semaphore, #tpu.memory_space<semaphore_mem>>
      tpu.enqueue_dma source(%arg9 : memref<16xf32, #tpu.memory_space<hbm>>) target(%arg18 : memref<16xf32, #tpu.memory_space<vmem>>) target_semaphore(%run_scoped3A : memref<!tpu.dma_semaphore, #tpu.memory_space<semaphore_mem>>)
      tpu.wait_dma2 semaphore(%run_scoped3A : memref<!tpu.dma_semaphore, #tpu.memory_space<semaphore_mem>>) src(%arg9 : memref<16xf32, #tpu.memory_space<hbm>>) dst(%arg18 : memref<16xf32, #tpu.memory_space<vmem>>)
      tpu.yield
    }) : () -> ()
    %dma_start3A = arith.constant 0 : i32
    %dma_start3A_1 = arith.constant 0 : i32
    %dma_start3A_2 = arith.constant 0 : i32
    %dma_start3A_3 = tpu.memref_slice %arg13[%dma_start3A_1, %dma_start3A_2] : memref<512x32xf32, #tpu.memory_space<vmem>> -> memref<128x32xf32, #tpu.memory_space<vmem>>
    %dma_start3A_4 = arith.constant 0 : i32
    %dma_start3A_5 = tpu.memref_slice %arg11[%dma_start3A, %dma_start3A_4] : memref<4x128xi32, #tpu.memory_space<vmem>> -> memref<1x128xi32, #tpu.memory_space<vmem>>
    %dma_start3A_6 = tpu.memref_squeeze %dma_start3A_5 : memref<1x128xi32, #tpu.memory_space<vmem>> -> memref<128xi32, #tpu.memory_space<vmem>>
    %dma_start3A_7 = arith.constant 0 : i32
    %dma_start3A_8 = arith.constant 0 : i32
    %dma_start3A_9 = tpu.memref_slice %arg4[%dma_start3A_7, %dma_start3A_8] : memref<10000x32xf32, #tpu.memory_space<hbm>> -> memref<10000x32xf32, #tpu.memory_space<hbm>>
    tpu.enqueue_indirect_dma source(%dma_start3A_9 : memref<10000x32xf32, #tpu.memory_space<hbm>>) target(%dma_start3A_3 : memref<128x32xf32, #tpu.memory_space<vmem>>) offsets(%dma_start3A_6 : memref<128xi32, #tpu.memory_space<vmem>>) semaphore(%arg20 : memref<!tpu.dma_semaphore, #tpu.memory_space<semaphore_mem>>)
    %dma_start3A_10 = arith.constant 1 : i32
    %dma_start3A_11 = arith.constant 128 : i32
    %dma_start3A_12 = arith.constant 0 : i32
    %dma_start3A_13 = tpu.memref_slice %arg13[%dma_start3A_11, %dma_start3A_12] : memref<512x32xf32, #tpu.memory_space<vmem>> -> memref<128x32xf32, #tpu.memory_space<vmem>>
    %dma_start3A_14 = arith.constant 0 : i32
    %dma_start3A_15 = tpu.memref_slice %arg11[%dma_start3A_10, %dma_start3A_14] : memref<4x128xi32, #tpu.memory_space<vmem>> -> memref<1x128xi32, #tpu.memory_space<vmem>>
    %dma_start3A_16 = tpu.memref_squeeze %dma_start3A_15 : memref<1x128xi32, #tpu.memory_space<vmem>> -> memref<128xi32, #tpu.memory_space<vmem>>
    %dma_start3A_17 = arith.constant 0 : i32
    %dma_start3A_18 = arith.constant 0 : i32
    %dma_start3A_19 = tpu.memref_slice %arg4[%dma_start3A_17, %dma_start3A_18] : memref<10000x32xf32, #tpu.memory_space<hbm>> -> memref<10000x32xf32, #tpu.memory_space<hbm>>
    tpu.enqueue_indirect_dma source(%dma_start3A_19 : memref<10000x32xf32, #tpu.memory_space<hbm>>) target(%dma_start3A_13 : memref<128x32xf32, #tpu.memory_space<vmem>>) offsets(%dma_start3A_16 : memref<128xi32, #tpu.memory_space<vmem>>) semaphore(%arg20 : memref<!tpu.dma_semaphore, #tpu.memory_space<semaphore_mem>>)
    %dma_start3A_20 = arith.constant 2 : i32
    %dma_start3A_21 = arith.constant 256 : i32
    %dma_start3A_22 = arith.constant 0 : i32
    %dma_start3A_23 = tpu.memref_slice %arg13[%dma_start3A_21, %dma_start3A_22] : memref<512x32xf32, #tpu.memory_space<vmem>> -> memref<128x32xf32, #tpu.memory_space<vmem>>
    %dma_start3A_24 = arith.constant 0 : i32
    %dma_start3A_25 = tpu.memref_slice %arg11[%dma_start3A_20, %dma_start3A_24] : memref<4x128xi32, #tpu.memory_space<vmem>> -> memref<1x128xi32, #tpu.memory_space<vmem>>
    %dma_start3A_26 = tpu.memref_squeeze %dma_start3A_25 : memref<1x128xi32, #tpu.memory_space<vmem>> -> memref<128xi32, #tpu.memory_space<vmem>>
    %dma_start3A_27 = arith.constant 0 : i32
    %dma_start3A_28 = arith.constant 0 : i32
    %dma_start3A_29 = tpu.memref_slice %arg4[%dma_start3A_27, %dma_start3A_28] : memref<10000x32xf32, #tpu.memory_space<hbm>> -> memref<10000x32xf32, #tpu.memory_space<hbm>>
    tpu.enqueue_indirect_dma source(%dma_start3A_29 : memref<10000x32xf32, #tpu.memory_space<hbm>>) target(%dma_start3A_23 : memref<128x32xf32, #tpu.memory_space<vmem>>) offsets(%dma_start3A_26 : memref<128xi32, #tpu.memory_space<vmem>>) semaphore(%arg20 : memref<!tpu.dma_semaphore, #tpu.memory_space<semaphore_mem>>)
    %dma_start3A_30 = arith.constant 3 : i32
    %dma_start3A_31 = arith.constant 384 : i32
    %dma_start3A_32 = arith.constant 0 : i32
    %dma_start3A_33 = tpu.memref_slice %arg13[%dma_start3A_31, %dma_start3A_32] : memref<512x32xf32, #tpu.memory_space<vmem>> -> memref<128x32xf32, #tpu.memory_space<vmem>>
    %dma_start3A_34 = arith.constant 0 : i32
    %dma_start3A_35 = tpu.memref_slice %arg11[%dma_start3A_30, %dma_start3A_34] : memref<4x128xi32, #tpu.memory_space<vmem>> -> memref<1x128xi32, #tpu.memory_space<vmem>>
    %dma_start3A_36 = tpu.memref_squeeze %dma_start3A_35 : memref<1x128xi32, #tpu.memory_space<vmem>> -> memref<128xi32, #tpu.memory_space<vmem>>
    %dma_start3A_37 = arith.constant 0 : i32
    %dma_start3A_38 = arith.constant 0 : i32
    %dma_start3A_39 = tpu.memref_slice %arg4[%dma_start3A_37, %dma_start3A_38] : memref<10000x32xf32, #tpu.memory_space<hbm>> -> memref<10000x32xf32, #tpu.memory_space<hbm>>
    tpu.enqueue_indirect_dma source(%dma_start3A_39 : memref<10000x32xf32, #tpu.memory_space<hbm>>) target(%dma_start3A_33 : memref<128x32xf32, #tpu.memory_space<vmem>>) offsets(%dma_start3A_36 : memref<128xi32, #tpu.memory_space<vmem>>) semaphore(%arg20 : memref<!tpu.dma_semaphore, #tpu.memory_space<semaphore_mem>>)
    %dma_start3A_40 = arith.constant 0 : i32
    %dma_start3A_41 = arith.constant 0 : i32
    %dma_start3A_42 = arith.constant 0 : i32
    %dma_start3A_43 = tpu.memref_slice %arg14[%dma_start3A_41, %dma_start3A_42] : memref<512x32xf32, #tpu.memory_space<vmem>> -> memref<128x32xf32, #tpu.memory_space<vmem>>
    %dma_start3A_44 = arith.constant 0 : i32
    %dma_start3A_45 = tpu.memref_slice %arg11[%dma_start3A_40, %dma_start3A_44] : memref<4x128xi32, #tpu.memory_space<vmem>> -> memref<1x128xi32, #tpu.memory_space<vmem>>
    %dma_start3A_46 = tpu.memref_squeeze %dma_start3A_45 : memref<1x128xi32, #tpu.memory_space<vmem>> -> memref<128xi32, #tpu.memory_space<vmem>>
    %dma_start3A_47 = arith.constant 0 : i32
    %dma_start3A_48 = arith.constant 0 : i32
    %dma_start3A_49 = tpu.memref_slice %arg5[%dma_start3A_47, %dma_start3A_48] : memref<10000x32xf32, #tpu.memory_space<hbm>> -> memref<10000x32xf32, #tpu.memory_space<hbm>>
    tpu.enqueue_indirect_dma source(%dma_start3A_49 : memref<10000x32xf32, #tpu.memory_space<hbm>>) target(%dma_start3A_43 : memref<128x32xf32, #tpu.memory_space<vmem>>) offsets(%dma_start3A_46 : memref<128xi32, #tpu.memory_space<vmem>>) semaphore(%arg20 : memref<!tpu.dma_semaphore, #tpu.memory_space<semaphore_mem>>)
    %dma_start3A_50 = arith.constant 1 : i32
    %dma_start3A_51 = arith.constant 128 : i32
    %dma_start3A_52 = arith.constant 0 : i32
    %dma_start3A_53 = tpu.memref_slice %arg14[%dma_start3A_51, %dma_start3A_52] : memref<512x32xf32, #tpu.memory_space<vmem>> -> memref<128x32xf32, #tpu.memory_space<vmem>>
    %dma_start3A_54 = arith.constant 0 : i32
    %dma_start3A_55 = tpu.memref_slice %arg11[%dma_start3A_50, %dma_start3A_54] : memref<4x128xi32, #tpu.memory_space<vmem>> -> memref<1x128xi32, #tpu.memory_space<vmem>>
    %dma_start3A_56 = tpu.memref_squeeze %dma_start3A_55 : memref<1x128xi32, #tpu.memory_space<vmem>> -> memref<128xi32, #tpu.memory_space<vmem>>
    %dma_start3A_57 = arith.constant 0 : i32
    %dma_start3A_58 = arith.constant 0 : i32
    %dma_start3A_59 = tpu.memref_slice %arg5[%dma_start3A_57, %dma_start3A_58] : memref<10000x32xf32, #tpu.memory_space<hbm>> -> memref<10000x32xf32, #tpu.memory_space<hbm>>
    tpu.enqueue_indirect_dma source(%dma_start3A_59 : memref<10000x32xf32, #tpu.memory_space<hbm>>) target(%dma_start3A_53 : memref<128x32xf32, #tpu.memory_space<vmem>>) offsets(%dma_start3A_56 : memref<128xi32, #tpu.memory_space<vmem>>) semaphore(%arg20 : memref<!tpu.dma_semaphore, #tpu.memory_space<semaphore_mem>>)
    %dma_start3A_60 = arith.constant 2 : i32
    %dma_start3A_61 = arith.constant 256 : i32
    %dma_start3A_62 = arith.constant 0 : i32
    %dma_start3A_63 = tpu.memref_slice %arg14[%dma_start3A_61, %dma_start3A_62] : memref<512x32xf32, #tpu.memory_space<vmem>> -> memref<128x32xf32, #tpu.memory_space<vmem>>
    %dma_start3A_64 = arith.constant 0 : i32
    %dma_start3A_65 = tpu.memref_slice %arg11[%dma_start3A_60, %dma_start3A_64] : memref<4x128xi32, #tpu.memory_space<vmem>> -> memref<1x128xi32, #tpu.memory_space<vmem>>
    %dma_start3A_66 = tpu.memref_squeeze %dma_start3A_65 : memref<1x128xi32, #tpu.memory_space<vmem>> -> memref<128xi32, #tpu.memory_space<vmem>>
    %dma_start3A_67 = arith.constant 0 : i32
    %dma_start3A_68 = arith.constant 0 : i32
    %dma_start3A_69 = tpu.memref_slice %arg5[%dma_start3A_67, %dma_start3A_68] : memref<10000x32xf32, #tpu.memory_space<hbm>> -> memref<10000x32xf32, #tpu.memory_space<hbm>>
    tpu.enqueue_indirect_dma source(%dma_start3A_69 : memref<10000x32xf32, #tpu.memory_space<hbm>>) target(%dma_start3A_63 : memref<128x32xf32, #tpu.memory_space<vmem>>) offsets(%dma_start3A_66 : memref<128xi32, #tpu.memory_space<vmem>>) semaphore(%arg20 : memref<!tpu.dma_semaphore, #tpu.memory_space<semaphore_mem>>)
    %dma_start3A_70 = arith.constant 3 : i32
    %dma_start3A_71 = arith.constant 384 : i32
    %dma_start3A_72 = arith.constant 0 : i32
    %dma_start3A_73 = tpu.memref_slice %arg14[%dma_start3A_71, %dma_start3A_72] : memref<512x32xf32, #tpu.memory_space<vmem>> -> memref<128x32xf32, #tpu.memory_space<vmem>>
    %dma_start3A_74 = arith.constant 0 : i32
    %dma_start3A_75 = tpu.memref_slice %arg11[%dma_start3A_70, %dma_start3A_74] : memref<4x128xi32, #tpu.memory_space<vmem>> -> memref<1x128xi32, #tpu.memory_space<vmem>>
    %dma_start3A_76 = tpu.memref_squeeze %dma_start3A_75 : memref<1x128xi32, #tpu.memory_space<vmem>> -> memref<128xi32, #tpu.memory_space<vmem>>
    %dma_start3A_77 = arith.constant 0 : i32
    %dma_start3A_78 = arith.constant 0 : i32
    %dma_start3A_79 = tpu.memref_slice %arg5[%dma_start3A_77, %dma_start3A_78] : memref<10000x32xf32, #tpu.memory_space<hbm>> -> memref<10000x32xf32, #tpu.memory_space<hbm>>
    tpu.enqueue_indirect_dma source(%dma_start3A_79 : memref<10000x32xf32, #tpu.memory_space<hbm>>) target(%dma_start3A_73 : memref<128x32xf32, #tpu.memory_space<vmem>>) offsets(%dma_start3A_76 : memref<128xi32, #tpu.memory_space<vmem>>) semaphore(%arg20 : memref<!tpu.dma_semaphore, #tpu.memory_space<semaphore_mem>>)
    %dma_start3A_80 = arith.constant 0 : i32
    %dma_start3A_81 = arith.constant 0 : i32
    %dma_start3A_82 = arith.constant 0 : i32
    %dma_start3A_83 = tpu.memref_slice %arg15[%dma_start3A_81, %dma_start3A_82] : memref<512x32xf32, #tpu.memory_space<vmem>> -> memref<128x32xf32, #tpu.memory_space<vmem>>
    %dma_start3A_84 = arith.constant 0 : i32
    %dma_start3A_85 = tpu.memref_slice %arg12[%dma_start3A_80, %dma_start3A_84] : memref<4x128xi32, #tpu.memory_space<vmem>> -> memref<1x128xi32, #tpu.memory_space<vmem>>
    %dma_start3A_86 = tpu.memref_squeeze %dma_start3A_85 : memref<1x128xi32, #tpu.memory_space<vmem>> -> memref<128xi32, #tpu.memory_space<vmem>>
    %dma_start3A_87 = arith.constant 0 : i32
    %dma_start3A_88 = arith.constant 0 : i32
    %dma_start3A_89 = tpu.memref_slice %arg6[%dma_start3A_87, %dma_start3A_88] : memref<5000x32xf32, #tpu.memory_space<hbm>> -> memref<5000x32xf32, #tpu.memory_space<hbm>>
    tpu.enqueue_indirect_dma source(%dma_start3A_89 : memref<5000x32xf32, #tpu.memory_space<hbm>>) target(%dma_start3A_83 : memref<128x32xf32, #tpu.memory_space<vmem>>) offsets(%dma_start3A_86 : memref<128xi32, #tpu.memory_space<vmem>>) semaphore(%arg20 : memref<!tpu.dma_semaphore, #tpu.memory_space<semaphore_mem>>)
    %dma_start3A_90 = arith.constant 1 : i32
    %dma_start3A_91 = arith.constant 128 : i32
    %dma_start3A_92 = arith.constant 0 : i32
    %dma_start3A_93 = tpu.memref_slice %arg15[%dma_start3A_91, %dma_start3A_92] : memref<512x32xf32, #tpu.memory_space<vmem>> -> memref<128x32xf32, #tpu.memory_space<vmem>>
    %dma_start3A_94 = arith.constant 0 : i32
    %dma_start3A_95 = tpu.memref_slice %arg12[%dma_start3A_90, %dma_start3A_94] : memref<4x128xi32, #tpu.memory_space<vmem>> -> memref<1x128xi32, #tpu.memory_space<vmem>>
    %dma_start3A_96 = tpu.memref_squeeze %dma_start3A_95 : memref<1x128xi32, #tpu.memory_space<vmem>> -> memref<128xi32, #tpu.memory_space<vmem>>
    %dma_start3A_97 = arith.constant 0 : i32
    %dma_start3A_98 = arith.constant 0 : i32
    %dma_start3A_99 = tpu.memref_slice %arg6[%dma_start3A_97, %dma_start3A_98] : memref<5000x32xf32, #tpu.memory_space<hbm>> -> memref<5000x32xf32, #tpu.memory_space<hbm>>
    tpu.enqueue_indirect_dma source(%dma_start3A_99 : memref<5000x32xf32, #tpu.memory_space<hbm>>) target(%dma_start3A_93 : memref<128x32xf32, #tpu.memory_space<vmem>>) offsets(%dma_start3A_96 : memref<128xi32, #tpu.memory_space<vmem>>) semaphore(%arg20 : memref<!tpu.dma_semaphore, #tpu.memory_space<semaphore_mem>>)
    %dma_start3A_100 = arith.constant 2 : i32
    %dma_start3A_101 = arith.constant 256 : i32
    %dma_start3A_102 = arith.constant 0 : i32
    %dma_start3A_103 = tpu.memref_slice %arg15[%dma_start3A_101, %dma_start3A_102] : memref<512x32xf32, #tpu.memory_space<vmem>> -> memref<128x32xf32, #tpu.memory_space<vmem>>
    %dma_start3A_104 = arith.constant 0 : i32
    %dma_start3A_105 = tpu.memref_slice %arg12[%dma_start3A_100, %dma_start3A_104] : memref<4x128xi32, #tpu.memory_space<vmem>> -> memref<1x128xi32, #tpu.memory_space<vmem>>
    %dma_start3A_106 = tpu.memref_squeeze %dma_start3A_105 : memref<1x128xi32, #tpu.memory_space<vmem>> -> memref<128xi32, #tpu.memory_space<vmem>>
    %dma_start3A_107 = arith.constant 0 : i32
    %dma_start3A_108 = arith.constant 0 : i32
    %dma_start3A_109 = tpu.memref_slice %arg6[%dma_start3A_107, %dma_start3A_108] : memref<5000x32xf32, #tpu.memory_space<hbm>> -> memref<5000x32xf32, #tpu.memory_space<hbm>>
    tpu.enqueue_indirect_dma source(%dma_start3A_109 : memref<5000x32xf32, #tpu.memory_space<hbm>>) target(%dma_start3A_103 : memref<128x32xf32, #tpu.memory_space<vmem>>) offsets(%dma_start3A_106 : memref<128xi32, #tpu.memory_space<vmem>>) semaphore(%arg20 : memref<!tpu.dma_semaphore, #tpu.memory_space<semaphore_mem>>)
    %dma_start3A_110 = arith.constant 3 : i32
    %dma_start3A_111 = arith.constant 384 : i32
    %dma_start3A_112 = arith.constant 0 : i32
    %dma_start3A_113 = tpu.memref_slice %arg15[%dma_start3A_111, %dma_start3A_112] : memref<512x32xf32, #tpu.memory_space<vmem>> -> memref<128x32xf32, #tpu.memory_space<vmem>>
    %dma_start3A_114 = arith.constant 0 : i32
    %dma_start3A_115 = tpu.memref_slice %arg12[%dma_start3A_110, %dma_start3A_114] : memref<4x128xi32, #tpu.memory_space<vmem>> -> memref<1x128xi32, #tpu.memory_space<vmem>>
    %dma_start3A_116 = tpu.memref_squeeze %dma_start3A_115 : memref<1x128xi32, #tpu.memory_space<vmem>> -> memref<128xi32, #tpu.memory_space<vmem>>
    %dma_start3A_117 = arith.constant 0 : i32
    %dma_start3A_118 = arith.constant 0 : i32
    %dma_start3A_119 = tpu.memref_slice %arg6[%dma_start3A_117, %dma_start3A_118] : memref<5000x32xf32, #tpu.memory_space<hbm>> -> memref<5000x32xf32, #tpu.memory_space<hbm>>
    tpu.enqueue_indirect_dma source(%dma_start3A_119 : memref<5000x32xf32, #tpu.memory_space<hbm>>) target(%dma_start3A_113 : memref<128x32xf32, #tpu.memory_space<vmem>>) offsets(%dma_start3A_116 : memref<128xi32, #tpu.memory_space<vmem>>) semaphore(%arg20 : memref<!tpu.dma_semaphore, #tpu.memory_space<semaphore_mem>>)
    %dma_start3A_120 = arith.constant 0 : i32
    %dma_start3A_121 = arith.constant 0 : i32
    %dma_start3A_122 = arith.constant 0 : i32
    %dma_start3A_123 = tpu.memref_slice %arg16[%dma_start3A_121, %dma_start3A_122] : memref<512x32xf32, #tpu.memory_space<vmem>> -> memref<128x32xf32, #tpu.memory_space<vmem>>
    %dma_start3A_124 = arith.constant 0 : i32
    %dma_start3A_125 = tpu.memref_slice %arg12[%dma_start3A_120, %dma_start3A_124] : memref<4x128xi32, #tpu.memory_space<vmem>> -> memref<1x128xi32, #tpu.memory_space<vmem>>
    %dma_start3A_126 = tpu.memref_squeeze %dma_start3A_125 : memref<1x128xi32, #tpu.memory_space<vmem>> -> memref<128xi32, #tpu.memory_space<vmem>>
    %dma_start3A_127 = arith.constant 0 : i32
    %dma_start3A_128 = arith.constant 0 : i32
    %dma_start3A_129 = tpu.memref_slice %arg7[%dma_start3A_127, %dma_start3A_128] : memref<5000x32xf32, #tpu.memory_space<hbm>> -> memref<5000x32xf32, #tpu.memory_space<hbm>>
    tpu.enqueue_indirect_dma source(%dma_start3A_129 : memref<5000x32xf32, #tpu.memory_space<hbm>>) target(%dma_start3A_123 : memref<128x32xf32, #tpu.memory_space<vmem>>) offsets(%dma_start3A_126 : memref<128xi32, #tpu.memory_space<vmem>>) semaphore(%arg20 : memref<!tpu.dma_semaphore, #tpu.memory_space<semaphore_mem>>)
    %dma_start3A_130 = arith.constant 1 : i32
    %dma_start3A_131 = arith.constant 128 : i32
    %dma_start3A_132 = arith.constant 0 : i32
    %dma_start3A_133 = tpu.memref_slice %arg16[%dma_start3A_131, %dma_start3A_132] : memref<512x32xf32, #tpu.memory_space<vmem>> -> memref<128x32xf32, #tpu.memory_space<vmem>>
    %dma_start3A_134 = arith.constant 0 : i32
    %dma_start3A_135 = tpu.memref_slice %arg12[%dma_start3A_130, %dma_start3A_134] : memref<4x128xi32, #tpu.memory_space<vmem>> -> memref<1x128xi32, #tpu.memory_space<vmem>>
    %dma_start3A_136 = tpu.memref_squeeze %dma_start3A_135 : memref<1x128xi32, #tpu.memory_space<vmem>> -> memref<128xi32, #tpu.memory_space<vmem>>
    %dma_start3A_137 = arith.constant 0 : i32
    %dma_start3A_138 = arith.constant 0 : i32
    %dma_start3A_139 = tpu.memref_slice %arg7[%dma_start3A_137, %dma_start3A_138] : memref<5000x32xf32, #tpu.memory_space<hbm>> -> memref<5000x32xf32, #tpu.memory_space<hbm>>
    tpu.enqueue_indirect_dma source(%dma_start3A_139 : memref<5000x32xf32, #tpu.memory_space<hbm>>) target(%dma_start3A_133 : memref<128x32xf32, #tpu.memory_space<vmem>>) offsets(%dma_start3A_136 : memref<128xi32, #tpu.memory_space<vmem>>) semaphore(%arg20 : memref<!tpu.dma_semaphore, #tpu.memory_space<semaphore_mem>>)
    %dma_start3A_140 = arith.constant 2 : i32
    %dma_start3A_141 = arith.constant 256 : i32
    %dma_start3A_142 = arith.constant 0 : i32
    %dma_start3A_143 = tpu.memref_slice %arg16[%dma_start3A_141, %dma_start3A_142] : memref<512x32xf32, #tpu.memory_space<vmem>> -> memref<128x32xf32, #tpu.memory_space<vmem>>
    %dma_start3A_144 = arith.constant 0 : i32
    %dma_start3A_145 = tpu.memref_slice %arg12[%dma_start3A_140, %dma_start3A_144] : memref<4x128xi32, #tpu.memory_space<vmem>> -> memref<1x128xi32, #tpu.memory_space<vmem>>
    %dma_start3A_146 = tpu.memref_squeeze %dma_start3A_145 : memref<1x128xi32, #tpu.memory_space<vmem>> -> memref<128xi32, #tpu.memory_space<vmem>>
    %dma_start3A_147 = arith.constant 0 : i32
    %dma_start3A_148 = arith.constant 0 : i32
    %dma_start3A_149 = tpu.memref_slice %arg7[%dma_start3A_147, %dma_start3A_148] : memref<5000x32xf32, #tpu.memory_space<hbm>> -> memref<5000x32xf32, #tpu.memory_space<hbm>>
    tpu.enqueue_indirect_dma source(%dma_start3A_149 : memref<5000x32xf32, #tpu.memory_space<hbm>>) target(%dma_start3A_143 : memref<128x32xf32, #tpu.memory_space<vmem>>) offsets(%dma_start3A_146 : memref<128xi32, #tpu.memory_space<vmem>>) semaphore(%arg20 : memref<!tpu.dma_semaphore, #tpu.memory_space<semaphore_mem>>)
    %dma_start3A_150 = arith.constant 3 : i32
    %dma_start3A_151 = arith.constant 384 : i32
    %dma_start3A_152 = arith.constant 0 : i32
    %dma_start3A_153 = tpu.memref_slice %arg16[%dma_start3A_151, %dma_start3A_152] : memref<512x32xf32, #tpu.memory_space<vmem>> -> memref<128x32xf32, #tpu.memory_space<vmem>>
    %dma_start3A_154 = arith.constant 0 : i32
    %dma_start3A_155 = tpu.memref_slice %arg12[%dma_start3A_150, %dma_start3A_154] : memref<4x128xi32, #tpu.memory_space<vmem>> -> memref<1x128xi32, #tpu.memory_space<vmem>>
    %dma_start3A_156 = tpu.memref_squeeze %dma_start3A_155 : memref<1x128xi32, #tpu.memory_space<vmem>> -> memref<128xi32, #tpu.memory_space<vmem>>
    %dma_start3A_157 = arith.constant 0 : i32
    %dma_start3A_158 = arith.constant 0 : i32
    %dma_start3A_159 = tpu.memref_slice %arg7[%dma_start3A_157, %dma_start3A_158] : memref<5000x32xf32, #tpu.memory_space<hbm>> -> memref<5000x32xf32, #tpu.memory_space<hbm>>
    tpu.enqueue_indirect_dma source(%dma_start3A_159 : memref<5000x32xf32, #tpu.memory_space<hbm>>) target(%dma_start3A_153 : memref<128x32xf32, #tpu.memory_space<vmem>>) offsets(%dma_start3A_156 : memref<128xi32, #tpu.memory_space<vmem>>) semaphore(%arg20 : memref<!tpu.dma_semaphore, #tpu.memory_space<semaphore_mem>>)
    %dma_wait3A = arith.constant 0 : i32
    %dma_wait3A_160 = arith.constant 0 : i32
    %dma_wait3A_161 = arith.constant 0 : i32
    %dma_wait3A_162 = tpu.memref_slice %arg13[%dma_wait3A_160, %dma_wait3A_161] : memref<512x32xf32, #tpu.memory_space<vmem>> -> memref<128x32xf32, #tpu.memory_space<vmem>>
    %dma_wait3A_163 = arith.constant 0 : i32
    %dma_wait3A_164 = tpu.memref_slice %arg11[%dma_wait3A, %dma_wait3A_163] : memref<4x128xi32, #tpu.memory_space<vmem>> -> memref<1x128xi32, #tpu.memory_space<vmem>>
    %dma_wait3A_165 = tpu.memref_squeeze %dma_wait3A_164 : memref<1x128xi32, #tpu.memory_space<vmem>> -> memref<128xi32, #tpu.memory_space<vmem>>
    %dma_wait3A_166 = arith.constant 0 : i32
    %dma_wait3A_167 = arith.constant 0 : i32
    %dma_wait3A_168 = tpu.memref_slice %arg4[%dma_wait3A_166, %dma_wait3A_167] : memref<10000x32xf32, #tpu.memory_space<hbm>> -> memref<10000x32xf32, #tpu.memory_space<hbm>>
    tpu.wait_indirect_dma semaphore(%arg20 : memref<!tpu.dma_semaphore, #tpu.memory_space<semaphore_mem>>) src(%dma_wait3A_168 : memref<10000x32xf32, #tpu.memory_space<hbm>>) dst(%dma_wait3A_162 : memref<128x32xf32, #tpu.memory_space<vmem>>)
    %dma_wait3A_169 = arith.constant 1 : i32
    %dma_wait3A_170 = arith.constant 128 : i32
    %dma_wait3A_171 = arith.constant 0 : i32
    %dma_wait3A_172 = tpu.memref_slice %arg13[%dma_wait3A_170, %dma_wait3A_171] : memref<512x32xf32, #tpu.memory_space<vmem>> -> memref<128x32xf32, #tpu.memory_space<vmem>>
    %dma_wait3A_173 = arith.constant 0 : i32
    %dma_wait3A_174 = tpu.memref_slice %arg11[%dma_wait3A_169, %dma_wait3A_173] : memref<4x128xi32, #tpu.memory_space<vmem>> -> memref<1x128xi32, #tpu.memory_space<vmem>>
    %dma_wait3A_175 = tpu.memref_squeeze %dma_wait3A_174 : memref<1x128xi32, #tpu.memory_space<vmem>> -> memref<128xi32, #tpu.memory_space<vmem>>
    %dma_wait3A_176 = arith.constant 0 : i32
    %dma_wait3A_177 = arith.constant 0 : i32
    %dma_wait3A_178 = tpu.memref_slice %arg4[%dma_wait3A_176, %dma_wait3A_177] : memref<10000x32xf32, #tpu.memory_space<hbm>> -> memref<10000x32xf32, #tpu.memory_space<hbm>>
    tpu.wait_indirect_dma semaphore(%arg20 : memref<!tpu.dma_semaphore, #tpu.memory_space<semaphore_mem>>) src(%dma_wait3A_178 : memref<10000x32xf32, #tpu.memory_space<hbm>>) dst(%dma_wait3A_172 : memref<128x32xf32, #tpu.memory_space<vmem>>)
    %dma_wait3A_179 = arith.constant 2 : i32
    %dma_wait3A_180 = arith.constant 256 : i32
    %dma_wait3A_181 = arith.constant 0 : i32
    %dma_wait3A_182 = tpu.memref_slice %arg13[%dma_wait3A_180, %dma_wait3A_181] : memref<512x32xf32, #tpu.memory_space<vmem>> -> memref<128x32xf32, #tpu.memory_space<vmem>>
    %dma_wait3A_183 = arith.constant 0 : i32
    %dma_wait3A_184 = tpu.memref_slice %arg11[%dma_wait3A_179, %dma_wait3A_183] : memref<4x128xi32, #tpu.memory_space<vmem>> -> memref<1x128xi32, #tpu.memory_space<vmem>>
    %dma_wait3A_185 = tpu.memref_squeeze %dma_wait3A_184 : memref<1x128xi32, #tpu.memory_space<vmem>> -> memref<128xi32, #tpu.memory_space<vmem>>
    %dma_wait3A_186 = arith.constant 0 : i32
    %dma_wait3A_187 = arith.constant 0 : i32
    %dma_wait3A_188 = tpu.memref_slice %arg4[%dma_wait3A_186, %dma_wait3A_187] : memref<10000x32xf32, #tpu.memory_space<hbm>> -> memref<10000x32xf32, #tpu.memory_space<hbm>>
    tpu.wait_indirect_dma semaphore(%arg20 : memref<!tpu.dma_semaphore, #tpu.memory_space<semaphore_mem>>) src(%dma_wait3A_188 : memref<10000x32xf32, #tpu.memory_space<hbm>>) dst(%dma_wait3A_182 : memref<128x32xf32, #tpu.memory_space<vmem>>)
    %dma_wait3A_189 = arith.constant 3 : i32
    %dma_wait3A_190 = arith.constant 384 : i32
    %dma_wait3A_191 = arith.constant 0 : i32
    %dma_wait3A_192 = tpu.memref_slice %arg13[%dma_wait3A_190, %dma_wait3A_191] : memref<512x32xf32, #tpu.memory_space<vmem>> -> memref<128x32xf32, #tpu.memory_space<vmem>>
    %dma_wait3A_193 = arith.constant 0 : i32
    %dma_wait3A_194 = tpu.memref_slice %arg11[%dma_wait3A_189, %dma_wait3A_193] : memref<4x128xi32, #tpu.memory_space<vmem>> -> memref<1x128xi32, #tpu.memory_space<vmem>>
    %dma_wait3A_195 = tpu.memref_squeeze %dma_wait3A_194 : memref<1x128xi32, #tpu.memory_space<vmem>> -> memref<128xi32, #tpu.memory_space<vmem>>
    %dma_wait3A_196 = arith.constant 0 : i32
    %dma_wait3A_197 = arith.constant 0 : i32
    %dma_wait3A_198 = tpu.memref_slice %arg4[%dma_wait3A_196, %dma_wait3A_197] : memref<10000x32xf32, #tpu.memory_space<hbm>> -> memref<10000x32xf32, #tpu.memory_space<hbm>>
    tpu.wait_indirect_dma semaphore(%arg20 : memref<!tpu.dma_semaphore, #tpu.memory_space<semaphore_mem>>) src(%dma_wait3A_198 : memref<10000x32xf32, #tpu.memory_space<hbm>>) dst(%dma_wait3A_192 : memref<128x32xf32, #tpu.memory_space<vmem>>)
    %dma_wait3A_199 = arith.constant 0 : i32
    %dma_wait3A_200 = arith.constant 0 : i32
    %dma_wait3A_201 = arith.constant 0 : i32
    %dma_wait3A_202 = tpu.memref_slice %arg14[%dma_wait3A_200, %dma_wait3A_201] : memref<512x32xf32, #tpu.memory_space<vmem>> -> memref<128x32xf32, #tpu.memory_space<vmem>>
    %dma_wait3A_203 = arith.constant 0 : i32
    %dma_wait3A_204 = tpu.memref_slice %arg11[%dma_wait3A_199, %dma_wait3A_203] : memref<4x128xi32, #tpu.memory_space<vmem>> -> memref<1x128xi32, #tpu.memory_space<vmem>>
    %dma_wait3A_205 = tpu.memref_squeeze %dma_wait3A_204 : memref<1x128xi32, #tpu.memory_space<vmem>> -> memref<128xi32, #tpu.memory_space<vmem>>
    %dma_wait3A_206 = arith.constant 0 : i32
    %dma_wait3A_207 = arith.constant 0 : i32
    %dma_wait3A_208 = tpu.memref_slice %arg5[%dma_wait3A_206, %dma_wait3A_207] : memref<10000x32xf32, #tpu.memory_space<hbm>> -> memref<10000x32xf32, #tpu.memory_space<hbm>>
    tpu.wait_indirect_dma semaphore(%arg20 : memref<!tpu.dma_semaphore, #tpu.memory_space<semaphore_mem>>) src(%dma_wait3A_208 : memref<10000x32xf32, #tpu.memory_space<hbm>>) dst(%dma_wait3A_202 : memref<128x32xf32, #tpu.memory_space<vmem>>)
    %dma_wait3A_209 = arith.constant 1 : i32
    %dma_wait3A_210 = arith.constant 128 : i32
    %dma_wait3A_211 = arith.constant 0 : i32
    %dma_wait3A_212 = tpu.memref_slice %arg14[%dma_wait3A_210, %dma_wait3A_211] : memref<512x32xf32, #tpu.memory_space<vmem>> -> memref<128x32xf32, #tpu.memory_space<vmem>>
    %dma_wait3A_213 = arith.constant 0 : i32
    %dma_wait3A_214 = tpu.memref_slice %arg11[%dma_wait3A_209, %dma_wait3A_213] : memref<4x128xi32, #tpu.memory_space<vmem>> -> memref<1x128xi32, #tpu.memory_space<vmem>>
    %dma_wait3A_215 = tpu.memref_squeeze %dma_wait3A_214 : memref<1x128xi32, #tpu.memory_space<vmem>> -> memref<128xi32, #tpu.memory_space<vmem>>
    %dma_wait3A_216 = arith.constant 0 : i32
    %dma_wait3A_217 = arith.constant 0 : i32
    %dma_wait3A_218 = tpu.memref_slice %arg5[%dma_wait3A_216, %dma_wait3A_217] : memref<10000x32xf32, #tpu.memory_space<hbm>> -> memref<10000x32xf32, #tpu.memory_space<hbm>>
    tpu.wait_indirect_dma semaphore(%arg20 : memref<!tpu.dma_semaphore, #tpu.memory_space<semaphore_mem>>) src(%dma_wait3A_218 : memref<10000x32xf32, #tpu.memory_space<hbm>>) dst(%dma_wait3A_212 : memref<128x32xf32, #tpu.memory_space<vmem>>)
    %dma_wait3A_219 = arith.constant 2 : i32
    %dma_wait3A_220 = arith.constant 256 : i32
    %dma_wait3A_221 = arith.constant 0 : i32
    %dma_wait3A_222 = tpu.memref_slice %arg14[%dma_wait3A_220, %dma_wait3A_221] : memref<512x32xf32, #tpu.memory_space<vmem>> -> memref<128x32xf32, #tpu.memory_space<vmem>>
    %dma_wait3A_223 = arith.constant 0 : i32
    %dma_wait3A_224 = tpu.memref_slice %arg11[%dma_wait3A_219, %dma_wait3A_223] : memref<4x128xi32, #tpu.memory_space<vmem>> -> memref<1x128xi32, #tpu.memory_space<vmem>>
    %dma_wait3A_225 = tpu.memref_squeeze %dma_wait3A_224 : memref<1x128xi32, #tpu.memory_space<vmem>> -> memref<128xi32, #tpu.memory_space<vmem>>
    %dma_wait3A_226 = arith.constant 0 : i32
    %dma_wait3A_227 = arith.constant 0 : i32
    %dma_wait3A_228 = tpu.memref_slice %arg5[%dma_wait3A_226, %dma_wait3A_227] : memref<10000x32xf32, #tpu.memory_space<hbm>> -> memref<10000x32xf32, #tpu.memory_space<hbm>>
    tpu.wait_indirect_dma semaphore(%arg20 : memref<!tpu.dma_semaphore, #tpu.memory_space<semaphore_mem>>) src(%dma_wait3A_228 : memref<10000x32xf32, #tpu.memory_space<hbm>>) dst(%dma_wait3A_222 : memref<128x32xf32, #tpu.memory_space<vmem>>)
    %dma_wait3A_229 = arith.constant 3 : i32
    %dma_wait3A_230 = arith.constant 384 : i32
    %dma_wait3A_231 = arith.constant 0 : i32
    %dma_wait3A_232 = tpu.memref_slice %arg14[%dma_wait3A_230, %dma_wait3A_231] : memref<512x32xf32, #tpu.memory_space<vmem>> -> memref<128x32xf32, #tpu.memory_space<vmem>>
    %dma_wait3A_233 = arith.constant 0 : i32
    %dma_wait3A_234 = tpu.memref_slice %arg11[%dma_wait3A_229, %dma_wait3A_233] : memref<4x128xi32, #tpu.memory_space<vmem>> -> memref<1x128xi32, #tpu.memory_space<vmem>>
    %dma_wait3A_235 = tpu.memref_squeeze %dma_wait3A_234 : memref<1x128xi32, #tpu.memory_space<vmem>> -> memref<128xi32, #tpu.memory_space<vmem>>
    %dma_wait3A_236 = arith.constant 0 : i32
    %dma_wait3A_237 = arith.constant 0 : i32
    %dma_wait3A_238 = tpu.memref_slice %arg5[%dma_wait3A_236, %dma_wait3A_237] : memref<10000x32xf32, #tpu.memory_space<hbm>> -> memref<10000x32xf32, #tpu.memory_space<hbm>>
    tpu.wait_indirect_dma semaphore(%arg20 : memref<!tpu.dma_semaphore, #tpu.memory_space<semaphore_mem>>) src(%dma_wait3A_238 : memref<10000x32xf32, #tpu.memory_space<hbm>>) dst(%dma_wait3A_232 : memref<128x32xf32, #tpu.memory_space<vmem>>)
    %dma_wait3A_239 = arith.constant 0 : i32
    %dma_wait3A_240 = arith.constant 0 : i32
    %dma_wait3A_241 = arith.constant 0 : i32
    %dma_wait3A_242 = tpu.memref_slice %arg15[%dma_wait3A_240, %dma_wait3A_241] : memref<512x32xf32, #tpu.memory_space<vmem>> -> memref<128x32xf32, #tpu.memory_space<vmem>>
    %dma_wait3A_243 = arith.constant 0 : i32
    %dma_wait3A_244 = tpu.memref_slice %arg12[%dma_wait3A_239, %dma_wait3A_243] : memref<4x128xi32, #tpu.memory_space<vmem>> -> memref<1x128xi32, #tpu.memory_space<vmem>>
    %dma_wait3A_245 = tpu.memref_squeeze %dma_wait3A_244 : memref<1x128xi32, #tpu.memory_space<vmem>> -> memref<128xi32, #tpu.memory_space<vmem>>
    %dma_wait3A_246 = arith.constant 0 : i32
    %dma_wait3A_247 = arith.constant 0 : i32
    %dma_wait3A_248 = tpu.memref_slice %arg6[%dma_wait3A_246, %dma_wait3A_247] : memref<5000x32xf32, #tpu.memory_space<hbm>> -> memref<5000x32xf32, #tpu.memory_space<hbm>>
    tpu.wait_indirect_dma semaphore(%arg20 : memref<!tpu.dma_semaphore, #tpu.memory_space<semaphore_mem>>) src(%dma_wait3A_248 : memref<5000x32xf32, #tpu.memory_space<hbm>>) dst(%dma_wait3A_242 : memref<128x32xf32, #tpu.memory_space<vmem>>)
    %dma_wait3A_249 = arith.constant 1 : i32
    %dma_wait3A_250 = arith.constant 128 : i32
    %dma_wait3A_251 = arith.constant 0 : i32
    %dma_wait3A_252 = tpu.memref_slice %arg15[%dma_wait3A_250, %dma_wait3A_251] : memref<512x32xf32, #tpu.memory_space<vmem>> -> memref<128x32xf32, #tpu.memory_space<vmem>>
    %dma_wait3A_253 = arith.constant 0 : i32
    %dma_wait3A_254 = tpu.memref_slice %arg12[%dma_wait3A_249, %dma_wait3A_253] : memref<4x128xi32, #tpu.memory_space<vmem>> -> memref<1x128xi32, #tpu.memory_space<vmem>>
    %dma_wait3A_255 = tpu.memref_squeeze %dma_wait3A_254 : memref<1x128xi32, #tpu.memory_space<vmem>> -> memref<128xi32, #tpu.memory_space<vmem>>
    %dma_wait3A_256 = arith.constant 0 : i32
    %dma_wait3A_257 = arith.constant 0 : i32
    %dma_wait3A_258 = tpu.memref_slice %arg6[%dma_wait3A_256, %dma_wait3A_257] : memref<5000x32xf32, #tpu.memory_space<hbm>> -> memref<5000x32xf32, #tpu.memory_space<hbm>>
    tpu.wait_indirect_dma semaphore(%arg20 : memref<!tpu.dma_semaphore, #tpu.memory_space<semaphore_mem>>) src(%dma_wait3A_258 : memref<5000x32xf32, #tpu.memory_space<hbm>>) dst(%dma_wait3A_252 : memref<128x32xf32, #tpu.memory_space<vmem>>)
    %dma_wait3A_259 = arith.constant 2 : i32
    %dma_wait3A_260 = arith.constant 256 : i32
    %dma_wait3A_261 = arith.constant 0 : i32
    %dma_wait3A_262 = tpu.memref_slice %arg15[%dma_wait3A_260, %dma_wait3A_261] : memref<512x32xf32, #tpu.memory_space<vmem>> -> memref<128x32xf32, #tpu.memory_space<vmem>>
    %dma_wait3A_263 = arith.constant 0 : i32
    %dma_wait3A_264 = tpu.memref_slice %arg12[%dma_wait3A_259, %dma_wait3A_263] : memref<4x128xi32, #tpu.memory_space<vmem>> -> memref<1x128xi32, #tpu.memory_space<vmem>>
    %dma_wait3A_265 = tpu.memref_squeeze %dma_wait3A_264 : memref<1x128xi32, #tpu.memory_space<vmem>> -> memref<128xi32, #tpu.memory_space<vmem>>
    %dma_wait3A_266 = arith.constant 0 : i32
    %dma_wait3A_267 = arith.constant 0 : i32
    %dma_wait3A_268 = tpu.memref_slice %arg6[%dma_wait3A_266, %dma_wait3A_267] : memref<5000x32xf32, #tpu.memory_space<hbm>> -> memref<5000x32xf32, #tpu.memory_space<hbm>>
    tpu.wait_indirect_dma semaphore(%arg20 : memref<!tpu.dma_semaphore, #tpu.memory_space<semaphore_mem>>) src(%dma_wait3A_268 : memref<5000x32xf32, #tpu.memory_space<hbm>>) dst(%dma_wait3A_262 : memref<128x32xf32, #tpu.memory_space<vmem>>)
    %dma_wait3A_269 = arith.constant 3 : i32
    %dma_wait3A_270 = arith.constant 384 : i32
    %dma_wait3A_271 = arith.constant 0 : i32
    %dma_wait3A_272 = tpu.memref_slice %arg15[%dma_wait3A_270, %dma_wait3A_271] : memref<512x32xf32, #tpu.memory_space<vmem>> -> memref<128x32xf32, #tpu.memory_space<vmem>>
    %dma_wait3A_273 = arith.constant 0 : i32
    %dma_wait3A_274 = tpu.memref_slice %arg12[%dma_wait3A_269, %dma_wait3A_273] : memref<4x128xi32, #tpu.memory_space<vmem>> -> memref<1x128xi32, #tpu.memory_space<vmem>>
    %dma_wait3A_275 = tpu.memref_squeeze %dma_wait3A_274 : memref<1x128xi32, #tpu.memory_space<vmem>> -> memref<128xi32, #tpu.memory_space<vmem>>
    %dma_wait3A_276 = arith.constant 0 : i32
    %dma_wait3A_277 = arith.constant 0 : i32
    %dma_wait3A_278 = tpu.memref_slice %arg6[%dma_wait3A_276, %dma_wait3A_277] : memref<5000x32xf32, #tpu.memory_space<hbm>> -> memref<5000x32xf32, #tpu.memory_space<hbm>>
    tpu.wait_indirect_dma semaphore(%arg20 : memref<!tpu.dma_semaphore, #tpu.memory_space<semaphore_mem>>) src(%dma_wait3A_278 : memref<5000x32xf32, #tpu.memory_space<hbm>>) dst(%dma_wait3A_272 : memref<128x32xf32, #tpu.memory_space<vmem>>)
    %dma_wait3A_279 = arith.constant 0 : i32
    %dma_wait3A_280 = arith.constant 0 : i32
    %dma_wait3A_281 = arith.constant 0 : i32
    %dma_wait3A_282 = tpu.memref_slice %arg16[%dma_wait3A_280, %dma_wait3A_281] : memref<512x32xf32, #tpu.memory_space<vmem>> -> memref<128x32xf32, #tpu.memory_space<vmem>>
    %dma_wait3A_283 = arith.constant 0 : i32
    %dma_wait3A_284 = tpu.memref_slice %arg12[%dma_wait3A_279, %dma_wait3A_283] : memref<4x128xi32, #tpu.memory_space<vmem>> -> memref<1x128xi32, #tpu.memory_space<vmem>>
    %dma_wait3A_285 = tpu.memref_squeeze %dma_wait3A_284 : memref<1x128xi32, #tpu.memory_space<vmem>> -> memref<128xi32, #tpu.memory_space<vmem>>
    %dma_wait3A_286 = arith.constant 0 : i32
    %dma_wait3A_287 = arith.constant 0 : i32
    %dma_wait3A_288 = tpu.memref_slice %arg7[%dma_wait3A_286, %dma_wait3A_287] : memref<5000x32xf32, #tpu.memory_space<hbm>> -> memref<5000x32xf32, #tpu.memory_space<hbm>>
    tpu.wait_indirect_dma semaphore(%arg20 : memref<!tpu.dma_semaphore, #tpu.memory_space<semaphore_mem>>) src(%dma_wait3A_288 : memref<5000x32xf32, #tpu.memory_space<hbm>>) dst(%dma_wait3A_282 : memref<128x32xf32, #tpu.memory_space<vmem>>)
    %dma_wait3A_289 = arith.constant 1 : i32
    %dma_wait3A_290 = arith.constant 128 : i32
    %dma_wait3A_291 = arith.constant 0 : i32
    %dma_wait3A_292 = tpu.memref_slice %arg16[%dma_wait3A_290, %dma_wait3A_291] : memref<512x32xf32, #tpu.memory_space<vmem>> -> memref<128x32xf32, #tpu.memory_space<vmem>>
    %dma_wait3A_293 = arith.constant 0 : i32
    %dma_wait3A_294 = tpu.memref_slice %arg12[%dma_wait3A_289, %dma_wait3A_293] : memref<4x128xi32, #tpu.memory_space<vmem>> -> memref<1x128xi32, #tpu.memory_space<vmem>>
    %dma_wait3A_295 = tpu.memref_squeeze %dma_wait3A_294 : memref<1x128xi32, #tpu.memory_space<vmem>> -> memref<128xi32, #tpu.memory_space<vmem>>
    %dma_wait3A_296 = arith.constant 0 : i32
    %dma_wait3A_297 = arith.constant 0 : i32
    %dma_wait3A_298 = tpu.memref_slice %arg7[%dma_wait3A_296, %dma_wait3A_297] : memref<5000x32xf32, #tpu.memory_space<hbm>> -> memref<5000x32xf32, #tpu.memory_space<hbm>>
    tpu.wait_indirect_dma semaphore(%arg20 : memref<!tpu.dma_semaphore, #tpu.memory_space<semaphore_mem>>) src(%dma_wait3A_298 : memref<5000x32xf32, #tpu.memory_space<hbm>>) dst(%dma_wait3A_292 : memref<128x32xf32, #tpu.memory_space<vmem>>)
    %dma_wait3A_299 = arith.constant 2 : i32
    %dma_wait3A_300 = arith.constant 256 : i32
    %dma_wait3A_301 = arith.constant 0 : i32
    %dma_wait3A_302 = tpu.memref_slice %arg16[%dma_wait3A_300, %dma_wait3A_301] : memref<512x32xf32, #tpu.memory_space<vmem>> -> memref<128x32xf32, #tpu.memory_space<vmem>>
    %dma_wait3A_303 = arith.constant 0 : i32
    %dma_wait3A_304 = tpu.memref_slice %arg12[%dma_wait3A_299, %dma_wait3A_303] : memref<4x128xi32, #tpu.memory_space<vmem>> -> memref<1x128xi32, #tpu.memory_space<vmem>>
    %dma_wait3A_305 = tpu.memref_squeeze %dma_wait3A_304 : memref<1x128xi32, #tpu.memory_space<vmem>> -> memref<128xi32, #tpu.memory_space<vmem>>
    %dma_wait3A_306 = arith.constant 0 : i32
    %dma_wait3A_307 = arith.constant 0 : i32
    %dma_wait3A_308 = tpu.memref_slice %arg7[%dma_wait3A_306, %dma_wait3A_307] : memref<5000x32xf32, #tpu.memory_space<hbm>> -> memref<5000x32xf32, #tpu.memory_space<hbm>>
    tpu.wait_indirect_dma semaphore(%arg20 : memref<!tpu.dma_semaphore, #tpu.memory_space<semaphore_mem>>) src(%dma_wait3A_308 : memref<5000x32xf32, #tpu.memory_space<hbm>>) dst(%dma_wait3A_302 : memref<128x32xf32, #tpu.memory_space<vmem>>)
    %dma_wait3A_309 = arith.constant 3 : i32
    %dma_wait3A_310 = arith.constant 384 : i32
    %dma_wait3A_311 = arith.constant 0 : i32
    %dma_wait3A_312 = tpu.memref_slice %arg16[%dma_wait3A_310, %dma_wait3A_311] : memref<512x32xf32, #tpu.memory_space<vmem>> -> memref<128x32xf32, #tpu.memory_space<vmem>>
    %dma_wait3A_313 = arith.constant 0 : i32
    %dma_wait3A_314 = tpu.memref_slice %arg12[%dma_wait3A_309, %dma_wait3A_313] : memref<4x128xi32, #tpu.memory_space<vmem>> -> memref<1x128xi32, #tpu.memory_space<vmem>>
    %dma_wait3A_315 = tpu.memref_squeeze %dma_wait3A_314 : memref<1x128xi32, #tpu.memory_space<vmem>> -> memref<128xi32, #tpu.memory_space<vmem>>
    %dma_wait3A_316 = arith.constant 0 : i32
    %dma_wait3A_317 = arith.constant 0 : i32
    %dma_wait3A_318 = tpu.memref_slice %arg7[%dma_wait3A_316, %dma_wait3A_317] : memref<5000x32xf32, #tpu.memory_space<hbm>> -> memref<5000x32xf32, #tpu.memory_space<hbm>>
    tpu.wait_indirect_dma semaphore(%arg20 : memref<!tpu.dma_semaphore, #tpu.memory_space<semaphore_mem>>) src(%dma_wait3A_318 : memref<5000x32xf32, #tpu.memory_space<hbm>>) dst(%dma_wait3A_312 : memref<128x32xf32, #tpu.memory_space<vmem>>)
    %get3A = arith.constant 0 : index
    %get3A_319 = tpu.vector_load %arg17[%get3A] {strides = array<i32>} : memref<96xf32, #tpu.memory_space<vmem>>, vector<16xf32>,
    %get3A_320 = arith.constant 16 : index
    %get3A_321 = tpu.vector_load %arg17[%get3A_320] {strides = array<i32>} : memref<96xf32, #tpu.memory_space<vmem>>, vector<16xf32>,
    %get3A_322 = arith.constant 32 : index
    %get3A_323 = tpu.vector_load %arg17[%get3A_322] {strides = array<i32>} : memref<96xf32, #tpu.memory_space<vmem>>, vector<16xf32>,
    %get3A_324 = arith.constant 48 : index
    %get3A_325 = tpu.vector_load %arg17[%get3A_324] {strides = array<i32>} : memref<96xf32, #tpu.memory_space<vmem>>, vector<16xf32>,
    %get3A_326 = arith.constant 0 : index
    %get3A_327 = tpu.vector_load %arg18[%get3A_326] {strides = array<i32>} : memref<16xf32, #tpu.memory_space<vmem>>, vector<16xf32>,
    %broadcast_in_dim3A = arith.constant 0.000000e+00 : f32
    %broadcast_in_dim3A_328 = vector.broadcast %broadcast_in_dim3A : f32 to vector<16xf32>
    %iota3A = tpu.iota {dimensions = array<i32: 0>} : vector<16xi32>
    %eq3A = arith.constant 0 : i32
    %eq3A_329 = vector.broadcast %eq3A : i32 to vector<16xi32>
    %eq3A_330 = arith.cmpi eq, %iota3A, %eq3A_329 : vector<16xi32>
    %convert_element_type3A = arith.extui %eq3A_330 : vector<16xi1> to vector<16xi32>
    %convert_element_type3A_331 = arith.sitofp %convert_element_type3A : vector<16xi32> to vector<16xf32>
    %iota3A_332 = tpu.iota {dimensions = array<i32: 0>} : vector<16xi32>
    %eq3A_333 = arith.constant 1 : i32
    %eq3A_334 = vector.broadcast %eq3A_333 : i32 to vector<16xi32>
    %eq3A_335 = arith.cmpi eq, %iota3A_332, %eq3A_334 : vector<16xi32>
    %convert_element_type3A_336 = arith.extui %eq3A_335 : vector<16xi1> to vector<16xi32>
    %convert_element_type3A_337 = arith.sitofp %convert_element_type3A_336 : vector<16xi32> to vector<16xf32>
    %iota3A_338 = tpu.iota {dimensions = array<i32: 0>} : vector<16xi32>
    %eq3A_339 = arith.constant 2 : i32
    %eq3A_340 = vector.broadcast %eq3A_339 : i32 to vector<16xi32>
    %eq3A_341 = arith.cmpi eq, %iota3A_338, %eq3A_340 : vector<16xi32>
    %convert_element_type3A_342 = arith.extui %eq3A_341 : vector<16xi1> to vector<16xi32>
    %convert_element_type3A_343 = arith.sitofp %convert_element_type3A_342 : vector<16xi32> to vector<16xf32>
    %iota3A_344 = tpu.iota {dimensions = array<i32: 0>} : vector<16xi32>
    %eq3A_345 = arith.constant 3 : i32
    %eq3A_346 = vector.broadcast %eq3A_345 : i32 to vector<16xi32>
    %eq3A_347 = arith.cmpi eq, %iota3A_344, %eq3A_346 : vector<16xi32>
    %convert_element_type3A_348 = arith.extui %eq3A_347 : vector<16xi1> to vector<16xi32>
    %convert_element_type3A_349 = arith.sitofp %convert_element_type3A_348 : vector<16xi32> to vector<16xf32>
    %iota3A_350 = tpu.iota {dimensions = array<i32: 0>} : vector<16xi32>
    %eq3A_351 = arith.constant 4 : i32
    %eq3A_352 = vector.broadcast %eq3A_351 : i32 to vector<16xi32>
    %eq3A_353 = arith.cmpi eq, %iota3A_350, %eq3A_352 : vector<16xi32>
    %convert_element_type3A_354 = arith.extui %eq3A_353 : vector<16xi1> to vector<16xi32>
    %convert_element_type3A_355 = arith.sitofp %convert_element_type3A_354 : vector<16xi32> to vector<16xf32>
    %iota3A_356 = tpu.iota {dimensions = array<i32: 0>} : vector<16xi32>
    %eq3A_357 = arith.constant 5 : i32
    %eq3A_358 = vector.broadcast %eq3A_357 : i32 to vector<16xi32>
    %eq3A_359 = arith.cmpi eq, %iota3A_356, %eq3A_358 : vector<16xi32>
    %convert_element_type3A_360 = arith.extui %eq3A_359 : vector<16xi1> to vector<16xi32>
    %convert_element_type3A_361 = arith.sitofp %convert_element_type3A_360 : vector<16xi32> to vector<16xf32>
    %iota3A_362 = tpu.iota {dimensions = array<i32: 0>} : vector<16xi32>
    %eq3A_363 = arith.constant 6 : i32
    %eq3A_364 = vector.broadcast %eq3A_363 : i32 to vector<16xi32>
    %eq3A_365 = arith.cmpi eq, %iota3A_362, %eq3A_364 : vector<16xi32>
    %convert_element_type3A_366 = arith.extui %eq3A_365 : vector<16xi1> to vector<16xi32>
    %convert_element_type3A_367 = arith.sitofp %convert_element_type3A_366 : vector<16xi32> to vector<16xf32>
    %iota3A_368 = tpu.iota {dimensions = array<i32: 0>} : vector<16xi32>
    %eq3A_369 = arith.constant 7 : i32
    %eq3A_370 = vector.broadcast %eq3A_369 : i32 to vector<16xi32>
    %eq3A_371 = arith.cmpi eq, %iota3A_368, %eq3A_370 : vector<16xi32>
    %convert_element_type3A_372 = arith.extui %eq3A_371 : vector<16xi1> to vector<16xi32>
    %convert_element_type3A_373 = arith.sitofp %convert_element_type3A_372 : vector<16xi32> to vector<16xf32>
    %iota3A_374 = tpu.iota {dimensions = array<i32: 0>} : vector<16xi32>
    %eq3A_375 = arith.constant 8 : i32
    %eq3A_376 = vector.broadcast %eq3A_375 : i32 to vector<16xi32>
    %eq3A_377 = arith.cmpi eq, %iota3A_374, %eq3A_376 : vector<16xi32>
    %convert_element_type3A_378 = arith.extui %eq3A_377 : vector<16xi1> to vector<16xi32>
    %convert_element_type3A_379 = arith.sitofp %convert_element_type3A_378 : vector<16xi32> to vector<16xf32>
    %iota3A_380 = tpu.iota {dimensions = array<i32: 0>} : vector<16xi32>
    %eq3A_381 = arith.constant 9 : i32
    %eq3A_382 = vector.broadcast %eq3A_381 : i32 to vector<16xi32>
    %eq3A_383 = arith.cmpi eq, %iota3A_380, %eq3A_382 : vector<16xi32>
    %convert_element_type3A_384 = arith.extui %eq3A_383 : vector<16xi1> to vector<16xi32>
    %convert_element_type3A_385 = arith.sitofp %convert_element_type3A_384 : vector<16xi32> to vector<16xf32>
    %iota3A_386 = tpu.iota {dimensions = array<i32: 0>} : vector<16xi32>
    %eq3A_387 = arith.constant 10 : i32
    %eq3A_388 = vector.broadcast %eq3A_387 : i32 to vector<16xi32>
    %eq3A_389 = arith.cmpi eq, %iota3A_386, %eq3A_388 : vector<16xi32>
    %convert_element_type3A_390 = arith.extui %eq3A_389 : vector<16xi1> to vector<16xi32>
    %convert_element_type3A_391 = arith.sitofp %convert_element_type3A_390 : vector<16xi32> to vector<16xf32>
    %iota3A_392 = tpu.iota {dimensions = array<i32: 0>} : vector<16xi32>
    %eq3A_393 = arith.constant 11 : i32
    %eq3A_394 = vector.broadcast %eq3A_393 : i32 to vector<16xi32>
    %eq3A_395 = arith.cmpi eq, %iota3A_392, %eq3A_394 : vector<16xi32>
    %convert_element_type3A_396 = arith.extui %eq3A_395 : vector<16xi1> to vector<16xi32>
    %convert_element_type3A_397 = arith.sitofp %convert_element_type3A_396 : vector<16xi32> to vector<16xf32>
    %iota3A_398 = tpu.iota {dimensions = array<i32: 0>} : vector<16xi32>
    %eq3A_399 = arith.constant 12 : i32
    %eq3A_400 = vector.broadcast %eq3A_399 : i32 to vector<16xi32>
    %eq3A_401 = arith.cmpi eq, %iota3A_398, %eq3A_400 : vector<16xi32>
    %convert_element_type3A_402 = arith.extui %eq3A_401 : vector<16xi1> to vector<16xi32>
    %convert_element_type3A_403 = arith.sitofp %convert_element_type3A_402 : vector<16xi32> to vector<16xf32>
    %iota3A_404 = tpu.iota {dimensions = array<i32: 0>} : vector<16xi32>
    %eq3A_405 = arith.constant 13 : i32
    %eq3A_406 = vector.broadcast %eq3A_405 : i32 to vector<16xi32>
    %eq3A_407 = arith.cmpi eq, %iota3A_404, %eq3A_406 : vector<16xi32>
    %convert_element_type3A_408 = arith.extui %eq3A_407 : vector<16xi1> to vector<16xi32>
    %convert_element_type3A_409 = arith.sitofp %convert_element_type3A_408 : vector<16xi32> to vector<16xf32>
    %iota3A_410 = tpu.iota {dimensions = array<i32: 0>} : vector<16xi32>
    %eq3A_411 = arith.constant 14 : i32
    %eq3A_412 = vector.broadcast %eq3A_411 : i32 to vector<16xi32>
    %eq3A_413 = arith.cmpi eq, %iota3A_410, %eq3A_412 : vector<16xi32>
    %convert_element_type3A_414 = arith.extui %eq3A_413 : vector<16xi1> to vector<16xi32>
    %convert_element_type3A_415 = arith.sitofp %convert_element_type3A_414 : vector<16xi32> to vector<16xf32>
    %iota3A_416 = tpu.iota {dimensions = array<i32: 0>} : vector<16xi32>
    %eq3A_417 = arith.constant 15 : i32
    %eq3A_418 = vector.broadcast %eq3A_417 : i32 to vector<16xi32>
    %eq3A_419 = arith.cmpi eq, %iota3A_416, %eq3A_418 : vector<16xi32>
    %convert_element_type3A_420 = arith.extui %eq3A_419 : vector<16xi1> to vector<16xi32>
    %convert_element_type3A_421 = arith.sitofp %convert_element_type3A_420 : vector<16xi32> to vector<16xf32>
    %scan3A = arith.constant 0 : i32
    %scan3A_422 = arith.constant 0 : i32
    %scan3A_423 = arith.constant 32 : i32
    %scan3A_424 = arith.addi %scan3A_422, %scan3A_423 : i32
    %scan3A_425 = arith.constant 1 : i32
    scf.for %scan3A_429 = %scan3A_422 to %scan3A_424 step %scan3A_425  : i32 {
      %mul3A_430 = arith.constant 16 : i32
      %mul3A_431 = arith.muli %scan3A_429, %mul3A_430 : i32
      %add3A_432 = arith.constant 0 : i32
      %add3A_433 = arith.addi %mul3A_431, %add3A_432 : i32
      %get3A_434 = arith.index_cast %add3A_433 : i32 to index
      %get3A_435 = arith.constant 0 : index
      %get3A_436 = tpu.vector_load %arg13[%get3A_434, %get3A_435] {strides = array<i32>} : memref<512x32xf32, #tpu.memory_space<vmem>>, vector<16xf32>,
      %get3A_437 = arith.index_cast %add3A_433 : i32 to index
      %get3A_438 = arith.constant 0 : index
      %get3A_439 = tpu.vector_load %arg15[%get3A_437, %get3A_438] {strides = array<i32>} : memref<512x32xf32, #tpu.memory_space<vmem>>, vector<16xf32>,
      %mul3A_440 = arith.mulf %get3A_436, %get3A_439 : vector<16xf32>
      %bitcast3A = vector.bitcast %mul3A_440 : vector<16xf32> to vector<16xi32>
      %add3A_441 = arith.constant 32767 : i32
      %add3A_442 = vector.broadcast %add3A_441 : i32 to vector<16xi32>
      %add3A_443 = arith.addi %bitcast3A, %add3A_442 : vector<16xi32>
      %shift_right_arithmetic3A = arith.constant 16 : i32
      %shift_right_arithmetic3A_444 = vector.broadcast %shift_right_arithmetic3A : i32 to vector<16xi32>
      %shift_right_arithmetic3A_445 = arith.shrsi %bitcast3A, %shift_right_arithmetic3A_444 : vector<16xi32>
      %and3A = arith.constant 1 : i32
      %and3A_446 = vector.broadcast %and3A : i32 to vector<16xi32>
      %and3A_447 = arith.andi %shift_right_arithmetic3A_445, %and3A_446 : vector<16xi32>
      %add3A_448 = arith.addi %add3A_443, %and3A_447 : vector<16xi32>
      %and3A_449 = arith.constant -65536 : i32
      %and3A_450 = vector.broadcast %and3A_449 : i32 to vector<16xi32>
      %and3A_451 = arith.andi %add3A_448, %and3A_450 : vector<16xi32>
      %bitcast3A_452 = vector.bitcast %and3A_451 : vector<16xi32> to vector<16xf32>
      %mul3A_453 = arith.mulf %bitcast3A_452, %get3A_319 : vector<16xf32>
      %add3A_454 = arith.addf %get3A_327, %mul3A_453 : vector<16xf32>
      %get3A_455 = arith.index_cast %add3A_433 : i32 to index
      %get3A_456 = arith.constant 16 : index
      %get3A_457 = tpu.vector_load %arg13[%get3A_455, %get3A_456] {strides = array<i32>} : memref<512x32xf32, #tpu.memory_space<vmem>>, vector<16xf32>,
      %get3A_458 = arith.index_cast %add3A_433 : i32 to index
      %get3A_459 = arith.constant 16 : index
      %get3A_460 = tpu.vector_load %arg15[%get3A_458, %get3A_459] {strides = array<i32>} : memref<512x32xf32, #tpu.memory_space<vmem>>, vector<16xf32>,
      %mul3A_461 = arith.mulf %get3A_457, %get3A_460 : vector<16xf32>
      %bitcast3A_462 = vector.bitcast %mul3A_461 : vector<16xf32> to vector<16xi32>
      %add3A_463 = arith.constant 32767 : i32
      %add3A_464 = vector.broadcast %add3A_463 : i32 to vector<16xi32>
      %add3A_465 = arith.addi %bitcast3A_462, %add3A_464 : vector<16xi32>
      %shift_right_arithmetic3A_466 = arith.constant 16 : i32
      %shift_right_arithmetic3A_467 = vector.broadcast %shift_right_arithmetic3A_466 : i32 to vector<16xi32>
      %shift_right_arithmetic3A_468 = arith.shrsi %bitcast3A_462, %shift_right_arithmetic3A_467 : vector<16xi32>
      %and3A_469 = arith.constant 1 : i32
      %and3A_470 = vector.broadcast %and3A_469 : i32 to vector<16xi32>
      %and3A_471 = arith.andi %shift_right_arithmetic3A_468, %and3A_470 : vector<16xi32>
      %add3A_472 = arith.addi %add3A_465, %and3A_471 : vector<16xi32>
      %and3A_473 = arith.constant -65536 : i32
      %and3A_474 = vector.broadcast %and3A_473 : i32 to vector<16xi32>
      %and3A_475 = arith.andi %add3A_472, %and3A_474 : vector<16xi32>
      %bitcast3A_476 = vector.bitcast %and3A_475 : vector<16xi32> to vector<16xf32>
      %mul3A_477 = arith.mulf %bitcast3A_476, %get3A_321 : vector<16xf32>
      %add3A_478 = arith.addf %add3A_454, %mul3A_477 : vector<16xf32>
      %mul3A_479 = arith.constant 16 : i32
      %mul3A_480 = arith.muli %scan3A_429, %mul3A_479 : i32
      %add3A_481 = arith.constant 0 : i32
      %add3A_482 = arith.addi %mul3A_480, %add3A_481 : i32
      %get3A_483 = arith.index_cast %add3A_482 : i32 to index
      %get3A_484 = arith.constant 0 : index
      %get3A_485 = tpu.vector_load %arg14[%get3A_483, %get3A_484] {strides = array<i32>} : memref<512x32xf32, #tpu.memory_space<vmem>>, vector<16xf32>,
      %get3A_486 = arith.index_cast %add3A_482 : i32 to index
      %get3A_487 = arith.constant 0 : index
      %get3A_488 = tpu.vector_load %arg16[%get3A_486, %get3A_487] {strides = array<i32>} : memref<512x32xf32, #tpu.memory_space<vmem>>, vector<16xf32>,
      %mul3A_489 = arith.mulf %get3A_485, %get3A_488 : vector<16xf32>
      %bitcast3A_490 = vector.bitcast %mul3A_489 : vector<16xf32> to vector<16xi32>
      %add3A_491 = arith.constant 32767 : i32
      %add3A_492 = vector.broadcast %add3A_491 : i32 to vector<16xi32>
      %add3A_493 = arith.addi %bitcast3A_490, %add3A_492 : vector<16xi32>
      %shift_right_arithmetic3A_494 = arith.constant 16 : i32
      %shift_right_arithmetic3A_495 = vector.broadcast %shift_right_arithmetic3A_494 : i32 to vector<16xi32>
      %shift_right_arithmetic3A_496 = arith.shrsi %bitcast3A_490, %shift_right_arithmetic3A_495 : vector<16xi32>
      %and3A_497 = arith.constant 1 : i32
      %and3A_498 = vector.broadcast %and3A_497 : i32 to vector<16xi32>
      %and3A_499 = arith.andi %shift_right_arithmetic3A_496, %and3A_498 : vector<16xi32>
      %add3A_500 = arith.addi %add3A_493, %and3A_499 : vector<16xi32>
      %and3A_501 = arith.constant -65536 : i32
      %and3A_502 = vector.broadcast %and3A_501 : i32 to vector<16xi32>
      %and3A_503 = arith.andi %add3A_500, %and3A_502 : vector<16xi32>
      %bitcast3A_504 = vector.bitcast %and3A_503 : vector<16xi32> to vector<16xf32>
      %mul3A_505 = arith.mulf %bitcast3A_504, %get3A_323 : vector<16xf32>
      %add3A_506 = arith.addf %add3A_478, %mul3A_505 : vector<16xf32>
      %get3A_507 = arith.index_cast %add3A_482 : i32 to index
      %get3A_508 = arith.constant 16 : index
      %get3A_509 = tpu.vector_load %arg14[%get3A_507, %get3A_508] {strides = array<i32>} : memref<512x32xf32, #tpu.memory_space<vmem>>, vector<16xf32>,
      %get3A_510 = arith.index_cast %add3A_482 : i32 to index
      %get3A_511 = arith.constant 16 : index
      %get3A_512 = tpu.vector_load %arg16[%get3A_510, %get3A_511] {strides = array<i32>} : memref<512x32xf32, #tpu.memory_space<vmem>>, vector<16xf32>,
      %mul3A_513 = arith.mulf %get3A_509, %get3A_512 : vector<16xf32>
      %bitcast3A_514 = vector.bitcast %mul3A_513 : vector<16xf32> to vector<16xi32>
      %add3A_515 = arith.constant 32767 : i32
      %add3A_516 = vector.broadcast %add3A_515 : i32 to vector<16xi32>
      %add3A_517 = arith.addi %bitcast3A_514, %add3A_516 : vector<16xi32>
      %shift_right_arithmetic3A_518 = arith.constant 16 : i32
      %shift_right_arithmetic3A_519 = vector.broadcast %shift_right_arithmetic3A_518 : i32 to vector<16xi32>
      %shift_right_arithmetic3A_520 = arith.shrsi %bitcast3A_514, %shift_right_arithmetic3A_519 : vector<16xi32>
      %and3A_521 = arith.constant 1 : i32
      %and3A_522 = vector.broadcast %and3A_521 : i32 to vector<16xi32>
      %and3A_523 = arith.andi %shift_right_arithmetic3A_520, %and3A_522 : vector<16xi32>
      %add3A_524 = arith.addi %add3A_517, %and3A_523 : vector<16xi32>
      %and3A_525 = arith.constant -65536 : i32
      %and3A_526 = vector.broadcast %and3A_525 : i32 to vector<16xi32>
      %and3A_527 = arith.andi %add3A_524, %and3A_526 : vector<16xi32>
      %bitcast3A_528 = vector.bitcast %and3A_527 : vector<16xi32> to vector<16xf32>
      %mul3A_529 = arith.mulf %bitcast3A_528, %get3A_325 : vector<16xf32>
      %add3A_530 = arith.addf %add3A_506, %mul3A_529 : vector<16xf32>
      %reduce_sum3A = arith.constant true
      %reduce_sum3A_531 = vector.broadcast %reduce_sum3A : i1 to vector<16xi1>
      %reduce_sum3A_532 = tpu.scan <sum>, %add3A_530 masked %reduce_sum3A_531 : vector<16xf32>, vector<16xi1> -> vector<16xf32>
      %reduce_sum3A_533 = vector.extract %reduce_sum3A_532[15] : f32 from vector<16xf32>
      %broadcast_in_dim3A_534 = vector.broadcast %reduce_sum3A_533 : f32 to vector<16xf32>
      %mul3A_535 = arith.mulf %broadcast_in_dim3A_534, %convert_element_type3A_331 : vector<16xf32>
      %add3A_536 = arith.addf %broadcast_in_dim3A_328, %mul3A_535 : vector<16xf32>
      %mul3A_537 = arith.constant 16 : i32
      %mul3A_538 = arith.muli %scan3A_429, %mul3A_537 : i32
      %add3A_539 = arith.constant 1 : i32
      %add3A_540 = arith.addi %mul3A_538, %add3A_539 : i32
      %get3A_541 = arith.index_cast %add3A_540 : i32 to index
      %get3A_542 = arith.constant 0 : index
      %get3A_543 = tpu.vector_load %arg13[%get3A_541, %get3A_542] {strides = array<i32>} : memref<512x32xf32, #tpu.memory_space<vmem>>, vector<16xf32>,
      %get3A_544 = arith.index_cast %add3A_540 : i32 to index
      %get3A_545 = arith.constant 0 : index
      %get3A_546 = tpu.vector_load %arg15[%get3A_544, %get3A_545] {strides = array<i32>} : memref<512x32xf32, #tpu.memory_space<vmem>>, vector<16xf32>,
      %mul3A_547 = arith.mulf %get3A_543, %get3A_546 : vector<16xf32>
      %bitcast3A_548 = vector.bitcast %mul3A_547 : vector<16xf32> to vector<16xi32>
      %add3A_549 = arith.constant 32767 : i32
      %add3A_550 = vector.broadcast %add3A_549 : i32 to vector<16xi32>
      %add3A_551 = arith.addi %bitcast3A_548, %add3A_550 : vector<16xi32>
      %shift_right_arithmetic3A_552 = arith.constant 16 : i32
      %shift_right_arithmetic3A_553 = vector.broadcast %shift_right_arithmetic3A_552 : i32 to vector<16xi32>
      %shift_right_arithmetic3A_554 = arith.shrsi %bitcast3A_548, %shift_right_arithmetic3A_553 : vector<16xi32>
      %and3A_555 = arith.constant 1 : i32
      %and3A_556 = vector.broadcast %and3A_555 : i32 to vector<16xi32>
      %and3A_557 = arith.andi %shift_right_arithmetic3A_554, %and3A_556 : vector<16xi32>
      %add3A_558 = arith.addi %add3A_551, %and3A_557 : vector<16xi32>
      %and3A_559 = arith.constant -65536 : i32
      %and3A_560 = vector.broadcast %and3A_559 : i32 to vector<16xi32>
      %and3A_561 = arith.andi %add3A_558, %and3A_560 : vector<16xi32>
      %bitcast3A_562 = vector.bitcast %and3A_561 : vector<16xi32> to vector<16xf32>
      %mul3A_563 = arith.mulf %bitcast3A_562, %get3A_319 : vector<16xf32>
      %add3A_564 = arith.addf %get3A_327, %mul3A_563 : vector<16xf32>
      %get3A_565 = arith.index_cast %add3A_540 : i32 to index
      %get3A_566 = arith.constant 16 : index
      %get3A_567 = tpu.vector_load %arg13[%get3A_565, %get3A_566] {strides = array<i32>} : memref<512x32xf32, #tpu.memory_space<vmem>>, vector<16xf32>,
      %get3A_568 = arith.index_cast %add3A_540 : i32 to index
      %get3A_569 = arith.constant 16 : index
      %get3A_570 = tpu.vector_load %arg15[%get3A_568, %get3A_569] {strides = array<i32>} : memref<512x32xf32, #tpu.memory_space<vmem>>, vector<16xf32>,
      %mul3A_571 = arith.mulf %get3A_567, %get3A_570 : vector<16xf32>
      %bitcast3A_572 = vector.bitcast %mul3A_571 : vector<16xf32> to vector<16xi32>
      %add3A_573 = arith.constant 32767 : i32
      %add3A_574 = vector.broadcast %add3A_573 : i32 to vector<16xi32>
      %add3A_575 = arith.addi %bitcast3A_572, %add3A_574 : vector<16xi32>
      %shift_right_arithmetic3A_576 = arith.constant 16 : i32
      %shift_right_arithmetic3A_577 = vector.broadcast %shift_right_arithmetic3A_576 : i32 to vector<16xi32>
      %shift_right_arithmetic3A_578 = arith.shrsi %bitcast3A_572, %shift_right_arithmetic3A_577 : vector<16xi32>
      %and3A_579 = arith.constant 1 : i32
      %and3A_580 = vector.broadcast %and3A_579 : i32 to vector<16xi32>
      %and3A_581 = arith.andi %shift_right_arithmetic3A_578, %and3A_580 : vector<16xi32>
      %add3A_582 = arith.addi %add3A_575, %and3A_581 : vector<16xi32>
      %and3A_583 = arith.constant -65536 : i32
      %and3A_584 = vector.broadcast %and3A_583 : i32 to vector<16xi32>
      %and3A_585 = arith.andi %add3A_582, %and3A_584 : vector<16xi32>
      %bitcast3A_586 = vector.bitcast %and3A_585 : vector<16xi32> to vector<16xf32>
      %mul3A_587 = arith.mulf %bitcast3A_586, %get3A_321 : vector<16xf32>
      %add3A_588 = arith.addf %add3A_564, %mul3A_587 : vector<16xf32>
      %mul3A_589 = arith.constant 16 : i32
      %mul3A_590 = arith.muli %scan3A_429, %mul3A_589 : i32
      %add3A_591 = arith.constant 1 : i32
      %add3A_592 = arith.addi %mul3A_590, %add3A_591 : i32
      %get3A_593 = arith.index_cast %add3A_592 : i32 to index
      %get3A_594 = arith.constant 0 : index
      %get3A_595 = tpu.vector_load %arg14[%get3A_593, %get3A_594] {strides = array<i32>} : memref<512x32xf32, #tpu.memory_space<vmem>>, vector<16xf32>,
      %get3A_596 = arith.index_cast %add3A_592 : i32 to index
      %get3A_597 = arith.constant 0 : index
      %get3A_598 = tpu.vector_load %arg16[%get3A_596, %get3A_597] {strides = array<i32>} : memref<512x32xf32, #tpu.memory_space<vmem>>, vector<16xf32>,
      %mul3A_599 = arith.mulf %get3A_595, %get3A_598 : vector<16xf32>
      %bitcast3A_600 = vector.bitcast %mul3A_599 : vector<16xf32> to vector<16xi32>
      %add3A_601 = arith.constant 32767 : i32
      %add3A_602 = vector.broadcast %add3A_601 : i32 to vector<16xi32>
      %add3A_603 = arith.addi %bitcast3A_600, %add3A_602 : vector<16xi32>
      %shift_right_arithmetic3A_604 = arith.constant 16 : i32
      %shift_right_arithmetic3A_605 = vector.broadcast %shift_right_arithmetic3A_604 : i32 to vector<16xi32>
      %shift_right_arithmetic3A_606 = arith.shrsi %bitcast3A_600, %shift_right_arithmetic3A_605 : vector<16xi32>
      %and3A_607 = arith.constant 1 : i32
      %and3A_608 = vector.broadcast %and3A_607 : i32 to vector<16xi32>
      %and3A_609 = arith.andi %shift_right_arithmetic3A_606, %and3A_608 : vector<16xi32>
      %add3A_610 = arith.addi %add3A_603, %and3A_609 : vector<16xi32>
      %and3A_611 = arith.constant -65536 : i32
      %and3A_612 = vector.broadcast %and3A_611 : i32 to vector<16xi32>
      %and3A_613 = arith.andi %add3A_610, %and3A_612 : vector<16xi32>
      %bitcast3A_614 = vector.bitcast %and3A_613 : vector<16xi32> to vector<16xf32>
      %mul3A_615 = arith.mulf %bitcast3A_614, %get3A_323 : vector<16xf32>
      %add3A_616 = arith.addf %add3A_588, %mul3A_615 : vector<16xf32>
      %get3A_617 = arith.index_cast %add3A_592 : i32 to index
      %get3A_618 = arith.constant 16 : index
      %get3A_619 = tpu.vector_load %arg14[%get3A_617, %get3A_618] {strides = array<i32>} : memref<512x32xf32, #tpu.memory_space<vmem>>, vector<16xf32>,
      %get3A_620 = arith.index_cast %add3A_592 : i32 to index
      %get3A_621 = arith.constant 16 : index
      %get3A_622 = tpu.vector_load %arg16[%get3A_620, %get3A_621] {strides = array<i32>} : memref<512x32xf32, #tpu.memory_space<vmem>>, vector<16xf32>,
      %mul3A_623 = arith.mulf %get3A_619, %get3A_622 : vector<16xf32>
      %bitcast3A_624 = vector.bitcast %mul3A_623 : vector<16xf32> to vector<16xi32>
      %add3A_625 = arith.constant 32767 : i32
      %add3A_626 = vector.broadcast %add3A_625 : i32 to vector<16xi32>
      %add3A_627 = arith.addi %bitcast3A_624, %add3A_626 : vector<16xi32>
      %shift_right_arithmetic3A_628 = arith.constant 16 : i32
      %shift_right_arithmetic3A_629 = vector.broadcast %shift_right_arithmetic3A_628 : i32 to vector<16xi32>
      %shift_right_arithmetic3A_630 = arith.shrsi %bitcast3A_624, %shift_right_arithmetic3A_629 : vector<16xi32>
      %and3A_631 = arith.constant 1 : i32
      %and3A_632 = vector.broadcast %and3A_631 : i32 to vector<16xi32>
      %and3A_633 = arith.andi %shift_right_arithmetic3A_630, %and3A_632 : vector<16xi32>
      %add3A_634 = arith.addi %add3A_627, %and3A_633 : vector<16xi32>
      %and3A_635 = arith.constant -65536 : i32
      %and3A_636 = vector.broadcast %and3A_635 : i32 to vector<16xi32>
      %and3A_637 = arith.andi %add3A_634, %and3A_636 : vector<16xi32>
      %bitcast3A_638 = vector.bitcast %and3A_637 : vector<16xi32> to vector<16xf32>
      %mul3A_639 = arith.mulf %bitcast3A_638, %get3A_325 : vector<16xf32>
      %add3A_640 = arith.addf %add3A_616, %mul3A_639 : vector<16xf32>
      %reduce_sum3A_641 = arith.constant true
      %reduce_sum3A_642 = vector.broadcast %reduce_sum3A_641 : i1 to vector<16xi1>
      %reduce_sum3A_643 = tpu.scan <sum>, %add3A_640 masked %reduce_sum3A_642 : vector<16xf32>, vector<16xi1> -> vector<16xf32>
      %reduce_sum3A_644 = vector.extract %reduce_sum3A_643[15] : f32 from vector<16xf32>
      %broadcast_in_dim3A_645 = vector.broadcast %reduce_sum3A_644 : f32 to vector<16xf32>
      %mul3A_646 = arith.mulf %broadcast_in_dim3A_645, %convert_element_type3A_337 : vector<16xf32>
      %add3A_647 = arith.addf %add3A_536, %mul3A_646 : vector<16xf32>
      %mul3A_648 = arith.constant 16 : i32
      %mul3A_649 = arith.muli %scan3A_429, %mul3A_648 : i32
      %add3A_650 = arith.constant 2 : i32
      %add3A_651 = arith.addi %mul3A_649, %add3A_650 : i32
      %get3A_652 = arith.index_cast %add3A_651 : i32 to index
      %get3A_653 = arith.constant 0 : index
      %get3A_654 = tpu.vector_load %arg13[%get3A_652, %get3A_653] {strides = array<i32>} : memref<512x32xf32, #tpu.memory_space<vmem>>, vector<16xf32>,
      %get3A_655 = arith.index_cast %add3A_651 : i32 to index
      %get3A_656 = arith.constant 0 : index
      %get3A_657 = tpu.vector_load %arg15[%get3A_655, %get3A_656] {strides = array<i32>} : memref<512x32xf32, #tpu.memory_space<vmem>>, vector<16xf32>,
      %mul3A_658 = arith.mulf %get3A_654, %get3A_657 : vector<16xf32>
      %bitcast3A_659 = vector.bitcast %mul3A_658 : vector<16xf32> to vector<16xi32>
      %add3A_660 = arith.constant 32767 : i32
      %add3A_661 = vector.broadcast %add3A_660 : i32 to vector<16xi32>
      %add3A_662 = arith.addi %bitcast3A_659, %add3A_661 : vector<16xi32>
      %shift_right_arithmetic3A_663 = arith.constant 16 : i32
      %shift_right_arithmetic3A_664 = vector.broadcast %shift_right_arithmetic3A_663 : i32 to vector<16xi32>
      %shift_right_arithmetic3A_665 = arith.shrsi %bitcast3A_659, %shift_right_arithmetic3A_664 : vector<16xi32>
      %and3A_666 = arith.constant 1 : i32
      %and3A_667 = vector.broadcast %and3A_666 : i32 to vector<16xi32>
      %and3A_668 = arith.andi %shift_right_arithmetic3A_665, %and3A_667 : vector<16xi32>
      %add3A_669 = arith.addi %add3A_662, %and3A_668 : vector<16xi32>
      %and3A_670 = arith.constant -65536 : i32
      %and3A_671 = vector.broadcast %and3A_670 : i32 to vector<16xi32>
      %and3A_672 = arith.andi %add3A_669, %and3A_671 : vector<16xi32>
      %bitcast3A_673 = vector.bitcast %and3A_672 : vector<16xi32> to vector<16xf32>
      %mul3A_674 = arith.mulf %bitcast3A_673, %get3A_319 : vector<16xf32>
      %add3A_675 = arith.addf %get3A_327, %mul3A_674 : vector<16xf32>
      %get3A_676 = arith.index_cast %add3A_651 : i32 to index
      %get3A_677 = arith.constant 16 : index
      %get3A_678 = tpu.vector_load %arg13[%get3A_676, %get3A_677] {strides = array<i32>} : memref<512x32xf32, #tpu.memory_space<vmem>>, vector<16xf32>,
      %get3A_679 = arith.index_cast %add3A_651 : i32 to index
      %get3A_680 = arith.constant 16 : index
      %get3A_681 = tpu.vector_load %arg15[%get3A_679, %get3A_680] {strides = array<i32>} : memref<512x32xf32, #tpu.memory_space<vmem>>, vector<16xf32>,
      %mul3A_682 = arith.mulf %get3A_678, %get3A_681 : vector<16xf32>
      %bitcast3A_683 = vector.bitcast %mul3A_682 : vector<16xf32> to vector<16xi32>
      %add3A_684 = arith.constant 32767 : i32
      %add3A_685 = vector.broadcast %add3A_684 : i32 to vector<16xi32>
      %add3A_686 = arith.addi %bitcast3A_683, %add3A_685 : vector<16xi32>
      %shift_right_arithmetic3A_687 = arith.constant 16 : i32
      %shift_right_arithmetic3A_688 = vector.broadcast %shift_right_arithmetic3A_687 : i32 to vector<16xi32>
      %shift_right_arithmetic3A_689 = arith.shrsi %bitcast3A_683, %shift_right_arithmetic3A_688 : vector<16xi32>
      %and3A_690 = arith.constant 1 : i32
      %and3A_691 = vector.broadcast %and3A_690 : i32 to vector<16xi32>
      %and3A_692 = arith.andi %shift_right_arithmetic3A_689, %and3A_691 : vector<16xi32>
      %add3A_693 = arith.addi %add3A_686, %and3A_692 : vector<16xi32>
      %and3A_694 = arith.constant -65536 : i32
      %and3A_695 = vector.broadcast %and3A_694 : i32 to vector<16xi32>
      %and3A_696 = arith.andi %add3A_693, %and3A_695 : vector<16xi32>
      %bitcast3A_697 = vector.bitcast %and3A_696 : vector<16xi32> to vector<16xf32>
      %mul3A_698 = arith.mulf %bitcast3A_697, %get3A_321 : vector<16xf32>
      %add3A_699 = arith.addf %add3A_675, %mul3A_698 : vector<16xf32>
      %mul3A_700 = arith.constant 16 : i32
      %mul3A_701 = arith.muli %scan3A_429, %mul3A_700 : i32
      %add3A_702 = arith.constant 2 : i32
      %add3A_703 = arith.addi %mul3A_701, %add3A_702 : i32
      %get3A_704 = arith.index_cast %add3A_703 : i32 to index
      %get3A_705 = arith.constant 0 : index
      %get3A_706 = tpu.vector_load %arg14[%get3A_704, %get3A_705] {strides = array<i32>} : memref<512x32xf32, #tpu.memory_space<vmem>>, vector<16xf32>,
      %get3A_707 = arith.index_cast %add3A_703 : i32 to index
      %get3A_708 = arith.constant 0 : index
      %get3A_709 = tpu.vector_load %arg16[%get3A_707, %get3A_708] {strides = array<i32>} : memref<512x32xf32, #tpu.memory_space<vmem>>, vector<16xf32>,
      %mul3A_710 = arith.mulf %get3A_706, %get3A_709 : vector<16xf32>
      %bitcast3A_711 = vector.bitcast %mul3A_710 : vector<16xf32> to vector<16xi32>
      %add3A_712 = arith.constant 32767 : i32
      %add3A_713 = vector.broadcast %add3A_712 : i32 to vector<16xi32>
      %add3A_714 = arith.addi %bitcast3A_711, %add3A_713 : vector<16xi32>
      %shift_right_arithmetic3A_715 = arith.constant 16 : i32
      %shift_right_arithmetic3A_716 = vector.broadcast %shift_right_arithmetic3A_715 : i32 to vector<16xi32>
      %shift_right_arithmetic3A_717 = arith.shrsi %bitcast3A_711, %shift_right_arithmetic3A_716 : vector<16xi32>
      %and3A_718 = arith.constant 1 : i32
      %and3A_719 = vector.broadcast %and3A_718 : i32 to vector<16xi32>
      %and3A_720 = arith.andi %shift_right_arithmetic3A_717, %and3A_719 : vector<16xi32>
      %add3A_721 = arith.addi %add3A_714, %and3A_720 : vector<16xi32>
      %and3A_722 = arith.constant -65536 : i32
      %and3A_723 = vector.broadcast %and3A_722 : i32 to vector<16xi32>
      %and3A_724 = arith.andi %add3A_721, %and3A_723 : vector<16xi32>
      %bitcast3A_725 = vector.bitcast %and3A_724 : vector<16xi32> to vector<16xf32>
      %mul3A_726 = arith.mulf %bitcast3A_725, %get3A_323 : vector<16xf32>
      %add3A_727 = arith.addf %add3A_699, %mul3A_726 : vector<16xf32>
      %get3A_728 = arith.index_cast %add3A_703 : i32 to index
      %get3A_729 = arith.constant 16 : index
      %get3A_730 = tpu.vector_load %arg14[%get3A_728, %get3A_729] {strides = array<i32>} : memref<512x32xf32, #tpu.memory_space<vmem>>, vector<16xf32>,
      %get3A_731 = arith.index_cast %add3A_703 : i32 to index
      %get3A_732 = arith.constant 16 : index
      %get3A_733 = tpu.vector_load %arg16[%get3A_731, %get3A_732] {strides = array<i32>} : memref<512x32xf32, #tpu.memory_space<vmem>>, vector<16xf32>,
      %mul3A_734 = arith.mulf %get3A_730, %get3A_733 : vector<16xf32>
      %bitcast3A_735 = vector.bitcast %mul3A_734 : vector<16xf32> to vector<16xi32>
      %add3A_736 = arith.constant 32767 : i32
      %add3A_737 = vector.broadcast %add3A_736 : i32 to vector<16xi32>
      %add3A_738 = arith.addi %bitcast3A_735, %add3A_737 : vector<16xi32>
      %shift_right_arithmetic3A_739 = arith.constant 16 : i32
      %shift_right_arithmetic3A_740 = vector.broadcast %shift_right_arithmetic3A_739 : i32 to vector<16xi32>
      %shift_right_arithmetic3A_741 = arith.shrsi %bitcast3A_735, %shift_right_arithmetic3A_740 : vector<16xi32>
      %and3A_742 = arith.constant 1 : i32
      %and3A_743 = vector.broadcast %and3A_742 : i32 to vector<16xi32>
      %and3A_744 = arith.andi %shift_right_arithmetic3A_741, %and3A_743 : vector<16xi32>
      %add3A_745 = arith.addi %add3A_738, %and3A_744 : vector<16xi32>
      %and3A_746 = arith.constant -65536 : i32
      %and3A_747 = vector.broadcast %and3A_746 : i32 to vector<16xi32>
      %and3A_748 = arith.andi %add3A_745, %and3A_747 : vector<16xi32>
      %bitcast3A_749 = vector.bitcast %and3A_748 : vector<16xi32> to vector<16xf32>
      %mul3A_750 = arith.mulf %bitcast3A_749, %get3A_325 : vector<16xf32>
      %add3A_751 = arith.addf %add3A_727, %mul3A_750 : vector<16xf32>
      %reduce_sum3A_752 = arith.constant true
      %reduce_sum3A_753 = vector.broadcast %reduce_sum3A_752 : i1 to vector<16xi1>
      %reduce_sum3A_754 = tpu.scan <sum>, %add3A_751 masked %reduce_sum3A_753 : vector<16xf32>, vector<16xi1> -> vector<16xf32>
      %reduce_sum3A_755 = vector.extract %reduce_sum3A_754[15] : f32 from vector<16xf32>
      %broadcast_in_dim3A_756 = vector.broadcast %reduce_sum3A_755 : f32 to vector<16xf32>
      %mul3A_757 = arith.mulf %broadcast_in_dim3A_756, %convert_element_type3A_343 : vector<16xf32>
      %add3A_758 = arith.addf %add3A_647, %mul3A_757 : vector<16xf32>
      %mul3A_759 = arith.constant 16 : i32
      %mul3A_760 = arith.muli %scan3A_429, %mul3A_759 : i32
      %add3A_761 = arith.constant 3 : i32
      %add3A_762 = arith.addi %mul3A_760, %add3A_761 : i32
      %get3A_763 = arith.index_cast %add3A_762 : i32 to index
      %get3A_764 = arith.constant 0 : index
      %get3A_765 = tpu.vector_load %arg13[%get3A_763, %get3A_764] {strides = array<i32>} : memref<512x32xf32, #tpu.memory_space<vmem>>, vector<16xf32>,
      %get3A_766 = arith.index_cast %add3A_762 : i32 to index
      %get3A_767 = arith.constant 0 : index
      %get3A_768 = tpu.vector_load %arg15[%get3A_766, %get3A_767] {strides = array<i32>} : memref<512x32xf32, #tpu.memory_space<vmem>>, vector<16xf32>,
      %mul3A_769 = arith.mulf %get3A_765, %get3A_768 : vector<16xf32>
      %bitcast3A_770 = vector.bitcast %mul3A_769 : vector<16xf32> to vector<16xi32>
      %add3A_771 = arith.constant 32767 : i32
      %add3A_772 = vector.broadcast %add3A_771 : i32 to vector<16xi32>
      %add3A_773 = arith.addi %bitcast3A_770, %add3A_772 : vector<16xi32>
      %shift_right_arithmetic3A_774 = arith.constant 16 : i32
      %shift_right_arithmetic3A_775 = vector.broadcast %shift_right_arithmetic3A_774 : i32 to vector<16xi32>
      %shift_right_arithmetic3A_776 = arith.shrsi %bitcast3A_770, %shift_right_arithmetic3A_775 : vector<16xi32>
      %and3A_777 = arith.constant 1 : i32
      %and3A_778 = vector.broadcast %and3A_777 : i32 to vector<16xi32>
      %and3A_779 = arith.andi %shift_right_arithmetic3A_776, %and3A_778 : vector<16xi32>
      %add3A_780 = arith.addi %add3A_773, %and3A_779 : vector<16xi32>
      %and3A_781 = arith.constant -65536 : i32
      %and3A_782 = vector.broadcast %and3A_781 : i32 to vector<16xi32>
      %and3A_783 = arith.andi %add3A_780, %and3A_782 : vector<16xi32>
      %bitcast3A_784 = vector.bitcast %and3A_783 : vector<16xi32> to vector<16xf32>
      %mul3A_785 = arith.mulf %bitcast3A_784, %get3A_319 : vector<16xf32>
      %add3A_786 = arith.addf %get3A_327, %mul3A_785 : vector<16xf32>
      %get3A_787 = arith.index_cast %add3A_762 : i32 to index
      %get3A_788 = arith.constant 16 : index
      %get3A_789 = tpu.vector_load %arg13[%get3A_787, %get3A_788] {strides = array<i32>} : memref<512x32xf32, #tpu.memory_space<vmem>>, vector<16xf32>,
      %get3A_790 = arith.index_cast %add3A_762 : i32 to index
      %get3A_791 = arith.constant 16 : index
      %get3A_792 = tpu.vector_load %arg15[%get3A_790, %get3A_791] {strides = array<i32>} : memref<512x32xf32, #tpu.memory_space<vmem>>, vector<16xf32>,
      %mul3A_793 = arith.mulf %get3A_789, %get3A_792 : vector<16xf32>
      %bitcast3A_794 = vector.bitcast %mul3A_793 : vector<16xf32> to vector<16xi32>
      %add3A_795 = arith.constant 32767 : i32
      %add3A_796 = vector.broadcast %add3A_795 : i32 to vector<16xi32>
      %add3A_797 = arith.addi %bitcast3A_794, %add3A_796 : vector<16xi32>
      %shift_right_arithmetic3A_798 = arith.constant 16 : i32
      %shift_right_arithmetic3A_799 = vector.broadcast %shift_right_arithmetic3A_798 : i32 to vector<16xi32>
      %shift_right_arithmetic3A_800 = arith.shrsi %bitcast3A_794, %shift_right_arithmetic3A_799 : vector<16xi32>
      %and3A_801 = arith.constant 1 : i32
      %and3A_802 = vector.broadcast %and3A_801 : i32 to vector<16xi32>
      %and3A_803 = arith.andi %shift_right_arithmetic3A_800, %and3A_802 : vector<16xi32>
      %add3A_804 = arith.addi %add3A_797, %and3A_803 : vector<16xi32>
      %and3A_805 = arith.constant -65536 : i32
      %and3A_806 = vector.broadcast %and3A_805 : i32 to vector<16xi32>
      %and3A_807 = arith.andi %add3A_804, %and3A_806 : vector<16xi32>
      %bitcast3A_808 = vector.bitcast %and3A_807 : vector<16xi32> to vector<16xf32>
      %mul3A_809 = arith.mulf %bitcast3A_808, %get3A_321 : vector<16xf32>
      %add3A_810 = arith.addf %add3A_786, %mul3A_809 : vector<16xf32>
      %mul3A_811 = arith.constant 16 : i32
      %mul3A_812 = arith.muli %scan3A_429, %mul3A_811 : i32
      %add3A_813 = arith.constant 3 : i32
      %add3A_814 = arith.addi %mul3A_812, %add3A_813 : i32
      %get3A_815 = arith.index_cast %add3A_814 : i32 to index
      %get3A_816 = arith.constant 0 : index
      %get3A_817 = tpu.vector_load %arg14[%get3A_815, %get3A_816] {strides = array<i32>} : memref<512x32xf32, #tpu.memory_space<vmem>>, vector<16xf32>,
      %get3A_818 = arith.index_cast %add3A_814 : i32 to index
      %get3A_819 = arith.constant 0 : index
      %get3A_820 = tpu.vector_load %arg16[%get3A_818, %get3A_819] {strides = array<i32>} : memref<512x32xf32, #tpu.memory_space<vmem>>, vector<16xf32>,
      %mul3A_821 = arith.mulf %get3A_817, %get3A_820 : vector<16xf32>
      %bitcast3A_822 = vector.bitcast %mul3A_821 : vector<16xf32> to vector<16xi32>
      %add3A_823 = arith.constant 32767 : i32
      %add3A_824 = vector.broadcast %add3A_823 : i32 to vector<16xi32>
      %add3A_825 = arith.addi %bitcast3A_822, %add3A_824 : vector<16xi32>
      %shift_right_arithmetic3A_826 = arith.constant 16 : i32
      %shift_right_arithmetic3A_827 = vector.broadcast %shift_right_arithmetic3A_826 : i32 to vector<16xi32>
      %shift_right_arithmetic3A_828 = arith.shrsi %bitcast3A_822, %shift_right_arithmetic3A_827 : vector<16xi32>
      %and3A_829 = arith.constant 1 : i32
      %and3A_830 = vector.broadcast %and3A_829 : i32 to vector<16xi32>
      %and3A_831 = arith.andi %shift_right_arithmetic3A_828, %and3A_830 : vector<16xi32>
      %add3A_832 = arith.addi %add3A_825, %and3A_831 : vector<16xi32>
      %and3A_833 = arith.constant -65536 : i32
      %and3A_834 = vector.broadcast %and3A_833 : i32 to vector<16xi32>
      %and3A_835 = arith.andi %add3A_832, %and3A_834 : vector<16xi32>
      %bitcast3A_836 = vector.bitcast %and3A_835 : vector<16xi32> to vector<16xf32>
      %mul3A_837 = arith.mulf %bitcast3A_836, %get3A_323 : vector<16xf32>
      %add3A_838 = arith.addf %add3A_810, %mul3A_837 : vector<16xf32>
      %get3A_839 = arith.index_cast %add3A_814 : i32 to index
      %get3A_840 = arith.constant 16 : index
      %get3A_841 = tpu.vector_load %arg14[%get3A_839, %get3A_840] {strides = array<i32>} : memref<512x32xf32, #tpu.memory_space<vmem>>, vector<16xf32>,
      %get3A_842 = arith.index_cast %add3A_814 : i32 to index
      %get3A_843 = arith.constant 16 : index
      %get3A_844 = tpu.vector_load %arg16[%get3A_842, %get3A_843] {strides = array<i32>} : memref<512x32xf32, #tpu.memory_space<vmem>>, vector<16xf32>,
      %mul3A_845 = arith.mulf %get3A_841, %get3A_844 : vector<16xf32>
      %bitcast3A_846 = vector.bitcast %mul3A_845 : vector<16xf32> to vector<16xi32>
      %add3A_847 = arith.constant 32767 : i32
      %add3A_848 = vector.broadcast %add3A_847 : i32 to vector<16xi32>
      %add3A_849 = arith.addi %bitcast3A_846, %add3A_848 : vector<16xi32>
      %shift_right_arithmetic3A_850 = arith.constant 16 : i32
      %shift_right_arithmetic3A_851 = vector.broadcast %shift_right_arithmetic3A_850 : i32 to vector<16xi32>
      %shift_right_arithmetic3A_852 = arith.shrsi %bitcast3A_846, %shift_right_arithmetic3A_851 : vector<16xi32>
      %and3A_853 = arith.constant 1 : i32
      %and3A_854 = vector.broadcast %and3A_853 : i32 to vector<16xi32>
      %and3A_855 = arith.andi %shift_right_arithmetic3A_852, %and3A_854 : vector<16xi32>
      %add3A_856 = arith.addi %add3A_849, %and3A_855 : vector<16xi32>
      %and3A_857 = arith.constant -65536 : i32
      %and3A_858 = vector.broadcast %and3A_857 : i32 to vector<16xi32>
      %and3A_859 = arith.andi %add3A_856, %and3A_858 : vector<16xi32>
      %bitcast3A_860 = vector.bitcast %and3A_859 : vector<16xi32> to vector<16xf32>
      %mul3A_861 = arith.mulf %bitcast3A_860, %get3A_325 : vector<16xf32>
      %add3A_862 = arith.addf %add3A_838, %mul3A_861 : vector<16xf32>
      %reduce_sum3A_863 = arith.constant true
      %reduce_sum3A_864 = vector.broadcast %reduce_sum3A_863 : i1 to vector<16xi1>
      %reduce_sum3A_865 = tpu.scan <sum>, %add3A_862 masked %reduce_sum3A_864 : vector<16xf32>, vector<16xi1> -> vector<16xf32>
      %reduce_sum3A_866 = vector.extract %reduce_sum3A_865[15] : f32 from vector<16xf32>
      %broadcast_in_dim3A_867 = vector.broadcast %reduce_sum3A_866 : f32 to vector<16xf32>
      %mul3A_868 = arith.mulf %broadcast_in_dim3A_867, %convert_element_type3A_349 : vector<16xf32>
      %add3A_869 = arith.addf %add3A_758, %mul3A_868 : vector<16xf32>
      %mul3A_870 = arith.constant 16 : i32
      %mul3A_871 = arith.muli %scan3A_429, %mul3A_870 : i32
      %add3A_872 = arith.constant 4 : i32
      %add3A_873 = arith.addi %mul3A_871, %add3A_872 : i32
      %get3A_874 = arith.index_cast %add3A_873 : i32 to index
      %get3A_875 = arith.constant 0 : index
      %get3A_876 = tpu.vector_load %arg13[%get3A_874, %get3A_875] {strides = array<i32>} : memref<512x32xf32, #tpu.memory_space<vmem>>, vector<16xf32>,
      %get3A_877 = arith.index_cast %add3A_873 : i32 to index
      %get3A_878 = arith.constant 0 : index
      %get3A_879 = tpu.vector_load %arg15[%get3A_877, %get3A_878] {strides = array<i32>} : memref<512x32xf32, #tpu.memory_space<vmem>>, vector<16xf32>,
      %mul3A_880 = arith.mulf %get3A_876, %get3A_879 : vector<16xf32>
      %bitcast3A_881 = vector.bitcast %mul3A_880 : vector<16xf32> to vector<16xi32>
      %add3A_882 = arith.constant 32767 : i32
      %add3A_883 = vector.broadcast %add3A_882 : i32 to vector<16xi32>
      %add3A_884 = arith.addi %bitcast3A_881, %add3A_883 : vector<16xi32>
      %shift_right_arithmetic3A_885 = arith.constant 16 : i32
      %shift_right_arithmetic3A_886 = vector.broadcast %shift_right_arithmetic3A_885 : i32 to vector<16xi32>
      %shift_right_arithmetic3A_887 = arith.shrsi %bitcast3A_881, %shift_right_arithmetic3A_886 : vector<16xi32>
      %and3A_888 = arith.constant 1 : i32
      %and3A_889 = vector.broadcast %and3A_888 : i32 to vector<16xi32>
      %and3A_890 = arith.andi %shift_right_arithmetic3A_887, %and3A_889 : vector<16xi32>
      %add3A_891 = arith.addi %add3A_884, %and3A_890 : vector<16xi32>
      %and3A_892 = arith.constant -65536 : i32
      %and3A_893 = vector.broadcast %and3A_892 : i32 to vector<16xi32>
      %and3A_894 = arith.andi %add3A_891, %and3A_893 : vector<16xi32>
      %bitcast3A_895 = vector.bitcast %and3A_894 : vector<16xi32> to vector<16xf32>
      %mul3A_896 = arith.mulf %bitcast3A_895, %get3A_319 : vector<16xf32>
      %add3A_897 = arith.addf %get3A_327, %mul3A_896 : vector<16xf32>
      %get3A_898 = arith.index_cast %add3A_873 : i32 to index
      %get3A_899 = arith.constant 16 : index
      %get3A_900 = tpu.vector_load %arg13[%get3A_898, %get3A_899] {strides = array<i32>} : memref<512x32xf32, #tpu.memory_space<vmem>>, vector<16xf32>,
      %get3A_901 = arith.index_cast %add3A_873 : i32 to index
      %get3A_902 = arith.constant 16 : index
      %get3A_903 = tpu.vector_load %arg15[%get3A_901, %get3A_902] {strides = array<i32>} : memref<512x32xf32, #tpu.memory_space<vmem>>, vector<16xf32>,
      %mul3A_904 = arith.mulf %get3A_900, %get3A_903 : vector<16xf32>
      %bitcast3A_905 = vector.bitcast %mul3A_904 : vector<16xf32> to vector<16xi32>
      %add3A_906 = arith.constant 32767 : i32
      %add3A_907 = vector.broadcast %add3A_906 : i32 to vector<16xi32>
      %add3A_908 = arith.addi %bitcast3A_905, %add3A_907 : vector<16xi32>
      %shift_right_arithmetic3A_909 = arith.constant 16 : i32
      %shift_right_arithmetic3A_910 = vector.broadcast %shift_right_arithmetic3A_909 : i32 to vector<16xi32>
      %shift_right_arithmetic3A_911 = arith.shrsi %bitcast3A_905, %shift_right_arithmetic3A_910 : vector<16xi32>
      %and3A_912 = arith.constant 1 : i32
      %and3A_913 = vector.broadcast %and3A_912 : i32 to vector<16xi32>
      %and3A_914 = arith.andi %shift_right_arithmetic3A_911, %and3A_913 : vector<16xi32>
      %add3A_915 = arith.addi %add3A_908, %and3A_914 : vector<16xi32>
      %and3A_916 = arith.constant -65536 : i32
      %and3A_917 = vector.broadcast %and3A_916 : i32 to vector<16xi32>
      %and3A_918 = arith.andi %add3A_915, %and3A_917 : vector<16xi32>
      %bitcast3A_919 = vector.bitcast %and3A_918 : vector<16xi32> to vector<16xf32>
      %mul3A_920 = arith.mulf %bitcast3A_919, %get3A_321 : vector<16xf32>
      %add3A_921 = arith.addf %add3A_897, %mul3A_920 : vector<16xf32>
      %mul3A_922 = arith.constant 16 : i32
      %mul3A_923 = arith.muli %scan3A_429, %mul3A_922 : i32
      %add3A_924 = arith.constant 4 : i32
      %add3A_925 = arith.addi %mul3A_923, %add3A_924 : i32
      %get3A_926 = arith.index_cast %add3A_925 : i32 to index
      %get3A_927 = arith.constant 0 : index
      %get3A_928 = tpu.vector_load %arg14[%get3A_926, %get3A_927] {strides = array<i32>} : memref<512x32xf32, #tpu.memory_space<vmem>>, vector<16xf32>,
      %get3A_929 = arith.index_cast %add3A_925 : i32 to index
      %get3A_930 = arith.constant 0 : index
      %get3A_931 = tpu.vector_load %arg16[%get3A_929, %get3A_930] {strides = array<i32>} : memref<512x32xf32, #tpu.memory_space<vmem>>, vector<16xf32>,
      %mul3A_932 = arith.mulf %get3A_928, %get3A_931 : vector<16xf32>
      %bitcast3A_933 = vector.bitcast %mul3A_932 : vector<16xf32> to vector<16xi32>
      %add3A_934 = arith.constant 32767 : i32
      %add3A_935 = vector.broadcast %add3A_934 : i32 to vector<16xi32>
      %add3A_936 = arith.addi %bitcast3A_933, %add3A_935 : vector<16xi32>
      %shift_right_arithmetic3A_937 = arith.constant 16 : i32
      %shift_right_arithmetic3A_938 = vector.broadcast %shift_right_arithmetic3A_937 : i32 to vector<16xi32>
      %shift_right_arithmetic3A_939 = arith.shrsi %bitcast3A_933, %shift_right_arithmetic3A_938 : vector<16xi32>
      %and3A_940 = arith.constant 1 : i32
      %and3A_941 = vector.broadcast %and3A_940 : i32 to vector<16xi32>
      %and3A_942 = arith.andi %shift_right_arithmetic3A_939, %and3A_941 : vector<16xi32>
      %add3A_943 = arith.addi %add3A_936, %and3A_942 : vector<16xi32>
      %and3A_944 = arith.constant -65536 : i32
      %and3A_945 = vector.broadcast %and3A_944 : i32 to vector<16xi32>
      %and3A_946 = arith.andi %add3A_943, %and3A_945 : vector<16xi32>
      %bitcast3A_947 = vector.bitcast %and3A_946 : vector<16xi32> to vector<16xf32>
      %mul3A_948 = arith.mulf %bitcast3A_947, %get3A_323 : vector<16xf32>
      %add3A_949 = arith.addf %add3A_921, %mul3A_948 : vector<16xf32>
      %get3A_950 = arith.index_cast %add3A_925 : i32 to index
      %get3A_951 = arith.constant 16 : index
      %get3A_952 = tpu.vector_load %arg14[%get3A_950, %get3A_951] {strides = array<i32>} : memref<512x32xf32, #tpu.memory_space<vmem>>, vector<16xf32>,
      %get3A_953 = arith.index_cast %add3A_925 : i32 to index
      %get3A_954 = arith.constant 16 : index
      %get3A_955 = tpu.vector_load %arg16[%get3A_953, %get3A_954] {strides = array<i32>} : memref<512x32xf32, #tpu.memory_space<vmem>>, vector<16xf32>,
      %mul3A_956 = arith.mulf %get3A_952, %get3A_955 : vector<16xf32>
      %bitcast3A_957 = vector.bitcast %mul3A_956 : vector<16xf32> to vector<16xi32>
      %add3A_958 = arith.constant 32767 : i32
      %add3A_959 = vector.broadcast %add3A_958 : i32 to vector<16xi32>
      %add3A_960 = arith.addi %bitcast3A_957, %add3A_959 : vector<16xi32>
      %shift_right_arithmetic3A_961 = arith.constant 16 : i32
      %shift_right_arithmetic3A_962 = vector.broadcast %shift_right_arithmetic3A_961 : i32 to vector<16xi32>
      %shift_right_arithmetic3A_963 = arith.shrsi %bitcast3A_957, %shift_right_arithmetic3A_962 : vector<16xi32>
      %and3A_964 = arith.constant 1 : i32
      %and3A_965 = vector.broadcast %and3A_964 : i32 to vector<16xi32>
      %and3A_966 = arith.andi %shift_right_arithmetic3A_963, %and3A_965 : vector<16xi32>
      %add3A_967 = arith.addi %add3A_960, %and3A_966 : vector<16xi32>
      %and3A_968 = arith.constant -65536 : i32
      %and3A_969 = vector.broadcast %and3A_968 : i32 to vector<16xi32>
      %and3A_970 = arith.andi %add3A_967, %and3A_969 : vector<16xi32>
      %bitcast3A_971 = vector.bitcast %and3A_970 : vector<16xi32> to vector<16xf32>
      %mul3A_972 = arith.mulf %bitcast3A_971, %get3A_325 : vector<16xf32>
      %add3A_973 = arith.addf %add3A_949, %mul3A_972 : vector<16xf32>
      %reduce_sum3A_974 = arith.constant true
      %reduce_sum3A_975 = vector.broadcast %reduce_sum3A_974 : i1 to vector<16xi1>
      %reduce_sum3A_976 = tpu.scan <sum>, %add3A_973 masked %reduce_sum3A_975 : vector<16xf32>, vector<16xi1> -> vector<16xf32>
      %reduce_sum3A_977 = vector.extract %reduce_sum3A_976[15] : f32 from vector<16xf32>
      %broadcast_in_dim3A_978 = vector.broadcast %reduce_sum3A_977 : f32 to vector<16xf32>
      %mul3A_979 = arith.mulf %broadcast_in_dim3A_978, %convert_element_type3A_355 : vector<16xf32>
      %add3A_980 = arith.addf %add3A_869, %mul3A_979 : vector<16xf32>
      %mul3A_981 = arith.constant 16 : i32
      %mul3A_982 = arith.muli %scan3A_429, %mul3A_981 : i32
      %add3A_983 = arith.constant 5 : i32
      %add3A_984 = arith.addi %mul3A_982, %add3A_983 : i32
      %get3A_985 = arith.index_cast %add3A_984 : i32 to index
      %get3A_986 = arith.constant 0 : index
      %get3A_987 = tpu.vector_load %arg13[%get3A_985, %get3A_986] {strides = array<i32>} : memref<512x32xf32, #tpu.memory_space<vmem>>, vector<16xf32>,
      %get3A_988 = arith.index_cast %add3A_984 : i32 to index
      %get3A_989 = arith.constant 0 : index
      %get3A_990 = tpu.vector_load %arg15[%get3A_988, %get3A_989] {strides = array<i32>} : memref<512x32xf32, #tpu.memory_space<vmem>>, vector<16xf32>,
      %mul3A_991 = arith.mulf %get3A_987, %get3A_990 : vector<16xf32>
      %bitcast3A_992 = vector.bitcast %mul3A_991 : vector<16xf32> to vector<16xi32>
      %add3A_993 = arith.constant 32767 : i32
      %add3A_994 = vector.broadcast %add3A_993 : i32 to vector<16xi32>
      %add3A_995 = arith.addi %bitcast3A_992, %add3A_994 : vector<16xi32>
      %shift_right_arithmetic3A_996 = arith.constant 16 : i32
      %shift_right_arithmetic3A_997 = vector.broadcast %shift_right_arithmetic3A_996 : i32 to vector<16xi32>
      %shift_right_arithmetic3A_998 = arith.shrsi %bitcast3A_992, %shift_right_arithmetic3A_997 : vector<16xi32>
      %and3A_999 = arith.constant 1 : i32
      %and3A_1000 = vector.broadcast %and3A_999 : i32 to vector<16xi32>
      %and3A_1001 = arith.andi %shift_right_arithmetic3A_998, %and3A_1000 : vector<16xi32>
      %add3A_1002 = arith.addi %add3A_995, %and3A_1001 : vector<16xi32>
      %and3A_1003 = arith.constant -65536 : i32
      %and3A_1004 = vector.broadcast %and3A_1003 : i32 to vector<16xi32>
      %and3A_1005 = arith.andi %add3A_1002, %and3A_1004 : vector<16xi32>
      %bitcast3A_1006 = vector.bitcast %and3A_1005 : vector<16xi32> to vector<16xf32>
      %mul3A_1007 = arith.mulf %bitcast3A_1006, %get3A_319 : vector<16xf32>
      %add3A_1008 = arith.addf %get3A_327, %mul3A_1007 : vector<16xf32>
      %get3A_1009 = arith.index_cast %add3A_984 : i32 to index
      %get3A_1010 = arith.constant 16 : index
      %get3A_1011 = tpu.vector_load %arg13[%get3A_1009, %get3A_1010] {strides = array<i32>} : memref<512x32xf32, #tpu.memory_space<vmem>>, vector<16xf32>,
      %get3A_1012 = arith.index_cast %add3A_984 : i32 to index
      %get3A_1013 = arith.constant 16 : index
      %get3A_1014 = tpu.vector_load %arg15[%get3A_1012, %get3A_1013] {strides = array<i32>} : memref<512x32xf32, #tpu.memory_space<vmem>>, vector<16xf32>,
      %mul3A_1015 = arith.mulf %get3A_1011, %get3A_1014 : vector<16xf32>
      %bitcast3A_1016 = vector.bitcast %mul3A_1015 : vector<16xf32> to vector<16xi32>
      %add3A_1017 = arith.constant 32767 : i32
      %add3A_1018 = vector.broadcast %add3A_1017 : i32 to vector<16xi32>
      %add3A_1019 = arith.addi %bitcast3A_1016, %add3A_1018 : vector<16xi32>
      %shift_right_arithmetic3A_1020 = arith.constant 16 : i32
      %shift_right_arithmetic3A_1021 = vector.broadcast %shift_right_arithmetic3A_1020 : i32 to vector<16xi32>
      %shift_right_arithmetic3A_1022 = arith.shrsi %bitcast3A_1016, %shift_right_arithmetic3A_1021 : vector<16xi32>
      %and3A_1023 = arith.constant 1 : i32
      %and3A_1024 = vector.broadcast %and3A_1023 : i32 to vector<16xi32>
      %and3A_1025 = arith.andi %shift_right_arithmetic3A_1022, %and3A_1024 : vector<16xi32>
      %add3A_1026 = arith.addi %add3A_1019, %and3A_1025 : vector<16xi32>
      %and3A_1027 = arith.constant -65536 : i32
      %and3A_1028 = vector.broadcast %and3A_1027 : i32 to vector<16xi32>
      %and3A_1029 = arith.andi %add3A_1026, %and3A_1028 : vector<16xi32>
      %bitcast3A_1030 = vector.bitcast %and3A_1029 : vector<16xi32> to vector<16xf32>
      %mul3A_1031 = arith.mulf %bitcast3A_1030, %get3A_321 : vector<16xf32>
      %add3A_1032 = arith.addf %add3A_1008, %mul3A_1031 : vector<16xf32>
      %mul3A_1033 = arith.constant 16 : i32
      %mul3A_1034 = arith.muli %scan3A_429, %mul3A_1033 : i32
      %add3A_1035 = arith.constant 5 : i32
      %add3A_1036 = arith.addi %mul3A_1034, %add3A_1035 : i32
      %get3A_1037 = arith.index_cast %add3A_1036 : i32 to index
      %get3A_1038 = arith.constant 0 : index
      %get3A_1039 = tpu.vector_load %arg14[%get3A_1037, %get3A_1038] {strides = array<i32>} : memref<512x32xf32, #tpu.memory_space<vmem>>, vector<16xf32>,
      %get3A_1040 = arith.index_cast %add3A_1036 : i32 to index
      %get3A_1041 = arith.constant 0 : index
      %get3A_1042 = tpu.vector_load %arg16[%get3A_1040, %get3A_1041] {strides = array<i32>} : memref<512x32xf32, #tpu.memory_space<vmem>>, vector<16xf32>,
      %mul3A_1043 = arith.mulf %get3A_1039, %get3A_1042 : vector<16xf32>
      %bitcast3A_1044 = vector.bitcast %mul3A_1043 : vector<16xf32> to vector<16xi32>
      %add3A_1045 = arith.constant 32767 : i32
      %add3A_1046 = vector.broadcast %add3A_1045 : i32 to vector<16xi32>
      %add3A_1047 = arith.addi %bitcast3A_1044, %add3A_1046 : vector<16xi32>
      %shift_right_arithmetic3A_1048 = arith.constant 16 : i32
      %shift_right_arithmetic3A_1049 = vector.broadcast %shift_right_arithmetic3A_1048 : i32 to vector<16xi32>
      %shift_right_arithmetic3A_1050 = arith.shrsi %bitcast3A_1044, %shift_right_arithmetic3A_1049 : vector<16xi32>
      %and3A_1051 = arith.constant 1 : i32
      %and3A_1052 = vector.broadcast %and3A_1051 : i32 to vector<16xi32>
      %and3A_1053 = arith.andi %shift_right_arithmetic3A_1050, %and3A_1052 : vector<16xi32>
      %add3A_1054 = arith.addi %add3A_1047, %and3A_1053 : vector<16xi32>
      %and3A_1055 = arith.constant -65536 : i32
      %and3A_1056 = vector.broadcast %and3A_1055 : i32 to vector<16xi32>
      %and3A_1057 = arith.andi %add3A_1054, %and3A_1056 : vector<16xi32>
      %bitcast3A_1058 = vector.bitcast %and3A_1057 : vector<16xi32> to vector<16xf32>
      %mul3A_1059 = arith.mulf %bitcast3A_1058, %get3A_323 : vector<16xf32>
      %add3A_1060 = arith.addf %add3A_1032, %mul3A_1059 : vector<16xf32>
      %get3A_1061 = arith.index_cast %add3A_1036 : i32 to index
      %get3A_1062 = arith.constant 16 : index
      %get3A_1063 = tpu.vector_load %arg14[%get3A_1061, %get3A_1062] {strides = array<i32>} : memref<512x32xf32, #tpu.memory_space<vmem>>, vector<16xf32>,
      %get3A_1064 = arith.index_cast %add3A_1036 : i32 to index
      %get3A_1065 = arith.constant 16 : index
      %get3A_1066 = tpu.vector_load %arg16[%get3A_1064, %get3A_1065] {strides = array<i32>} : memref<512x32xf32, #tpu.memory_space<vmem>>, vector<16xf32>,
      %mul3A_1067 = arith.mulf %get3A_1063, %get3A_1066 : vector<16xf32>
      %bitcast3A_1068 = vector.bitcast %mul3A_1067 : vector<16xf32> to vector<16xi32>
      %add3A_1069 = arith.constant 32767 : i32
      %add3A_1070 = vector.broadcast %add3A_1069 : i32 to vector<16xi32>
      %add3A_1071 = arith.addi %bitcast3A_1068, %add3A_1070 : vector<16xi32>
      %shift_right_arithmetic3A_1072 = arith.constant 16 : i32
      %shift_right_arithmetic3A_1073 = vector.broadcast %shift_right_arithmetic3A_1072 : i32 to vector<16xi32>
      %shift_right_arithmetic3A_1074 = arith.shrsi %bitcast3A_1068, %shift_right_arithmetic3A_1073 : vector<16xi32>
      %and3A_1075 = arith.constant 1 : i32
      %and3A_1076 = vector.broadcast %and3A_1075 : i32 to vector<16xi32>
      %and3A_1077 = arith.andi %shift_right_arithmetic3A_1074, %and3A_1076 : vector<16xi32>
      %add3A_1078 = arith.addi %add3A_1071, %and3A_1077 : vector<16xi32>
      %and3A_1079 = arith.constant -65536 : i32
      %and3A_1080 = vector.broadcast %and3A_1079 : i32 to vector<16xi32>
      %and3A_1081 = arith.andi %add3A_1078, %and3A_1080 : vector<16xi32>
      %bitcast3A_1082 = vector.bitcast %and3A_1081 : vector<16xi32> to vector<16xf32>
      %mul3A_1083 = arith.mulf %bitcast3A_1082, %get3A_325 : vector<16xf32>
      %add3A_1084 = arith.addf %add3A_1060, %mul3A_1083 : vector<16xf32>
      %reduce_sum3A_1085 = arith.constant true
      %reduce_sum3A_1086 = vector.broadcast %reduce_sum3A_1085 : i1 to vector<16xi1>
      %reduce_sum3A_1087 = tpu.scan <sum>, %add3A_1084 masked %reduce_sum3A_1086 : vector<16xf32>, vector<16xi1> -> vector<16xf32>
      %reduce_sum3A_1088 = vector.extract %reduce_sum3A_1087[15] : f32 from vector<16xf32>
      %broadcast_in_dim3A_1089 = vector.broadcast %reduce_sum3A_1088 : f32 to vector<16xf32>
      %mul3A_1090 = arith.mulf %broadcast_in_dim3A_1089, %convert_element_type3A_361 : vector<16xf32>
      %add3A_1091 = arith.addf %add3A_980, %mul3A_1090 : vector<16xf32>
      %mul3A_1092 = arith.constant 16 : i32
      %mul3A_1093 = arith.muli %scan3A_429, %mul3A_1092 : i32
      %add3A_1094 = arith.constant 6 : i32
      %add3A_1095 = arith.addi %mul3A_1093, %add3A_1094 : i32
      %get3A_1096 = arith.index_cast %add3A_1095 : i32 to index
      %get3A_1097 = arith.constant 0 : index
      %get3A_1098 = tpu.vector_load %arg13[%get3A_1096, %get3A_1097] {strides = array<i32>} : memref<512x32xf32, #tpu.memory_space<vmem>>, vector<16xf32>,
      %get3A_1099 = arith.index_cast %add3A_1095 : i32 to index
      %get3A_1100 = arith.constant 0 : index
      %get3A_1101 = tpu.vector_load %arg15[%get3A_1099, %get3A_1100] {strides = array<i32>} : memref<512x32xf32, #tpu.memory_space<vmem>>, vector<16xf32>,
      %mul3A_1102 = arith.mulf %get3A_1098, %get3A_1101 : vector<16xf32>
      %bitcast3A_1103 = vector.bitcast %mul3A_1102 : vector<16xf32> to vector<16xi32>
      %add3A_1104 = arith.constant 32767 : i32
      %add3A_1105 = vector.broadcast %add3A_1104 : i32 to vector<16xi32>
      %add3A_1106 = arith.addi %bitcast3A_1103, %add3A_1105 : vector<16xi32>
      %shift_right_arithmetic3A_1107 = arith.constant 16 : i32
      %shift_right_arithmetic3A_1108 = vector.broadcast %shift_right_arithmetic3A_1107 : i32 to vector<16xi32>
      %shift_right_arithmetic3A_1109 = arith.shrsi %bitcast3A_1103, %shift_right_arithmetic3A_1108 : vector<16xi32>
      %and3A_1110 = arith.constant 1 : i32
      %and3A_1111 = vector.broadcast %and3A_1110 : i32 to vector<16xi32>
      %and3A_1112 = arith.andi %shift_right_arithmetic3A_1109, %and3A_1111 : vector<16xi32>
      %add3A_1113 = arith.addi %add3A_1106, %and3A_1112 : vector<16xi32>
      %and3A_1114 = arith.constant -65536 : i32
      %and3A_1115 = vector.broadcast %and3A_1114 : i32 to vector<16xi32>
      %and3A_1116 = arith.andi %add3A_1113, %and3A_1115 : vector<16xi32>
      %bitcast3A_1117 = vector.bitcast %and3A_1116 : vector<16xi32> to vector<16xf32>
      %mul3A_1118 = arith.mulf %bitcast3A_1117, %get3A_319 : vector<16xf32>
      %add3A_1119 = arith.addf %get3A_327, %mul3A_1118 : vector<16xf32>
      %get3A_1120 = arith.index_cast %add3A_1095 : i32 to index
      %get3A_1121 = arith.constant 16 : index
      %get3A_1122 = tpu.vector_load %arg13[%get3A_1120, %get3A_1121] {strides = array<i32>} : memref<512x32xf32, #tpu.memory_space<vmem>>, vector<16xf32>,
      %get3A_1123 = arith.index_cast %add3A_1095 : i32 to index
      %get3A_1124 = arith.constant 16 : index
      %get3A_1125 = tpu.vector_load %arg15[%get3A_1123, %get3A_1124] {strides = array<i32>} : memref<512x32xf32, #tpu.memory_space<vmem>>, vector<16xf32>,
      %mul3A_1126 = arith.mulf %get3A_1122, %get3A_1125 : vector<16xf32>
      %bitcast3A_1127 = vector.bitcast %mul3A_1126 : vector<16xf32> to vector<16xi32>
      %add3A_1128 = arith.constant 32767 : i32
      %add3A_1129 = vector.broadcast %add3A_1128 : i32 to vector<16xi32>
      %add3A_1130 = arith.addi %bitcast3A_1127, %add3A_1129 : vector<16xi32>
      %shift_right_arithmetic3A_1131 = arith.constant 16 : i32
      %shift_right_arithmetic3A_1132 = vector.broadcast %shift_right_arithmetic3A_1131 : i32 to vector<16xi32>
      %shift_right_arithmetic3A_1133 = arith.shrsi %bitcast3A_1127, %shift_right_arithmetic3A_1132 : vector<16xi32>
      %and3A_1134 = arith.constant 1 : i32
      %and3A_1135 = vector.broadcast %and3A_1134 : i32 to vector<16xi32>
      %and3A_1136 = arith.andi %shift_right_arithmetic3A_1133, %and3A_1135 : vector<16xi32>
      %add3A_1137 = arith.addi %add3A_1130, %and3A_1136 : vector<16xi32>
      %and3A_1138 = arith.constant -65536 : i32
      %and3A_1139 = vector.broadcast %and3A_1138 : i32 to vector<16xi32>
      %and3A_1140 = arith.andi %add3A_1137, %and3A_1139 : vector<16xi32>
      %bitcast3A_1141 = vector.bitcast %and3A_1140 : vector<16xi32> to vector<16xf32>
      %mul3A_1142 = arith.mulf %bitcast3A_1141, %get3A_321 : vector<16xf32>
      %add3A_1143 = arith.addf %add3A_1119, %mul3A_1142 : vector<16xf32>
      %mul3A_1144 = arith.constant 16 : i32
      %mul3A_1145 = arith.muli %scan3A_429, %mul3A_1144 : i32
      %add3A_1146 = arith.constant 6 : i32
      %add3A_1147 = arith.addi %mul3A_1145, %add3A_1146 : i32
      %get3A_1148 = arith.index_cast %add3A_1147 : i32 to index
      %get3A_1149 = arith.constant 0 : index
      %get3A_1150 = tpu.vector_load %arg14[%get3A_1148, %get3A_1149] {strides = array<i32>} : memref<512x32xf32, #tpu.memory_space<vmem>>, vector<16xf32>,
      %get3A_1151 = arith.index_cast %add3A_1147 : i32 to index
      %get3A_1152 = arith.constant 0 : index
      %get3A_1153 = tpu.vector_load %arg16[%get3A_1151, %get3A_1152] {strides = array<i32>} : memref<512x32xf32, #tpu.memory_space<vmem>>, vector<16xf32>,
      %mul3A_1154 = arith.mulf %get3A_1150, %get3A_1153 : vector<16xf32>
      %bitcast3A_1155 = vector.bitcast %mul3A_1154 : vector<16xf32> to vector<16xi32>
      %add3A_1156 = arith.constant 32767 : i32
      %add3A_1157 = vector.broadcast %add3A_1156 : i32 to vector<16xi32>
      %add3A_1158 = arith.addi %bitcast3A_1155, %add3A_1157 : vector<16xi32>
      %shift_right_arithmetic3A_1159 = arith.constant 16 : i32
      %shift_right_arithmetic3A_1160 = vector.broadcast %shift_right_arithmetic3A_1159 : i32 to vector<16xi32>
      %shift_right_arithmetic3A_1161 = arith.shrsi %bitcast3A_1155, %shift_right_arithmetic3A_1160 : vector<16xi32>
      %and3A_1162 = arith.constant 1 : i32
      %and3A_1163 = vector.broadcast %and3A_1162 : i32 to vector<16xi32>
      %and3A_1164 = arith.andi %shift_right_arithmetic3A_1161, %and3A_1163 : vector<16xi32>
      %add3A_1165 = arith.addi %add3A_1158, %and3A_1164 : vector<16xi32>
      %and3A_1166 = arith.constant -65536 : i32
      %and3A_1167 = vector.broadcast %and3A_1166 : i32 to vector<16xi32>
      %and3A_1168 = arith.andi %add3A_1165, %and3A_1167 : vector<16xi32>
      %bitcast3A_1169 = vector.bitcast %and3A_1168 : vector<16xi32> to vector<16xf32>
      %mul3A_1170 = arith.mulf %bitcast3A_1169, %get3A_323 : vector<16xf32>
      %add3A_1171 = arith.addf %add3A_1143, %mul3A_1170 : vector<16xf32>
      %get3A_1172 = arith.index_cast %add3A_1147 : i32 to index
      %get3A_1173 = arith.constant 16 : index
      %get3A_1174 = tpu.vector_load %arg14[%get3A_1172, %get3A_1173] {strides = array<i32>} : memref<512x32xf32, #tpu.memory_space<vmem>>, vector<16xf32>,
      %get3A_1175 = arith.index_cast %add3A_1147 : i32 to index
      %get3A_1176 = arith.constant 16 : index
      %get3A_1177 = tpu.vector_load %arg16[%get3A_1175, %get3A_1176] {strides = array<i32>} : memref<512x32xf32, #tpu.memory_space<vmem>>, vector<16xf32>,
      %mul3A_1178 = arith.mulf %get3A_1174, %get3A_1177 : vector<16xf32>
      %bitcast3A_1179 = vector.bitcast %mul3A_1178 : vector<16xf32> to vector<16xi32>
      %add3A_1180 = arith.constant 32767 : i32
      %add3A_1181 = vector.broadcast %add3A_1180 : i32 to vector<16xi32>
      %add3A_1182 = arith.addi %bitcast3A_1179, %add3A_1181 : vector<16xi32>
      %shift_right_arithmetic3A_1183 = arith.constant 16 : i32
      %shift_right_arithmetic3A_1184 = vector.broadcast %shift_right_arithmetic3A_1183 : i32 to vector<16xi32>
      %shift_right_arithmetic3A_1185 = arith.shrsi %bitcast3A_1179, %shift_right_arithmetic3A_1184 : vector<16xi32>
      %and3A_1186 = arith.constant 1 : i32
      %and3A_1187 = vector.broadcast %and3A_1186 : i32 to vector<16xi32>
      %and3A_1188 = arith.andi %shift_right_arithmetic3A_1185, %and3A_1187 : vector<16xi32>
      %add3A_1189 = arith.addi %add3A_1182, %and3A_1188 : vector<16xi32>
      %and3A_1190 = arith.constant -65536 : i32
      %and3A_1191 = vector.broadcast %and3A_1190 : i32 to vector<16xi32>
      %and3A_1192 = arith.andi %add3A_1189, %and3A_1191 : vector<16xi32>
      %bitcast3A_1193 = vector.bitcast %and3A_1192 : vector<16xi32> to vector<16xf32>
      %mul3A_1194 = arith.mulf %bitcast3A_1193, %get3A_325 : vector<16xf32>
      %add3A_1195 = arith.addf %add3A_1171, %mul3A_1194 : vector<16xf32>
      %reduce_sum3A_1196 = arith.constant true
      %reduce_sum3A_1197 = vector.broadcast %reduce_sum3A_1196 : i1 to vector<16xi1>
      %reduce_sum3A_1198 = tpu.scan <sum>, %add3A_1195 masked %reduce_sum3A_1197 : vector<16xf32>, vector<16xi1> -> vector<16xf32>
      %reduce_sum3A_1199 = vector.extract %reduce_sum3A_1198[15] : f32 from vector<16xf32>
      %broadcast_in_dim3A_1200 = vector.broadcast %reduce_sum3A_1199 : f32 to vector<16xf32>
      %mul3A_1201 = arith.mulf %broadcast_in_dim3A_1200, %convert_element_type3A_367 : vector<16xf32>
      %add3A_1202 = arith.addf %add3A_1091, %mul3A_1201 : vector<16xf32>
      %mul3A_1203 = arith.constant 16 : i32
      %mul3A_1204 = arith.muli %scan3A_429, %mul3A_1203 : i32
      %add3A_1205 = arith.constant 7 : i32
      %add3A_1206 = arith.addi %mul3A_1204, %add3A_1205 : i32
      %get3A_1207 = arith.index_cast %add3A_1206 : i32 to index
      %get3A_1208 = arith.constant 0 : index
      %get3A_1209 = tpu.vector_load %arg13[%get3A_1207, %get3A_1208] {strides = array<i32>} : memref<512x32xf32, #tpu.memory_space<vmem>>, vector<16xf32>,
      %get3A_1210 = arith.index_cast %add3A_1206 : i32 to index
      %get3A_1211 = arith.constant 0 : index
      %get3A_1212 = tpu.vector_load %arg15[%get3A_1210, %get3A_1211] {strides = array<i32>} : memref<512x32xf32, #tpu.memory_space<vmem>>, vector<16xf32>,
      %mul3A_1213 = arith.mulf %get3A_1209, %get3A_1212 : vector<16xf32>
      %bitcast3A_1214 = vector.bitcast %mul3A_1213 : vector<16xf32> to vector<16xi32>
      %add3A_1215 = arith.constant 32767 : i32
      %add3A_1216 = vector.broadcast %add3A_1215 : i32 to vector<16xi32>
      %add3A_1217 = arith.addi %bitcast3A_1214, %add3A_1216 : vector<16xi32>
      %shift_right_arithmetic3A_1218 = arith.constant 16 : i32
      %shift_right_arithmetic3A_1219 = vector.broadcast %shift_right_arithmetic3A_1218 : i32 to vector<16xi32>
      %shift_right_arithmetic3A_1220 = arith.shrsi %bitcast3A_1214, %shift_right_arithmetic3A_1219 : vector<16xi32>
      %and3A_1221 = arith.constant 1 : i32
      %and3A_1222 = vector.broadcast %and3A_1221 : i32 to vector<16xi32>
      %and3A_1223 = arith.andi %shift_right_arithmetic3A_1220, %and3A_1222 : vector<16xi32>
      %add3A_1224 = arith.addi %add3A_1217, %and3A_1223 : vector<16xi32>
      %and3A_1225 = arith.constant -65536 : i32
      %and3A_1226 = vector.broadcast %and3A_1225 : i32 to vector<16xi32>
      %and3A_1227 = arith.andi %add3A_1224, %and3A_1226 : vector<16xi32>
      %bitcast3A_1228 = vector.bitcast %and3A_1227 : vector<16xi32> to vector<16xf32>
      %mul3A_1229 = arith.mulf %bitcast3A_1228, %get3A_319 : vector<16xf32>
      %add3A_1230 = arith.addf %get3A_327, %mul3A_1229 : vector<16xf32>
      %get3A_1231 = arith.index_cast %add3A_1206 : i32 to index
      %get3A_1232 = arith.constant 16 : index
      %get3A_1233 = tpu.vector_load %arg13[%get3A_1231, %get3A_1232] {strides = array<i32>} : memref<512x32xf32, #tpu.memory_space<vmem>>, vector<16xf32>,
      %get3A_1234 = arith.index_cast %add3A_1206 : i32 to index
      %get3A_1235 = arith.constant 16 : index
      %get3A_1236 = tpu.vector_load %arg15[%get3A_1234, %get3A_1235] {strides = array<i32>} : memref<512x32xf32, #tpu.memory_space<vmem>>, vector<16xf32>,
      %mul3A_1237 = arith.mulf %get3A_1233, %get3A_1236 : vector<16xf32>
      %bitcast3A_1238 = vector.bitcast %mul3A_1237 : vector<16xf32> to vector<16xi32>
      %add3A_1239 = arith.constant 32767 : i32
      %add3A_1240 = vector.broadcast %add3A_1239 : i32 to vector<16xi32>
      %add3A_1241 = arith.addi %bitcast3A_1238, %add3A_1240 : vector<16xi32>
      %shift_right_arithmetic3A_1242 = arith.constant 16 : i32
      %shift_right_arithmetic3A_1243 = vector.broadcast %shift_right_arithmetic3A_1242 : i32 to vector<16xi32>
      %shift_right_arithmetic3A_1244 = arith.shrsi %bitcast3A_1238, %shift_right_arithmetic3A_1243 : vector<16xi32>
      %and3A_1245 = arith.constant 1 : i32
      %and3A_1246 = vector.broadcast %and3A_1245 : i32 to vector<16xi32>
      %and3A_1247 = arith.andi %shift_right_arithmetic3A_1244, %and3A_1246 : vector<16xi32>
      %add3A_1248 = arith.addi %add3A_1241, %and3A_1247 : vector<16xi32>
      %and3A_1249 = arith.constant -65536 : i32
      %and3A_1250 = vector.broadcast %and3A_1249 : i32 to vector<16xi32>
      %and3A_1251 = arith.andi %add3A_1248, %and3A_1250 : vector<16xi32>
      %bitcast3A_1252 = vector.bitcast %and3A_1251 : vector<16xi32> to vector<16xf32>
      %mul3A_1253 = arith.mulf %bitcast3A_1252, %get3A_321 : vector<16xf32>
      %add3A_1254 = arith.addf %add3A_1230, %mul3A_1253 : vector<16xf32>
      %mul3A_1255 = arith.constant 16 : i32
      %mul3A_1256 = arith.muli %scan3A_429, %mul3A_1255 : i32
      %add3A_1257 = arith.constant 7 : i32
      %add3A_1258 = arith.addi %mul3A_1256, %add3A_1257 : i32
      %get3A_1259 = arith.index_cast %add3A_1258 : i32 to index
      %get3A_1260 = arith.constant 0 : index
      %get3A_1261 = tpu.vector_load %arg14[%get3A_1259, %get3A_1260] {strides = array<i32>} : memref<512x32xf32, #tpu.memory_space<vmem>>, vector<16xf32>,
      %get3A_1262 = arith.index_cast %add3A_1258 : i32 to index
      %get3A_1263 = arith.constant 0 : index
      %get3A_1264 = tpu.vector_load %arg16[%get3A_1262, %get3A_1263] {strides = array<i32>} : memref<512x32xf32, #tpu.memory_space<vmem>>, vector<16xf32>,
      %mul3A_1265 = arith.mulf %get3A_1261, %get3A_1264 : vector<16xf32>
      %bitcast3A_1266 = vector.bitcast %mul3A_1265 : vector<16xf32> to vector<16xi32>
      %add3A_1267 = arith.constant 32767 : i32
      %add3A_1268 = vector.broadcast %add3A_1267 : i32 to vector<16xi32>
      %add3A_1269 = arith.addi %bitcast3A_1266, %add3A_1268 : vector<16xi32>
      %shift_right_arithmetic3A_1270 = arith.constant 16 : i32
      %shift_right_arithmetic3A_1271 = vector.broadcast %shift_right_arithmetic3A_1270 : i32 to vector<16xi32>
      %shift_right_arithmetic3A_1272 = arith.shrsi %bitcast3A_1266, %shift_right_arithmetic3A_1271 : vector<16xi32>
      %and3A_1273 = arith.constant 1 : i32
      %and3A_1274 = vector.broadcast %and3A_1273 : i32 to vector<16xi32>
      %and3A_1275 = arith.andi %shift_right_arithmetic3A_1272, %and3A_1274 : vector<16xi32>
      %add3A_1276 = arith.addi %add3A_1269, %and3A_1275 : vector<16xi32>
      %and3A_1277 = arith.constant -65536 : i32
      %and3A_1278 = vector.broadcast %and3A_1277 : i32 to vector<16xi32>
      %and3A_1279 = arith.andi %add3A_1276, %and3A_1278 : vector<16xi32>
      %bitcast3A_1280 = vector.bitcast %and3A_1279 : vector<16xi32> to vector<16xf32>
      %mul3A_1281 = arith.mulf %bitcast3A_1280, %get3A_323 : vector<16xf32>
      %add3A_1282 = arith.addf %add3A_1254, %mul3A_1281 : vector<16xf32>
      %get3A_1283 = arith.index_cast %add3A_1258 : i32 to index
      %get3A_1284 = arith.constant 16 : index
      %get3A_1285 = tpu.vector_load %arg14[%get3A_1283, %get3A_1284] {strides = array<i32>} : memref<512x32xf32, #tpu.memory_space<vmem>>, vector<16xf32>,
      %get3A_1286 = arith.index_cast %add3A_1258 : i32 to index
      %get3A_1287 = arith.constant 16 : index
      %get3A_1288 = tpu.vector_load %arg16[%get3A_1286, %get3A_1287] {strides = array<i32>} : memref<512x32xf32, #tpu.memory_space<vmem>>, vector<16xf32>,
      %mul3A_1289 = arith.mulf %get3A_1285, %get3A_1288 : vector<16xf32>
      %bitcast3A_1290 = vector.bitcast %mul3A_1289 : vector<16xf32> to vector<16xi32>
      %add3A_1291 = arith.constant 32767 : i32
      %add3A_1292 = vector.broadcast %add3A_1291 : i32 to vector<16xi32>
      %add3A_1293 = arith.addi %bitcast3A_1290, %add3A_1292 : vector<16xi32>
      %shift_right_arithmetic3A_1294 = arith.constant 16 : i32
      %shift_right_arithmetic3A_1295 = vector.broadcast %shift_right_arithmetic3A_1294 : i32 to vector<16xi32>
      %shift_right_arithmetic3A_1296 = arith.shrsi %bitcast3A_1290, %shift_right_arithmetic3A_1295 : vector<16xi32>
      %and3A_1297 = arith.constant 1 : i32
      %and3A_1298 = vector.broadcast %and3A_1297 : i32 to vector<16xi32>
      %and3A_1299 = arith.andi %shift_right_arithmetic3A_1296, %and3A_1298 : vector<16xi32>
      %add3A_1300 = arith.addi %add3A_1293, %and3A_1299 : vector<16xi32>
      %and3A_1301 = arith.constant -65536 : i32
      %and3A_1302 = vector.broadcast %and3A_1301 : i32 to vector<16xi32>
      %and3A_1303 = arith.andi %add3A_1300, %and3A_1302 : vector<16xi32>
      %bitcast3A_1304 = vector.bitcast %and3A_1303 : vector<16xi32> to vector<16xf32>
      %mul3A_1305 = arith.mulf %bitcast3A_1304, %get3A_325 : vector<16xf32>
      %add3A_1306 = arith.addf %add3A_1282, %mul3A_1305 : vector<16xf32>
      %reduce_sum3A_1307 = arith.constant true
      %reduce_sum3A_1308 = vector.broadcast %reduce_sum3A_1307 : i1 to vector<16xi1>
      %reduce_sum3A_1309 = tpu.scan <sum>, %add3A_1306 masked %reduce_sum3A_1308 : vector<16xf32>, vector<16xi1> -> vector<16xf32>
      %reduce_sum3A_1310 = vector.extract %reduce_sum3A_1309[15] : f32 from vector<16xf32>
      %broadcast_in_dim3A_1311 = vector.broadcast %reduce_sum3A_1310 : f32 to vector<16xf32>
      %mul3A_1312 = arith.mulf %broadcast_in_dim3A_1311, %convert_element_type3A_373 : vector<16xf32>
      %add3A_1313 = arith.addf %add3A_1202, %mul3A_1312 : vector<16xf32>
      %mul3A_1314 = arith.constant 16 : i32
      %mul3A_1315 = arith.muli %scan3A_429, %mul3A_1314 : i32
      %add3A_1316 = arith.constant 8 : i32
      %add3A_1317 = arith.addi %mul3A_1315, %add3A_1316 : i32
      %get3A_1318 = arith.index_cast %add3A_1317 : i32 to index
      %get3A_1319 = arith.constant 0 : index
      %get3A_1320 = tpu.vector_load %arg13[%get3A_1318, %get3A_1319] {strides = array<i32>} : memref<512x32xf32, #tpu.memory_space<vmem>>, vector<16xf32>,
      %get3A_1321 = arith.index_cast %add3A_1317 : i32 to index
      %get3A_1322 = arith.constant 0 : index
      %get3A_1323 = tpu.vector_load %arg15[%get3A_1321, %get3A_1322] {strides = array<i32>} : memref<512x32xf32, #tpu.memory_space<vmem>>, vector<16xf32>,
      %mul3A_1324 = arith.mulf %get3A_1320, %get3A_1323 : vector<16xf32>
      %bitcast3A_1325 = vector.bitcast %mul3A_1324 : vector<16xf32> to vector<16xi32>
      %add3A_1326 = arith.constant 32767 : i32
      %add3A_1327 = vector.broadcast %add3A_1326 : i32 to vector<16xi32>
      %add3A_1328 = arith.addi %bitcast3A_1325, %add3A_1327 : vector<16xi32>
      %shift_right_arithmetic3A_1329 = arith.constant 16 : i32
      %shift_right_arithmetic3A_1330 = vector.broadcast %shift_right_arithmetic3A_1329 : i32 to vector<16xi32>
      %shift_right_arithmetic3A_1331 = arith.shrsi %bitcast3A_1325, %shift_right_arithmetic3A_1330 : vector<16xi32>
      %and3A_1332 = arith.constant 1 : i32
      %and3A_1333 = vector.broadcast %and3A_1332 : i32 to vector<16xi32>
      %and3A_1334 = arith.andi %shift_right_arithmetic3A_1331, %and3A_1333 : vector<16xi32>
      %add3A_1335 = arith.addi %add3A_1328, %and3A_1334 : vector<16xi32>
      %and3A_1336 = arith.constant -65536 : i32
      %and3A_1337 = vector.broadcast %and3A_1336 : i32 to vector<16xi32>
      %and3A_1338 = arith.andi %add3A_1335, %and3A_1337 : vector<16xi32>
      %bitcast3A_1339 = vector.bitcast %and3A_1338 : vector<16xi32> to vector<16xf32>
      %mul3A_1340 = arith.mulf %bitcast3A_1339, %get3A_319 : vector<16xf32>
      %add3A_1341 = arith.addf %get3A_327, %mul3A_1340 : vector<16xf32>
      %get3A_1342 = arith.index_cast %add3A_1317 : i32 to index
      %get3A_1343 = arith.constant 16 : index
      %get3A_1344 = tpu.vector_load %arg13[%get3A_1342, %get3A_1343] {strides = array<i32>} : memref<512x32xf32, #tpu.memory_space<vmem>>, vector<16xf32>,
      %get3A_1345 = arith.index_cast %add3A_1317 : i32 to index
      %get3A_1346 = arith.constant 16 : index
      %get3A_1347 = tpu.vector_load %arg15[%get3A_1345, %get3A_1346] {strides = array<i32>} : memref<512x32xf32, #tpu.memory_space<vmem>>, vector<16xf32>,
      %mul3A_1348 = arith.mulf %get3A_1344, %get3A_1347 : vector<16xf32>
      %bitcast3A_1349 = vector.bitcast %mul3A_1348 : vector<16xf32> to vector<16xi32>
      %add3A_1350 = arith.constant 32767 : i32
      %add3A_1351 = vector.broadcast %add3A_1350 : i32 to vector<16xi32>
      %add3A_1352 = arith.addi %bitcast3A_1349, %add3A_1351 : vector<16xi32>
      %shift_right_arithmetic3A_1353 = arith.constant 16 : i32
      %shift_right_arithmetic3A_1354 = vector.broadcast %shift_right_arithmetic3A_1353 : i32 to vector<16xi32>
      %shift_right_arithmetic3A_1355 = arith.shrsi %bitcast3A_1349, %shift_right_arithmetic3A_1354 : vector<16xi32>
      %and3A_1356 = arith.constant 1 : i32
      %and3A_1357 = vector.broadcast %and3A_1356 : i32 to vector<16xi32>
      %and3A_1358 = arith.andi %shift_right_arithmetic3A_1355, %and3A_1357 : vector<16xi32>
      %add3A_1359 = arith.addi %add3A_1352, %and3A_1358 : vector<16xi32>
      %and3A_1360 = arith.constant -65536 : i32
      %and3A_1361 = vector.broadcast %and3A_1360 : i32 to vector<16xi32>
      %and3A_1362 = arith.andi %add3A_1359, %and3A_1361 : vector<16xi32>
      %bitcast3A_1363 = vector.bitcast %and3A_1362 : vector<16xi32> to vector<16xf32>
      %mul3A_1364 = arith.mulf %bitcast3A_1363, %get3A_321 : vector<16xf32>
      %add3A_1365 = arith.addf %add3A_1341, %mul3A_1364 : vector<16xf32>
      %mul3A_1366 = arith.constant 16 : i32
      %mul3A_1367 = arith.muli %scan3A_429, %mul3A_1366 : i32
      %add3A_1368 = arith.constant 8 : i32
      %add3A_1369 = arith.addi %mul3A_1367, %add3A_1368 : i32
      %get3A_1370 = arith.index_cast %add3A_1369 : i32 to index
      %get3A_1371 = arith.constant 0 : index
      %get3A_1372 = tpu.vector_load %arg14[%get3A_1370, %get3A_1371] {strides = array<i32>} : memref<512x32xf32, #tpu.memory_space<vmem>>, vector<16xf32>,
      %get3A_1373 = arith.index_cast %add3A_1369 : i32 to index
      %get3A_1374 = arith.constant 0 : index
      %get3A_1375 = tpu.vector_load %arg16[%get3A_1373, %get3A_1374] {strides = array<i32>} : memref<512x32xf32, #tpu.memory_space<vmem>>, vector<16xf32>,
      %mul3A_1376 = arith.mulf %get3A_1372, %get3A_1375 : vector<16xf32>
      %bitcast3A_1377 = vector.bitcast %mul3A_1376 : vector<16xf32> to vector<16xi32>
      %add3A_1378 = arith.constant 32767 : i32
      %add3A_1379 = vector.broadcast %add3A_1378 : i32 to vector<16xi32>
      %add3A_1380 = arith.addi %bitcast3A_1377, %add3A_1379 : vector<16xi32>
      %shift_right_arithmetic3A_1381 = arith.constant 16 : i32
      %shift_right_arithmetic3A_1382 = vector.broadcast %shift_right_arithmetic3A_1381 : i32 to vector<16xi32>
      %shift_right_arithmetic3A_1383 = arith.shrsi %bitcast3A_1377, %shift_right_arithmetic3A_1382 : vector<16xi32>
      %and3A_1384 = arith.constant 1 : i32
      %and3A_1385 = vector.broadcast %and3A_1384 : i32 to vector<16xi32>
      %and3A_1386 = arith.andi %shift_right_arithmetic3A_1383, %and3A_1385 : vector<16xi32>
      %add3A_1387 = arith.addi %add3A_1380, %and3A_1386 : vector<16xi32>
      %and3A_1388 = arith.constant -65536 : i32
      %and3A_1389 = vector.broadcast %and3A_1388 : i32 to vector<16xi32>
      %and3A_1390 = arith.andi %add3A_1387, %and3A_1389 : vector<16xi32>
      %bitcast3A_1391 = vector.bitcast %and3A_1390 : vector<16xi32> to vector<16xf32>
      %mul3A_1392 = arith.mulf %bitcast3A_1391, %get3A_323 : vector<16xf32>
      %add3A_1393 = arith.addf %add3A_1365, %mul3A_1392 : vector<16xf32>
      %get3A_1394 = arith.index_cast %add3A_1369 : i32 to index
      %get3A_1395 = arith.constant 16 : index
      %get3A_1396 = tpu.vector_load %arg14[%get3A_1394, %get3A_1395] {strides = array<i32>} : memref<512x32xf32, #tpu.memory_space<vmem>>, vector<16xf32>,
      %get3A_1397 = arith.index_cast %add3A_1369 : i32 to index
      %get3A_1398 = arith.constant 16 : index
      %get3A_1399 = tpu.vector_load %arg16[%get3A_1397, %get3A_1398] {strides = array<i32>} : memref<512x32xf32, #tpu.memory_space<vmem>>, vector<16xf32>,
      %mul3A_1400 = arith.mulf %get3A_1396, %get3A_1399 : vector<16xf32>
      %bitcast3A_1401 = vector.bitcast %mul3A_1400 : vector<16xf32> to vector<16xi32>
      %add3A_1402 = arith.constant 32767 : i32
      %add3A_1403 = vector.broadcast %add3A_1402 : i32 to vector<16xi32>
      %add3A_1404 = arith.addi %bitcast3A_1401, %add3A_1403 : vector<16xi32>
      %shift_right_arithmetic3A_1405 = arith.constant 16 : i32
      %shift_right_arithmetic3A_1406 = vector.broadcast %shift_right_arithmetic3A_1405 : i32 to vector<16xi32>
      %shift_right_arithmetic3A_1407 = arith.shrsi %bitcast3A_1401, %shift_right_arithmetic3A_1406 : vector<16xi32>
      %and3A_1408 = arith.constant 1 : i32
      %and3A_1409 = vector.broadcast %and3A_1408 : i32 to vector<16xi32>
      %and3A_1410 = arith.andi %shift_right_arithmetic3A_1407, %and3A_1409 : vector<16xi32>
      %add3A_1411 = arith.addi %add3A_1404, %and3A_1410 : vector<16xi32>
      %and3A_1412 = arith.constant -65536 : i32
      %and3A_1413 = vector.broadcast %and3A_1412 : i32 to vector<16xi32>
      %and3A_1414 = arith.andi %add3A_1411, %and3A_1413 : vector<16xi32>
      %bitcast3A_1415 = vector.bitcast %and3A_1414 : vector<16xi32> to vector<16xf32>
      %mul3A_1416 = arith.mulf %bitcast3A_1415, %get3A_325 : vector<16xf32>
      %add3A_1417 = arith.addf %add3A_1393, %mul3A_1416 : vector<16xf32>
      %reduce_sum3A_1418 = arith.constant true
      %reduce_sum3A_1419 = vector.broadcast %reduce_sum3A_1418 : i1 to vector<16xi1>
      %reduce_sum3A_1420 = tpu.scan <sum>, %add3A_1417 masked %reduce_sum3A_1419 : vector<16xf32>, vector<16xi1> -> vector<16xf32>
      %reduce_sum3A_1421 = vector.extract %reduce_sum3A_1420[15] : f32 from vector<16xf32>
      %broadcast_in_dim3A_1422 = vector.broadcast %reduce_sum3A_1421 : f32 to vector<16xf32>
      %mul3A_1423 = arith.mulf %broadcast_in_dim3A_1422, %convert_element_type3A_379 : vector<16xf32>
      %add3A_1424 = arith.addf %add3A_1313, %mul3A_1423 : vector<16xf32>
      %mul3A_1425 = arith.constant 16 : i32
      %mul3A_1426 = arith.muli %scan3A_429, %mul3A_1425 : i32
      %add3A_1427 = arith.constant 9 : i32
      %add3A_1428 = arith.addi %mul3A_1426, %add3A_1427 : i32
      %get3A_1429 = arith.index_cast %add3A_1428 : i32 to index
      %get3A_1430 = arith.constant 0 : index
      %get3A_1431 = tpu.vector_load %arg13[%get3A_1429, %get3A_1430] {strides = array<i32>} : memref<512x32xf32, #tpu.memory_space<vmem>>, vector<16xf32>,
      %get3A_1432 = arith.index_cast %add3A_1428 : i32 to index
      %get3A_1433 = arith.constant 0 : index
      %get3A_1434 = tpu.vector_load %arg15[%get3A_1432, %get3A_1433] {strides = array<i32>} : memref<512x32xf32, #tpu.memory_space<vmem>>, vector<16xf32>,
      %mul3A_1435 = arith.mulf %get3A_1431, %get3A_1434 : vector<16xf32>
      %bitcast3A_1436 = vector.bitcast %mul3A_1435 : vector<16xf32> to vector<16xi32>
      %add3A_1437 = arith.constant 32767 : i32
      %add3A_1438 = vector.broadcast %add3A_1437 : i32 to vector<16xi32>
      %add3A_1439 = arith.addi %bitcast3A_1436, %add3A_1438 : vector<16xi32>
      %shift_right_arithmetic3A_1440 = arith.constant 16 : i32
      %shift_right_arithmetic3A_1441 = vector.broadcast %shift_right_arithmetic3A_1440 : i32 to vector<16xi32>
      %shift_right_arithmetic3A_1442 = arith.shrsi %bitcast3A_1436, %shift_right_arithmetic3A_1441 : vector<16xi32>
      %and3A_1443 = arith.constant 1 : i32
      %and3A_1444 = vector.broadcast %and3A_1443 : i32 to vector<16xi32>
      %and3A_1445 = arith.andi %shift_right_arithmetic3A_1442, %and3A_1444 : vector<16xi32>
      %add3A_1446 = arith.addi %add3A_1439, %and3A_1445 : vector<16xi32>
      %and3A_1447 = arith.constant -65536 : i32
      %and3A_1448 = vector.broadcast %and3A_1447 : i32 to vector<16xi32>
      %and3A_1449 = arith.andi %add3A_1446, %and3A_1448 : vector<16xi32>
      %bitcast3A_1450 = vector.bitcast %and3A_1449 : vector<16xi32> to vector<16xf32>
      %mul3A_1451 = arith.mulf %bitcast3A_1450, %get3A_319 : vector<16xf32>
      %add3A_1452 = arith.addf %get3A_327, %mul3A_1451 : vector<16xf32>
      %get3A_1453 = arith.index_cast %add3A_1428 : i32 to index
      %get3A_1454 = arith.constant 16 : index
      %get3A_1455 = tpu.vector_load %arg13[%get3A_1453, %get3A_1454] {strides = array<i32>} : memref<512x32xf32, #tpu.memory_space<vmem>>, vector<16xf32>,
      %get3A_1456 = arith.index_cast %add3A_1428 : i32 to index
      %get3A_1457 = arith.constant 16 : index
      %get3A_1458 = tpu.vector_load %arg15[%get3A_1456, %get3A_1457] {strides = array<i32>} : memref<512x32xf32, #tpu.memory_space<vmem>>, vector<16xf32>,
      %mul3A_1459 = arith.mulf %get3A_1455, %get3A_1458 : vector<16xf32>
      %bitcast3A_1460 = vector.bitcast %mul3A_1459 : vector<16xf32> to vector<16xi32>
      %add3A_1461 = arith.constant 32767 : i32
      %add3A_1462 = vector.broadcast %add3A_1461 : i32 to vector<16xi32>
      %add3A_1463 = arith.addi %bitcast3A_1460, %add3A_1462 : vector<16xi32>
      %shift_right_arithmetic3A_1464 = arith.constant 16 : i32
      %shift_right_arithmetic3A_1465 = vector.broadcast %shift_right_arithmetic3A_1464 : i32 to vector<16xi32>
      %shift_right_arithmetic3A_1466 = arith.shrsi %bitcast3A_1460, %shift_right_arithmetic3A_1465 : vector<16xi32>
      %and3A_1467 = arith.constant 1 : i32
      %and3A_1468 = vector.broadcast %and3A_1467 : i32 to vector<16xi32>
      %and3A_1469 = arith.andi %shift_right_arithmetic3A_1466, %and3A_1468 : vector<16xi32>
      %add3A_1470 = arith.addi %add3A_1463, %and3A_1469 : vector<16xi32>
      %and3A_1471 = arith.constant -65536 : i32
      %and3A_1472 = vector.broadcast %and3A_1471 : i32 to vector<16xi32>
      %and3A_1473 = arith.andi %add3A_1470, %and3A_1472 : vector<16xi32>
      %bitcast3A_1474 = vector.bitcast %and3A_1473 : vector<16xi32> to vector<16xf32>
      %mul3A_1475 = arith.mulf %bitcast3A_1474, %get3A_321 : vector<16xf32>
      %add3A_1476 = arith.addf %add3A_1452, %mul3A_1475 : vector<16xf32>
      %mul3A_1477 = arith.constant 16 : i32
      %mul3A_1478 = arith.muli %scan3A_429, %mul3A_1477 : i32
      %add3A_1479 = arith.constant 9 : i32
      %add3A_1480 = arith.addi %mul3A_1478, %add3A_1479 : i32
      %get3A_1481 = arith.index_cast %add3A_1480 : i32 to index
      %get3A_1482 = arith.constant 0 : index
      %get3A_1483 = tpu.vector_load %arg14[%get3A_1481, %get3A_1482] {strides = array<i32>} : memref<512x32xf32, #tpu.memory_space<vmem>>, vector<16xf32>,
      %get3A_1484 = arith.index_cast %add3A_1480 : i32 to index
      %get3A_1485 = arith.constant 0 : index
      %get3A_1486 = tpu.vector_load %arg16[%get3A_1484, %get3A_1485] {strides = array<i32>} : memref<512x32xf32, #tpu.memory_space<vmem>>, vector<16xf32>,
      %mul3A_1487 = arith.mulf %get3A_1483, %get3A_1486 : vector<16xf32>
      %bitcast3A_1488 = vector.bitcast %mul3A_1487 : vector<16xf32> to vector<16xi32>
      %add3A_1489 = arith.constant 32767 : i32
      %add3A_1490 = vector.broadcast %add3A_1489 : i32 to vector<16xi32>
      %add3A_1491 = arith.addi %bitcast3A_1488, %add3A_1490 : vector<16xi32>
      %shift_right_arithmetic3A_1492 = arith.constant 16 : i32
      %shift_right_arithmetic3A_1493 = vector.broadcast %shift_right_arithmetic3A_1492 : i32 to vector<16xi32>
      %shift_right_arithmetic3A_1494 = arith.shrsi %bitcast3A_1488, %shift_right_arithmetic3A_1493 : vector<16xi32>
      %and3A_1495 = arith.constant 1 : i32
      %and3A_1496 = vector.broadcast %and3A_1495 : i32 to vector<16xi32>
      %and3A_1497 = arith.andi %shift_right_arithmetic3A_1494, %and3A_1496 : vector<16xi32>
      %add3A_1498 = arith.addi %add3A_1491, %and3A_1497 : vector<16xi32>
      %and3A_1499 = arith.constant -65536 : i32
      %and3A_1500 = vector.broadcast %and3A_1499 : i32 to vector<16xi32>
      %and3A_1501 = arith.andi %add3A_1498, %and3A_1500 : vector<16xi32>
      %bitcast3A_1502 = vector.bitcast %and3A_1501 : vector<16xi32> to vector<16xf32>
      %mul3A_1503 = arith.mulf %bitcast3A_1502, %get3A_323 : vector<16xf32>
      %add3A_1504 = arith.addf %add3A_1476, %mul3A_1503 : vector<16xf32>
      %get3A_1505 = arith.index_cast %add3A_1480 : i32 to index
      %get3A_1506 = arith.constant 16 : index
      %get3A_1507 = tpu.vector_load %arg14[%get3A_1505, %get3A_1506] {strides = array<i32>} : memref<512x32xf32, #tpu.memory_space<vmem>>, vector<16xf32>,
      %get3A_1508 = arith.index_cast %add3A_1480 : i32 to index
      %get3A_1509 = arith.constant 16 : index
      %get3A_1510 = tpu.vector_load %arg16[%get3A_1508, %get3A_1509] {strides = array<i32>} : memref<512x32xf32, #tpu.memory_space<vmem>>, vector<16xf32>,
      %mul3A_1511 = arith.mulf %get3A_1507, %get3A_1510 : vector<16xf32>
      %bitcast3A_1512 = vector.bitcast %mul3A_1511 : vector<16xf32> to vector<16xi32>
      %add3A_1513 = arith.constant 32767 : i32
      %add3A_1514 = vector.broadcast %add3A_1513 : i32 to vector<16xi32>
      %add3A_1515 = arith.addi %bitcast3A_1512, %add3A_1514 : vector<16xi32>
      %shift_right_arithmetic3A_1516 = arith.constant 16 : i32
      %shift_right_arithmetic3A_1517 = vector.broadcast %shift_right_arithmetic3A_1516 : i32 to vector<16xi32>
      %shift_right_arithmetic3A_1518 = arith.shrsi %bitcast3A_1512, %shift_right_arithmetic3A_1517 : vector<16xi32>
      %and3A_1519 = arith.constant 1 : i32
      %and3A_1520 = vector.broadcast %and3A_1519 : i32 to vector<16xi32>
      %and3A_1521 = arith.andi %shift_right_arithmetic3A_1518, %and3A_1520 : vector<16xi32>
      %add3A_1522 = arith.addi %add3A_1515, %and3A_1521 : vector<16xi32>
      %and3A_1523 = arith.constant -65536 : i32
      %and3A_1524 = vector.broadcast %and3A_1523 : i32 to vector<16xi32>
      %and3A_1525 = arith.andi %add3A_1522, %and3A_1524 : vector<16xi32>
      %bitcast3A_1526 = vector.bitcast %and3A_1525 : vector<16xi32> to vector<16xf32>
      %mul3A_1527 = arith.mulf %bitcast3A_1526, %get3A_325 : vector<16xf32>
      %add3A_1528 = arith.addf %add3A_1504, %mul3A_1527 : vector<16xf32>
      %reduce_sum3A_1529 = arith.constant true
      %reduce_sum3A_1530 = vector.broadcast %reduce_sum3A_1529 : i1 to vector<16xi1>
      %reduce_sum3A_1531 = tpu.scan <sum>, %add3A_1528 masked %reduce_sum3A_1530 : vector<16xf32>, vector<16xi1> -> vector<16xf32>
      %reduce_sum3A_1532 = vector.extract %reduce_sum3A_1531[15] : f32 from vector<16xf32>
      %broadcast_in_dim3A_1533 = vector.broadcast %reduce_sum3A_1532 : f32 to vector<16xf32>
      %mul3A_1534 = arith.mulf %broadcast_in_dim3A_1533, %convert_element_type3A_385 : vector<16xf32>
      %add3A_1535 = arith.addf %add3A_1424, %mul3A_1534 : vector<16xf32>
      %mul3A_1536 = arith.constant 16 : i32
      %mul3A_1537 = arith.muli %scan3A_429, %mul3A_1536 : i32
      %add3A_1538 = arith.constant 10 : i32
      %add3A_1539 = arith.addi %mul3A_1537, %add3A_1538 : i32
      %get3A_1540 = arith.index_cast %add3A_1539 : i32 to index
      %get3A_1541 = arith.constant 0 : index
      %get3A_1542 = tpu.vector_load %arg13[%get3A_1540, %get3A_1541] {strides = array<i32>} : memref<512x32xf32, #tpu.memory_space<vmem>>, vector<16xf32>,
      %get3A_1543 = arith.index_cast %add3A_1539 : i32 to index
      %get3A_1544 = arith.constant 0 : index
      %get3A_1545 = tpu.vector_load %arg15[%get3A_1543, %get3A_1544] {strides = array<i32>} : memref<512x32xf32, #tpu.memory_space<vmem>>, vector<16xf32>,
      %mul3A_1546 = arith.mulf %get3A_1542, %get3A_1545 : vector<16xf32>
      %bitcast3A_1547 = vector.bitcast %mul3A_1546 : vector<16xf32> to vector<16xi32>
      %add3A_1548 = arith.constant 32767 : i32
      %add3A_1549 = vector.broadcast %add3A_1548 : i32 to vector<16xi32>
      %add3A_1550 = arith.addi %bitcast3A_1547, %add3A_1549 : vector<16xi32>
      %shift_right_arithmetic3A_1551 = arith.constant 16 : i32
      %shift_right_arithmetic3A_1552 = vector.broadcast %shift_right_arithmetic3A_1551 : i32 to vector<16xi32>
      %shift_right_arithmetic3A_1553 = arith.shrsi %bitcast3A_1547, %shift_right_arithmetic3A_1552 : vector<16xi32>
      %and3A_1554 = arith.constant 1 : i32
      %and3A_1555 = vector.broadcast %and3A_1554 : i32 to vector<16xi32>
      %and3A_1556 = arith.andi %shift_right_arithmetic3A_1553, %and3A_1555 : vector<16xi32>
      %add3A_1557 = arith.addi %add3A_1550, %and3A_1556 : vector<16xi32>
      %and3A_1558 = arith.constant -65536 : i32
      %and3A_1559 = vector.broadcast %and3A_1558 : i32 to vector<16xi32>
      %and3A_1560 = arith.andi %add3A_1557, %and3A_1559 : vector<16xi32>
      %bitcast3A_1561 = vector.bitcast %and3A_1560 : vector<16xi32> to vector<16xf32>
      %mul3A_1562 = arith.mulf %bitcast3A_1561, %get3A_319 : vector<16xf32>
      %add3A_1563 = arith.addf %get3A_327, %mul3A_1562 : vector<16xf32>
      %get3A_1564 = arith.index_cast %add3A_1539 : i32 to index
      %get3A_1565 = arith.constant 16 : index
      %get3A_1566 = tpu.vector_load %arg13[%get3A_1564, %get3A_1565] {strides = array<i32>} : memref<512x32xf32, #tpu.memory_space<vmem>>, vector<16xf32>,
      %get3A_1567 = arith.index_cast %add3A_1539 : i32 to index
      %get3A_1568 = arith.constant 16 : index
      %get3A_1569 = tpu.vector_load %arg15[%get3A_1567, %get3A_1568] {strides = array<i32>} : memref<512x32xf32, #tpu.memory_space<vmem>>, vector<16xf32>,
      %mul3A_1570 = arith.mulf %get3A_1566, %get3A_1569 : vector<16xf32>
      %bitcast3A_1571 = vector.bitcast %mul3A_1570 : vector<16xf32> to vector<16xi32>
      %add3A_1572 = arith.constant 32767 : i32
      %add3A_1573 = vector.broadcast %add3A_1572 : i32 to vector<16xi32>
      %add3A_1574 = arith.addi %bitcast3A_1571, %add3A_1573 : vector<16xi32>
      %shift_right_arithmetic3A_1575 = arith.constant 16 : i32
      %shift_right_arithmetic3A_1576 = vector.broadcast %shift_right_arithmetic3A_1575 : i32 to vector<16xi32>
      %shift_right_arithmetic3A_1577 = arith.shrsi %bitcast3A_1571, %shift_right_arithmetic3A_1576 : vector<16xi32>
      %and3A_1578 = arith.constant 1 : i32
      %and3A_1579 = vector.broadcast %and3A_1578 : i32 to vector<16xi32>
      %and3A_1580 = arith.andi %shift_right_arithmetic3A_1577, %and3A_1579 : vector<16xi32>
      %add3A_1581 = arith.addi %add3A_1574, %and3A_1580 : vector<16xi32>
      %and3A_1582 = arith.constant -65536 : i32
      %and3A_1583 = vector.broadcast %and3A_1582 : i32 to vector<16xi32>
      %and3A_1584 = arith.andi %add3A_1581, %and3A_1583 : vector<16xi32>
      %bitcast3A_1585 = vector.bitcast %and3A_1584 : vector<16xi32> to vector<16xf32>
      %mul3A_1586 = arith.mulf %bitcast3A_1585, %get3A_321 : vector<16xf32>
      %add3A_1587 = arith.addf %add3A_1563, %mul3A_1586 : vector<16xf32>
      %mul3A_1588 = arith.constant 16 : i32
      %mul3A_1589 = arith.muli %scan3A_429, %mul3A_1588 : i32
      %add3A_1590 = arith.constant 10 : i32
      %add3A_1591 = arith.addi %mul3A_1589, %add3A_1590 : i32
      %get3A_1592 = arith.index_cast %add3A_1591 : i32 to index
      %get3A_1593 = arith.constant 0 : index
      %get3A_1594 = tpu.vector_load %arg14[%get3A_1592, %get3A_1593] {strides = array<i32>} : memref<512x32xf32, #tpu.memory_space<vmem>>, vector<16xf32>,
      %get3A_1595 = arith.index_cast %add3A_1591 : i32 to index
      %get3A_1596 = arith.constant 0 : index
      %get3A_1597 = tpu.vector_load %arg16[%get3A_1595, %get3A_1596] {strides = array<i32>} : memref<512x32xf32, #tpu.memory_space<vmem>>, vector<16xf32>,
      %mul3A_1598 = arith.mulf %get3A_1594, %get3A_1597 : vector<16xf32>
      %bitcast3A_1599 = vector.bitcast %mul3A_1598 : vector<16xf32> to vector<16xi32>
      %add3A_1600 = arith.constant 32767 : i32
      %add3A_1601 = vector.broadcast %add3A_1600 : i32 to vector<16xi32>
      %add3A_1602 = arith.addi %bitcast3A_1599, %add3A_1601 : vector<16xi32>
      %shift_right_arithmetic3A_1603 = arith.constant 16 : i32
      %shift_right_arithmetic3A_1604 = vector.broadcast %shift_right_arithmetic3A_1603 : i32 to vector<16xi32>
      %shift_right_arithmetic3A_1605 = arith.shrsi %bitcast3A_1599, %shift_right_arithmetic3A_1604 : vector<16xi32>
      %and3A_1606 = arith.constant 1 : i32
      %and3A_1607 = vector.broadcast %and3A_1606 : i32 to vector<16xi32>
      %and3A_1608 = arith.andi %shift_right_arithmetic3A_1605, %and3A_1607 : vector<16xi32>
      %add3A_1609 = arith.addi %add3A_1602, %and3A_1608 : vector<16xi32>
      %and3A_1610 = arith.constant -65536 : i32
      %and3A_1611 = vector.broadcast %and3A_1610 : i32 to vector<16xi32>
      %and3A_1612 = arith.andi %add3A_1609, %and3A_1611 : vector<16xi32>
      %bitcast3A_1613 = vector.bitcast %and3A_1612 : vector<16xi32> to vector<16xf32>
      %mul3A_1614 = arith.mulf %bitcast3A_1613, %get3A_323 : vector<16xf32>
      %add3A_1615 = arith.addf %add3A_1587, %mul3A_1614 : vector<16xf32>
      %get3A_1616 = arith.index_cast %add3A_1591 : i32 to index
      %get3A_1617 = arith.constant 16 : index
      %get3A_1618 = tpu.vector_load %arg14[%get3A_1616, %get3A_1617] {strides = array<i32>} : memref<512x32xf32, #tpu.memory_space<vmem>>, vector<16xf32>,
      %get3A_1619 = arith.index_cast %add3A_1591 : i32 to index
      %get3A_1620 = arith.constant 16 : index
      %get3A_1621 = tpu.vector_load %arg16[%get3A_1619, %get3A_1620] {strides = array<i32>} : memref<512x32xf32, #tpu.memory_space<vmem>>, vector<16xf32>,
      %mul3A_1622 = arith.mulf %get3A_1618, %get3A_1621 : vector<16xf32>
      %bitcast3A_1623 = vector.bitcast %mul3A_1622 : vector<16xf32> to vector<16xi32>
      %add3A_1624 = arith.constant 32767 : i32
      %add3A_1625 = vector.broadcast %add3A_1624 : i32 to vector<16xi32>
      %add3A_1626 = arith.addi %bitcast3A_1623, %add3A_1625 : vector<16xi32>
      %shift_right_arithmetic3A_1627 = arith.constant 16 : i32
      %shift_right_arithmetic3A_1628 = vector.broadcast %shift_right_arithmetic3A_1627 : i32 to vector<16xi32>
      %shift_right_arithmetic3A_1629 = arith.shrsi %bitcast3A_1623, %shift_right_arithmetic3A_1628 : vector<16xi32>
      %and3A_1630 = arith.constant 1 : i32
      %and3A_1631 = vector.broadcast %and3A_1630 : i32 to vector<16xi32>
      %and3A_1632 = arith.andi %shift_right_arithmetic3A_1629, %and3A_1631 : vector<16xi32>
      %add3A_1633 = arith.addi %add3A_1626, %and3A_1632 : vector<16xi32>
      %and3A_1634 = arith.constant -65536 : i32
      %and3A_1635 = vector.broadcast %and3A_1634 : i32 to vector<16xi32>
      %and3A_1636 = arith.andi %add3A_1633, %and3A_1635 : vector<16xi32>
      %bitcast3A_1637 = vector.bitcast %and3A_1636 : vector<16xi32> to vector<16xf32>
      %mul3A_1638 = arith.mulf %bitcast3A_1637, %get3A_325 : vector<16xf32>
      %add3A_1639 = arith.addf %add3A_1615, %mul3A_1638 : vector<16xf32>
      %reduce_sum3A_1640 = arith.constant true
      %reduce_sum3A_1641 = vector.broadcast %reduce_sum3A_1640 : i1 to vector<16xi1>
      %reduce_sum3A_1642 = tpu.scan <sum>, %add3A_1639 masked %reduce_sum3A_1641 : vector<16xf32>, vector<16xi1> -> vector<16xf32>
      %reduce_sum3A_1643 = vector.extract %reduce_sum3A_1642[15] : f32 from vector<16xf32>
      %broadcast_in_dim3A_1644 = vector.broadcast %reduce_sum3A_1643 : f32 to vector<16xf32>
      %mul3A_1645 = arith.mulf %broadcast_in_dim3A_1644, %convert_element_type3A_391 : vector<16xf32>
      %add3A_1646 = arith.addf %add3A_1535, %mul3A_1645 : vector<16xf32>
      %mul3A_1647 = arith.constant 16 : i32
      %mul3A_1648 = arith.muli %scan3A_429, %mul3A_1647 : i32
      %add3A_1649 = arith.constant 11 : i32
      %add3A_1650 = arith.addi %mul3A_1648, %add3A_1649 : i32
      %get3A_1651 = arith.index_cast %add3A_1650 : i32 to index
      %get3A_1652 = arith.constant 0 : index
      %get3A_1653 = tpu.vector_load %arg13[%get3A_1651, %get3A_1652] {strides = array<i32>} : memref<512x32xf32, #tpu.memory_space<vmem>>, vector<16xf32>,
      %get3A_1654 = arith.index_cast %add3A_1650 : i32 to index
      %get3A_1655 = arith.constant 0 : index
      %get3A_1656 = tpu.vector_load %arg15[%get3A_1654, %get3A_1655] {strides = array<i32>} : memref<512x32xf32, #tpu.memory_space<vmem>>, vector<16xf32>,
      %mul3A_1657 = arith.mulf %get3A_1653, %get3A_1656 : vector<16xf32>
      %bitcast3A_1658 = vector.bitcast %mul3A_1657 : vector<16xf32> to vector<16xi32>
      %add3A_1659 = arith.constant 32767 : i32
      %add3A_1660 = vector.broadcast %add3A_1659 : i32 to vector<16xi32>
      %add3A_1661 = arith.addi %bitcast3A_1658, %add3A_1660 : vector<16xi32>
      %shift_right_arithmetic3A_1662 = arith.constant 16 : i32
      %shift_right_arithmetic3A_1663 = vector.broadcast %shift_right_arithmetic3A_1662 : i32 to vector<16xi32>
      %shift_right_arithmetic3A_1664 = arith.shrsi %bitcast3A_1658, %shift_right_arithmetic3A_1663 : vector<16xi32>
      %and3A_1665 = arith.constant 1 : i32
      %and3A_1666 = vector.broadcast %and3A_1665 : i32 to vector<16xi32>
      %and3A_1667 = arith.andi %shift_right_arithmetic3A_1664, %and3A_1666 : vector<16xi32>
      %add3A_1668 = arith.addi %add3A_1661, %and3A_1667 : vector<16xi32>
      %and3A_1669 = arith.constant -65536 : i32
      %and3A_1670 = vector.broadcast %and3A_1669 : i32 to vector<16xi32>
      %and3A_1671 = arith.andi %add3A_1668, %and3A_1670 : vector<16xi32>
      %bitcast3A_1672 = vector.bitcast %and3A_1671 : vector<16xi32> to vector<16xf32>
      %mul3A_1673 = arith.mulf %bitcast3A_1672, %get3A_319 : vector<16xf32>
      %add3A_1674 = arith.addf %get3A_327, %mul3A_1673 : vector<16xf32>
      %get3A_1675 = arith.index_cast %add3A_1650 : i32 to index
      %get3A_1676 = arith.constant 16 : index
      %get3A_1677 = tpu.vector_load %arg13[%get3A_1675, %get3A_1676] {strides = array<i32>} : memref<512x32xf32, #tpu.memory_space<vmem>>, vector<16xf32>,
      %get3A_1678 = arith.index_cast %add3A_1650 : i32 to index
      %get3A_1679 = arith.constant 16 : index
      %get3A_1680 = tpu.vector_load %arg15[%get3A_1678, %get3A_1679] {strides = array<i32>} : memref<512x32xf32, #tpu.memory_space<vmem>>, vector<16xf32>,
      %mul3A_1681 = arith.mulf %get3A_1677, %get3A_1680 : vector<16xf32>
      %bitcast3A_1682 = vector.bitcast %mul3A_1681 : vector<16xf32> to vector<16xi32>
      %add3A_1683 = arith.constant 32767 : i32
      %add3A_1684 = vector.broadcast %add3A_1683 : i32 to vector<16xi32>
      %add3A_1685 = arith.addi %bitcast3A_1682, %add3A_1684 : vector<16xi32>
      %shift_right_arithmetic3A_1686 = arith.constant 16 : i32
      %shift_right_arithmetic3A_1687 = vector.broadcast %shift_right_arithmetic3A_1686 : i32 to vector<16xi32>
      %shift_right_arithmetic3A_1688 = arith.shrsi %bitcast3A_1682, %shift_right_arithmetic3A_1687 : vector<16xi32>
      %and3A_1689 = arith.constant 1 : i32
      %and3A_1690 = vector.broadcast %and3A_1689 : i32 to vector<16xi32>
      %and3A_1691 = arith.andi %shift_right_arithmetic3A_1688, %and3A_1690 : vector<16xi32>
      %add3A_1692 = arith.addi %add3A_1685, %and3A_1691 : vector<16xi32>
      %and3A_1693 = arith.constant -65536 : i32
      %and3A_1694 = vector.broadcast %and3A_1693 : i32 to vector<16xi32>
      %and3A_1695 = arith.andi %add3A_1692, %and3A_1694 : vector<16xi32>
      %bitcast3A_1696 = vector.bitcast %and3A_1695 : vector<16xi32> to vector<16xf32>
      %mul3A_1697 = arith.mulf %bitcast3A_1696, %get3A_321 : vector<16xf32>
      %add3A_1698 = arith.addf %add3A_1674, %mul3A_1697 : vector<16xf32>
      %mul3A_1699 = arith.constant 16 : i32
      %mul3A_1700 = arith.muli %scan3A_429, %mul3A_1699 : i32
      %add3A_1701 = arith.constant 11 : i32
      %add3A_1702 = arith.addi %mul3A_1700, %add3A_1701 : i32
      %get3A_1703 = arith.index_cast %add3A_1702 : i32 to index
      %get3A_1704 = arith.constant 0 : index
      %get3A_1705 = tpu.vector_load %arg14[%get3A_1703, %get3A_1704] {strides = array<i32>} : memref<512x32xf32, #tpu.memory_space<vmem>>, vector<16xf32>,
      %get3A_1706 = arith.index_cast %add3A_1702 : i32 to index
      %get3A_1707 = arith.constant 0 : index
      %get3A_1708 = tpu.vector_load %arg16[%get3A_1706, %get3A_1707] {strides = array<i32>} : memref<512x32xf32, #tpu.memory_space<vmem>>, vector<16xf32>,
      %mul3A_1709 = arith.mulf %get3A_1705, %get3A_1708 : vector<16xf32>
      %bitcast3A_1710 = vector.bitcast %mul3A_1709 : vector<16xf32> to vector<16xi32>
      %add3A_1711 = arith.constant 32767 : i32
      %add3A_1712 = vector.broadcast %add3A_1711 : i32 to vector<16xi32>
      %add3A_1713 = arith.addi %bitcast3A_1710, %add3A_1712 : vector<16xi32>
      %shift_right_arithmetic3A_1714 = arith.constant 16 : i32
      %shift_right_arithmetic3A_1715 = vector.broadcast %shift_right_arithmetic3A_1714 : i32 to vector<16xi32>
      %shift_right_arithmetic3A_1716 = arith.shrsi %bitcast3A_1710, %shift_right_arithmetic3A_1715 : vector<16xi32>
      %and3A_1717 = arith.constant 1 : i32
      %and3A_1718 = vector.broadcast %and3A_1717 : i32 to vector<16xi32>
      %and3A_1719 = arith.andi %shift_right_arithmetic3A_1716, %and3A_1718 : vector<16xi32>
      %add3A_1720 = arith.addi %add3A_1713, %and3A_1719 : vector<16xi32>
      %and3A_1721 = arith.constant -65536 : i32
      %and3A_1722 = vector.broadcast %and3A_1721 : i32 to vector<16xi32>
      %and3A_1723 = arith.andi %add3A_1720, %and3A_1722 : vector<16xi32>
      %bitcast3A_1724 = vector.bitcast %and3A_1723 : vector<16xi32> to vector<16xf32>
      %mul3A_1725 = arith.mulf %bitcast3A_1724, %get3A_323 : vector<16xf32>
      %add3A_1726 = arith.addf %add3A_1698, %mul3A_1725 : vector<16xf32>
      %get3A_1727 = arith.index_cast %add3A_1702 : i32 to index
      %get3A_1728 = arith.constant 16 : index
      %get3A_1729 = tpu.vector_load %arg14[%get3A_1727, %get3A_1728] {strides = array<i32>} : memref<512x32xf32, #tpu.memory_space<vmem>>, vector<16xf32>,
      %get3A_1730 = arith.index_cast %add3A_1702 : i32 to index
      %get3A_1731 = arith.constant 16 : index
      %get3A_1732 = tpu.vector_load %arg16[%get3A_1730, %get3A_1731] {strides = array<i32>} : memref<512x32xf32, #tpu.memory_space<vmem>>, vector<16xf32>,
      %mul3A_1733 = arith.mulf %get3A_1729, %get3A_1732 : vector<16xf32>
      %bitcast3A_1734 = vector.bitcast %mul3A_1733 : vector<16xf32> to vector<16xi32>
      %add3A_1735 = arith.constant 32767 : i32
      %add3A_1736 = vector.broadcast %add3A_1735 : i32 to vector<16xi32>
      %add3A_1737 = arith.addi %bitcast3A_1734, %add3A_1736 : vector<16xi32>
      %shift_right_arithmetic3A_1738 = arith.constant 16 : i32
      %shift_right_arithmetic3A_1739 = vector.broadcast %shift_right_arithmetic3A_1738 : i32 to vector<16xi32>
      %shift_right_arithmetic3A_1740 = arith.shrsi %bitcast3A_1734, %shift_right_arithmetic3A_1739 : vector<16xi32>
      %and3A_1741 = arith.constant 1 : i32
      %and3A_1742 = vector.broadcast %and3A_1741 : i32 to vector<16xi32>
      %and3A_1743 = arith.andi %shift_right_arithmetic3A_1740, %and3A_1742 : vector<16xi32>
      %add3A_1744 = arith.addi %add3A_1737, %and3A_1743 : vector<16xi32>
      %and3A_1745 = arith.constant -65536 : i32
      %and3A_1746 = vector.broadcast %and3A_1745 : i32 to vector<16xi32>
      %and3A_1747 = arith.andi %add3A_1744, %and3A_1746 : vector<16xi32>
      %bitcast3A_1748 = vector.bitcast %and3A_1747 : vector<16xi32> to vector<16xf32>
      %mul3A_1749 = arith.mulf %bitcast3A_1748, %get3A_325 : vector<16xf32>
      %add3A_1750 = arith.addf %add3A_1726, %mul3A_1749 : vector<16xf32>
      %reduce_sum3A_1751 = arith.constant true
      %reduce_sum3A_1752 = vector.broadcast %reduce_sum3A_1751 : i1 to vector<16xi1>
      %reduce_sum3A_1753 = tpu.scan <sum>, %add3A_1750 masked %reduce_sum3A_1752 : vector<16xf32>, vector<16xi1> -> vector<16xf32>
      %reduce_sum3A_1754 = vector.extract %reduce_sum3A_1753[15] : f32 from vector<16xf32>
      %broadcast_in_dim3A_1755 = vector.broadcast %reduce_sum3A_1754 : f32 to vector<16xf32>
      %mul3A_1756 = arith.mulf %broadcast_in_dim3A_1755, %convert_element_type3A_397 : vector<16xf32>
      %add3A_1757 = arith.addf %add3A_1646, %mul3A_1756 : vector<16xf32>
      %mul3A_1758 = arith.constant 16 : i32
      %mul3A_1759 = arith.muli %scan3A_429, %mul3A_1758 : i32
      %add3A_1760 = arith.constant 12 : i32
      %add3A_1761 = arith.addi %mul3A_1759, %add3A_1760 : i32
      %get3A_1762 = arith.index_cast %add3A_1761 : i32 to index
      %get3A_1763 = arith.constant 0 : index
      %get3A_1764 = tpu.vector_load %arg13[%get3A_1762, %get3A_1763] {strides = array<i32>} : memref<512x32xf32, #tpu.memory_space<vmem>>, vector<16xf32>,
      %get3A_1765 = arith.index_cast %add3A_1761 : i32 to index
      %get3A_1766 = arith.constant 0 : index
      %get3A_1767 = tpu.vector_load %arg15[%get3A_1765, %get3A_1766] {strides = array<i32>} : memref<512x32xf32, #tpu.memory_space<vmem>>, vector<16xf32>,
      %mul3A_1768 = arith.mulf %get3A_1764, %get3A_1767 : vector<16xf32>
      %bitcast3A_1769 = vector.bitcast %mul3A_1768 : vector<16xf32> to vector<16xi32>
      %add3A_1770 = arith.constant 32767 : i32
      %add3A_1771 = vector.broadcast %add3A_1770 : i32 to vector<16xi32>
      %add3A_1772 = arith.addi %bitcast3A_1769, %add3A_1771 : vector<16xi32>
      %shift_right_arithmetic3A_1773 = arith.constant 16 : i32
      %shift_right_arithmetic3A_1774 = vector.broadcast %shift_right_arithmetic3A_1773 : i32 to vector<16xi32>
      %shift_right_arithmetic3A_1775 = arith.shrsi %bitcast3A_1769, %shift_right_arithmetic3A_1774 : vector<16xi32>
      %and3A_1776 = arith.constant 1 : i32
      %and3A_1777 = vector.broadcast %and3A_1776 : i32 to vector<16xi32>
      %and3A_1778 = arith.andi %shift_right_arithmetic3A_1775, %and3A_1777 : vector<16xi32>
      %add3A_1779 = arith.addi %add3A_1772, %and3A_1778 : vector<16xi32>
      %and3A_1780 = arith.constant -65536 : i32
      %and3A_1781 = vector.broadcast %and3A_1780 : i32 to vector<16xi32>
      %and3A_1782 = arith.andi %add3A_1779, %and3A_1781 : vector<16xi32>
      %bitcast3A_1783 = vector.bitcast %and3A_1782 : vector<16xi32> to vector<16xf32>
      %mul3A_1784 = arith.mulf %bitcast3A_1783, %get3A_319 : vector<16xf32>
      %add3A_1785 = arith.addf %get3A_327, %mul3A_1784 : vector<16xf32>
      %get3A_1786 = arith.index_cast %add3A_1761 : i32 to index
      %get3A_1787 = arith.constant 16 : index
      %get3A_1788 = tpu.vector_load %arg13[%get3A_1786, %get3A_1787] {strides = array<i32>} : memref<512x32xf32, #tpu.memory_space<vmem>>, vector<16xf32>,
      %get3A_1789 = arith.index_cast %add3A_1761 : i32 to index
      %get3A_1790 = arith.constant 16 : index
      %get3A_1791 = tpu.vector_load %arg15[%get3A_1789, %get3A_1790] {strides = array<i32>} : memref<512x32xf32, #tpu.memory_space<vmem>>, vector<16xf32>,
      %mul3A_1792 = arith.mulf %get3A_1788, %get3A_1791 : vector<16xf32>
      %bitcast3A_1793 = vector.bitcast %mul3A_1792 : vector<16xf32> to vector<16xi32>
      %add3A_1794 = arith.constant 32767 : i32
      %add3A_1795 = vector.broadcast %add3A_1794 : i32 to vector<16xi32>
      %add3A_1796 = arith.addi %bitcast3A_1793, %add3A_1795 : vector<16xi32>
      %shift_right_arithmetic3A_1797 = arith.constant 16 : i32
      %shift_right_arithmetic3A_1798 = vector.broadcast %shift_right_arithmetic3A_1797 : i32 to vector<16xi32>
      %shift_right_arithmetic3A_1799 = arith.shrsi %bitcast3A_1793, %shift_right_arithmetic3A_1798 : vector<16xi32>
      %and3A_1800 = arith.constant 1 : i32
      %and3A_1801 = vector.broadcast %and3A_1800 : i32 to vector<16xi32>
      %and3A_1802 = arith.andi %shift_right_arithmetic3A_1799, %and3A_1801 : vector<16xi32>
      %add3A_1803 = arith.addi %add3A_1796, %and3A_1802 : vector<16xi32>
      %and3A_1804 = arith.constant -65536 : i32
      %and3A_1805 = vector.broadcast %and3A_1804 : i32 to vector<16xi32>
      %and3A_1806 = arith.andi %add3A_1803, %and3A_1805 : vector<16xi32>
      %bitcast3A_1807 = vector.bitcast %and3A_1806 : vector<16xi32> to vector<16xf32>
      %mul3A_1808 = arith.mulf %bitcast3A_1807, %get3A_321 : vector<16xf32>
      %add3A_1809 = arith.addf %add3A_1785, %mul3A_1808 : vector<16xf32>
      %mul3A_1810 = arith.constant 16 : i32
      %mul3A_1811 = arith.muli %scan3A_429, %mul3A_1810 : i32
      %add3A_1812 = arith.constant 12 : i32
      %add3A_1813 = arith.addi %mul3A_1811, %add3A_1812 : i32
      %get3A_1814 = arith.index_cast %add3A_1813 : i32 to index
      %get3A_1815 = arith.constant 0 : index
      %get3A_1816 = tpu.vector_load %arg14[%get3A_1814, %get3A_1815] {strides = array<i32>} : memref<512x32xf32, #tpu.memory_space<vmem>>, vector<16xf32>,
      %get3A_1817 = arith.index_cast %add3A_1813 : i32 to index
      %get3A_1818 = arith.constant 0 : index
      %get3A_1819 = tpu.vector_load %arg16[%get3A_1817, %get3A_1818] {strides = array<i32>} : memref<512x32xf32, #tpu.memory_space<vmem>>, vector<16xf32>,
      %mul3A_1820 = arith.mulf %get3A_1816, %get3A_1819 : vector<16xf32>
      %bitcast3A_1821 = vector.bitcast %mul3A_1820 : vector<16xf32> to vector<16xi32>
      %add3A_1822 = arith.constant 32767 : i32
      %add3A_1823 = vector.broadcast %add3A_1822 : i32 to vector<16xi32>
      %add3A_1824 = arith.addi %bitcast3A_1821, %add3A_1823 : vector<16xi32>
      %shift_right_arithmetic3A_1825 = arith.constant 16 : i32
      %shift_right_arithmetic3A_1826 = vector.broadcast %shift_right_arithmetic3A_1825 : i32 to vector<16xi32>
      %shift_right_arithmetic3A_1827 = arith.shrsi %bitcast3A_1821, %shift_right_arithmetic3A_1826 : vector<16xi32>
      %and3A_1828 = arith.constant 1 : i32
      %and3A_1829 = vector.broadcast %and3A_1828 : i32 to vector<16xi32>
      %and3A_1830 = arith.andi %shift_right_arithmetic3A_1827, %and3A_1829 : vector<16xi32>
      %add3A_1831 = arith.addi %add3A_1824, %and3A_1830 : vector<16xi32>
      %and3A_1832 = arith.constant -65536 : i32
      %and3A_1833 = vector.broadcast %and3A_1832 : i32 to vector<16xi32>
      %and3A_1834 = arith.andi %add3A_1831, %and3A_1833 : vector<16xi32>
      %bitcast3A_1835 = vector.bitcast %and3A_1834 : vector<16xi32> to vector<16xf32>
      %mul3A_1836 = arith.mulf %bitcast3A_1835, %get3A_323 : vector<16xf32>
      %add3A_1837 = arith.addf %add3A_1809, %mul3A_1836 : vector<16xf32>
      %get3A_1838 = arith.index_cast %add3A_1813 : i32 to index
      %get3A_1839 = arith.constant 16 : index
      %get3A_1840 = tpu.vector_load %arg14[%get3A_1838, %get3A_1839] {strides = array<i32>} : memref<512x32xf32, #tpu.memory_space<vmem>>, vector<16xf32>,
      %get3A_1841 = arith.index_cast %add3A_1813 : i32 to index
      %get3A_1842 = arith.constant 16 : index
      %get3A_1843 = tpu.vector_load %arg16[%get3A_1841, %get3A_1842] {strides = array<i32>} : memref<512x32xf32, #tpu.memory_space<vmem>>, vector<16xf32>,
      %mul3A_1844 = arith.mulf %get3A_1840, %get3A_1843 : vector<16xf32>
      %bitcast3A_1845 = vector.bitcast %mul3A_1844 : vector<16xf32> to vector<16xi32>
      %add3A_1846 = arith.constant 32767 : i32
      %add3A_1847 = vector.broadcast %add3A_1846 : i32 to vector<16xi32>
      %add3A_1848 = arith.addi %bitcast3A_1845, %add3A_1847 : vector<16xi32>
      %shift_right_arithmetic3A_1849 = arith.constant 16 : i32
      %shift_right_arithmetic3A_1850 = vector.broadcast %shift_right_arithmetic3A_1849 : i32 to vector<16xi32>
      %shift_right_arithmetic3A_1851 = arith.shrsi %bitcast3A_1845, %shift_right_arithmetic3A_1850 : vector<16xi32>
      %and3A_1852 = arith.constant 1 : i32
      %and3A_1853 = vector.broadcast %and3A_1852 : i32 to vector<16xi32>
      %and3A_1854 = arith.andi %shift_right_arithmetic3A_1851, %and3A_1853 : vector<16xi32>
      %add3A_1855 = arith.addi %add3A_1848, %and3A_1854 : vector<16xi32>
      %and3A_1856 = arith.constant -65536 : i32
      %and3A_1857 = vector.broadcast %and3A_1856 : i32 to vector<16xi32>
      %and3A_1858 = arith.andi %add3A_1855, %and3A_1857 : vector<16xi32>
      %bitcast3A_1859 = vector.bitcast %and3A_1858 : vector<16xi32> to vector<16xf32>
      %mul3A_1860 = arith.mulf %bitcast3A_1859, %get3A_325 : vector<16xf32>
      %add3A_1861 = arith.addf %add3A_1837, %mul3A_1860 : vector<16xf32>
      %reduce_sum3A_1862 = arith.constant true
      %reduce_sum3A_1863 = vector.broadcast %reduce_sum3A_1862 : i1 to vector<16xi1>
      %reduce_sum3A_1864 = tpu.scan <sum>, %add3A_1861 masked %reduce_sum3A_1863 : vector<16xf32>, vector<16xi1> -> vector<16xf32>
      %reduce_sum3A_1865 = vector.extract %reduce_sum3A_1864[15] : f32 from vector<16xf32>
      %broadcast_in_dim3A_1866 = vector.broadcast %reduce_sum3A_1865 : f32 to vector<16xf32>
      %mul3A_1867 = arith.mulf %broadcast_in_dim3A_1866, %convert_element_type3A_403 : vector<16xf32>
      %add3A_1868 = arith.addf %add3A_1757, %mul3A_1867 : vector<16xf32>
      %mul3A_1869 = arith.constant 16 : i32
      %mul3A_1870 = arith.muli %scan3A_429, %mul3A_1869 : i32
      %add3A_1871 = arith.constant 13 : i32
      %add3A_1872 = arith.addi %mul3A_1870, %add3A_1871 : i32
      %get3A_1873 = arith.index_cast %add3A_1872 : i32 to index
      %get3A_1874 = arith.constant 0 : index
      %get3A_1875 = tpu.vector_load %arg13[%get3A_1873, %get3A_1874] {strides = array<i32>} : memref<512x32xf32, #tpu.memory_space<vmem>>, vector<16xf32>,
      %get3A_1876 = arith.index_cast %add3A_1872 : i32 to index
      %get3A_1877 = arith.constant 0 : index
      %get3A_1878 = tpu.vector_load %arg15[%get3A_1876, %get3A_1877] {strides = array<i32>} : memref<512x32xf32, #tpu.memory_space<vmem>>, vector<16xf32>,
      %mul3A_1879 = arith.mulf %get3A_1875, %get3A_1878 : vector<16xf32>
      %bitcast3A_1880 = vector.bitcast %mul3A_1879 : vector<16xf32> to vector<16xi32>
      %add3A_1881 = arith.constant 32767 : i32
      %add3A_1882 = vector.broadcast %add3A_1881 : i32 to vector<16xi32>
      %add3A_1883 = arith.addi %bitcast3A_1880, %add3A_1882 : vector<16xi32>
      %shift_right_arithmetic3A_1884 = arith.constant 16 : i32
      %shift_right_arithmetic3A_1885 = vector.broadcast %shift_right_arithmetic3A_1884 : i32 to vector<16xi32>
      %shift_right_arithmetic3A_1886 = arith.shrsi %bitcast3A_1880, %shift_right_arithmetic3A_1885 : vector<16xi32>
      %and3A_1887 = arith.constant 1 : i32
      %and3A_1888 = vector.broadcast %and3A_1887 : i32 to vector<16xi32>
      %and3A_1889 = arith.andi %shift_right_arithmetic3A_1886, %and3A_1888 : vector<16xi32>
      %add3A_1890 = arith.addi %add3A_1883, %and3A_1889 : vector<16xi32>
      %and3A_1891 = arith.constant -65536 : i32
      %and3A_1892 = vector.broadcast %and3A_1891 : i32 to vector<16xi32>
      %and3A_1893 = arith.andi %add3A_1890, %and3A_1892 : vector<16xi32>
      %bitcast3A_1894 = vector.bitcast %and3A_1893 : vector<16xi32> to vector<16xf32>
      %mul3A_1895 = arith.mulf %bitcast3A_1894, %get3A_319 : vector<16xf32>
      %add3A_1896 = arith.addf %get3A_327, %mul3A_1895 : vector<16xf32>
      %get3A_1897 = arith.index_cast %add3A_1872 : i32 to index
      %get3A_1898 = arith.constant 16 : index
      %get3A_1899 = tpu.vector_load %arg13[%get3A_1897, %get3A_1898] {strides = array<i32>} : memref<512x32xf32, #tpu.memory_space<vmem>>, vector<16xf32>,
      %get3A_1900 = arith.index_cast %add3A_1872 : i32 to index
      %get3A_1901 = arith.constant 16 : index
      %get3A_1902 = tpu.vector_load %arg15[%get3A_1900, %get3A_1901] {strides = array<i32>} : memref<512x32xf32, #tpu.memory_space<vmem>>, vector<16xf32>,
      %mul3A_1903 = arith.mulf %get3A_1899, %get3A_1902 : vector<16xf32>
      %bitcast3A_1904 = vector.bitcast %mul3A_1903 : vector<16xf32> to vector<16xi32>
      %add3A_1905 = arith.constant 32767 : i32
      %add3A_1906 = vector.broadcast %add3A_1905 : i32 to vector<16xi32>
      %add3A_1907 = arith.addi %bitcast3A_1904, %add3A_1906 : vector<16xi32>
      %shift_right_arithmetic3A_1908 = arith.constant 16 : i32
      %shift_right_arithmetic3A_1909 = vector.broadcast %shift_right_arithmetic3A_1908 : i32 to vector<16xi32>
      %shift_right_arithmetic3A_1910 = arith.shrsi %bitcast3A_1904, %shift_right_arithmetic3A_1909 : vector<16xi32>
      %and3A_1911 = arith.constant 1 : i32
      %and3A_1912 = vector.broadcast %and3A_1911 : i32 to vector<16xi32>
      %and3A_1913 = arith.andi %shift_right_arithmetic3A_1910, %and3A_1912 : vector<16xi32>
      %add3A_1914 = arith.addi %add3A_1907, %and3A_1913 : vector<16xi32>
      %and3A_1915 = arith.constant -65536 : i32
      %and3A_1916 = vector.broadcast %and3A_1915 : i32 to vector<16xi32>
      %and3A_1917 = arith.andi %add3A_1914, %and3A_1916 : vector<16xi32>
      %bitcast3A_1918 = vector.bitcast %and3A_1917 : vector<16xi32> to vector<16xf32>
      %mul3A_1919 = arith.mulf %bitcast3A_1918, %get3A_321 : vector<16xf32>
      %add3A_1920 = arith.addf %add3A_1896, %mul3A_1919 : vector<16xf32>
      %mul3A_1921 = arith.constant 16 : i32
      %mul3A_1922 = arith.muli %scan3A_429, %mul3A_1921 : i32
      %add3A_1923 = arith.constant 13 : i32
      %add3A_1924 = arith.addi %mul3A_1922, %add3A_1923 : i32
      %get3A_1925 = arith.index_cast %add3A_1924 : i32 to index
      %get3A_1926 = arith.constant 0 : index
      %get3A_1927 = tpu.vector_load %arg14[%get3A_1925, %get3A_1926] {strides = array<i32>} : memref<512x32xf32, #tpu.memory_space<vmem>>, vector<16xf32>,
      %get3A_1928 = arith.index_cast %add3A_1924 : i32 to index
      %get3A_1929 = arith.constant 0 : index
      %get3A_1930 = tpu.vector_load %arg16[%get3A_1928, %get3A_1929] {strides = array<i32>} : memref<512x32xf32, #tpu.memory_space<vmem>>, vector<16xf32>,
      %mul3A_1931 = arith.mulf %get3A_1927, %get3A_1930 : vector<16xf32>
      %bitcast3A_1932 = vector.bitcast %mul3A_1931 : vector<16xf32> to vector<16xi32>
      %add3A_1933 = arith.constant 32767 : i32
      %add3A_1934 = vector.broadcast %add3A_1933 : i32 to vector<16xi32>
      %add3A_1935 = arith.addi %bitcast3A_1932, %add3A_1934 : vector<16xi32>
      %shift_right_arithmetic3A_1936 = arith.constant 16 : i32
      %shift_right_arithmetic3A_1937 = vector.broadcast %shift_right_arithmetic3A_1936 : i32 to vector<16xi32>
      %shift_right_arithmetic3A_1938 = arith.shrsi %bitcast3A_1932, %shift_right_arithmetic3A_1937 : vector<16xi32>
      %and3A_1939 = arith.constant 1 : i32
      %and3A_1940 = vector.broadcast %and3A_1939 : i32 to vector<16xi32>
      %and3A_1941 = arith.andi %shift_right_arithmetic3A_1938, %and3A_1940 : vector<16xi32>
      %add3A_1942 = arith.addi %add3A_1935, %and3A_1941 : vector<16xi32>
      %and3A_1943 = arith.constant -65536 : i32
      %and3A_1944 = vector.broadcast %and3A_1943 : i32 to vector<16xi32>
      %and3A_1945 = arith.andi %add3A_1942, %and3A_1944 : vector<16xi32>
      %bitcast3A_1946 = vector.bitcast %and3A_1945 : vector<16xi32> to vector<16xf32>
      %mul3A_1947 = arith.mulf %bitcast3A_1946, %get3A_323 : vector<16xf32>
      %add3A_1948 = arith.addf %add3A_1920, %mul3A_1947 : vector<16xf32>
      %get3A_1949 = arith.index_cast %add3A_1924 : i32 to index
      %get3A_1950 = arith.constant 16 : index
      %get3A_1951 = tpu.vector_load %arg14[%get3A_1949, %get3A_1950] {strides = array<i32>} : memref<512x32xf32, #tpu.memory_space<vmem>>, vector<16xf32>,
      %get3A_1952 = arith.index_cast %add3A_1924 : i32 to index
      %get3A_1953 = arith.constant 16 : index
      %get3A_1954 = tpu.vector_load %arg16[%get3A_1952, %get3A_1953] {strides = array<i32>} : memref<512x32xf32, #tpu.memory_space<vmem>>, vector<16xf32>,
      %mul3A_1955 = arith.mulf %get3A_1951, %get3A_1954 : vector<16xf32>
      %bitcast3A_1956 = vector.bitcast %mul3A_1955 : vector<16xf32> to vector<16xi32>
      %add3A_1957 = arith.constant 32767 : i32
      %add3A_1958 = vector.broadcast %add3A_1957 : i32 to vector<16xi32>
      %add3A_1959 = arith.addi %bitcast3A_1956, %add3A_1958 : vector<16xi32>
      %shift_right_arithmetic3A_1960 = arith.constant 16 : i32
      %shift_right_arithmetic3A_1961 = vector.broadcast %shift_right_arithmetic3A_1960 : i32 to vector<16xi32>
      %shift_right_arithmetic3A_1962 = arith.shrsi %bitcast3A_1956, %shift_right_arithmetic3A_1961 : vector<16xi32>
      %and3A_1963 = arith.constant 1 : i32
      %and3A_1964 = vector.broadcast %and3A_1963 : i32 to vector<16xi32>
      %and3A_1965 = arith.andi %shift_right_arithmetic3A_1962, %and3A_1964 : vector<16xi32>
      %add3A_1966 = arith.addi %add3A_1959, %and3A_1965 : vector<16xi32>
      %and3A_1967 = arith.constant -65536 : i32
      %and3A_1968 = vector.broadcast %and3A_1967 : i32 to vector<16xi32>
      %and3A_1969 = arith.andi %add3A_1966, %and3A_1968 : vector<16xi32>
      %bitcast3A_1970 = vector.bitcast %and3A_1969 : vector<16xi32> to vector<16xf32>
      %mul3A_1971 = arith.mulf %bitcast3A_1970, %get3A_325 : vector<16xf32>
      %add3A_1972 = arith.addf %add3A_1948, %mul3A_1971 : vector<16xf32>
      %reduce_sum3A_1973 = arith.constant true
      %reduce_sum3A_1974 = vector.broadcast %reduce_sum3A_1973 : i1 to vector<16xi1>
      %reduce_sum3A_1975 = tpu.scan <sum>, %add3A_1972 masked %reduce_sum3A_1974 : vector<16xf32>, vector<16xi1> -> vector<16xf32>
      %reduce_sum3A_1976 = vector.extract %reduce_sum3A_1975[15] : f32 from vector<16xf32>
      %broadcast_in_dim3A_1977 = vector.broadcast %reduce_sum3A_1976 : f32 to vector<16xf32>
      %mul3A_1978 = arith.mulf %broadcast_in_dim3A_1977, %convert_element_type3A_409 : vector<16xf32>
      %add3A_1979 = arith.addf %add3A_1868, %mul3A_1978 : vector<16xf32>
      %mul3A_1980 = arith.constant 16 : i32
      %mul3A_1981 = arith.muli %scan3A_429, %mul3A_1980 : i32
      %add3A_1982 = arith.constant 14 : i32
      %add3A_1983 = arith.addi %mul3A_1981, %add3A_1982 : i32
      %get3A_1984 = arith.index_cast %add3A_1983 : i32 to index
      %get3A_1985 = arith.constant 0 : index
      %get3A_1986 = tpu.vector_load %arg13[%get3A_1984, %get3A_1985] {strides = array<i32>} : memref<512x32xf32, #tpu.memory_space<vmem>>, vector<16xf32>,
      %get3A_1987 = arith.index_cast %add3A_1983 : i32 to index
      %get3A_1988 = arith.constant 0 : index
      %get3A_1989 = tpu.vector_load %arg15[%get3A_1987, %get3A_1988] {strides = array<i32>} : memref<512x32xf32, #tpu.memory_space<vmem>>, vector<16xf32>,
      %mul3A_1990 = arith.mulf %get3A_1986, %get3A_1989 : vector<16xf32>
      %bitcast3A_1991 = vector.bitcast %mul3A_1990 : vector<16xf32> to vector<16xi32>
      %add3A_1992 = arith.constant 32767 : i32
      %add3A_1993 = vector.broadcast %add3A_1992 : i32 to vector<16xi32>
      %add3A_1994 = arith.addi %bitcast3A_1991, %add3A_1993 : vector<16xi32>
      %shift_right_arithmetic3A_1995 = arith.constant 16 : i32
      %shift_right_arithmetic3A_1996 = vector.broadcast %shift_right_arithmetic3A_1995 : i32 to vector<16xi32>
      %shift_right_arithmetic3A_1997 = arith.shrsi %bitcast3A_1991, %shift_right_arithmetic3A_1996 : vector<16xi32>
      %and3A_1998 = arith.constant 1 : i32
      %and3A_1999 = vector.broadcast %and3A_1998 : i32 to vector<16xi32>
      %and3A_2000 = arith.andi %shift_right_arithmetic3A_1997, %and3A_1999 : vector<16xi32>
      %add3A_2001 = arith.addi %add3A_1994, %and3A_2000 : vector<16xi32>
      %and3A_2002 = arith.constant -65536 : i32
      %and3A_2003 = vector.broadcast %and3A_2002 : i32 to vector<16xi32>
      %and3A_2004 = arith.andi %add3A_2001, %and3A_2003 : vector<16xi32>
      %bitcast3A_2005 = vector.bitcast %and3A_2004 : vector<16xi32> to vector<16xf32>
      %mul3A_2006 = arith.mulf %bitcast3A_2005, %get3A_319 : vector<16xf32>
      %add3A_2007 = arith.addf %get3A_327, %mul3A_2006 : vector<16xf32>
      %get3A_2008 = arith.index_cast %add3A_1983 : i32 to index
      %get3A_2009 = arith.constant 16 : index
      %get3A_2010 = tpu.vector_load %arg13[%get3A_2008, %get3A_2009] {strides = array<i32>} : memref<512x32xf32, #tpu.memory_space<vmem>>, vector<16xf32>,
      %get3A_2011 = arith.index_cast %add3A_1983 : i32 to index
      %get3A_2012 = arith.constant 16 : index
      %get3A_2013 = tpu.vector_load %arg15[%get3A_2011, %get3A_2012] {strides = array<i32>} : memref<512x32xf32, #tpu.memory_space<vmem>>, vector<16xf32>,
      %mul3A_2014 = arith.mulf %get3A_2010, %get3A_2013 : vector<16xf32>
      %bitcast3A_2015 = vector.bitcast %mul3A_2014 : vector<16xf32> to vector<16xi32>
      %add3A_2016 = arith.constant 32767 : i32
      %add3A_2017 = vector.broadcast %add3A_2016 : i32 to vector<16xi32>
      %add3A_2018 = arith.addi %bitcast3A_2015, %add3A_2017 : vector<16xi32>
      %shift_right_arithmetic3A_2019 = arith.constant 16 : i32
      %shift_right_arithmetic3A_2020 = vector.broadcast %shift_right_arithmetic3A_2019 : i32 to vector<16xi32>
      %shift_right_arithmetic3A_2021 = arith.shrsi %bitcast3A_2015, %shift_right_arithmetic3A_2020 : vector<16xi32>
      %and3A_2022 = arith.constant 1 : i32
      %and3A_2023 = vector.broadcast %and3A_2022 : i32 to vector<16xi32>
      %and3A_2024 = arith.andi %shift_right_arithmetic3A_2021, %and3A_2023 : vector<16xi32>
      %add3A_2025 = arith.addi %add3A_2018, %and3A_2024 : vector<16xi32>
      %and3A_2026 = arith.constant -65536 : i32
      %and3A_2027 = vector.broadcast %and3A_2026 : i32 to vector<16xi32>
      %and3A_2028 = arith.andi %add3A_2025, %and3A_2027 : vector<16xi32>
      %bitcast3A_2029 = vector.bitcast %and3A_2028 : vector<16xi32> to vector<16xf32>
      %mul3A_2030 = arith.mulf %bitcast3A_2029, %get3A_321 : vector<16xf32>
      %add3A_2031 = arith.addf %add3A_2007, %mul3A_2030 : vector<16xf32>
      %mul3A_2032 = arith.constant 16 : i32
      %mul3A_2033 = arith.muli %scan3A_429, %mul3A_2032 : i32
      %add3A_2034 = arith.constant 14 : i32
      %add3A_2035 = arith.addi %mul3A_2033, %add3A_2034 : i32
      %get3A_2036 = arith.index_cast %add3A_2035 : i32 to index
      %get3A_2037 = arith.constant 0 : index
      %get3A_2038 = tpu.vector_load %arg14[%get3A_2036, %get3A_2037] {strides = array<i32>} : memref<512x32xf32, #tpu.memory_space<vmem>>, vector<16xf32>,
      %get3A_2039 = arith.index_cast %add3A_2035 : i32 to index
      %get3A_2040 = arith.constant 0 : index
      %get3A_2041 = tpu.vector_load %arg16[%get3A_2039, %get3A_2040] {strides = array<i32>} : memref<512x32xf32, #tpu.memory_space<vmem>>, vector<16xf32>,
      %mul3A_2042 = arith.mulf %get3A_2038, %get3A_2041 : vector<16xf32>
      %bitcast3A_2043 = vector.bitcast %mul3A_2042 : vector<16xf32> to vector<16xi32>
      %add3A_2044 = arith.constant 32767 : i32
      %add3A_2045 = vector.broadcast %add3A_2044 : i32 to vector<16xi32>
      %add3A_2046 = arith.addi %bitcast3A_2043, %add3A_2045 : vector<16xi32>
      %shift_right_arithmetic3A_2047 = arith.constant 16 : i32
      %shift_right_arithmetic3A_2048 = vector.broadcast %shift_right_arithmetic3A_2047 : i32 to vector<16xi32>
      %shift_right_arithmetic3A_2049 = arith.shrsi %bitcast3A_2043, %shift_right_arithmetic3A_2048 : vector<16xi32>
      %and3A_2050 = arith.constant 1 : i32
      %and3A_2051 = vector.broadcast %and3A_2050 : i32 to vector<16xi32>
      %and3A_2052 = arith.andi %shift_right_arithmetic3A_2049, %and3A_2051 : vector<16xi32>
      %add3A_2053 = arith.addi %add3A_2046, %and3A_2052 : vector<16xi32>
      %and3A_2054 = arith.constant -65536 : i32
      %and3A_2055 = vector.broadcast %and3A_2054 : i32 to vector<16xi32>
      %and3A_2056 = arith.andi %add3A_2053, %and3A_2055 : vector<16xi32>
      %bitcast3A_2057 = vector.bitcast %and3A_2056 : vector<16xi32> to vector<16xf32>
      %mul3A_2058 = arith.mulf %bitcast3A_2057, %get3A_323 : vector<16xf32>
      %add3A_2059 = arith.addf %add3A_2031, %mul3A_2058 : vector<16xf32>
      %get3A_2060 = arith.index_cast %add3A_2035 : i32 to index
      %get3A_2061 = arith.constant 16 : index
      %get3A_2062 = tpu.vector_load %arg14[%get3A_2060, %get3A_2061] {strides = array<i32>} : memref<512x32xf32, #tpu.memory_space<vmem>>, vector<16xf32>,
      %get3A_2063 = arith.index_cast %add3A_2035 : i32 to index
      %get3A_2064 = arith.constant 16 : index
      %get3A_2065 = tpu.vector_load %arg16[%get3A_2063, %get3A_2064] {strides = array<i32>} : memref<512x32xf32, #tpu.memory_space<vmem>>, vector<16xf32>,
      %mul3A_2066 = arith.mulf %get3A_2062, %get3A_2065 : vector<16xf32>
      %bitcast3A_2067 = vector.bitcast %mul3A_2066 : vector<16xf32> to vector<16xi32>
      %add3A_2068 = arith.constant 32767 : i32
      %add3A_2069 = vector.broadcast %add3A_2068 : i32 to vector<16xi32>
      %add3A_2070 = arith.addi %bitcast3A_2067, %add3A_2069 : vector<16xi32>
      %shift_right_arithmetic3A_2071 = arith.constant 16 : i32
      %shift_right_arithmetic3A_2072 = vector.broadcast %shift_right_arithmetic3A_2071 : i32 to vector<16xi32>
      %shift_right_arithmetic3A_2073 = arith.shrsi %bitcast3A_2067, %shift_right_arithmetic3A_2072 : vector<16xi32>
      %and3A_2074 = arith.constant 1 : i32
      %and3A_2075 = vector.broadcast %and3A_2074 : i32 to vector<16xi32>
      %and3A_2076 = arith.andi %shift_right_arithmetic3A_2073, %and3A_2075 : vector<16xi32>
      %add3A_2077 = arith.addi %add3A_2070, %and3A_2076 : vector<16xi32>
      %and3A_2078 = arith.constant -65536 : i32
      %and3A_2079 = vector.broadcast %and3A_2078 : i32 to vector<16xi32>
      %and3A_2080 = arith.andi %add3A_2077, %and3A_2079 : vector<16xi32>
      %bitcast3A_2081 = vector.bitcast %and3A_2080 : vector<16xi32> to vector<16xf32>
      %mul3A_2082 = arith.mulf %bitcast3A_2081, %get3A_325 : vector<16xf32>
      %add3A_2083 = arith.addf %add3A_2059, %mul3A_2082 : vector<16xf32>
      %reduce_sum3A_2084 = arith.constant true
      %reduce_sum3A_2085 = vector.broadcast %reduce_sum3A_2084 : i1 to vector<16xi1>
      %reduce_sum3A_2086 = tpu.scan <sum>, %add3A_2083 masked %reduce_sum3A_2085 : vector<16xf32>, vector<16xi1> -> vector<16xf32>
      %reduce_sum3A_2087 = vector.extract %reduce_sum3A_2086[15] : f32 from vector<16xf32>
      %broadcast_in_dim3A_2088 = vector.broadcast %reduce_sum3A_2087 : f32 to vector<16xf32>
      %mul3A_2089 = arith.mulf %broadcast_in_dim3A_2088, %convert_element_type3A_415 : vector<16xf32>
      %add3A_2090 = arith.addf %add3A_1979, %mul3A_2089 : vector<16xf32>
      %mul3A_2091 = arith.constant 16 : i32
      %mul3A_2092 = arith.muli %scan3A_429, %mul3A_2091 : i32
      %add3A_2093 = arith.constant 15 : i32
      %add3A_2094 = arith.addi %mul3A_2092, %add3A_2093 : i32
      %get3A_2095 = arith.index_cast %add3A_2094 : i32 to index
      %get3A_2096 = arith.constant 0 : index
      %get3A_2097 = tpu.vector_load %arg13[%get3A_2095, %get3A_2096] {strides = array<i32>} : memref<512x32xf32, #tpu.memory_space<vmem>>, vector<16xf32>,
      %get3A_2098 = arith.index_cast %add3A_2094 : i32 to index
      %get3A_2099 = arith.constant 0 : index
      %get3A_2100 = tpu.vector_load %arg15[%get3A_2098, %get3A_2099] {strides = array<i32>} : memref<512x32xf32, #tpu.memory_space<vmem>>, vector<16xf32>,
      %mul3A_2101 = arith.mulf %get3A_2097, %get3A_2100 : vector<16xf32>
      %bitcast3A_2102 = vector.bitcast %mul3A_2101 : vector<16xf32> to vector<16xi32>
      %add3A_2103 = arith.constant 32767 : i32
      %add3A_2104 = vector.broadcast %add3A_2103 : i32 to vector<16xi32>
      %add3A_2105 = arith.addi %bitcast3A_2102, %add3A_2104 : vector<16xi32>
      %shift_right_arithmetic3A_2106 = arith.constant 16 : i32
      %shift_right_arithmetic3A_2107 = vector.broadcast %shift_right_arithmetic3A_2106 : i32 to vector<16xi32>
      %shift_right_arithmetic3A_2108 = arith.shrsi %bitcast3A_2102, %shift_right_arithmetic3A_2107 : vector<16xi32>
      %and3A_2109 = arith.constant 1 : i32
      %and3A_2110 = vector.broadcast %and3A_2109 : i32 to vector<16xi32>
      %and3A_2111 = arith.andi %shift_right_arithmetic3A_2108, %and3A_2110 : vector<16xi32>
      %add3A_2112 = arith.addi %add3A_2105, %and3A_2111 : vector<16xi32>
      %and3A_2113 = arith.constant -65536 : i32
      %and3A_2114 = vector.broadcast %and3A_2113 : i32 to vector<16xi32>
      %and3A_2115 = arith.andi %add3A_2112, %and3A_2114 : vector<16xi32>
      %bitcast3A_2116 = vector.bitcast %and3A_2115 : vector<16xi32> to vector<16xf32>
      %mul3A_2117 = arith.mulf %bitcast3A_2116, %get3A_319 : vector<16xf32>
      %add3A_2118 = arith.addf %get3A_327, %mul3A_2117 : vector<16xf32>
      %get3A_2119 = arith.index_cast %add3A_2094 : i32 to index
      %get3A_2120 = arith.constant 16 : index
      %get3A_2121 = tpu.vector_load %arg13[%get3A_2119, %get3A_2120] {strides = array<i32>} : memref<512x32xf32, #tpu.memory_space<vmem>>, vector<16xf32>,
      %get3A_2122 = arith.index_cast %add3A_2094 : i32 to index
      %get3A_2123 = arith.constant 16 : index
      %get3A_2124 = tpu.vector_load %arg15[%get3A_2122, %get3A_2123] {strides = array<i32>} : memref<512x32xf32, #tpu.memory_space<vmem>>, vector<16xf32>,
      %mul3A_2125 = arith.mulf %get3A_2121, %get3A_2124 : vector<16xf32>
      %bitcast3A_2126 = vector.bitcast %mul3A_2125 : vector<16xf32> to vector<16xi32>
      %add3A_2127 = arith.constant 32767 : i32
      %add3A_2128 = vector.broadcast %add3A_2127 : i32 to vector<16xi32>
      %add3A_2129 = arith.addi %bitcast3A_2126, %add3A_2128 : vector<16xi32>
      %shift_right_arithmetic3A_2130 = arith.constant 16 : i32
      %shift_right_arithmetic3A_2131 = vector.broadcast %shift_right_arithmetic3A_2130 : i32 to vector<16xi32>
      %shift_right_arithmetic3A_2132 = arith.shrsi %bitcast3A_2126, %shift_right_arithmetic3A_2131 : vector<16xi32>
      %and3A_2133 = arith.constant 1 : i32
      %and3A_2134 = vector.broadcast %and3A_2133 : i32 to vector<16xi32>
      %and3A_2135 = arith.andi %shift_right_arithmetic3A_2132, %and3A_2134 : vector<16xi32>
      %add3A_2136 = arith.addi %add3A_2129, %and3A_2135 : vector<16xi32>
      %and3A_2137 = arith.constant -65536 : i32
      %and3A_2138 = vector.broadcast %and3A_2137 : i32 to vector<16xi32>
      %and3A_2139 = arith.andi %add3A_2136, %and3A_2138 : vector<16xi32>
      %bitcast3A_2140 = vector.bitcast %and3A_2139 : vector<16xi32> to vector<16xf32>
      %mul3A_2141 = arith.mulf %bitcast3A_2140, %get3A_321 : vector<16xf32>
      %add3A_2142 = arith.addf %add3A_2118, %mul3A_2141 : vector<16xf32>
      %mul3A_2143 = arith.constant 16 : i32
      %mul3A_2144 = arith.muli %scan3A_429, %mul3A_2143 : i32
      %add3A_2145 = arith.constant 15 : i32
      %add3A_2146 = arith.addi %mul3A_2144, %add3A_2145 : i32
      %get3A_2147 = arith.index_cast %add3A_2146 : i32 to index
      %get3A_2148 = arith.constant 0 : index
      %get3A_2149 = tpu.vector_load %arg14[%get3A_2147, %get3A_2148] {strides = array<i32>} : memref<512x32xf32, #tpu.memory_space<vmem>>, vector<16xf32>,
      %get3A_2150 = arith.index_cast %add3A_2146 : i32 to index
      %get3A_2151 = arith.constant 0 : index
      %get3A_2152 = tpu.vector_load %arg16[%get3A_2150, %get3A_2151] {strides = array<i32>} : memref<512x32xf32, #tpu.memory_space<vmem>>, vector<16xf32>,
      %mul3A_2153 = arith.mulf %get3A_2149, %get3A_2152 : vector<16xf32>
      %bitcast3A_2154 = vector.bitcast %mul3A_2153 : vector<16xf32> to vector<16xi32>
      %add3A_2155 = arith.constant 32767 : i32
      %add3A_2156 = vector.broadcast %add3A_2155 : i32 to vector<16xi32>
      %add3A_2157 = arith.addi %bitcast3A_2154, %add3A_2156 : vector<16xi32>
      %shift_right_arithmetic3A_2158 = arith.constant 16 : i32
      %shift_right_arithmetic3A_2159 = vector.broadcast %shift_right_arithmetic3A_2158 : i32 to vector<16xi32>
      %shift_right_arithmetic3A_2160 = arith.shrsi %bitcast3A_2154, %shift_right_arithmetic3A_2159 : vector<16xi32>
      %and3A_2161 = arith.constant 1 : i32
      %and3A_2162 = vector.broadcast %and3A_2161 : i32 to vector<16xi32>
      %and3A_2163 = arith.andi %shift_right_arithmetic3A_2160, %and3A_2162 : vector<16xi32>
      %add3A_2164 = arith.addi %add3A_2157, %and3A_2163 : vector<16xi32>
      %and3A_2165 = arith.constant -65536 : i32
      %and3A_2166 = vector.broadcast %and3A_2165 : i32 to vector<16xi32>
      %and3A_2167 = arith.andi %add3A_2164, %and3A_2166 : vector<16xi32>
      %bitcast3A_2168 = vector.bitcast %and3A_2167 : vector<16xi32> to vector<16xf32>
      %mul3A_2169 = arith.mulf %bitcast3A_2168, %get3A_323 : vector<16xf32>
      %add3A_2170 = arith.addf %add3A_2142, %mul3A_2169 : vector<16xf32>
      %get3A_2171 = arith.index_cast %add3A_2146 : i32 to index
      %get3A_2172 = arith.constant 16 : index
      %get3A_2173 = tpu.vector_load %arg14[%get3A_2171, %get3A_2172] {strides = array<i32>} : memref<512x32xf32, #tpu.memory_space<vmem>>, vector<16xf32>,
      %get3A_2174 = arith.index_cast %add3A_2146 : i32 to index
      %get3A_2175 = arith.constant 16 : index
      %get3A_2176 = tpu.vector_load %arg16[%get3A_2174, %get3A_2175] {strides = array<i32>} : memref<512x32xf32, #tpu.memory_space<vmem>>, vector<16xf32>,
      %mul3A_2177 = arith.mulf %get3A_2173, %get3A_2176 : vector<16xf32>
      %bitcast3A_2178 = vector.bitcast %mul3A_2177 : vector<16xf32> to vector<16xi32>
      %add3A_2179 = arith.constant 32767 : i32
      %add3A_2180 = vector.broadcast %add3A_2179 : i32 to vector<16xi32>
      %add3A_2181 = arith.addi %bitcast3A_2178, %add3A_2180 : vector<16xi32>
      %shift_right_arithmetic3A_2182 = arith.constant 16 : i32
      %shift_right_arithmetic3A_2183 = vector.broadcast %shift_right_arithmetic3A_2182 : i32 to vector<16xi32>
      %shift_right_arithmetic3A_2184 = arith.shrsi %bitcast3A_2178, %shift_right_arithmetic3A_2183 : vector<16xi32>
      %and3A_2185 = arith.constant 1 : i32
      %and3A_2186 = vector.broadcast %and3A_2185 : i32 to vector<16xi32>
      %and3A_2187 = arith.andi %shift_right_arithmetic3A_2184, %and3A_2186 : vector<16xi32>
      %add3A_2188 = arith.addi %add3A_2181, %and3A_2187 : vector<16xi32>
      %and3A_2189 = arith.constant -65536 : i32
      %and3A_2190 = vector.broadcast %and3A_2189 : i32 to vector<16xi32>
      %and3A_2191 = arith.andi %add3A_2188, %and3A_2190 : vector<16xi32>
      %bitcast3A_2192 = vector.bitcast %and3A_2191 : vector<16xi32> to vector<16xf32>
      %mul3A_2193 = arith.mulf %bitcast3A_2192, %get3A_325 : vector<16xf32>
      %add3A_2194 = arith.addf %add3A_2170, %mul3A_2193 : vector<16xf32>
      %reduce_sum3A_2195 = arith.constant true
      %reduce_sum3A_2196 = vector.broadcast %reduce_sum3A_2195 : i1 to vector<16xi1>
      %reduce_sum3A_2197 = tpu.scan <sum>, %add3A_2194 masked %reduce_sum3A_2196 : vector<16xf32>, vector<16xi1> -> vector<16xf32>
      %reduce_sum3A_2198 = vector.extract %reduce_sum3A_2197[15] : f32 from vector<16xf32>
      %broadcast_in_dim3A_2199 = vector.broadcast %reduce_sum3A_2198 : f32 to vector<16xf32>
      %mul3A_2200 = arith.mulf %broadcast_in_dim3A_2199, %convert_element_type3A_421 : vector<16xf32>
      %add3A_2201 = arith.addf %add3A_2090, %mul3A_2200 : vector<16xf32>
      %mul3A_2202 = arith.constant 16 : i32
      %mul3A_2203 = arith.muli %scan3A_429, %mul3A_2202 : i32
      %swap3A = arith.index_cast %mul3A_2203 : i32 to index
      %swap3A_2204 = tpu.vector_load %arg19[%swap3A] {strides = array<i32>} : memref<512xf32, #tpu.memory_space<vmem>>, vector<16xf32>,
      tpu.vector_store %arg19[%swap3A], %add3A_2201 {strides = array<i32>} : memref<512xf32, #tpu.memory_space<vmem>>, vector<16xf32>,
    }
    %scan3A_426 = arith.constant 32 : i32
    %mul3A_427 = arith.constant 512 : i32
    %mul3A_428 = arith.muli %add3A, %mul3A_427 : i32
    "tpu.region"() ({
      %run_scoped3A = tpu.sem_alloc : memref<!tpu.dma_semaphore, #tpu.memory_space<semaphore_mem>>
      %dma_start3A_429 = tpu.memref_slice %arg10[%mul3A_428] : memref<16384xf32, #tpu.memory_space<hbm>> -> memref<512xf32, #tpu.memory_space<hbm>>
      %dma_start3A_430 = tpu.memref_slice %arg10[%mul3A_428] : memref<16384xf32, #tpu.memory_space<hbm>> -> memref<512xf32, #tpu.memory_space<hbm>>
      tpu.enqueue_dma source(%arg19 : memref<512xf32, #tpu.memory_space<vmem>>) target(%dma_start3A_430 : memref<512xf32, #tpu.memory_space<hbm>>) target_semaphore(%run_scoped3A : memref<!tpu.dma_semaphore, #tpu.memory_space<semaphore_mem>>)
      %dma_wait3A_431 = tpu.memref_slice %arg10[%mul3A_428] : memref<16384xf32, #tpu.memory_space<hbm>> -> memref<512xf32, #tpu.memory_space<hbm>>
      %dma_wait3A_432 = tpu.memref_slice %arg10[%mul3A_428] : memref<16384xf32, #tpu.memory_space<hbm>> -> memref<512xf32, #tpu.memory_space<hbm>>
      tpu.wait_dma2 semaphore(%run_scoped3A : memref<!tpu.dma_semaphore, #tpu.memory_space<semaphore_mem>>) src(%arg19 : memref<512xf32, #tpu.memory_space<vmem>>) dst(%dma_wait3A_432 : memref<512xf32, #tpu.memory_space<hbm>>)
      tpu.yield
    }) : () -> ()
    return
  }
}

#map = affine_map<(d0, d1) -> (0, 0, 0)>
#map1 = affine_map<(d0, d1) -> (0, 0)>
#map2 = affine_map<(d0, d1) -> (0)>
module attributes {stable_mosaic.version = 14 : i64} {
  func.func @_sc_b_body(%arg0: i32, %arg1: i32, %arg2: memref<32x4x128xi32, #tpu.memory_space<hbm>>, %arg3: memref<32x4x128xi32, #tpu.memory_space<hbm>>, %arg4: memref<10000x32xf32, #tpu.memory_space<hbm>>, %arg5: memref<5000x32xf32, #tpu.memory_space<hbm>>, %arg6: memref<96xf32, #tpu.memory_space<hbm>>, %arg7: memref<16384xf32, #tpu.memory_space<hbm>>, %arg8: memref<16384xf32, #tpu.memory_space<hbm>>, %arg9: memref<4x128xi32, #tpu.memory_space<vmem>>, %arg10: memref<4x128xi32, #tpu.memory_space<vmem>>, %arg11: memref<512x32xf32, #tpu.memory_space<vmem>>, %arg12: memref<512x32xf32, #tpu.memory_space<vmem>>, %arg13: memref<96xf32, #tpu.memory_space<vmem>>, %arg14: memref<512xf32, #tpu.memory_space<vmem>>, %arg15: memref<512xf32, #tpu.memory_space<vmem>>, %arg16: memref<!tpu.dma_semaphore, #tpu.memory_space<semaphore_mem>>) attributes {dimension_semantics = [#tpu.dimension_semantics<core_parallel>, #tpu.dimension_semantics<subcore_parallel>], iteration_bounds = array<i64: 2, 16>, scalar_prefetch = 0 : i64, scratch_operands = 8 : i64, tpu.core_type = #tpu.core_type<sc_vector_subcore>, window_params = [{transform_indices = #map}, {transform_indices = #map}, {transform_indices = #map1}, {transform_indices = #map1}, {transform_indices = #map2}, {transform_indices = #map2}, {transform_indices = #map2}]} {
    %mul3A = arith.constant 2 : i32
    %mul3A_0 = arith.muli %arg1, %mul3A : i32
    %add3A = arith.addi %mul3A_0, %arg0 : i32
    "tpu.region"() ({
      %run_scoped3A = tpu.sem_alloc : memref<!tpu.dma_semaphore, #tpu.memory_space<semaphore_mem>>
      %dma_start3A_265 = arith.constant 0 : i32
      %dma_start3A_266 = arith.constant 0 : i32
      %dma_start3A_267 = tpu.memref_slice %arg2[%add3A, %dma_start3A_265, %dma_start3A_266] : memref<32x4x128xi32, #tpu.memory_space<hbm>> -> memref<1x4x128xi32, #tpu.memory_space<hbm>>
      %dma_start3A_268 = tpu.memref_squeeze %dma_start3A_267 : memref<1x4x128xi32, #tpu.memory_space<hbm>> -> memref<4x128xi32, #tpu.memory_space<hbm>>
      %dma_start3A_269 = arith.constant 0 : i32
      %dma_start3A_270 = arith.constant 0 : i32
      %dma_start3A_271 = tpu.memref_slice %arg2[%add3A, %dma_start3A_269, %dma_start3A_270] : memref<32x4x128xi32, #tpu.memory_space<hbm>> -> memref<1x4x128xi32, #tpu.memory_space<hbm>>
      %dma_start3A_272 = tpu.memref_squeeze %dma_start3A_271 : memref<1x4x128xi32, #tpu.memory_space<hbm>> -> memref<4x128xi32, #tpu.memory_space<hbm>>
      tpu.enqueue_dma source(%dma_start3A_272 : memref<4x128xi32, #tpu.memory_space<hbm>>) target(%arg9 : memref<4x128xi32, #tpu.memory_space<vmem>>) target_semaphore(%run_scoped3A : memref<!tpu.dma_semaphore, #tpu.memory_space<semaphore_mem>>)
      %dma_wait3A_273 = arith.constant 0 : i32
      %dma_wait3A_274 = arith.constant 0 : i32
      %dma_wait3A_275 = tpu.memref_slice %arg2[%add3A, %dma_wait3A_273, %dma_wait3A_274] : memref<32x4x128xi32, #tpu.memory_space<hbm>> -> memref<1x4x128xi32, #tpu.memory_space<hbm>>
      %dma_wait3A_276 = tpu.memref_squeeze %dma_wait3A_275 : memref<1x4x128xi32, #tpu.memory_space<hbm>> -> memref<4x128xi32, #tpu.memory_space<hbm>>
      %dma_wait3A_277 = arith.constant 0 : i32
      %dma_wait3A_278 = arith.constant 0 : i32
      %dma_wait3A_279 = tpu.memref_slice %arg2[%add3A, %dma_wait3A_277, %dma_wait3A_278] : memref<32x4x128xi32, #tpu.memory_space<hbm>> -> memref<1x4x128xi32, #tpu.memory_space<hbm>>
      %dma_wait3A_280 = tpu.memref_squeeze %dma_wait3A_279 : memref<1x4x128xi32, #tpu.memory_space<hbm>> -> memref<4x128xi32, #tpu.memory_space<hbm>>
      tpu.wait_dma2 semaphore(%run_scoped3A : memref<!tpu.dma_semaphore, #tpu.memory_space<semaphore_mem>>) src(%dma_wait3A_280 : memref<4x128xi32, #tpu.memory_space<hbm>>) dst(%arg9 : memref<4x128xi32, #tpu.memory_space<vmem>>)
      tpu.yield
    }) : () -> ()
    "tpu.region"() ({
      %run_scoped3A = tpu.sem_alloc : memref<!tpu.dma_semaphore, #tpu.memory_space<semaphore_mem>>
      %dma_start3A_265 = arith.constant 0 : i32
      %dma_start3A_266 = arith.constant 0 : i32
      %dma_start3A_267 = tpu.memref_slice %arg3[%add3A, %dma_start3A_265, %dma_start3A_266] : memref<32x4x128xi32, #tpu.memory_space<hbm>> -> memref<1x4x128xi32, #tpu.memory_space<hbm>>
      %dma_start3A_268 = tpu.memref_squeeze %dma_start3A_267 : memref<1x4x128xi32, #tpu.memory_space<hbm>> -> memref<4x128xi32, #tpu.memory_space<hbm>>
      %dma_start3A_269 = arith.constant 0 : i32
      %dma_start3A_270 = arith.constant 0 : i32
      %dma_start3A_271 = tpu.memref_slice %arg3[%add3A, %dma_start3A_269, %dma_start3A_270] : memref<32x4x128xi32, #tpu.memory_space<hbm>> -> memref<1x4x128xi32, #tpu.memory_space<hbm>>
      %dma_start3A_272 = tpu.memref_squeeze %dma_start3A_271 : memref<1x4x128xi32, #tpu.memory_space<hbm>> -> memref<4x128xi32, #tpu.memory_space<hbm>>
      tpu.enqueue_dma source(%dma_start3A_272 : memref<4x128xi32, #tpu.memory_space<hbm>>) target(%arg10 : memref<4x128xi32, #tpu.memory_space<vmem>>) target_semaphore(%run_scoped3A : memref<!tpu.dma_semaphore, #tpu.memory_space<semaphore_mem>>)
      %dma_wait3A_273 = arith.constant 0 : i32
      %dma_wait3A_274 = arith.constant 0 : i32
      %dma_wait3A_275 = tpu.memref_slice %arg3[%add3A, %dma_wait3A_273, %dma_wait3A_274] : memref<32x4x128xi32, #tpu.memory_space<hbm>> -> memref<1x4x128xi32, #tpu.memory_space<hbm>>
      %dma_wait3A_276 = tpu.memref_squeeze %dma_wait3A_275 : memref<1x4x128xi32, #tpu.memory_space<hbm>> -> memref<4x128xi32, #tpu.memory_space<hbm>>
      %dma_wait3A_277 = arith.constant 0 : i32
      %dma_wait3A_278 = arith.constant 0 : i32
      %dma_wait3A_279 = tpu.memref_slice %arg3[%add3A, %dma_wait3A_277, %dma_wait3A_278] : memref<32x4x128xi32, #tpu.memory_space<hbm>> -> memref<1x4x128xi32, #tpu.memory_space<hbm>>
      %dma_wait3A_280 = tpu.memref_squeeze %dma_wait3A_279 : memref<1x4x128xi32, #tpu.memory_space<hbm>> -> memref<4x128xi32, #tpu.memory_space<hbm>>
      tpu.wait_dma2 semaphore(%run_scoped3A : memref<!tpu.dma_semaphore, #tpu.memory_space<semaphore_mem>>) src(%dma_wait3A_280 : memref<4x128xi32, #tpu.memory_space<hbm>>) dst(%arg10 : memref<4x128xi32, #tpu.memory_space<vmem>>)
      tpu.yield
    }) : () -> ()
    "tpu.region"() ({
      %run_scoped3A = tpu.sem_alloc : memref<!tpu.dma_semaphore, #tpu.memory_space<semaphore_mem>>
      tpu.enqueue_dma source(%arg6 : memref<96xf32, #tpu.memory_space<hbm>>) target(%arg13 : memref<96xf32, #tpu.memory_space<vmem>>) target_semaphore(%run_scoped3A : memref<!tpu.dma_semaphore, #tpu.memory_space<semaphore_mem>>)
      tpu.wait_dma2 semaphore(%run_scoped3A : memref<!tpu.dma_semaphore, #tpu.memory_space<semaphore_mem>>) src(%arg6 : memref<96xf32, #tpu.memory_space<hbm>>) dst(%arg13 : memref<96xf32, #tpu.memory_space<vmem>>)
      tpu.yield
    }) : () -> ()
    %mul3A_1 = arith.constant 512 : i32
    %mul3A_2 = arith.muli %add3A, %mul3A_1 : i32
    "tpu.region"() ({
      %run_scoped3A = tpu.sem_alloc : memref<!tpu.dma_semaphore, #tpu.memory_space<semaphore_mem>>
      %dma_start3A_265 = tpu.memref_slice %arg7[%mul3A_2] : memref<16384xf32, #tpu.memory_space<hbm>> -> memref<512xf32, #tpu.memory_space<hbm>>
      %dma_start3A_266 = tpu.memref_slice %arg7[%mul3A_2] : memref<16384xf32, #tpu.memory_space<hbm>> -> memref<512xf32, #tpu.memory_space<hbm>>
      tpu.enqueue_dma source(%dma_start3A_266 : memref<512xf32, #tpu.memory_space<hbm>>) target(%arg14 : memref<512xf32, #tpu.memory_space<vmem>>) target_semaphore(%run_scoped3A : memref<!tpu.dma_semaphore, #tpu.memory_space<semaphore_mem>>)
      %dma_wait3A_267 = tpu.memref_slice %arg7[%mul3A_2] : memref<16384xf32, #tpu.memory_space<hbm>> -> memref<512xf32, #tpu.memory_space<hbm>>
      %dma_wait3A_268 = tpu.memref_slice %arg7[%mul3A_2] : memref<16384xf32, #tpu.memory_space<hbm>> -> memref<512xf32, #tpu.memory_space<hbm>>
      tpu.wait_dma2 semaphore(%run_scoped3A : memref<!tpu.dma_semaphore, #tpu.memory_space<semaphore_mem>>) src(%dma_wait3A_268 : memref<512xf32, #tpu.memory_space<hbm>>) dst(%arg14 : memref<512xf32, #tpu.memory_space<vmem>>)
      tpu.yield
    }) : () -> ()
    %dma_start3A = arith.constant 0 : i32
    %dma_start3A_3 = arith.constant 0 : i32
    %dma_start3A_4 = arith.constant 0 : i32
    %dma_start3A_5 = tpu.memref_slice %arg11[%dma_start3A_3, %dma_start3A_4] : memref<512x32xf32, #tpu.memory_space<vmem>> -> memref<128x32xf32, #tpu.memory_space<vmem>>
    %dma_start3A_6 = arith.constant 0 : i32
    %dma_start3A_7 = tpu.memref_slice %arg9[%dma_start3A, %dma_start3A_6] : memref<4x128xi32, #tpu.memory_space<vmem>> -> memref<1x128xi32, #tpu.memory_space<vmem>>
    %dma_start3A_8 = tpu.memref_squeeze %dma_start3A_7 : memref<1x128xi32, #tpu.memory_space<vmem>> -> memref<128xi32, #tpu.memory_space<vmem>>
    %dma_start3A_9 = arith.constant 0 : i32
    %dma_start3A_10 = arith.constant 0 : i32
    %dma_start3A_11 = tpu.memref_slice %arg4[%dma_start3A_9, %dma_start3A_10] : memref<10000x32xf32, #tpu.memory_space<hbm>> -> memref<10000x32xf32, #tpu.memory_space<hbm>>
    tpu.enqueue_indirect_dma source(%dma_start3A_11 : memref<10000x32xf32, #tpu.memory_space<hbm>>) target(%dma_start3A_5 : memref<128x32xf32, #tpu.memory_space<vmem>>) offsets(%dma_start3A_8 : memref<128xi32, #tpu.memory_space<vmem>>) semaphore(%arg16 : memref<!tpu.dma_semaphore, #tpu.memory_space<semaphore_mem>>)
    %dma_start3A_12 = arith.constant 1 : i32
    %dma_start3A_13 = arith.constant 128 : i32
    %dma_start3A_14 = arith.constant 0 : i32
    %dma_start3A_15 = tpu.memref_slice %arg11[%dma_start3A_13, %dma_start3A_14] : memref<512x32xf32, #tpu.memory_space<vmem>> -> memref<128x32xf32, #tpu.memory_space<vmem>>
    %dma_start3A_16 = arith.constant 0 : i32
    %dma_start3A_17 = tpu.memref_slice %arg9[%dma_start3A_12, %dma_start3A_16] : memref<4x128xi32, #tpu.memory_space<vmem>> -> memref<1x128xi32, #tpu.memory_space<vmem>>
    %dma_start3A_18 = tpu.memref_squeeze %dma_start3A_17 : memref<1x128xi32, #tpu.memory_space<vmem>> -> memref<128xi32, #tpu.memory_space<vmem>>
    %dma_start3A_19 = arith.constant 0 : i32
    %dma_start3A_20 = arith.constant 0 : i32
    %dma_start3A_21 = tpu.memref_slice %arg4[%dma_start3A_19, %dma_start3A_20] : memref<10000x32xf32, #tpu.memory_space<hbm>> -> memref<10000x32xf32, #tpu.memory_space<hbm>>
    tpu.enqueue_indirect_dma source(%dma_start3A_21 : memref<10000x32xf32, #tpu.memory_space<hbm>>) target(%dma_start3A_15 : memref<128x32xf32, #tpu.memory_space<vmem>>) offsets(%dma_start3A_18 : memref<128xi32, #tpu.memory_space<vmem>>) semaphore(%arg16 : memref<!tpu.dma_semaphore, #tpu.memory_space<semaphore_mem>>)
    %dma_start3A_22 = arith.constant 2 : i32
    %dma_start3A_23 = arith.constant 256 : i32
    %dma_start3A_24 = arith.constant 0 : i32
    %dma_start3A_25 = tpu.memref_slice %arg11[%dma_start3A_23, %dma_start3A_24] : memref<512x32xf32, #tpu.memory_space<vmem>> -> memref<128x32xf32, #tpu.memory_space<vmem>>
    %dma_start3A_26 = arith.constant 0 : i32
    %dma_start3A_27 = tpu.memref_slice %arg9[%dma_start3A_22, %dma_start3A_26] : memref<4x128xi32, #tpu.memory_space<vmem>> -> memref<1x128xi32, #tpu.memory_space<vmem>>
    %dma_start3A_28 = tpu.memref_squeeze %dma_start3A_27 : memref<1x128xi32, #tpu.memory_space<vmem>> -> memref<128xi32, #tpu.memory_space<vmem>>
    %dma_start3A_29 = arith.constant 0 : i32
    %dma_start3A_30 = arith.constant 0 : i32
    %dma_start3A_31 = tpu.memref_slice %arg4[%dma_start3A_29, %dma_start3A_30] : memref<10000x32xf32, #tpu.memory_space<hbm>> -> memref<10000x32xf32, #tpu.memory_space<hbm>>
    tpu.enqueue_indirect_dma source(%dma_start3A_31 : memref<10000x32xf32, #tpu.memory_space<hbm>>) target(%dma_start3A_25 : memref<128x32xf32, #tpu.memory_space<vmem>>) offsets(%dma_start3A_28 : memref<128xi32, #tpu.memory_space<vmem>>) semaphore(%arg16 : memref<!tpu.dma_semaphore, #tpu.memory_space<semaphore_mem>>)
    %dma_start3A_32 = arith.constant 3 : i32
    %dma_start3A_33 = arith.constant 384 : i32
    %dma_start3A_34 = arith.constant 0 : i32
    %dma_start3A_35 = tpu.memref_slice %arg11[%dma_start3A_33, %dma_start3A_34] : memref<512x32xf32, #tpu.memory_space<vmem>> -> memref<128x32xf32, #tpu.memory_space<vmem>>
    %dma_start3A_36 = arith.constant 0 : i32
    %dma_start3A_37 = tpu.memref_slice %arg9[%dma_start3A_32, %dma_start3A_36] : memref<4x128xi32, #tpu.memory_space<vmem>> -> memref<1x128xi32, #tpu.memory_space<vmem>>
    %dma_start3A_38 = tpu.memref_squeeze %dma_start3A_37 : memref<1x128xi32, #tpu.memory_space<vmem>> -> memref<128xi32, #tpu.memory_space<vmem>>
    %dma_start3A_39 = arith.constant 0 : i32
    %dma_start3A_40 = arith.constant 0 : i32
    %dma_start3A_41 = tpu.memref_slice %arg4[%dma_start3A_39, %dma_start3A_40] : memref<10000x32xf32, #tpu.memory_space<hbm>> -> memref<10000x32xf32, #tpu.memory_space<hbm>>
    tpu.enqueue_indirect_dma source(%dma_start3A_41 : memref<10000x32xf32, #tpu.memory_space<hbm>>) target(%dma_start3A_35 : memref<128x32xf32, #tpu.memory_space<vmem>>) offsets(%dma_start3A_38 : memref<128xi32, #tpu.memory_space<vmem>>) semaphore(%arg16 : memref<!tpu.dma_semaphore, #tpu.memory_space<semaphore_mem>>)
    %dma_start3A_42 = arith.constant 0 : i32
    %dma_start3A_43 = arith.constant 0 : i32
    %dma_start3A_44 = arith.constant 0 : i32
    %dma_start3A_45 = tpu.memref_slice %arg12[%dma_start3A_43, %dma_start3A_44] : memref<512x32xf32, #tpu.memory_space<vmem>> -> memref<128x32xf32, #tpu.memory_space<vmem>>
    %dma_start3A_46 = arith.constant 0 : i32
    %dma_start3A_47 = tpu.memref_slice %arg10[%dma_start3A_42, %dma_start3A_46] : memref<4x128xi32, #tpu.memory_space<vmem>> -> memref<1x128xi32, #tpu.memory_space<vmem>>
    %dma_start3A_48 = tpu.memref_squeeze %dma_start3A_47 : memref<1x128xi32, #tpu.memory_space<vmem>> -> memref<128xi32, #tpu.memory_space<vmem>>
    %dma_start3A_49 = arith.constant 0 : i32
    %dma_start3A_50 = arith.constant 0 : i32
    %dma_start3A_51 = tpu.memref_slice %arg5[%dma_start3A_49, %dma_start3A_50] : memref<5000x32xf32, #tpu.memory_space<hbm>> -> memref<5000x32xf32, #tpu.memory_space<hbm>>
    tpu.enqueue_indirect_dma source(%dma_start3A_51 : memref<5000x32xf32, #tpu.memory_space<hbm>>) target(%dma_start3A_45 : memref<128x32xf32, #tpu.memory_space<vmem>>) offsets(%dma_start3A_48 : memref<128xi32, #tpu.memory_space<vmem>>) semaphore(%arg16 : memref<!tpu.dma_semaphore, #tpu.memory_space<semaphore_mem>>)
    %dma_start3A_52 = arith.constant 1 : i32
    %dma_start3A_53 = arith.constant 128 : i32
    %dma_start3A_54 = arith.constant 0 : i32
    %dma_start3A_55 = tpu.memref_slice %arg12[%dma_start3A_53, %dma_start3A_54] : memref<512x32xf32, #tpu.memory_space<vmem>> -> memref<128x32xf32, #tpu.memory_space<vmem>>
    %dma_start3A_56 = arith.constant 0 : i32
    %dma_start3A_57 = tpu.memref_slice %arg10[%dma_start3A_52, %dma_start3A_56] : memref<4x128xi32, #tpu.memory_space<vmem>> -> memref<1x128xi32, #tpu.memory_space<vmem>>
    %dma_start3A_58 = tpu.memref_squeeze %dma_start3A_57 : memref<1x128xi32, #tpu.memory_space<vmem>> -> memref<128xi32, #tpu.memory_space<vmem>>
    %dma_start3A_59 = arith.constant 0 : i32
    %dma_start3A_60 = arith.constant 0 : i32
    %dma_start3A_61 = tpu.memref_slice %arg5[%dma_start3A_59, %dma_start3A_60] : memref<5000x32xf32, #tpu.memory_space<hbm>> -> memref<5000x32xf32, #tpu.memory_space<hbm>>
    tpu.enqueue_indirect_dma source(%dma_start3A_61 : memref<5000x32xf32, #tpu.memory_space<hbm>>) target(%dma_start3A_55 : memref<128x32xf32, #tpu.memory_space<vmem>>) offsets(%dma_start3A_58 : memref<128xi32, #tpu.memory_space<vmem>>) semaphore(%arg16 : memref<!tpu.dma_semaphore, #tpu.memory_space<semaphore_mem>>)
    %dma_start3A_62 = arith.constant 2 : i32
    %dma_start3A_63 = arith.constant 256 : i32
    %dma_start3A_64 = arith.constant 0 : i32
    %dma_start3A_65 = tpu.memref_slice %arg12[%dma_start3A_63, %dma_start3A_64] : memref<512x32xf32, #tpu.memory_space<vmem>> -> memref<128x32xf32, #tpu.memory_space<vmem>>
    %dma_start3A_66 = arith.constant 0 : i32
    %dma_start3A_67 = tpu.memref_slice %arg10[%dma_start3A_62, %dma_start3A_66] : memref<4x128xi32, #tpu.memory_space<vmem>> -> memref<1x128xi32, #tpu.memory_space<vmem>>
    %dma_start3A_68 = tpu.memref_squeeze %dma_start3A_67 : memref<1x128xi32, #tpu.memory_space<vmem>> -> memref<128xi32, #tpu.memory_space<vmem>>
    %dma_start3A_69 = arith.constant 0 : i32
    %dma_start3A_70 = arith.constant 0 : i32
    %dma_start3A_71 = tpu.memref_slice %arg5[%dma_start3A_69, %dma_start3A_70] : memref<5000x32xf32, #tpu.memory_space<hbm>> -> memref<5000x32xf32, #tpu.memory_space<hbm>>
    tpu.enqueue_indirect_dma source(%dma_start3A_71 : memref<5000x32xf32, #tpu.memory_space<hbm>>) target(%dma_start3A_65 : memref<128x32xf32, #tpu.memory_space<vmem>>) offsets(%dma_start3A_68 : memref<128xi32, #tpu.memory_space<vmem>>) semaphore(%arg16 : memref<!tpu.dma_semaphore, #tpu.memory_space<semaphore_mem>>)
    %dma_start3A_72 = arith.constant 3 : i32
    %dma_start3A_73 = arith.constant 384 : i32
    %dma_start3A_74 = arith.constant 0 : i32
    %dma_start3A_75 = tpu.memref_slice %arg12[%dma_start3A_73, %dma_start3A_74] : memref<512x32xf32, #tpu.memory_space<vmem>> -> memref<128x32xf32, #tpu.memory_space<vmem>>
    %dma_start3A_76 = arith.constant 0 : i32
    %dma_start3A_77 = tpu.memref_slice %arg10[%dma_start3A_72, %dma_start3A_76] : memref<4x128xi32, #tpu.memory_space<vmem>> -> memref<1x128xi32, #tpu.memory_space<vmem>>
    %dma_start3A_78 = tpu.memref_squeeze %dma_start3A_77 : memref<1x128xi32, #tpu.memory_space<vmem>> -> memref<128xi32, #tpu.memory_space<vmem>>
    %dma_start3A_79 = arith.constant 0 : i32
    %dma_start3A_80 = arith.constant 0 : i32
    %dma_start3A_81 = tpu.memref_slice %arg5[%dma_start3A_79, %dma_start3A_80] : memref<5000x32xf32, #tpu.memory_space<hbm>> -> memref<5000x32xf32, #tpu.memory_space<hbm>>
    tpu.enqueue_indirect_dma source(%dma_start3A_81 : memref<5000x32xf32, #tpu.memory_space<hbm>>) target(%dma_start3A_75 : memref<128x32xf32, #tpu.memory_space<vmem>>) offsets(%dma_start3A_78 : memref<128xi32, #tpu.memory_space<vmem>>) semaphore(%arg16 : memref<!tpu.dma_semaphore, #tpu.memory_space<semaphore_mem>>)
    %dma_wait3A = arith.constant 0 : i32
    %dma_wait3A_82 = arith.constant 0 : i32
    %dma_wait3A_83 = arith.constant 0 : i32
    %dma_wait3A_84 = tpu.memref_slice %arg11[%dma_wait3A_82, %dma_wait3A_83] : memref<512x32xf32, #tpu.memory_space<vmem>> -> memref<128x32xf32, #tpu.memory_space<vmem>>
    %dma_wait3A_85 = arith.constant 0 : i32
    %dma_wait3A_86 = tpu.memref_slice %arg9[%dma_wait3A, %dma_wait3A_85] : memref<4x128xi32, #tpu.memory_space<vmem>> -> memref<1x128xi32, #tpu.memory_space<vmem>>
    %dma_wait3A_87 = tpu.memref_squeeze %dma_wait3A_86 : memref<1x128xi32, #tpu.memory_space<vmem>> -> memref<128xi32, #tpu.memory_space<vmem>>
    %dma_wait3A_88 = arith.constant 0 : i32
    %dma_wait3A_89 = arith.constant 0 : i32
    %dma_wait3A_90 = tpu.memref_slice %arg4[%dma_wait3A_88, %dma_wait3A_89] : memref<10000x32xf32, #tpu.memory_space<hbm>> -> memref<10000x32xf32, #tpu.memory_space<hbm>>
    tpu.wait_indirect_dma semaphore(%arg16 : memref<!tpu.dma_semaphore, #tpu.memory_space<semaphore_mem>>) src(%dma_wait3A_90 : memref<10000x32xf32, #tpu.memory_space<hbm>>) dst(%dma_wait3A_84 : memref<128x32xf32, #tpu.memory_space<vmem>>)
    %dma_wait3A_91 = arith.constant 1 : i32
    %dma_wait3A_92 = arith.constant 128 : i32
    %dma_wait3A_93 = arith.constant 0 : i32
    %dma_wait3A_94 = tpu.memref_slice %arg11[%dma_wait3A_92, %dma_wait3A_93] : memref<512x32xf32, #tpu.memory_space<vmem>> -> memref<128x32xf32, #tpu.memory_space<vmem>>
    %dma_wait3A_95 = arith.constant 0 : i32
    %dma_wait3A_96 = tpu.memref_slice %arg9[%dma_wait3A_91, %dma_wait3A_95] : memref<4x128xi32, #tpu.memory_space<vmem>> -> memref<1x128xi32, #tpu.memory_space<vmem>>
    %dma_wait3A_97 = tpu.memref_squeeze %dma_wait3A_96 : memref<1x128xi32, #tpu.memory_space<vmem>> -> memref<128xi32, #tpu.memory_space<vmem>>
    %dma_wait3A_98 = arith.constant 0 : i32
    %dma_wait3A_99 = arith.constant 0 : i32
    %dma_wait3A_100 = tpu.memref_slice %arg4[%dma_wait3A_98, %dma_wait3A_99] : memref<10000x32xf32, #tpu.memory_space<hbm>> -> memref<10000x32xf32, #tpu.memory_space<hbm>>
    tpu.wait_indirect_dma semaphore(%arg16 : memref<!tpu.dma_semaphore, #tpu.memory_space<semaphore_mem>>) src(%dma_wait3A_100 : memref<10000x32xf32, #tpu.memory_space<hbm>>) dst(%dma_wait3A_94 : memref<128x32xf32, #tpu.memory_space<vmem>>)
    %dma_wait3A_101 = arith.constant 2 : i32
    %dma_wait3A_102 = arith.constant 256 : i32
    %dma_wait3A_103 = arith.constant 0 : i32
    %dma_wait3A_104 = tpu.memref_slice %arg11[%dma_wait3A_102, %dma_wait3A_103] : memref<512x32xf32, #tpu.memory_space<vmem>> -> memref<128x32xf32, #tpu.memory_space<vmem>>
    %dma_wait3A_105 = arith.constant 0 : i32
    %dma_wait3A_106 = tpu.memref_slice %arg9[%dma_wait3A_101, %dma_wait3A_105] : memref<4x128xi32, #tpu.memory_space<vmem>> -> memref<1x128xi32, #tpu.memory_space<vmem>>
    %dma_wait3A_107 = tpu.memref_squeeze %dma_wait3A_106 : memref<1x128xi32, #tpu.memory_space<vmem>> -> memref<128xi32, #tpu.memory_space<vmem>>
    %dma_wait3A_108 = arith.constant 0 : i32
    %dma_wait3A_109 = arith.constant 0 : i32
    %dma_wait3A_110 = tpu.memref_slice %arg4[%dma_wait3A_108, %dma_wait3A_109] : memref<10000x32xf32, #tpu.memory_space<hbm>> -> memref<10000x32xf32, #tpu.memory_space<hbm>>
    tpu.wait_indirect_dma semaphore(%arg16 : memref<!tpu.dma_semaphore, #tpu.memory_space<semaphore_mem>>) src(%dma_wait3A_110 : memref<10000x32xf32, #tpu.memory_space<hbm>>) dst(%dma_wait3A_104 : memref<128x32xf32, #tpu.memory_space<vmem>>)
    %dma_wait3A_111 = arith.constant 3 : i32
    %dma_wait3A_112 = arith.constant 384 : i32
    %dma_wait3A_113 = arith.constant 0 : i32
    %dma_wait3A_114 = tpu.memref_slice %arg11[%dma_wait3A_112, %dma_wait3A_113] : memref<512x32xf32, #tpu.memory_space<vmem>> -> memref<128x32xf32, #tpu.memory_space<vmem>>
    %dma_wait3A_115 = arith.constant 0 : i32
    %dma_wait3A_116 = tpu.memref_slice %arg9[%dma_wait3A_111, %dma_wait3A_115] : memref<4x128xi32, #tpu.memory_space<vmem>> -> memref<1x128xi32, #tpu.memory_space<vmem>>
    %dma_wait3A_117 = tpu.memref_squeeze %dma_wait3A_116 : memref<1x128xi32, #tpu.memory_space<vmem>> -> memref<128xi32, #tpu.memory_space<vmem>>
    %dma_wait3A_118 = arith.constant 0 : i32
    %dma_wait3A_119 = arith.constant 0 : i32
    %dma_wait3A_120 = tpu.memref_slice %arg4[%dma_wait3A_118, %dma_wait3A_119] : memref<10000x32xf32, #tpu.memory_space<hbm>> -> memref<10000x32xf32, #tpu.memory_space<hbm>>
    tpu.wait_indirect_dma semaphore(%arg16 : memref<!tpu.dma_semaphore, #tpu.memory_space<semaphore_mem>>) src(%dma_wait3A_120 : memref<10000x32xf32, #tpu.memory_space<hbm>>) dst(%dma_wait3A_114 : memref<128x32xf32, #tpu.memory_space<vmem>>)
    %dma_wait3A_121 = arith.constant 0 : i32
    %dma_wait3A_122 = arith.constant 0 : i32
    %dma_wait3A_123 = arith.constant 0 : i32
    %dma_wait3A_124 = tpu.memref_slice %arg12[%dma_wait3A_122, %dma_wait3A_123] : memref<512x32xf32, #tpu.memory_space<vmem>> -> memref<128x32xf32, #tpu.memory_space<vmem>>
    %dma_wait3A_125 = arith.constant 0 : i32
    %dma_wait3A_126 = tpu.memref_slice %arg10[%dma_wait3A_121, %dma_wait3A_125] : memref<4x128xi32, #tpu.memory_space<vmem>> -> memref<1x128xi32, #tpu.memory_space<vmem>>
    %dma_wait3A_127 = tpu.memref_squeeze %dma_wait3A_126 : memref<1x128xi32, #tpu.memory_space<vmem>> -> memref<128xi32, #tpu.memory_space<vmem>>
    %dma_wait3A_128 = arith.constant 0 : i32
    %dma_wait3A_129 = arith.constant 0 : i32
    %dma_wait3A_130 = tpu.memref_slice %arg5[%dma_wait3A_128, %dma_wait3A_129] : memref<5000x32xf32, #tpu.memory_space<hbm>> -> memref<5000x32xf32, #tpu.memory_space<hbm>>
    tpu.wait_indirect_dma semaphore(%arg16 : memref<!tpu.dma_semaphore, #tpu.memory_space<semaphore_mem>>) src(%dma_wait3A_130 : memref<5000x32xf32, #tpu.memory_space<hbm>>) dst(%dma_wait3A_124 : memref<128x32xf32, #tpu.memory_space<vmem>>)
    %dma_wait3A_131 = arith.constant 1 : i32
    %dma_wait3A_132 = arith.constant 128 : i32
    %dma_wait3A_133 = arith.constant 0 : i32
    %dma_wait3A_134 = tpu.memref_slice %arg12[%dma_wait3A_132, %dma_wait3A_133] : memref<512x32xf32, #tpu.memory_space<vmem>> -> memref<128x32xf32, #tpu.memory_space<vmem>>
    %dma_wait3A_135 = arith.constant 0 : i32
    %dma_wait3A_136 = tpu.memref_slice %arg10[%dma_wait3A_131, %dma_wait3A_135] : memref<4x128xi32, #tpu.memory_space<vmem>> -> memref<1x128xi32, #tpu.memory_space<vmem>>
    %dma_wait3A_137 = tpu.memref_squeeze %dma_wait3A_136 : memref<1x128xi32, #tpu.memory_space<vmem>> -> memref<128xi32, #tpu.memory_space<vmem>>
    %dma_wait3A_138 = arith.constant 0 : i32
    %dma_wait3A_139 = arith.constant 0 : i32
    %dma_wait3A_140 = tpu.memref_slice %arg5[%dma_wait3A_138, %dma_wait3A_139] : memref<5000x32xf32, #tpu.memory_space<hbm>> -> memref<5000x32xf32, #tpu.memory_space<hbm>>
    tpu.wait_indirect_dma semaphore(%arg16 : memref<!tpu.dma_semaphore, #tpu.memory_space<semaphore_mem>>) src(%dma_wait3A_140 : memref<5000x32xf32, #tpu.memory_space<hbm>>) dst(%dma_wait3A_134 : memref<128x32xf32, #tpu.memory_space<vmem>>)
    %dma_wait3A_141 = arith.constant 2 : i32
    %dma_wait3A_142 = arith.constant 256 : i32
    %dma_wait3A_143 = arith.constant 0 : i32
    %dma_wait3A_144 = tpu.memref_slice %arg12[%dma_wait3A_142, %dma_wait3A_143] : memref<512x32xf32, #tpu.memory_space<vmem>> -> memref<128x32xf32, #tpu.memory_space<vmem>>
    %dma_wait3A_145 = arith.constant 0 : i32
    %dma_wait3A_146 = tpu.memref_slice %arg10[%dma_wait3A_141, %dma_wait3A_145] : memref<4x128xi32, #tpu.memory_space<vmem>> -> memref<1x128xi32, #tpu.memory_space<vmem>>
    %dma_wait3A_147 = tpu.memref_squeeze %dma_wait3A_146 : memref<1x128xi32, #tpu.memory_space<vmem>> -> memref<128xi32, #tpu.memory_space<vmem>>
    %dma_wait3A_148 = arith.constant 0 : i32
    %dma_wait3A_149 = arith.constant 0 : i32
    %dma_wait3A_150 = tpu.memref_slice %arg5[%dma_wait3A_148, %dma_wait3A_149] : memref<5000x32xf32, #tpu.memory_space<hbm>> -> memref<5000x32xf32, #tpu.memory_space<hbm>>
    tpu.wait_indirect_dma semaphore(%arg16 : memref<!tpu.dma_semaphore, #tpu.memory_space<semaphore_mem>>) src(%dma_wait3A_150 : memref<5000x32xf32, #tpu.memory_space<hbm>>) dst(%dma_wait3A_144 : memref<128x32xf32, #tpu.memory_space<vmem>>)
    %dma_wait3A_151 = arith.constant 3 : i32
    %dma_wait3A_152 = arith.constant 384 : i32
    %dma_wait3A_153 = arith.constant 0 : i32
    %dma_wait3A_154 = tpu.memref_slice %arg12[%dma_wait3A_152, %dma_wait3A_153] : memref<512x32xf32, #tpu.memory_space<vmem>> -> memref<128x32xf32, #tpu.memory_space<vmem>>
    %dma_wait3A_155 = arith.constant 0 : i32
    %dma_wait3A_156 = tpu.memref_slice %arg10[%dma_wait3A_151, %dma_wait3A_155] : memref<4x128xi32, #tpu.memory_space<vmem>> -> memref<1x128xi32, #tpu.memory_space<vmem>>
    %dma_wait3A_157 = tpu.memref_squeeze %dma_wait3A_156 : memref<1x128xi32, #tpu.memory_space<vmem>> -> memref<128xi32, #tpu.memory_space<vmem>>
    %dma_wait3A_158 = arith.constant 0 : i32
    %dma_wait3A_159 = arith.constant 0 : i32
    %dma_wait3A_160 = tpu.memref_slice %arg5[%dma_wait3A_158, %dma_wait3A_159] : memref<5000x32xf32, #tpu.memory_space<hbm>> -> memref<5000x32xf32, #tpu.memory_space<hbm>>
    tpu.wait_indirect_dma semaphore(%arg16 : memref<!tpu.dma_semaphore, #tpu.memory_space<semaphore_mem>>) src(%dma_wait3A_160 : memref<5000x32xf32, #tpu.memory_space<hbm>>) dst(%dma_wait3A_154 : memref<128x32xf32, #tpu.memory_space<vmem>>)
    %get3A = arith.constant 64 : index
    %get3A_161 = tpu.vector_load %arg13[%get3A] {strides = array<i32>} : memref<96xf32, #tpu.memory_space<vmem>>, vector<16xf32>,
    %get3A_162 = arith.constant 80 : index
    %get3A_163 = tpu.vector_load %arg13[%get3A_162] {strides = array<i32>} : memref<96xf32, #tpu.memory_space<vmem>>, vector<16xf32>,
    %broadcast_in_dim3A = arith.constant 0.000000e+00 : f32
    %broadcast_in_dim3A_164 = vector.broadcast %broadcast_in_dim3A : f32 to vector<16xf32>
    %iota3A = tpu.iota {dimensions = array<i32: 0>} : vector<16xi32>
    %eq3A = arith.constant 0 : i32
    %eq3A_165 = vector.broadcast %eq3A : i32 to vector<16xi32>
    %eq3A_166 = arith.cmpi eq, %iota3A, %eq3A_165 : vector<16xi32>
    %convert_element_type3A = arith.extui %eq3A_166 : vector<16xi1> to vector<16xi32>
    %convert_element_type3A_167 = arith.sitofp %convert_element_type3A : vector<16xi32> to vector<16xf32>
    %iota3A_168 = tpu.iota {dimensions = array<i32: 0>} : vector<16xi32>
    %eq3A_169 = arith.constant 1 : i32
    %eq3A_170 = vector.broadcast %eq3A_169 : i32 to vector<16xi32>
    %eq3A_171 = arith.cmpi eq, %iota3A_168, %eq3A_170 : vector<16xi32>
    %convert_element_type3A_172 = arith.extui %eq3A_171 : vector<16xi1> to vector<16xi32>
    %convert_element_type3A_173 = arith.sitofp %convert_element_type3A_172 : vector<16xi32> to vector<16xf32>
    %iota3A_174 = tpu.iota {dimensions = array<i32: 0>} : vector<16xi32>
    %eq3A_175 = arith.constant 2 : i32
    %eq3A_176 = vector.broadcast %eq3A_175 : i32 to vector<16xi32>
    %eq3A_177 = arith.cmpi eq, %iota3A_174, %eq3A_176 : vector<16xi32>
    %convert_element_type3A_178 = arith.extui %eq3A_177 : vector<16xi1> to vector<16xi32>
    %convert_element_type3A_179 = arith.sitofp %convert_element_type3A_178 : vector<16xi32> to vector<16xf32>
    %iota3A_180 = tpu.iota {dimensions = array<i32: 0>} : vector<16xi32>
    %eq3A_181 = arith.constant 3 : i32
    %eq3A_182 = vector.broadcast %eq3A_181 : i32 to vector<16xi32>
    %eq3A_183 = arith.cmpi eq, %iota3A_180, %eq3A_182 : vector<16xi32>
    %convert_element_type3A_184 = arith.extui %eq3A_183 : vector<16xi1> to vector<16xi32>
    %convert_element_type3A_185 = arith.sitofp %convert_element_type3A_184 : vector<16xi32> to vector<16xf32>
    %iota3A_186 = tpu.iota {dimensions = array<i32: 0>} : vector<16xi32>
    %eq3A_187 = arith.constant 4 : i32
    %eq3A_188 = vector.broadcast %eq3A_187 : i32 to vector<16xi32>
    %eq3A_189 = arith.cmpi eq, %iota3A_186, %eq3A_188 : vector<16xi32>
    %convert_element_type3A_190 = arith.extui %eq3A_189 : vector<16xi1> to vector<16xi32>
    %convert_element_type3A_191 = arith.sitofp %convert_element_type3A_190 : vector<16xi32> to vector<16xf32>
    %iota3A_192 = tpu.iota {dimensions = array<i32: 0>} : vector<16xi32>
    %eq3A_193 = arith.constant 5 : i32
    %eq3A_194 = vector.broadcast %eq3A_193 : i32 to vector<16xi32>
    %eq3A_195 = arith.cmpi eq, %iota3A_192, %eq3A_194 : vector<16xi32>
    %convert_element_type3A_196 = arith.extui %eq3A_195 : vector<16xi1> to vector<16xi32>
    %convert_element_type3A_197 = arith.sitofp %convert_element_type3A_196 : vector<16xi32> to vector<16xf32>
    %iota3A_198 = tpu.iota {dimensions = array<i32: 0>} : vector<16xi32>
    %eq3A_199 = arith.constant 6 : i32
    %eq3A_200 = vector.broadcast %eq3A_199 : i32 to vector<16xi32>
    %eq3A_201 = arith.cmpi eq, %iota3A_198, %eq3A_200 : vector<16xi32>
    %convert_element_type3A_202 = arith.extui %eq3A_201 : vector<16xi1> to vector<16xi32>
    %convert_element_type3A_203 = arith.sitofp %convert_element_type3A_202 : vector<16xi32> to vector<16xf32>
    %iota3A_204 = tpu.iota {dimensions = array<i32: 0>} : vector<16xi32>
    %eq3A_205 = arith.constant 7 : i32
    %eq3A_206 = vector.broadcast %eq3A_205 : i32 to vector<16xi32>
    %eq3A_207 = arith.cmpi eq, %iota3A_204, %eq3A_206 : vector<16xi32>
    %convert_element_type3A_208 = arith.extui %eq3A_207 : vector<16xi1> to vector<16xi32>
    %convert_element_type3A_209 = arith.sitofp %convert_element_type3A_208 : vector<16xi32> to vector<16xf32>
    %iota3A_210 = tpu.iota {dimensions = array<i32: 0>} : vector<16xi32>
    %eq3A_211 = arith.constant 8 : i32
    %eq3A_212 = vector.broadcast %eq3A_211 : i32 to vector<16xi32>
    %eq3A_213 = arith.cmpi eq, %iota3A_210, %eq3A_212 : vector<16xi32>
    %convert_element_type3A_214 = arith.extui %eq3A_213 : vector<16xi1> to vector<16xi32>
    %convert_element_type3A_215 = arith.sitofp %convert_element_type3A_214 : vector<16xi32> to vector<16xf32>
    %iota3A_216 = tpu.iota {dimensions = array<i32: 0>} : vector<16xi32>
    %eq3A_217 = arith.constant 9 : i32
    %eq3A_218 = vector.broadcast %eq3A_217 : i32 to vector<16xi32>
    %eq3A_219 = arith.cmpi eq, %iota3A_216, %eq3A_218 : vector<16xi32>
    %convert_element_type3A_220 = arith.extui %eq3A_219 : vector<16xi1> to vector<16xi32>
    %convert_element_type3A_221 = arith.sitofp %convert_element_type3A_220 : vector<16xi32> to vector<16xf32>
    %iota3A_222 = tpu.iota {dimensions = array<i32: 0>} : vector<16xi32>
    %eq3A_223 = arith.constant 10 : i32
    %eq3A_224 = vector.broadcast %eq3A_223 : i32 to vector<16xi32>
    %eq3A_225 = arith.cmpi eq, %iota3A_222, %eq3A_224 : vector<16xi32>
    %convert_element_type3A_226 = arith.extui %eq3A_225 : vector<16xi1> to vector<16xi32>
    %convert_element_type3A_227 = arith.sitofp %convert_element_type3A_226 : vector<16xi32> to vector<16xf32>
    %iota3A_228 = tpu.iota {dimensions = array<i32: 0>} : vector<16xi32>
    %eq3A_229 = arith.constant 11 : i32
    %eq3A_230 = vector.broadcast %eq3A_229 : i32 to vector<16xi32>
    %eq3A_231 = arith.cmpi eq, %iota3A_228, %eq3A_230 : vector<16xi32>
    %convert_element_type3A_232 = arith.extui %eq3A_231 : vector<16xi1> to vector<16xi32>
    %convert_element_type3A_233 = arith.sitofp %convert_element_type3A_232 : vector<16xi32> to vector<16xf32>
    %iota3A_234 = tpu.iota {dimensions = array<i32: 0>} : vector<16xi32>
    %eq3A_235 = arith.constant 12 : i32
    %eq3A_236 = vector.broadcast %eq3A_235 : i32 to vector<16xi32>
    %eq3A_237 = arith.cmpi eq, %iota3A_234, %eq3A_236 : vector<16xi32>
    %convert_element_type3A_238 = arith.extui %eq3A_237 : vector<16xi1> to vector<16xi32>
    %convert_element_type3A_239 = arith.sitofp %convert_element_type3A_238 : vector<16xi32> to vector<16xf32>
    %iota3A_240 = tpu.iota {dimensions = array<i32: 0>} : vector<16xi32>
    %eq3A_241 = arith.constant 13 : i32
    %eq3A_242 = vector.broadcast %eq3A_241 : i32 to vector<16xi32>
    %eq3A_243 = arith.cmpi eq, %iota3A_240, %eq3A_242 : vector<16xi32>
    %convert_element_type3A_244 = arith.extui %eq3A_243 : vector<16xi1> to vector<16xi32>
    %convert_element_type3A_245 = arith.sitofp %convert_element_type3A_244 : vector<16xi32> to vector<16xf32>
    %iota3A_246 = tpu.iota {dimensions = array<i32: 0>} : vector<16xi32>
    %eq3A_247 = arith.constant 14 : i32
    %eq3A_248 = vector.broadcast %eq3A_247 : i32 to vector<16xi32>
    %eq3A_249 = arith.cmpi eq, %iota3A_246, %eq3A_248 : vector<16xi32>
    %convert_element_type3A_250 = arith.extui %eq3A_249 : vector<16xi1> to vector<16xi32>
    %convert_element_type3A_251 = arith.sitofp %convert_element_type3A_250 : vector<16xi32> to vector<16xf32>
    %iota3A_252 = tpu.iota {dimensions = array<i32: 0>} : vector<16xi32>
    %eq3A_253 = arith.constant 15 : i32
    %eq3A_254 = vector.broadcast %eq3A_253 : i32 to vector<16xi32>
    %eq3A_255 = arith.cmpi eq, %iota3A_252, %eq3A_254 : vector<16xi32>
    %convert_element_type3A_256 = arith.extui %eq3A_255 : vector<16xi1> to vector<16xi32>
    %convert_element_type3A_257 = arith.sitofp %convert_element_type3A_256 : vector<16xi32> to vector<16xf32>
    %scan3A = arith.constant 0 : i32
    %scan3A_258 = arith.constant 0 : i32
    %scan3A_259 = arith.constant 32 : i32
    %scan3A_260 = arith.addi %scan3A_258, %scan3A_259 : i32
    %scan3A_261 = arith.constant 1 : i32
    scf.for %scan3A_265 = %scan3A_258 to %scan3A_260 step %scan3A_261  : i32 {
      %mul3A_266 = arith.constant 16 : i32
      %mul3A_267 = arith.muli %scan3A_265, %mul3A_266 : i32
      %get3A_268 = arith.index_cast %mul3A_267 : i32 to index
      %get3A_269 = tpu.vector_load %arg14[%get3A_268] {strides = array<i32>} : memref<512xf32, #tpu.memory_space<vmem>>, vector<16xf32>,
      %mul3A_270 = arith.constant 16 : i32
      %mul3A_271 = arith.muli %scan3A_265, %mul3A_270 : i32
      %add3A_272 = arith.constant 0 : i32
      %add3A_273 = arith.addi %mul3A_271, %add3A_272 : i32
      %get3A_274 = arith.index_cast %add3A_273 : i32 to index
      %get3A_275 = arith.constant 0 : index
      %get3A_276 = tpu.vector_load %arg11[%get3A_274, %get3A_275] {strides = array<i32>} : memref<512x32xf32, #tpu.memory_space<vmem>>, vector<16xf32>,
      %get3A_277 = arith.index_cast %add3A_273 : i32 to index
      %get3A_278 = arith.constant 0 : index
      %get3A_279 = tpu.vector_load %arg12[%get3A_277, %get3A_278] {strides = array<i32>} : memref<512x32xf32, #tpu.memory_space<vmem>>, vector<16xf32>,
      %mul3A_280 = arith.mulf %get3A_276, %get3A_279 : vector<16xf32>
      %bitcast3A = vector.bitcast %mul3A_280 : vector<16xf32> to vector<16xi32>
      %add3A_281 = arith.constant 32767 : i32
      %add3A_282 = vector.broadcast %add3A_281 : i32 to vector<16xi32>
      %add3A_283 = arith.addi %bitcast3A, %add3A_282 : vector<16xi32>
      %shift_right_arithmetic3A = arith.constant 16 : i32
      %shift_right_arithmetic3A_284 = vector.broadcast %shift_right_arithmetic3A : i32 to vector<16xi32>
      %shift_right_arithmetic3A_285 = arith.shrsi %bitcast3A, %shift_right_arithmetic3A_284 : vector<16xi32>
      %and3A = arith.constant 1 : i32
      %and3A_286 = vector.broadcast %and3A : i32 to vector<16xi32>
      %and3A_287 = arith.andi %shift_right_arithmetic3A_285, %and3A_286 : vector<16xi32>
      %add3A_288 = arith.addi %add3A_283, %and3A_287 : vector<16xi32>
      %and3A_289 = arith.constant -65536 : i32
      %and3A_290 = vector.broadcast %and3A_289 : i32 to vector<16xi32>
      %and3A_291 = arith.andi %add3A_288, %and3A_290 : vector<16xi32>
      %bitcast3A_292 = vector.bitcast %and3A_291 : vector<16xi32> to vector<16xf32>
      %mul3A_293 = arith.mulf %bitcast3A_292, %get3A_161 : vector<16xf32>
      %add3A_294 = arith.addf %broadcast_in_dim3A_164, %mul3A_293 : vector<16xf32>
      %get3A_295 = arith.index_cast %add3A_273 : i32 to index
      %get3A_296 = arith.constant 16 : index
      %get3A_297 = tpu.vector_load %arg11[%get3A_295, %get3A_296] {strides = array<i32>} : memref<512x32xf32, #tpu.memory_space<vmem>>, vector<16xf32>,
      %get3A_298 = arith.index_cast %add3A_273 : i32 to index
      %get3A_299 = arith.constant 16 : index
      %get3A_300 = tpu.vector_load %arg12[%get3A_298, %get3A_299] {strides = array<i32>} : memref<512x32xf32, #tpu.memory_space<vmem>>, vector<16xf32>,
      %mul3A_301 = arith.mulf %get3A_297, %get3A_300 : vector<16xf32>
      %bitcast3A_302 = vector.bitcast %mul3A_301 : vector<16xf32> to vector<16xi32>
      %add3A_303 = arith.constant 32767 : i32
      %add3A_304 = vector.broadcast %add3A_303 : i32 to vector<16xi32>
      %add3A_305 = arith.addi %bitcast3A_302, %add3A_304 : vector<16xi32>
      %shift_right_arithmetic3A_306 = arith.constant 16 : i32
      %shift_right_arithmetic3A_307 = vector.broadcast %shift_right_arithmetic3A_306 : i32 to vector<16xi32>
      %shift_right_arithmetic3A_308 = arith.shrsi %bitcast3A_302, %shift_right_arithmetic3A_307 : vector<16xi32>
      %and3A_309 = arith.constant 1 : i32
      %and3A_310 = vector.broadcast %and3A_309 : i32 to vector<16xi32>
      %and3A_311 = arith.andi %shift_right_arithmetic3A_308, %and3A_310 : vector<16xi32>
      %add3A_312 = arith.addi %add3A_305, %and3A_311 : vector<16xi32>
      %and3A_313 = arith.constant -65536 : i32
      %and3A_314 = vector.broadcast %and3A_313 : i32 to vector<16xi32>
      %and3A_315 = arith.andi %add3A_312, %and3A_314 : vector<16xi32>
      %bitcast3A_316 = vector.bitcast %and3A_315 : vector<16xi32> to vector<16xf32>
      %mul3A_317 = arith.mulf %bitcast3A_316, %get3A_163 : vector<16xf32>
      %add3A_318 = arith.addf %add3A_294, %mul3A_317 : vector<16xf32>
      %reduce_sum3A = arith.constant true
      %reduce_sum3A_319 = vector.broadcast %reduce_sum3A : i1 to vector<16xi1>
      %reduce_sum3A_320 = tpu.scan <sum>, %add3A_318 masked %reduce_sum3A_319 : vector<16xf32>, vector<16xi1> -> vector<16xf32>
      %reduce_sum3A_321 = vector.extract %reduce_sum3A_320[15] : f32 from vector<16xf32>
      %broadcast_in_dim3A_322 = vector.broadcast %reduce_sum3A_321 : f32 to vector<16xf32>
      %mul3A_323 = arith.mulf %broadcast_in_dim3A_322, %convert_element_type3A_167 : vector<16xf32>
      %add3A_324 = arith.addf %get3A_269, %mul3A_323 : vector<16xf32>
      %mul3A_325 = arith.constant 16 : i32
      %mul3A_326 = arith.muli %scan3A_265, %mul3A_325 : i32
      %add3A_327 = arith.constant 1 : i32
      %add3A_328 = arith.addi %mul3A_326, %add3A_327 : i32
      %get3A_329 = arith.index_cast %add3A_328 : i32 to index
      %get3A_330 = arith.constant 0 : index
      %get3A_331 = tpu.vector_load %arg11[%get3A_329, %get3A_330] {strides = array<i32>} : memref<512x32xf32, #tpu.memory_space<vmem>>, vector<16xf32>,
      %get3A_332 = arith.index_cast %add3A_328 : i32 to index
      %get3A_333 = arith.constant 0 : index
      %get3A_334 = tpu.vector_load %arg12[%get3A_332, %get3A_333] {strides = array<i32>} : memref<512x32xf32, #tpu.memory_space<vmem>>, vector<16xf32>,
      %mul3A_335 = arith.mulf %get3A_331, %get3A_334 : vector<16xf32>
      %bitcast3A_336 = vector.bitcast %mul3A_335 : vector<16xf32> to vector<16xi32>
      %add3A_337 = arith.constant 32767 : i32
      %add3A_338 = vector.broadcast %add3A_337 : i32 to vector<16xi32>
      %add3A_339 = arith.addi %bitcast3A_336, %add3A_338 : vector<16xi32>
      %shift_right_arithmetic3A_340 = arith.constant 16 : i32
      %shift_right_arithmetic3A_341 = vector.broadcast %shift_right_arithmetic3A_340 : i32 to vector<16xi32>
      %shift_right_arithmetic3A_342 = arith.shrsi %bitcast3A_336, %shift_right_arithmetic3A_341 : vector<16xi32>
      %and3A_343 = arith.constant 1 : i32
      %and3A_344 = vector.broadcast %and3A_343 : i32 to vector<16xi32>
      %and3A_345 = arith.andi %shift_right_arithmetic3A_342, %and3A_344 : vector<16xi32>
      %add3A_346 = arith.addi %add3A_339, %and3A_345 : vector<16xi32>
      %and3A_347 = arith.constant -65536 : i32
      %and3A_348 = vector.broadcast %and3A_347 : i32 to vector<16xi32>
      %and3A_349 = arith.andi %add3A_346, %and3A_348 : vector<16xi32>
      %bitcast3A_350 = vector.bitcast %and3A_349 : vector<16xi32> to vector<16xf32>
      %mul3A_351 = arith.mulf %bitcast3A_350, %get3A_161 : vector<16xf32>
      %add3A_352 = arith.addf %broadcast_in_dim3A_164, %mul3A_351 : vector<16xf32>
      %get3A_353 = arith.index_cast %add3A_328 : i32 to index
      %get3A_354 = arith.constant 16 : index
      %get3A_355 = tpu.vector_load %arg11[%get3A_353, %get3A_354] {strides = array<i32>} : memref<512x32xf32, #tpu.memory_space<vmem>>, vector<16xf32>,
      %get3A_356 = arith.index_cast %add3A_328 : i32 to index
      %get3A_357 = arith.constant 16 : index
      %get3A_358 = tpu.vector_load %arg12[%get3A_356, %get3A_357] {strides = array<i32>} : memref<512x32xf32, #tpu.memory_space<vmem>>, vector<16xf32>,
      %mul3A_359 = arith.mulf %get3A_355, %get3A_358 : vector<16xf32>
      %bitcast3A_360 = vector.bitcast %mul3A_359 : vector<16xf32> to vector<16xi32>
      %add3A_361 = arith.constant 32767 : i32
      %add3A_362 = vector.broadcast %add3A_361 : i32 to vector<16xi32>
      %add3A_363 = arith.addi %bitcast3A_360, %add3A_362 : vector<16xi32>
      %shift_right_arithmetic3A_364 = arith.constant 16 : i32
      %shift_right_arithmetic3A_365 = vector.broadcast %shift_right_arithmetic3A_364 : i32 to vector<16xi32>
      %shift_right_arithmetic3A_366 = arith.shrsi %bitcast3A_360, %shift_right_arithmetic3A_365 : vector<16xi32>
      %and3A_367 = arith.constant 1 : i32
      %and3A_368 = vector.broadcast %and3A_367 : i32 to vector<16xi32>
      %and3A_369 = arith.andi %shift_right_arithmetic3A_366, %and3A_368 : vector<16xi32>
      %add3A_370 = arith.addi %add3A_363, %and3A_369 : vector<16xi32>
      %and3A_371 = arith.constant -65536 : i32
      %and3A_372 = vector.broadcast %and3A_371 : i32 to vector<16xi32>
      %and3A_373 = arith.andi %add3A_370, %and3A_372 : vector<16xi32>
      %bitcast3A_374 = vector.bitcast %and3A_373 : vector<16xi32> to vector<16xf32>
      %mul3A_375 = arith.mulf %bitcast3A_374, %get3A_163 : vector<16xf32>
      %add3A_376 = arith.addf %add3A_352, %mul3A_375 : vector<16xf32>
      %reduce_sum3A_377 = arith.constant true
      %reduce_sum3A_378 = vector.broadcast %reduce_sum3A_377 : i1 to vector<16xi1>
      %reduce_sum3A_379 = tpu.scan <sum>, %add3A_376 masked %reduce_sum3A_378 : vector<16xf32>, vector<16xi1> -> vector<16xf32>
      %reduce_sum3A_380 = vector.extract %reduce_sum3A_379[15] : f32 from vector<16xf32>
      %broadcast_in_dim3A_381 = vector.broadcast %reduce_sum3A_380 : f32 to vector<16xf32>
      %mul3A_382 = arith.mulf %broadcast_in_dim3A_381, %convert_element_type3A_173 : vector<16xf32>
      %add3A_383 = arith.addf %add3A_324, %mul3A_382 : vector<16xf32>
      %mul3A_384 = arith.constant 16 : i32
      %mul3A_385 = arith.muli %scan3A_265, %mul3A_384 : i32
      %add3A_386 = arith.constant 2 : i32
      %add3A_387 = arith.addi %mul3A_385, %add3A_386 : i32
      %get3A_388 = arith.index_cast %add3A_387 : i32 to index
      %get3A_389 = arith.constant 0 : index
      %get3A_390 = tpu.vector_load %arg11[%get3A_388, %get3A_389] {strides = array<i32>} : memref<512x32xf32, #tpu.memory_space<vmem>>, vector<16xf32>,
      %get3A_391 = arith.index_cast %add3A_387 : i32 to index
      %get3A_392 = arith.constant 0 : index
      %get3A_393 = tpu.vector_load %arg12[%get3A_391, %get3A_392] {strides = array<i32>} : memref<512x32xf32, #tpu.memory_space<vmem>>, vector<16xf32>,
      %mul3A_394 = arith.mulf %get3A_390, %get3A_393 : vector<16xf32>
      %bitcast3A_395 = vector.bitcast %mul3A_394 : vector<16xf32> to vector<16xi32>
      %add3A_396 = arith.constant 32767 : i32
      %add3A_397 = vector.broadcast %add3A_396 : i32 to vector<16xi32>
      %add3A_398 = arith.addi %bitcast3A_395, %add3A_397 : vector<16xi32>
      %shift_right_arithmetic3A_399 = arith.constant 16 : i32
      %shift_right_arithmetic3A_400 = vector.broadcast %shift_right_arithmetic3A_399 : i32 to vector<16xi32>
      %shift_right_arithmetic3A_401 = arith.shrsi %bitcast3A_395, %shift_right_arithmetic3A_400 : vector<16xi32>
      %and3A_402 = arith.constant 1 : i32
      %and3A_403 = vector.broadcast %and3A_402 : i32 to vector<16xi32>
      %and3A_404 = arith.andi %shift_right_arithmetic3A_401, %and3A_403 : vector<16xi32>
      %add3A_405 = arith.addi %add3A_398, %and3A_404 : vector<16xi32>
      %and3A_406 = arith.constant -65536 : i32
      %and3A_407 = vector.broadcast %and3A_406 : i32 to vector<16xi32>
      %and3A_408 = arith.andi %add3A_405, %and3A_407 : vector<16xi32>
      %bitcast3A_409 = vector.bitcast %and3A_408 : vector<16xi32> to vector<16xf32>
      %mul3A_410 = arith.mulf %bitcast3A_409, %get3A_161 : vector<16xf32>
      %add3A_411 = arith.addf %broadcast_in_dim3A_164, %mul3A_410 : vector<16xf32>
      %get3A_412 = arith.index_cast %add3A_387 : i32 to index
      %get3A_413 = arith.constant 16 : index
      %get3A_414 = tpu.vector_load %arg11[%get3A_412, %get3A_413] {strides = array<i32>} : memref<512x32xf32, #tpu.memory_space<vmem>>, vector<16xf32>,
      %get3A_415 = arith.index_cast %add3A_387 : i32 to index
      %get3A_416 = arith.constant 16 : index
      %get3A_417 = tpu.vector_load %arg12[%get3A_415, %get3A_416] {strides = array<i32>} : memref<512x32xf32, #tpu.memory_space<vmem>>, vector<16xf32>,
      %mul3A_418 = arith.mulf %get3A_414, %get3A_417 : vector<16xf32>
      %bitcast3A_419 = vector.bitcast %mul3A_418 : vector<16xf32> to vector<16xi32>
      %add3A_420 = arith.constant 32767 : i32
      %add3A_421 = vector.broadcast %add3A_420 : i32 to vector<16xi32>
      %add3A_422 = arith.addi %bitcast3A_419, %add3A_421 : vector<16xi32>
      %shift_right_arithmetic3A_423 = arith.constant 16 : i32
      %shift_right_arithmetic3A_424 = vector.broadcast %shift_right_arithmetic3A_423 : i32 to vector<16xi32>
      %shift_right_arithmetic3A_425 = arith.shrsi %bitcast3A_419, %shift_right_arithmetic3A_424 : vector<16xi32>
      %and3A_426 = arith.constant 1 : i32
      %and3A_427 = vector.broadcast %and3A_426 : i32 to vector<16xi32>
      %and3A_428 = arith.andi %shift_right_arithmetic3A_425, %and3A_427 : vector<16xi32>
      %add3A_429 = arith.addi %add3A_422, %and3A_428 : vector<16xi32>
      %and3A_430 = arith.constant -65536 : i32
      %and3A_431 = vector.broadcast %and3A_430 : i32 to vector<16xi32>
      %and3A_432 = arith.andi %add3A_429, %and3A_431 : vector<16xi32>
      %bitcast3A_433 = vector.bitcast %and3A_432 : vector<16xi32> to vector<16xf32>
      %mul3A_434 = arith.mulf %bitcast3A_433, %get3A_163 : vector<16xf32>
      %add3A_435 = arith.addf %add3A_411, %mul3A_434 : vector<16xf32>
      %reduce_sum3A_436 = arith.constant true
      %reduce_sum3A_437 = vector.broadcast %reduce_sum3A_436 : i1 to vector<16xi1>
      %reduce_sum3A_438 = tpu.scan <sum>, %add3A_435 masked %reduce_sum3A_437 : vector<16xf32>, vector<16xi1> -> vector<16xf32>
      %reduce_sum3A_439 = vector.extract %reduce_sum3A_438[15] : f32 from vector<16xf32>
      %broadcast_in_dim3A_440 = vector.broadcast %reduce_sum3A_439 : f32 to vector<16xf32>
      %mul3A_441 = arith.mulf %broadcast_in_dim3A_440, %convert_element_type3A_179 : vector<16xf32>
      %add3A_442 = arith.addf %add3A_383, %mul3A_441 : vector<16xf32>
      %mul3A_443 = arith.constant 16 : i32
      %mul3A_444 = arith.muli %scan3A_265, %mul3A_443 : i32
      %add3A_445 = arith.constant 3 : i32
      %add3A_446 = arith.addi %mul3A_444, %add3A_445 : i32
      %get3A_447 = arith.index_cast %add3A_446 : i32 to index
      %get3A_448 = arith.constant 0 : index
      %get3A_449 = tpu.vector_load %arg11[%get3A_447, %get3A_448] {strides = array<i32>} : memref<512x32xf32, #tpu.memory_space<vmem>>, vector<16xf32>,
      %get3A_450 = arith.index_cast %add3A_446 : i32 to index
      %get3A_451 = arith.constant 0 : index
      %get3A_452 = tpu.vector_load %arg12[%get3A_450, %get3A_451] {strides = array<i32>} : memref<512x32xf32, #tpu.memory_space<vmem>>, vector<16xf32>,
      %mul3A_453 = arith.mulf %get3A_449, %get3A_452 : vector<16xf32>
      %bitcast3A_454 = vector.bitcast %mul3A_453 : vector<16xf32> to vector<16xi32>
      %add3A_455 = arith.constant 32767 : i32
      %add3A_456 = vector.broadcast %add3A_455 : i32 to vector<16xi32>
      %add3A_457 = arith.addi %bitcast3A_454, %add3A_456 : vector<16xi32>
      %shift_right_arithmetic3A_458 = arith.constant 16 : i32
      %shift_right_arithmetic3A_459 = vector.broadcast %shift_right_arithmetic3A_458 : i32 to vector<16xi32>
      %shift_right_arithmetic3A_460 = arith.shrsi %bitcast3A_454, %shift_right_arithmetic3A_459 : vector<16xi32>
      %and3A_461 = arith.constant 1 : i32
      %and3A_462 = vector.broadcast %and3A_461 : i32 to vector<16xi32>
      %and3A_463 = arith.andi %shift_right_arithmetic3A_460, %and3A_462 : vector<16xi32>
      %add3A_464 = arith.addi %add3A_457, %and3A_463 : vector<16xi32>
      %and3A_465 = arith.constant -65536 : i32
      %and3A_466 = vector.broadcast %and3A_465 : i32 to vector<16xi32>
      %and3A_467 = arith.andi %add3A_464, %and3A_466 : vector<16xi32>
      %bitcast3A_468 = vector.bitcast %and3A_467 : vector<16xi32> to vector<16xf32>
      %mul3A_469 = arith.mulf %bitcast3A_468, %get3A_161 : vector<16xf32>
      %add3A_470 = arith.addf %broadcast_in_dim3A_164, %mul3A_469 : vector<16xf32>
      %get3A_471 = arith.index_cast %add3A_446 : i32 to index
      %get3A_472 = arith.constant 16 : index
      %get3A_473 = tpu.vector_load %arg11[%get3A_471, %get3A_472] {strides = array<i32>} : memref<512x32xf32, #tpu.memory_space<vmem>>, vector<16xf32>,
      %get3A_474 = arith.index_cast %add3A_446 : i32 to index
      %get3A_475 = arith.constant 16 : index
      %get3A_476 = tpu.vector_load %arg12[%get3A_474, %get3A_475] {strides = array<i32>} : memref<512x32xf32, #tpu.memory_space<vmem>>, vector<16xf32>,
      %mul3A_477 = arith.mulf %get3A_473, %get3A_476 : vector<16xf32>
      %bitcast3A_478 = vector.bitcast %mul3A_477 : vector<16xf32> to vector<16xi32>
      %add3A_479 = arith.constant 32767 : i32
      %add3A_480 = vector.broadcast %add3A_479 : i32 to vector<16xi32>
      %add3A_481 = arith.addi %bitcast3A_478, %add3A_480 : vector<16xi32>
      %shift_right_arithmetic3A_482 = arith.constant 16 : i32
      %shift_right_arithmetic3A_483 = vector.broadcast %shift_right_arithmetic3A_482 : i32 to vector<16xi32>
      %shift_right_arithmetic3A_484 = arith.shrsi %bitcast3A_478, %shift_right_arithmetic3A_483 : vector<16xi32>
      %and3A_485 = arith.constant 1 : i32
      %and3A_486 = vector.broadcast %and3A_485 : i32 to vector<16xi32>
      %and3A_487 = arith.andi %shift_right_arithmetic3A_484, %and3A_486 : vector<16xi32>
      %add3A_488 = arith.addi %add3A_481, %and3A_487 : vector<16xi32>
      %and3A_489 = arith.constant -65536 : i32
      %and3A_490 = vector.broadcast %and3A_489 : i32 to vector<16xi32>
      %and3A_491 = arith.andi %add3A_488, %and3A_490 : vector<16xi32>
      %bitcast3A_492 = vector.bitcast %and3A_491 : vector<16xi32> to vector<16xf32>
      %mul3A_493 = arith.mulf %bitcast3A_492, %get3A_163 : vector<16xf32>
      %add3A_494 = arith.addf %add3A_470, %mul3A_493 : vector<16xf32>
      %reduce_sum3A_495 = arith.constant true
      %reduce_sum3A_496 = vector.broadcast %reduce_sum3A_495 : i1 to vector<16xi1>
      %reduce_sum3A_497 = tpu.scan <sum>, %add3A_494 masked %reduce_sum3A_496 : vector<16xf32>, vector<16xi1> -> vector<16xf32>
      %reduce_sum3A_498 = vector.extract %reduce_sum3A_497[15] : f32 from vector<16xf32>
      %broadcast_in_dim3A_499 = vector.broadcast %reduce_sum3A_498 : f32 to vector<16xf32>
      %mul3A_500 = arith.mulf %broadcast_in_dim3A_499, %convert_element_type3A_185 : vector<16xf32>
      %add3A_501 = arith.addf %add3A_442, %mul3A_500 : vector<16xf32>
      %mul3A_502 = arith.constant 16 : i32
      %mul3A_503 = arith.muli %scan3A_265, %mul3A_502 : i32
      %add3A_504 = arith.constant 4 : i32
      %add3A_505 = arith.addi %mul3A_503, %add3A_504 : i32
      %get3A_506 = arith.index_cast %add3A_505 : i32 to index
      %get3A_507 = arith.constant 0 : index
      %get3A_508 = tpu.vector_load %arg11[%get3A_506, %get3A_507] {strides = array<i32>} : memref<512x32xf32, #tpu.memory_space<vmem>>, vector<16xf32>,
      %get3A_509 = arith.index_cast %add3A_505 : i32 to index
      %get3A_510 = arith.constant 0 : index
      %get3A_511 = tpu.vector_load %arg12[%get3A_509, %get3A_510] {strides = array<i32>} : memref<512x32xf32, #tpu.memory_space<vmem>>, vector<16xf32>,
      %mul3A_512 = arith.mulf %get3A_508, %get3A_511 : vector<16xf32>
      %bitcast3A_513 = vector.bitcast %mul3A_512 : vector<16xf32> to vector<16xi32>
      %add3A_514 = arith.constant 32767 : i32
      %add3A_515 = vector.broadcast %add3A_514 : i32 to vector<16xi32>
      %add3A_516 = arith.addi %bitcast3A_513, %add3A_515 : vector<16xi32>
      %shift_right_arithmetic3A_517 = arith.constant 16 : i32
      %shift_right_arithmetic3A_518 = vector.broadcast %shift_right_arithmetic3A_517 : i32 to vector<16xi32>
      %shift_right_arithmetic3A_519 = arith.shrsi %bitcast3A_513, %shift_right_arithmetic3A_518 : vector<16xi32>
      %and3A_520 = arith.constant 1 : i32
      %and3A_521 = vector.broadcast %and3A_520 : i32 to vector<16xi32>
      %and3A_522 = arith.andi %shift_right_arithmetic3A_519, %and3A_521 : vector<16xi32>
      %add3A_523 = arith.addi %add3A_516, %and3A_522 : vector<16xi32>
      %and3A_524 = arith.constant -65536 : i32
      %and3A_525 = vector.broadcast %and3A_524 : i32 to vector<16xi32>
      %and3A_526 = arith.andi %add3A_523, %and3A_525 : vector<16xi32>
      %bitcast3A_527 = vector.bitcast %and3A_526 : vector<16xi32> to vector<16xf32>
      %mul3A_528 = arith.mulf %bitcast3A_527, %get3A_161 : vector<16xf32>
      %add3A_529 = arith.addf %broadcast_in_dim3A_164, %mul3A_528 : vector<16xf32>
      %get3A_530 = arith.index_cast %add3A_505 : i32 to index
      %get3A_531 = arith.constant 16 : index
      %get3A_532 = tpu.vector_load %arg11[%get3A_530, %get3A_531] {strides = array<i32>} : memref<512x32xf32, #tpu.memory_space<vmem>>, vector<16xf32>,
      %get3A_533 = arith.index_cast %add3A_505 : i32 to index
      %get3A_534 = arith.constant 16 : index
      %get3A_535 = tpu.vector_load %arg12[%get3A_533, %get3A_534] {strides = array<i32>} : memref<512x32xf32, #tpu.memory_space<vmem>>, vector<16xf32>,
      %mul3A_536 = arith.mulf %get3A_532, %get3A_535 : vector<16xf32>
      %bitcast3A_537 = vector.bitcast %mul3A_536 : vector<16xf32> to vector<16xi32>
      %add3A_538 = arith.constant 32767 : i32
      %add3A_539 = vector.broadcast %add3A_538 : i32 to vector<16xi32>
      %add3A_540 = arith.addi %bitcast3A_537, %add3A_539 : vector<16xi32>
      %shift_right_arithmetic3A_541 = arith.constant 16 : i32
      %shift_right_arithmetic3A_542 = vector.broadcast %shift_right_arithmetic3A_541 : i32 to vector<16xi32>
      %shift_right_arithmetic3A_543 = arith.shrsi %bitcast3A_537, %shift_right_arithmetic3A_542 : vector<16xi32>
      %and3A_544 = arith.constant 1 : i32
      %and3A_545 = vector.broadcast %and3A_544 : i32 to vector<16xi32>
      %and3A_546 = arith.andi %shift_right_arithmetic3A_543, %and3A_545 : vector<16xi32>
      %add3A_547 = arith.addi %add3A_540, %and3A_546 : vector<16xi32>
      %and3A_548 = arith.constant -65536 : i32
      %and3A_549 = vector.broadcast %and3A_548 : i32 to vector<16xi32>
      %and3A_550 = arith.andi %add3A_547, %and3A_549 : vector<16xi32>
      %bitcast3A_551 = vector.bitcast %and3A_550 : vector<16xi32> to vector<16xf32>
      %mul3A_552 = arith.mulf %bitcast3A_551, %get3A_163 : vector<16xf32>
      %add3A_553 = arith.addf %add3A_529, %mul3A_552 : vector<16xf32>
      %reduce_sum3A_554 = arith.constant true
      %reduce_sum3A_555 = vector.broadcast %reduce_sum3A_554 : i1 to vector<16xi1>
      %reduce_sum3A_556 = tpu.scan <sum>, %add3A_553 masked %reduce_sum3A_555 : vector<16xf32>, vector<16xi1> -> vector<16xf32>
      %reduce_sum3A_557 = vector.extract %reduce_sum3A_556[15] : f32 from vector<16xf32>
      %broadcast_in_dim3A_558 = vector.broadcast %reduce_sum3A_557 : f32 to vector<16xf32>
      %mul3A_559 = arith.mulf %broadcast_in_dim3A_558, %convert_element_type3A_191 : vector<16xf32>
      %add3A_560 = arith.addf %add3A_501, %mul3A_559 : vector<16xf32>
      %mul3A_561 = arith.constant 16 : i32
      %mul3A_562 = arith.muli %scan3A_265, %mul3A_561 : i32
      %add3A_563 = arith.constant 5 : i32
      %add3A_564 = arith.addi %mul3A_562, %add3A_563 : i32
      %get3A_565 = arith.index_cast %add3A_564 : i32 to index
      %get3A_566 = arith.constant 0 : index
      %get3A_567 = tpu.vector_load %arg11[%get3A_565, %get3A_566] {strides = array<i32>} : memref<512x32xf32, #tpu.memory_space<vmem>>, vector<16xf32>,
      %get3A_568 = arith.index_cast %add3A_564 : i32 to index
      %get3A_569 = arith.constant 0 : index
      %get3A_570 = tpu.vector_load %arg12[%get3A_568, %get3A_569] {strides = array<i32>} : memref<512x32xf32, #tpu.memory_space<vmem>>, vector<16xf32>,
      %mul3A_571 = arith.mulf %get3A_567, %get3A_570 : vector<16xf32>
      %bitcast3A_572 = vector.bitcast %mul3A_571 : vector<16xf32> to vector<16xi32>
      %add3A_573 = arith.constant 32767 : i32
      %add3A_574 = vector.broadcast %add3A_573 : i32 to vector<16xi32>
      %add3A_575 = arith.addi %bitcast3A_572, %add3A_574 : vector<16xi32>
      %shift_right_arithmetic3A_576 = arith.constant 16 : i32
      %shift_right_arithmetic3A_577 = vector.broadcast %shift_right_arithmetic3A_576 : i32 to vector<16xi32>
      %shift_right_arithmetic3A_578 = arith.shrsi %bitcast3A_572, %shift_right_arithmetic3A_577 : vector<16xi32>
      %and3A_579 = arith.constant 1 : i32
      %and3A_580 = vector.broadcast %and3A_579 : i32 to vector<16xi32>
      %and3A_581 = arith.andi %shift_right_arithmetic3A_578, %and3A_580 : vector<16xi32>
      %add3A_582 = arith.addi %add3A_575, %and3A_581 : vector<16xi32>
      %and3A_583 = arith.constant -65536 : i32
      %and3A_584 = vector.broadcast %and3A_583 : i32 to vector<16xi32>
      %and3A_585 = arith.andi %add3A_582, %and3A_584 : vector<16xi32>
      %bitcast3A_586 = vector.bitcast %and3A_585 : vector<16xi32> to vector<16xf32>
      %mul3A_587 = arith.mulf %bitcast3A_586, %get3A_161 : vector<16xf32>
      %add3A_588 = arith.addf %broadcast_in_dim3A_164, %mul3A_587 : vector<16xf32>
      %get3A_589 = arith.index_cast %add3A_564 : i32 to index
      %get3A_590 = arith.constant 16 : index
      %get3A_591 = tpu.vector_load %arg11[%get3A_589, %get3A_590] {strides = array<i32>} : memref<512x32xf32, #tpu.memory_space<vmem>>, vector<16xf32>,
      %get3A_592 = arith.index_cast %add3A_564 : i32 to index
      %get3A_593 = arith.constant 16 : index
      %get3A_594 = tpu.vector_load %arg12[%get3A_592, %get3A_593] {strides = array<i32>} : memref<512x32xf32, #tpu.memory_space<vmem>>, vector<16xf32>,
      %mul3A_595 = arith.mulf %get3A_591, %get3A_594 : vector<16xf32>
      %bitcast3A_596 = vector.bitcast %mul3A_595 : vector<16xf32> to vector<16xi32>
      %add3A_597 = arith.constant 32767 : i32
      %add3A_598 = vector.broadcast %add3A_597 : i32 to vector<16xi32>
      %add3A_599 = arith.addi %bitcast3A_596, %add3A_598 : vector<16xi32>
      %shift_right_arithmetic3A_600 = arith.constant 16 : i32
      %shift_right_arithmetic3A_601 = vector.broadcast %shift_right_arithmetic3A_600 : i32 to vector<16xi32>
      %shift_right_arithmetic3A_602 = arith.shrsi %bitcast3A_596, %shift_right_arithmetic3A_601 : vector<16xi32>
      %and3A_603 = arith.constant 1 : i32
      %and3A_604 = vector.broadcast %and3A_603 : i32 to vector<16xi32>
      %and3A_605 = arith.andi %shift_right_arithmetic3A_602, %and3A_604 : vector<16xi32>
      %add3A_606 = arith.addi %add3A_599, %and3A_605 : vector<16xi32>
      %and3A_607 = arith.constant -65536 : i32
      %and3A_608 = vector.broadcast %and3A_607 : i32 to vector<16xi32>
      %and3A_609 = arith.andi %add3A_606, %and3A_608 : vector<16xi32>
      %bitcast3A_610 = vector.bitcast %and3A_609 : vector<16xi32> to vector<16xf32>
      %mul3A_611 = arith.mulf %bitcast3A_610, %get3A_163 : vector<16xf32>
      %add3A_612 = arith.addf %add3A_588, %mul3A_611 : vector<16xf32>
      %reduce_sum3A_613 = arith.constant true
      %reduce_sum3A_614 = vector.broadcast %reduce_sum3A_613 : i1 to vector<16xi1>
      %reduce_sum3A_615 = tpu.scan <sum>, %add3A_612 masked %reduce_sum3A_614 : vector<16xf32>, vector<16xi1> -> vector<16xf32>
      %reduce_sum3A_616 = vector.extract %reduce_sum3A_615[15] : f32 from vector<16xf32>
      %broadcast_in_dim3A_617 = vector.broadcast %reduce_sum3A_616 : f32 to vector<16xf32>
      %mul3A_618 = arith.mulf %broadcast_in_dim3A_617, %convert_element_type3A_197 : vector<16xf32>
      %add3A_619 = arith.addf %add3A_560, %mul3A_618 : vector<16xf32>
      %mul3A_620 = arith.constant 16 : i32
      %mul3A_621 = arith.muli %scan3A_265, %mul3A_620 : i32
      %add3A_622 = arith.constant 6 : i32
      %add3A_623 = arith.addi %mul3A_621, %add3A_622 : i32
      %get3A_624 = arith.index_cast %add3A_623 : i32 to index
      %get3A_625 = arith.constant 0 : index
      %get3A_626 = tpu.vector_load %arg11[%get3A_624, %get3A_625] {strides = array<i32>} : memref<512x32xf32, #tpu.memory_space<vmem>>, vector<16xf32>,
      %get3A_627 = arith.index_cast %add3A_623 : i32 to index
      %get3A_628 = arith.constant 0 : index
      %get3A_629 = tpu.vector_load %arg12[%get3A_627, %get3A_628] {strides = array<i32>} : memref<512x32xf32, #tpu.memory_space<vmem>>, vector<16xf32>,
      %mul3A_630 = arith.mulf %get3A_626, %get3A_629 : vector<16xf32>
      %bitcast3A_631 = vector.bitcast %mul3A_630 : vector<16xf32> to vector<16xi32>
      %add3A_632 = arith.constant 32767 : i32
      %add3A_633 = vector.broadcast %add3A_632 : i32 to vector<16xi32>
      %add3A_634 = arith.addi %bitcast3A_631, %add3A_633 : vector<16xi32>
      %shift_right_arithmetic3A_635 = arith.constant 16 : i32
      %shift_right_arithmetic3A_636 = vector.broadcast %shift_right_arithmetic3A_635 : i32 to vector<16xi32>
      %shift_right_arithmetic3A_637 = arith.shrsi %bitcast3A_631, %shift_right_arithmetic3A_636 : vector<16xi32>
      %and3A_638 = arith.constant 1 : i32
      %and3A_639 = vector.broadcast %and3A_638 : i32 to vector<16xi32>
      %and3A_640 = arith.andi %shift_right_arithmetic3A_637, %and3A_639 : vector<16xi32>
      %add3A_641 = arith.addi %add3A_634, %and3A_640 : vector<16xi32>
      %and3A_642 = arith.constant -65536 : i32
      %and3A_643 = vector.broadcast %and3A_642 : i32 to vector<16xi32>
      %and3A_644 = arith.andi %add3A_641, %and3A_643 : vector<16xi32>
      %bitcast3A_645 = vector.bitcast %and3A_644 : vector<16xi32> to vector<16xf32>
      %mul3A_646 = arith.mulf %bitcast3A_645, %get3A_161 : vector<16xf32>
      %add3A_647 = arith.addf %broadcast_in_dim3A_164, %mul3A_646 : vector<16xf32>
      %get3A_648 = arith.index_cast %add3A_623 : i32 to index
      %get3A_649 = arith.constant 16 : index
      %get3A_650 = tpu.vector_load %arg11[%get3A_648, %get3A_649] {strides = array<i32>} : memref<512x32xf32, #tpu.memory_space<vmem>>, vector<16xf32>,
      %get3A_651 = arith.index_cast %add3A_623 : i32 to index
      %get3A_652 = arith.constant 16 : index
      %get3A_653 = tpu.vector_load %arg12[%get3A_651, %get3A_652] {strides = array<i32>} : memref<512x32xf32, #tpu.memory_space<vmem>>, vector<16xf32>,
      %mul3A_654 = arith.mulf %get3A_650, %get3A_653 : vector<16xf32>
      %bitcast3A_655 = vector.bitcast %mul3A_654 : vector<16xf32> to vector<16xi32>
      %add3A_656 = arith.constant 32767 : i32
      %add3A_657 = vector.broadcast %add3A_656 : i32 to vector<16xi32>
      %add3A_658 = arith.addi %bitcast3A_655, %add3A_657 : vector<16xi32>
      %shift_right_arithmetic3A_659 = arith.constant 16 : i32
      %shift_right_arithmetic3A_660 = vector.broadcast %shift_right_arithmetic3A_659 : i32 to vector<16xi32>
      %shift_right_arithmetic3A_661 = arith.shrsi %bitcast3A_655, %shift_right_arithmetic3A_660 : vector<16xi32>
      %and3A_662 = arith.constant 1 : i32
      %and3A_663 = vector.broadcast %and3A_662 : i32 to vector<16xi32>
      %and3A_664 = arith.andi %shift_right_arithmetic3A_661, %and3A_663 : vector<16xi32>
      %add3A_665 = arith.addi %add3A_658, %and3A_664 : vector<16xi32>
      %and3A_666 = arith.constant -65536 : i32
      %and3A_667 = vector.broadcast %and3A_666 : i32 to vector<16xi32>
      %and3A_668 = arith.andi %add3A_665, %and3A_667 : vector<16xi32>
      %bitcast3A_669 = vector.bitcast %and3A_668 : vector<16xi32> to vector<16xf32>
      %mul3A_670 = arith.mulf %bitcast3A_669, %get3A_163 : vector<16xf32>
      %add3A_671 = arith.addf %add3A_647, %mul3A_670 : vector<16xf32>
      %reduce_sum3A_672 = arith.constant true
      %reduce_sum3A_673 = vector.broadcast %reduce_sum3A_672 : i1 to vector<16xi1>
      %reduce_sum3A_674 = tpu.scan <sum>, %add3A_671 masked %reduce_sum3A_673 : vector<16xf32>, vector<16xi1> -> vector<16xf32>
      %reduce_sum3A_675 = vector.extract %reduce_sum3A_674[15] : f32 from vector<16xf32>
      %broadcast_in_dim3A_676 = vector.broadcast %reduce_sum3A_675 : f32 to vector<16xf32>
      %mul3A_677 = arith.mulf %broadcast_in_dim3A_676, %convert_element_type3A_203 : vector<16xf32>
      %add3A_678 = arith.addf %add3A_619, %mul3A_677 : vector<16xf32>
      %mul3A_679 = arith.constant 16 : i32
      %mul3A_680 = arith.muli %scan3A_265, %mul3A_679 : i32
      %add3A_681 = arith.constant 7 : i32
      %add3A_682 = arith.addi %mul3A_680, %add3A_681 : i32
      %get3A_683 = arith.index_cast %add3A_682 : i32 to index
      %get3A_684 = arith.constant 0 : index
      %get3A_685 = tpu.vector_load %arg11[%get3A_683, %get3A_684] {strides = array<i32>} : memref<512x32xf32, #tpu.memory_space<vmem>>, vector<16xf32>,
      %get3A_686 = arith.index_cast %add3A_682 : i32 to index
      %get3A_687 = arith.constant 0 : index
      %get3A_688 = tpu.vector_load %arg12[%get3A_686, %get3A_687] {strides = array<i32>} : memref<512x32xf32, #tpu.memory_space<vmem>>, vector<16xf32>,
      %mul3A_689 = arith.mulf %get3A_685, %get3A_688 : vector<16xf32>
      %bitcast3A_690 = vector.bitcast %mul3A_689 : vector<16xf32> to vector<16xi32>
      %add3A_691 = arith.constant 32767 : i32
      %add3A_692 = vector.broadcast %add3A_691 : i32 to vector<16xi32>
      %add3A_693 = arith.addi %bitcast3A_690, %add3A_692 : vector<16xi32>
      %shift_right_arithmetic3A_694 = arith.constant 16 : i32
      %shift_right_arithmetic3A_695 = vector.broadcast %shift_right_arithmetic3A_694 : i32 to vector<16xi32>
      %shift_right_arithmetic3A_696 = arith.shrsi %bitcast3A_690, %shift_right_arithmetic3A_695 : vector<16xi32>
      %and3A_697 = arith.constant 1 : i32
      %and3A_698 = vector.broadcast %and3A_697 : i32 to vector<16xi32>
      %and3A_699 = arith.andi %shift_right_arithmetic3A_696, %and3A_698 : vector<16xi32>
      %add3A_700 = arith.addi %add3A_693, %and3A_699 : vector<16xi32>
      %and3A_701 = arith.constant -65536 : i32
      %and3A_702 = vector.broadcast %and3A_701 : i32 to vector<16xi32>
      %and3A_703 = arith.andi %add3A_700, %and3A_702 : vector<16xi32>
      %bitcast3A_704 = vector.bitcast %and3A_703 : vector<16xi32> to vector<16xf32>
      %mul3A_705 = arith.mulf %bitcast3A_704, %get3A_161 : vector<16xf32>
      %add3A_706 = arith.addf %broadcast_in_dim3A_164, %mul3A_705 : vector<16xf32>
      %get3A_707 = arith.index_cast %add3A_682 : i32 to index
      %get3A_708 = arith.constant 16 : index
      %get3A_709 = tpu.vector_load %arg11[%get3A_707, %get3A_708] {strides = array<i32>} : memref<512x32xf32, #tpu.memory_space<vmem>>, vector<16xf32>,
      %get3A_710 = arith.index_cast %add3A_682 : i32 to index
      %get3A_711 = arith.constant 16 : index
      %get3A_712 = tpu.vector_load %arg12[%get3A_710, %get3A_711] {strides = array<i32>} : memref<512x32xf32, #tpu.memory_space<vmem>>, vector<16xf32>,
      %mul3A_713 = arith.mulf %get3A_709, %get3A_712 : vector<16xf32>
      %bitcast3A_714 = vector.bitcast %mul3A_713 : vector<16xf32> to vector<16xi32>
      %add3A_715 = arith.constant 32767 : i32
      %add3A_716 = vector.broadcast %add3A_715 : i32 to vector<16xi32>
      %add3A_717 = arith.addi %bitcast3A_714, %add3A_716 : vector<16xi32>
      %shift_right_arithmetic3A_718 = arith.constant 16 : i32
      %shift_right_arithmetic3A_719 = vector.broadcast %shift_right_arithmetic3A_718 : i32 to vector<16xi32>
      %shift_right_arithmetic3A_720 = arith.shrsi %bitcast3A_714, %shift_right_arithmetic3A_719 : vector<16xi32>
      %and3A_721 = arith.constant 1 : i32
      %and3A_722 = vector.broadcast %and3A_721 : i32 to vector<16xi32>
      %and3A_723 = arith.andi %shift_right_arithmetic3A_720, %and3A_722 : vector<16xi32>
      %add3A_724 = arith.addi %add3A_717, %and3A_723 : vector<16xi32>
      %and3A_725 = arith.constant -65536 : i32
      %and3A_726 = vector.broadcast %and3A_725 : i32 to vector<16xi32>
      %and3A_727 = arith.andi %add3A_724, %and3A_726 : vector<16xi32>
      %bitcast3A_728 = vector.bitcast %and3A_727 : vector<16xi32> to vector<16xf32>
      %mul3A_729 = arith.mulf %bitcast3A_728, %get3A_163 : vector<16xf32>
      %add3A_730 = arith.addf %add3A_706, %mul3A_729 : vector<16xf32>
      %reduce_sum3A_731 = arith.constant true
      %reduce_sum3A_732 = vector.broadcast %reduce_sum3A_731 : i1 to vector<16xi1>
      %reduce_sum3A_733 = tpu.scan <sum>, %add3A_730 masked %reduce_sum3A_732 : vector<16xf32>, vector<16xi1> -> vector<16xf32>
      %reduce_sum3A_734 = vector.extract %reduce_sum3A_733[15] : f32 from vector<16xf32>
      %broadcast_in_dim3A_735 = vector.broadcast %reduce_sum3A_734 : f32 to vector<16xf32>
      %mul3A_736 = arith.mulf %broadcast_in_dim3A_735, %convert_element_type3A_209 : vector<16xf32>
      %add3A_737 = arith.addf %add3A_678, %mul3A_736 : vector<16xf32>
      %mul3A_738 = arith.constant 16 : i32
      %mul3A_739 = arith.muli %scan3A_265, %mul3A_738 : i32
      %add3A_740 = arith.constant 8 : i32
      %add3A_741 = arith.addi %mul3A_739, %add3A_740 : i32
      %get3A_742 = arith.index_cast %add3A_741 : i32 to index
      %get3A_743 = arith.constant 0 : index
      %get3A_744 = tpu.vector_load %arg11[%get3A_742, %get3A_743] {strides = array<i32>} : memref<512x32xf32, #tpu.memory_space<vmem>>, vector<16xf32>,
      %get3A_745 = arith.index_cast %add3A_741 : i32 to index
      %get3A_746 = arith.constant 0 : index
      %get3A_747 = tpu.vector_load %arg12[%get3A_745, %get3A_746] {strides = array<i32>} : memref<512x32xf32, #tpu.memory_space<vmem>>, vector<16xf32>,
      %mul3A_748 = arith.mulf %get3A_744, %get3A_747 : vector<16xf32>
      %bitcast3A_749 = vector.bitcast %mul3A_748 : vector<16xf32> to vector<16xi32>
      %add3A_750 = arith.constant 32767 : i32
      %add3A_751 = vector.broadcast %add3A_750 : i32 to vector<16xi32>
      %add3A_752 = arith.addi %bitcast3A_749, %add3A_751 : vector<16xi32>
      %shift_right_arithmetic3A_753 = arith.constant 16 : i32
      %shift_right_arithmetic3A_754 = vector.broadcast %shift_right_arithmetic3A_753 : i32 to vector<16xi32>
      %shift_right_arithmetic3A_755 = arith.shrsi %bitcast3A_749, %shift_right_arithmetic3A_754 : vector<16xi32>
      %and3A_756 = arith.constant 1 : i32
      %and3A_757 = vector.broadcast %and3A_756 : i32 to vector<16xi32>
      %and3A_758 = arith.andi %shift_right_arithmetic3A_755, %and3A_757 : vector<16xi32>
      %add3A_759 = arith.addi %add3A_752, %and3A_758 : vector<16xi32>
      %and3A_760 = arith.constant -65536 : i32
      %and3A_761 = vector.broadcast %and3A_760 : i32 to vector<16xi32>
      %and3A_762 = arith.andi %add3A_759, %and3A_761 : vector<16xi32>
      %bitcast3A_763 = vector.bitcast %and3A_762 : vector<16xi32> to vector<16xf32>
      %mul3A_764 = arith.mulf %bitcast3A_763, %get3A_161 : vector<16xf32>
      %add3A_765 = arith.addf %broadcast_in_dim3A_164, %mul3A_764 : vector<16xf32>
      %get3A_766 = arith.index_cast %add3A_741 : i32 to index
      %get3A_767 = arith.constant 16 : index
      %get3A_768 = tpu.vector_load %arg11[%get3A_766, %get3A_767] {strides = array<i32>} : memref<512x32xf32, #tpu.memory_space<vmem>>, vector<16xf32>,
      %get3A_769 = arith.index_cast %add3A_741 : i32 to index
      %get3A_770 = arith.constant 16 : index
      %get3A_771 = tpu.vector_load %arg12[%get3A_769, %get3A_770] {strides = array<i32>} : memref<512x32xf32, #tpu.memory_space<vmem>>, vector<16xf32>,
      %mul3A_772 = arith.mulf %get3A_768, %get3A_771 : vector<16xf32>
      %bitcast3A_773 = vector.bitcast %mul3A_772 : vector<16xf32> to vector<16xi32>
      %add3A_774 = arith.constant 32767 : i32
      %add3A_775 = vector.broadcast %add3A_774 : i32 to vector<16xi32>
      %add3A_776 = arith.addi %bitcast3A_773, %add3A_775 : vector<16xi32>
      %shift_right_arithmetic3A_777 = arith.constant 16 : i32
      %shift_right_arithmetic3A_778 = vector.broadcast %shift_right_arithmetic3A_777 : i32 to vector<16xi32>
      %shift_right_arithmetic3A_779 = arith.shrsi %bitcast3A_773, %shift_right_arithmetic3A_778 : vector<16xi32>
      %and3A_780 = arith.constant 1 : i32
      %and3A_781 = vector.broadcast %and3A_780 : i32 to vector<16xi32>
      %and3A_782 = arith.andi %shift_right_arithmetic3A_779, %and3A_781 : vector<16xi32>
      %add3A_783 = arith.addi %add3A_776, %and3A_782 : vector<16xi32>
      %and3A_784 = arith.constant -65536 : i32
      %and3A_785 = vector.broadcast %and3A_784 : i32 to vector<16xi32>
      %and3A_786 = arith.andi %add3A_783, %and3A_785 : vector<16xi32>
      %bitcast3A_787 = vector.bitcast %and3A_786 : vector<16xi32> to vector<16xf32>
      %mul3A_788 = arith.mulf %bitcast3A_787, %get3A_163 : vector<16xf32>
      %add3A_789 = arith.addf %add3A_765, %mul3A_788 : vector<16xf32>
      %reduce_sum3A_790 = arith.constant true
      %reduce_sum3A_791 = vector.broadcast %reduce_sum3A_790 : i1 to vector<16xi1>
      %reduce_sum3A_792 = tpu.scan <sum>, %add3A_789 masked %reduce_sum3A_791 : vector<16xf32>, vector<16xi1> -> vector<16xf32>
      %reduce_sum3A_793 = vector.extract %reduce_sum3A_792[15] : f32 from vector<16xf32>
      %broadcast_in_dim3A_794 = vector.broadcast %reduce_sum3A_793 : f32 to vector<16xf32>
      %mul3A_795 = arith.mulf %broadcast_in_dim3A_794, %convert_element_type3A_215 : vector<16xf32>
      %add3A_796 = arith.addf %add3A_737, %mul3A_795 : vector<16xf32>
      %mul3A_797 = arith.constant 16 : i32
      %mul3A_798 = arith.muli %scan3A_265, %mul3A_797 : i32
      %add3A_799 = arith.constant 9 : i32
      %add3A_800 = arith.addi %mul3A_798, %add3A_799 : i32
      %get3A_801 = arith.index_cast %add3A_800 : i32 to index
      %get3A_802 = arith.constant 0 : index
      %get3A_803 = tpu.vector_load %arg11[%get3A_801, %get3A_802] {strides = array<i32>} : memref<512x32xf32, #tpu.memory_space<vmem>>, vector<16xf32>,
      %get3A_804 = arith.index_cast %add3A_800 : i32 to index
      %get3A_805 = arith.constant 0 : index
      %get3A_806 = tpu.vector_load %arg12[%get3A_804, %get3A_805] {strides = array<i32>} : memref<512x32xf32, #tpu.memory_space<vmem>>, vector<16xf32>,
      %mul3A_807 = arith.mulf %get3A_803, %get3A_806 : vector<16xf32>
      %bitcast3A_808 = vector.bitcast %mul3A_807 : vector<16xf32> to vector<16xi32>
      %add3A_809 = arith.constant 32767 : i32
      %add3A_810 = vector.broadcast %add3A_809 : i32 to vector<16xi32>
      %add3A_811 = arith.addi %bitcast3A_808, %add3A_810 : vector<16xi32>
      %shift_right_arithmetic3A_812 = arith.constant 16 : i32
      %shift_right_arithmetic3A_813 = vector.broadcast %shift_right_arithmetic3A_812 : i32 to vector<16xi32>
      %shift_right_arithmetic3A_814 = arith.shrsi %bitcast3A_808, %shift_right_arithmetic3A_813 : vector<16xi32>
      %and3A_815 = arith.constant 1 : i32
      %and3A_816 = vector.broadcast %and3A_815 : i32 to vector<16xi32>
      %and3A_817 = arith.andi %shift_right_arithmetic3A_814, %and3A_816 : vector<16xi32>
      %add3A_818 = arith.addi %add3A_811, %and3A_817 : vector<16xi32>
      %and3A_819 = arith.constant -65536 : i32
      %and3A_820 = vector.broadcast %and3A_819 : i32 to vector<16xi32>
      %and3A_821 = arith.andi %add3A_818, %and3A_820 : vector<16xi32>
      %bitcast3A_822 = vector.bitcast %and3A_821 : vector<16xi32> to vector<16xf32>
      %mul3A_823 = arith.mulf %bitcast3A_822, %get3A_161 : vector<16xf32>
      %add3A_824 = arith.addf %broadcast_in_dim3A_164, %mul3A_823 : vector<16xf32>
      %get3A_825 = arith.index_cast %add3A_800 : i32 to index
      %get3A_826 = arith.constant 16 : index
      %get3A_827 = tpu.vector_load %arg11[%get3A_825, %get3A_826] {strides = array<i32>} : memref<512x32xf32, #tpu.memory_space<vmem>>, vector<16xf32>,
      %get3A_828 = arith.index_cast %add3A_800 : i32 to index
      %get3A_829 = arith.constant 16 : index
      %get3A_830 = tpu.vector_load %arg12[%get3A_828, %get3A_829] {strides = array<i32>} : memref<512x32xf32, #tpu.memory_space<vmem>>, vector<16xf32>,
      %mul3A_831 = arith.mulf %get3A_827, %get3A_830 : vector<16xf32>
      %bitcast3A_832 = vector.bitcast %mul3A_831 : vector<16xf32> to vector<16xi32>
      %add3A_833 = arith.constant 32767 : i32
      %add3A_834 = vector.broadcast %add3A_833 : i32 to vector<16xi32>
      %add3A_835 = arith.addi %bitcast3A_832, %add3A_834 : vector<16xi32>
      %shift_right_arithmetic3A_836 = arith.constant 16 : i32
      %shift_right_arithmetic3A_837 = vector.broadcast %shift_right_arithmetic3A_836 : i32 to vector<16xi32>
      %shift_right_arithmetic3A_838 = arith.shrsi %bitcast3A_832, %shift_right_arithmetic3A_837 : vector<16xi32>
      %and3A_839 = arith.constant 1 : i32
      %and3A_840 = vector.broadcast %and3A_839 : i32 to vector<16xi32>
      %and3A_841 = arith.andi %shift_right_arithmetic3A_838, %and3A_840 : vector<16xi32>
      %add3A_842 = arith.addi %add3A_835, %and3A_841 : vector<16xi32>
      %and3A_843 = arith.constant -65536 : i32
      %and3A_844 = vector.broadcast %and3A_843 : i32 to vector<16xi32>
      %and3A_845 = arith.andi %add3A_842, %and3A_844 : vector<16xi32>
      %bitcast3A_846 = vector.bitcast %and3A_845 : vector<16xi32> to vector<16xf32>
      %mul3A_847 = arith.mulf %bitcast3A_846, %get3A_163 : vector<16xf32>
      %add3A_848 = arith.addf %add3A_824, %mul3A_847 : vector<16xf32>
      %reduce_sum3A_849 = arith.constant true
      %reduce_sum3A_850 = vector.broadcast %reduce_sum3A_849 : i1 to vector<16xi1>
      %reduce_sum3A_851 = tpu.scan <sum>, %add3A_848 masked %reduce_sum3A_850 : vector<16xf32>, vector<16xi1> -> vector<16xf32>
      %reduce_sum3A_852 = vector.extract %reduce_sum3A_851[15] : f32 from vector<16xf32>
      %broadcast_in_dim3A_853 = vector.broadcast %reduce_sum3A_852 : f32 to vector<16xf32>
      %mul3A_854 = arith.mulf %broadcast_in_dim3A_853, %convert_element_type3A_221 : vector<16xf32>
      %add3A_855 = arith.addf %add3A_796, %mul3A_854 : vector<16xf32>
      %mul3A_856 = arith.constant 16 : i32
      %mul3A_857 = arith.muli %scan3A_265, %mul3A_856 : i32
      %add3A_858 = arith.constant 10 : i32
      %add3A_859 = arith.addi %mul3A_857, %add3A_858 : i32
      %get3A_860 = arith.index_cast %add3A_859 : i32 to index
      %get3A_861 = arith.constant 0 : index
      %get3A_862 = tpu.vector_load %arg11[%get3A_860, %get3A_861] {strides = array<i32>} : memref<512x32xf32, #tpu.memory_space<vmem>>, vector<16xf32>,
      %get3A_863 = arith.index_cast %add3A_859 : i32 to index
      %get3A_864 = arith.constant 0 : index
      %get3A_865 = tpu.vector_load %arg12[%get3A_863, %get3A_864] {strides = array<i32>} : memref<512x32xf32, #tpu.memory_space<vmem>>, vector<16xf32>,
      %mul3A_866 = arith.mulf %get3A_862, %get3A_865 : vector<16xf32>
      %bitcast3A_867 = vector.bitcast %mul3A_866 : vector<16xf32> to vector<16xi32>
      %add3A_868 = arith.constant 32767 : i32
      %add3A_869 = vector.broadcast %add3A_868 : i32 to vector<16xi32>
      %add3A_870 = arith.addi %bitcast3A_867, %add3A_869 : vector<16xi32>
      %shift_right_arithmetic3A_871 = arith.constant 16 : i32
      %shift_right_arithmetic3A_872 = vector.broadcast %shift_right_arithmetic3A_871 : i32 to vector<16xi32>
      %shift_right_arithmetic3A_873 = arith.shrsi %bitcast3A_867, %shift_right_arithmetic3A_872 : vector<16xi32>
      %and3A_874 = arith.constant 1 : i32
      %and3A_875 = vector.broadcast %and3A_874 : i32 to vector<16xi32>
      %and3A_876 = arith.andi %shift_right_arithmetic3A_873, %and3A_875 : vector<16xi32>
      %add3A_877 = arith.addi %add3A_870, %and3A_876 : vector<16xi32>
      %and3A_878 = arith.constant -65536 : i32
      %and3A_879 = vector.broadcast %and3A_878 : i32 to vector<16xi32>
      %and3A_880 = arith.andi %add3A_877, %and3A_879 : vector<16xi32>
      %bitcast3A_881 = vector.bitcast %and3A_880 : vector<16xi32> to vector<16xf32>
      %mul3A_882 = arith.mulf %bitcast3A_881, %get3A_161 : vector<16xf32>
      %add3A_883 = arith.addf %broadcast_in_dim3A_164, %mul3A_882 : vector<16xf32>
      %get3A_884 = arith.index_cast %add3A_859 : i32 to index
      %get3A_885 = arith.constant 16 : index
      %get3A_886 = tpu.vector_load %arg11[%get3A_884, %get3A_885] {strides = array<i32>} : memref<512x32xf32, #tpu.memory_space<vmem>>, vector<16xf32>,
      %get3A_887 = arith.index_cast %add3A_859 : i32 to index
      %get3A_888 = arith.constant 16 : index
      %get3A_889 = tpu.vector_load %arg12[%get3A_887, %get3A_888] {strides = array<i32>} : memref<512x32xf32, #tpu.memory_space<vmem>>, vector<16xf32>,
      %mul3A_890 = arith.mulf %get3A_886, %get3A_889 : vector<16xf32>
      %bitcast3A_891 = vector.bitcast %mul3A_890 : vector<16xf32> to vector<16xi32>
      %add3A_892 = arith.constant 32767 : i32
      %add3A_893 = vector.broadcast %add3A_892 : i32 to vector<16xi32>
      %add3A_894 = arith.addi %bitcast3A_891, %add3A_893 : vector<16xi32>
      %shift_right_arithmetic3A_895 = arith.constant 16 : i32
      %shift_right_arithmetic3A_896 = vector.broadcast %shift_right_arithmetic3A_895 : i32 to vector<16xi32>
      %shift_right_arithmetic3A_897 = arith.shrsi %bitcast3A_891, %shift_right_arithmetic3A_896 : vector<16xi32>
      %and3A_898 = arith.constant 1 : i32
      %and3A_899 = vector.broadcast %and3A_898 : i32 to vector<16xi32>
      %and3A_900 = arith.andi %shift_right_arithmetic3A_897, %and3A_899 : vector<16xi32>
      %add3A_901 = arith.addi %add3A_894, %and3A_900 : vector<16xi32>
      %and3A_902 = arith.constant -65536 : i32
      %and3A_903 = vector.broadcast %and3A_902 : i32 to vector<16xi32>
      %and3A_904 = arith.andi %add3A_901, %and3A_903 : vector<16xi32>
      %bitcast3A_905 = vector.bitcast %and3A_904 : vector<16xi32> to vector<16xf32>
      %mul3A_906 = arith.mulf %bitcast3A_905, %get3A_163 : vector<16xf32>
      %add3A_907 = arith.addf %add3A_883, %mul3A_906 : vector<16xf32>
      %reduce_sum3A_908 = arith.constant true
      %reduce_sum3A_909 = vector.broadcast %reduce_sum3A_908 : i1 to vector<16xi1>
      %reduce_sum3A_910 = tpu.scan <sum>, %add3A_907 masked %reduce_sum3A_909 : vector<16xf32>, vector<16xi1> -> vector<16xf32>
      %reduce_sum3A_911 = vector.extract %reduce_sum3A_910[15] : f32 from vector<16xf32>
      %broadcast_in_dim3A_912 = vector.broadcast %reduce_sum3A_911 : f32 to vector<16xf32>
      %mul3A_913 = arith.mulf %broadcast_in_dim3A_912, %convert_element_type3A_227 : vector<16xf32>
      %add3A_914 = arith.addf %add3A_855, %mul3A_913 : vector<16xf32>
      %mul3A_915 = arith.constant 16 : i32
      %mul3A_916 = arith.muli %scan3A_265, %mul3A_915 : i32
      %add3A_917 = arith.constant 11 : i32
      %add3A_918 = arith.addi %mul3A_916, %add3A_917 : i32
      %get3A_919 = arith.index_cast %add3A_918 : i32 to index
      %get3A_920 = arith.constant 0 : index
      %get3A_921 = tpu.vector_load %arg11[%get3A_919, %get3A_920] {strides = array<i32>} : memref<512x32xf32, #tpu.memory_space<vmem>>, vector<16xf32>,
      %get3A_922 = arith.index_cast %add3A_918 : i32 to index
      %get3A_923 = arith.constant 0 : index
      %get3A_924 = tpu.vector_load %arg12[%get3A_922, %get3A_923] {strides = array<i32>} : memref<512x32xf32, #tpu.memory_space<vmem>>, vector<16xf32>,
      %mul3A_925 = arith.mulf %get3A_921, %get3A_924 : vector<16xf32>
      %bitcast3A_926 = vector.bitcast %mul3A_925 : vector<16xf32> to vector<16xi32>
      %add3A_927 = arith.constant 32767 : i32
      %add3A_928 = vector.broadcast %add3A_927 : i32 to vector<16xi32>
      %add3A_929 = arith.addi %bitcast3A_926, %add3A_928 : vector<16xi32>
      %shift_right_arithmetic3A_930 = arith.constant 16 : i32
      %shift_right_arithmetic3A_931 = vector.broadcast %shift_right_arithmetic3A_930 : i32 to vector<16xi32>
      %shift_right_arithmetic3A_932 = arith.shrsi %bitcast3A_926, %shift_right_arithmetic3A_931 : vector<16xi32>
      %and3A_933 = arith.constant 1 : i32
      %and3A_934 = vector.broadcast %and3A_933 : i32 to vector<16xi32>
      %and3A_935 = arith.andi %shift_right_arithmetic3A_932, %and3A_934 : vector<16xi32>
      %add3A_936 = arith.addi %add3A_929, %and3A_935 : vector<16xi32>
      %and3A_937 = arith.constant -65536 : i32
      %and3A_938 = vector.broadcast %and3A_937 : i32 to vector<16xi32>
      %and3A_939 = arith.andi %add3A_936, %and3A_938 : vector<16xi32>
      %bitcast3A_940 = vector.bitcast %and3A_939 : vector<16xi32> to vector<16xf32>
      %mul3A_941 = arith.mulf %bitcast3A_940, %get3A_161 : vector<16xf32>
      %add3A_942 = arith.addf %broadcast_in_dim3A_164, %mul3A_941 : vector<16xf32>
      %get3A_943 = arith.index_cast %add3A_918 : i32 to index
      %get3A_944 = arith.constant 16 : index
      %get3A_945 = tpu.vector_load %arg11[%get3A_943, %get3A_944] {strides = array<i32>} : memref<512x32xf32, #tpu.memory_space<vmem>>, vector<16xf32>,
      %get3A_946 = arith.index_cast %add3A_918 : i32 to index
      %get3A_947 = arith.constant 16 : index
      %get3A_948 = tpu.vector_load %arg12[%get3A_946, %get3A_947] {strides = array<i32>} : memref<512x32xf32, #tpu.memory_space<vmem>>, vector<16xf32>,
      %mul3A_949 = arith.mulf %get3A_945, %get3A_948 : vector<16xf32>
      %bitcast3A_950 = vector.bitcast %mul3A_949 : vector<16xf32> to vector<16xi32>
      %add3A_951 = arith.constant 32767 : i32
      %add3A_952 = vector.broadcast %add3A_951 : i32 to vector<16xi32>
      %add3A_953 = arith.addi %bitcast3A_950, %add3A_952 : vector<16xi32>
      %shift_right_arithmetic3A_954 = arith.constant 16 : i32
      %shift_right_arithmetic3A_955 = vector.broadcast %shift_right_arithmetic3A_954 : i32 to vector<16xi32>
      %shift_right_arithmetic3A_956 = arith.shrsi %bitcast3A_950, %shift_right_arithmetic3A_955 : vector<16xi32>
      %and3A_957 = arith.constant 1 : i32
      %and3A_958 = vector.broadcast %and3A_957 : i32 to vector<16xi32>
      %and3A_959 = arith.andi %shift_right_arithmetic3A_956, %and3A_958 : vector<16xi32>
      %add3A_960 = arith.addi %add3A_953, %and3A_959 : vector<16xi32>
      %and3A_961 = arith.constant -65536 : i32
      %and3A_962 = vector.broadcast %and3A_961 : i32 to vector<16xi32>
      %and3A_963 = arith.andi %add3A_960, %and3A_962 : vector<16xi32>
      %bitcast3A_964 = vector.bitcast %and3A_963 : vector<16xi32> to vector<16xf32>
      %mul3A_965 = arith.mulf %bitcast3A_964, %get3A_163 : vector<16xf32>
      %add3A_966 = arith.addf %add3A_942, %mul3A_965 : vector<16xf32>
      %reduce_sum3A_967 = arith.constant true
      %reduce_sum3A_968 = vector.broadcast %reduce_sum3A_967 : i1 to vector<16xi1>
      %reduce_sum3A_969 = tpu.scan <sum>, %add3A_966 masked %reduce_sum3A_968 : vector<16xf32>, vector<16xi1> -> vector<16xf32>
      %reduce_sum3A_970 = vector.extract %reduce_sum3A_969[15] : f32 from vector<16xf32>
      %broadcast_in_dim3A_971 = vector.broadcast %reduce_sum3A_970 : f32 to vector<16xf32>
      %mul3A_972 = arith.mulf %broadcast_in_dim3A_971, %convert_element_type3A_233 : vector<16xf32>
      %add3A_973 = arith.addf %add3A_914, %mul3A_972 : vector<16xf32>
      %mul3A_974 = arith.constant 16 : i32
      %mul3A_975 = arith.muli %scan3A_265, %mul3A_974 : i32
      %add3A_976 = arith.constant 12 : i32
      %add3A_977 = arith.addi %mul3A_975, %add3A_976 : i32
      %get3A_978 = arith.index_cast %add3A_977 : i32 to index
      %get3A_979 = arith.constant 0 : index
      %get3A_980 = tpu.vector_load %arg11[%get3A_978, %get3A_979] {strides = array<i32>} : memref<512x32xf32, #tpu.memory_space<vmem>>, vector<16xf32>,
      %get3A_981 = arith.index_cast %add3A_977 : i32 to index
      %get3A_982 = arith.constant 0 : index
      %get3A_983 = tpu.vector_load %arg12[%get3A_981, %get3A_982] {strides = array<i32>} : memref<512x32xf32, #tpu.memory_space<vmem>>, vector<16xf32>,
      %mul3A_984 = arith.mulf %get3A_980, %get3A_983 : vector<16xf32>
      %bitcast3A_985 = vector.bitcast %mul3A_984 : vector<16xf32> to vector<16xi32>
      %add3A_986 = arith.constant 32767 : i32
      %add3A_987 = vector.broadcast %add3A_986 : i32 to vector<16xi32>
      %add3A_988 = arith.addi %bitcast3A_985, %add3A_987 : vector<16xi32>
      %shift_right_arithmetic3A_989 = arith.constant 16 : i32
      %shift_right_arithmetic3A_990 = vector.broadcast %shift_right_arithmetic3A_989 : i32 to vector<16xi32>
      %shift_right_arithmetic3A_991 = arith.shrsi %bitcast3A_985, %shift_right_arithmetic3A_990 : vector<16xi32>
      %and3A_992 = arith.constant 1 : i32
      %and3A_993 = vector.broadcast %and3A_992 : i32 to vector<16xi32>
      %and3A_994 = arith.andi %shift_right_arithmetic3A_991, %and3A_993 : vector<16xi32>
      %add3A_995 = arith.addi %add3A_988, %and3A_994 : vector<16xi32>
      %and3A_996 = arith.constant -65536 : i32
      %and3A_997 = vector.broadcast %and3A_996 : i32 to vector<16xi32>
      %and3A_998 = arith.andi %add3A_995, %and3A_997 : vector<16xi32>
      %bitcast3A_999 = vector.bitcast %and3A_998 : vector<16xi32> to vector<16xf32>
      %mul3A_1000 = arith.mulf %bitcast3A_999, %get3A_161 : vector<16xf32>
      %add3A_1001 = arith.addf %broadcast_in_dim3A_164, %mul3A_1000 : vector<16xf32>
      %get3A_1002 = arith.index_cast %add3A_977 : i32 to index
      %get3A_1003 = arith.constant 16 : index
      %get3A_1004 = tpu.vector_load %arg11[%get3A_1002, %get3A_1003] {strides = array<i32>} : memref<512x32xf32, #tpu.memory_space<vmem>>, vector<16xf32>,
      %get3A_1005 = arith.index_cast %add3A_977 : i32 to index
      %get3A_1006 = arith.constant 16 : index
      %get3A_1007 = tpu.vector_load %arg12[%get3A_1005, %get3A_1006] {strides = array<i32>} : memref<512x32xf32, #tpu.memory_space<vmem>>, vector<16xf32>,
      %mul3A_1008 = arith.mulf %get3A_1004, %get3A_1007 : vector<16xf32>
      %bitcast3A_1009 = vector.bitcast %mul3A_1008 : vector<16xf32> to vector<16xi32>
      %add3A_1010 = arith.constant 32767 : i32
      %add3A_1011 = vector.broadcast %add3A_1010 : i32 to vector<16xi32>
      %add3A_1012 = arith.addi %bitcast3A_1009, %add3A_1011 : vector<16xi32>
      %shift_right_arithmetic3A_1013 = arith.constant 16 : i32
      %shift_right_arithmetic3A_1014 = vector.broadcast %shift_right_arithmetic3A_1013 : i32 to vector<16xi32>
      %shift_right_arithmetic3A_1015 = arith.shrsi %bitcast3A_1009, %shift_right_arithmetic3A_1014 : vector<16xi32>
      %and3A_1016 = arith.constant 1 : i32
      %and3A_1017 = vector.broadcast %and3A_1016 : i32 to vector<16xi32>
      %and3A_1018 = arith.andi %shift_right_arithmetic3A_1015, %and3A_1017 : vector<16xi32>
      %add3A_1019 = arith.addi %add3A_1012, %and3A_1018 : vector<16xi32>
      %and3A_1020 = arith.constant -65536 : i32
      %and3A_1021 = vector.broadcast %and3A_1020 : i32 to vector<16xi32>
      %and3A_1022 = arith.andi %add3A_1019, %and3A_1021 : vector<16xi32>
      %bitcast3A_1023 = vector.bitcast %and3A_1022 : vector<16xi32> to vector<16xf32>
      %mul3A_1024 = arith.mulf %bitcast3A_1023, %get3A_163 : vector<16xf32>
      %add3A_1025 = arith.addf %add3A_1001, %mul3A_1024 : vector<16xf32>
      %reduce_sum3A_1026 = arith.constant true
      %reduce_sum3A_1027 = vector.broadcast %reduce_sum3A_1026 : i1 to vector<16xi1>
      %reduce_sum3A_1028 = tpu.scan <sum>, %add3A_1025 masked %reduce_sum3A_1027 : vector<16xf32>, vector<16xi1> -> vector<16xf32>
      %reduce_sum3A_1029 = vector.extract %reduce_sum3A_1028[15] : f32 from vector<16xf32>
      %broadcast_in_dim3A_1030 = vector.broadcast %reduce_sum3A_1029 : f32 to vector<16xf32>
      %mul3A_1031 = arith.mulf %broadcast_in_dim3A_1030, %convert_element_type3A_239 : vector<16xf32>
      %add3A_1032 = arith.addf %add3A_973, %mul3A_1031 : vector<16xf32>
      %mul3A_1033 = arith.constant 16 : i32
      %mul3A_1034 = arith.muli %scan3A_265, %mul3A_1033 : i32
      %add3A_1035 = arith.constant 13 : i32
      %add3A_1036 = arith.addi %mul3A_1034, %add3A_1035 : i32
      %get3A_1037 = arith.index_cast %add3A_1036 : i32 to index
      %get3A_1038 = arith.constant 0 : index
      %get3A_1039 = tpu.vector_load %arg11[%get3A_1037, %get3A_1038] {strides = array<i32>} : memref<512x32xf32, #tpu.memory_space<vmem>>, vector<16xf32>,
      %get3A_1040 = arith.index_cast %add3A_1036 : i32 to index
      %get3A_1041 = arith.constant 0 : index
      %get3A_1042 = tpu.vector_load %arg12[%get3A_1040, %get3A_1041] {strides = array<i32>} : memref<512x32xf32, #tpu.memory_space<vmem>>, vector<16xf32>,
      %mul3A_1043 = arith.mulf %get3A_1039, %get3A_1042 : vector<16xf32>
      %bitcast3A_1044 = vector.bitcast %mul3A_1043 : vector<16xf32> to vector<16xi32>
      %add3A_1045 = arith.constant 32767 : i32
      %add3A_1046 = vector.broadcast %add3A_1045 : i32 to vector<16xi32>
      %add3A_1047 = arith.addi %bitcast3A_1044, %add3A_1046 : vector<16xi32>
      %shift_right_arithmetic3A_1048 = arith.constant 16 : i32
      %shift_right_arithmetic3A_1049 = vector.broadcast %shift_right_arithmetic3A_1048 : i32 to vector<16xi32>
      %shift_right_arithmetic3A_1050 = arith.shrsi %bitcast3A_1044, %shift_right_arithmetic3A_1049 : vector<16xi32>
      %and3A_1051 = arith.constant 1 : i32
      %and3A_1052 = vector.broadcast %and3A_1051 : i32 to vector<16xi32>
      %and3A_1053 = arith.andi %shift_right_arithmetic3A_1050, %and3A_1052 : vector<16xi32>
      %add3A_1054 = arith.addi %add3A_1047, %and3A_1053 : vector<16xi32>
      %and3A_1055 = arith.constant -65536 : i32
      %and3A_1056 = vector.broadcast %and3A_1055 : i32 to vector<16xi32>
      %and3A_1057 = arith.andi %add3A_1054, %and3A_1056 : vector<16xi32>
      %bitcast3A_1058 = vector.bitcast %and3A_1057 : vector<16xi32> to vector<16xf32>
      %mul3A_1059 = arith.mulf %bitcast3A_1058, %get3A_161 : vector<16xf32>
      %add3A_1060 = arith.addf %broadcast_in_dim3A_164, %mul3A_1059 : vector<16xf32>
      %get3A_1061 = arith.index_cast %add3A_1036 : i32 to index
      %get3A_1062 = arith.constant 16 : index
      %get3A_1063 = tpu.vector_load %arg11[%get3A_1061, %get3A_1062] {strides = array<i32>} : memref<512x32xf32, #tpu.memory_space<vmem>>, vector<16xf32>,
      %get3A_1064 = arith.index_cast %add3A_1036 : i32 to index
      %get3A_1065 = arith.constant 16 : index
      %get3A_1066 = tpu.vector_load %arg12[%get3A_1064, %get3A_1065] {strides = array<i32>} : memref<512x32xf32, #tpu.memory_space<vmem>>, vector<16xf32>,
      %mul3A_1067 = arith.mulf %get3A_1063, %get3A_1066 : vector<16xf32>
      %bitcast3A_1068 = vector.bitcast %mul3A_1067 : vector<16xf32> to vector<16xi32>
      %add3A_1069 = arith.constant 32767 : i32
      %add3A_1070 = vector.broadcast %add3A_1069 : i32 to vector<16xi32>
      %add3A_1071 = arith.addi %bitcast3A_1068, %add3A_1070 : vector<16xi32>
      %shift_right_arithmetic3A_1072 = arith.constant 16 : i32
      %shift_right_arithmetic3A_1073 = vector.broadcast %shift_right_arithmetic3A_1072 : i32 to vector<16xi32>
      %shift_right_arithmetic3A_1074 = arith.shrsi %bitcast3A_1068, %shift_right_arithmetic3A_1073 : vector<16xi32>
      %and3A_1075 = arith.constant 1 : i32
      %and3A_1076 = vector.broadcast %and3A_1075 : i32 to vector<16xi32>
      %and3A_1077 = arith.andi %shift_right_arithmetic3A_1074, %and3A_1076 : vector<16xi32>
      %add3A_1078 = arith.addi %add3A_1071, %and3A_1077 : vector<16xi32>
      %and3A_1079 = arith.constant -65536 : i32
      %and3A_1080 = vector.broadcast %and3A_1079 : i32 to vector<16xi32>
      %and3A_1081 = arith.andi %add3A_1078, %and3A_1080 : vector<16xi32>
      %bitcast3A_1082 = vector.bitcast %and3A_1081 : vector<16xi32> to vector<16xf32>
      %mul3A_1083 = arith.mulf %bitcast3A_1082, %get3A_163 : vector<16xf32>
      %add3A_1084 = arith.addf %add3A_1060, %mul3A_1083 : vector<16xf32>
      %reduce_sum3A_1085 = arith.constant true
      %reduce_sum3A_1086 = vector.broadcast %reduce_sum3A_1085 : i1 to vector<16xi1>
      %reduce_sum3A_1087 = tpu.scan <sum>, %add3A_1084 masked %reduce_sum3A_1086 : vector<16xf32>, vector<16xi1> -> vector<16xf32>
      %reduce_sum3A_1088 = vector.extract %reduce_sum3A_1087[15] : f32 from vector<16xf32>
      %broadcast_in_dim3A_1089 = vector.broadcast %reduce_sum3A_1088 : f32 to vector<16xf32>
      %mul3A_1090 = arith.mulf %broadcast_in_dim3A_1089, %convert_element_type3A_245 : vector<16xf32>
      %add3A_1091 = arith.addf %add3A_1032, %mul3A_1090 : vector<16xf32>
      %mul3A_1092 = arith.constant 16 : i32
      %mul3A_1093 = arith.muli %scan3A_265, %mul3A_1092 : i32
      %add3A_1094 = arith.constant 14 : i32
      %add3A_1095 = arith.addi %mul3A_1093, %add3A_1094 : i32
      %get3A_1096 = arith.index_cast %add3A_1095 : i32 to index
      %get3A_1097 = arith.constant 0 : index
      %get3A_1098 = tpu.vector_load %arg11[%get3A_1096, %get3A_1097] {strides = array<i32>} : memref<512x32xf32, #tpu.memory_space<vmem>>, vector<16xf32>,
      %get3A_1099 = arith.index_cast %add3A_1095 : i32 to index
      %get3A_1100 = arith.constant 0 : index
      %get3A_1101 = tpu.vector_load %arg12[%get3A_1099, %get3A_1100] {strides = array<i32>} : memref<512x32xf32, #tpu.memory_space<vmem>>, vector<16xf32>,
      %mul3A_1102 = arith.mulf %get3A_1098, %get3A_1101 : vector<16xf32>
      %bitcast3A_1103 = vector.bitcast %mul3A_1102 : vector<16xf32> to vector<16xi32>
      %add3A_1104 = arith.constant 32767 : i32
      %add3A_1105 = vector.broadcast %add3A_1104 : i32 to vector<16xi32>
      %add3A_1106 = arith.addi %bitcast3A_1103, %add3A_1105 : vector<16xi32>
      %shift_right_arithmetic3A_1107 = arith.constant 16 : i32
      %shift_right_arithmetic3A_1108 = vector.broadcast %shift_right_arithmetic3A_1107 : i32 to vector<16xi32>
      %shift_right_arithmetic3A_1109 = arith.shrsi %bitcast3A_1103, %shift_right_arithmetic3A_1108 : vector<16xi32>
      %and3A_1110 = arith.constant 1 : i32
      %and3A_1111 = vector.broadcast %and3A_1110 : i32 to vector<16xi32>
      %and3A_1112 = arith.andi %shift_right_arithmetic3A_1109, %and3A_1111 : vector<16xi32>
      %add3A_1113 = arith.addi %add3A_1106, %and3A_1112 : vector<16xi32>
      %and3A_1114 = arith.constant -65536 : i32
      %and3A_1115 = vector.broadcast %and3A_1114 : i32 to vector<16xi32>
      %and3A_1116 = arith.andi %add3A_1113, %and3A_1115 : vector<16xi32>
      %bitcast3A_1117 = vector.bitcast %and3A_1116 : vector<16xi32> to vector<16xf32>
      %mul3A_1118 = arith.mulf %bitcast3A_1117, %get3A_161 : vector<16xf32>
      %add3A_1119 = arith.addf %broadcast_in_dim3A_164, %mul3A_1118 : vector<16xf32>
      %get3A_1120 = arith.index_cast %add3A_1095 : i32 to index
      %get3A_1121 = arith.constant 16 : index
      %get3A_1122 = tpu.vector_load %arg11[%get3A_1120, %get3A_1121] {strides = array<i32>} : memref<512x32xf32, #tpu.memory_space<vmem>>, vector<16xf32>,
      %get3A_1123 = arith.index_cast %add3A_1095 : i32 to index
      %get3A_1124 = arith.constant 16 : index
      %get3A_1125 = tpu.vector_load %arg12[%get3A_1123, %get3A_1124] {strides = array<i32>} : memref<512x32xf32, #tpu.memory_space<vmem>>, vector<16xf32>,
      %mul3A_1126 = arith.mulf %get3A_1122, %get3A_1125 : vector<16xf32>
      %bitcast3A_1127 = vector.bitcast %mul3A_1126 : vector<16xf32> to vector<16xi32>
      %add3A_1128 = arith.constant 32767 : i32
      %add3A_1129 = vector.broadcast %add3A_1128 : i32 to vector<16xi32>
      %add3A_1130 = arith.addi %bitcast3A_1127, %add3A_1129 : vector<16xi32>
      %shift_right_arithmetic3A_1131 = arith.constant 16 : i32
      %shift_right_arithmetic3A_1132 = vector.broadcast %shift_right_arithmetic3A_1131 : i32 to vector<16xi32>
      %shift_right_arithmetic3A_1133 = arith.shrsi %bitcast3A_1127, %shift_right_arithmetic3A_1132 : vector<16xi32>
      %and3A_1134 = arith.constant 1 : i32
      %and3A_1135 = vector.broadcast %and3A_1134 : i32 to vector<16xi32>
      %and3A_1136 = arith.andi %shift_right_arithmetic3A_1133, %and3A_1135 : vector<16xi32>
      %add3A_1137 = arith.addi %add3A_1130, %and3A_1136 : vector<16xi32>
      %and3A_1138 = arith.constant -65536 : i32
      %and3A_1139 = vector.broadcast %and3A_1138 : i32 to vector<16xi32>
      %and3A_1140 = arith.andi %add3A_1137, %and3A_1139 : vector<16xi32>
      %bitcast3A_1141 = vector.bitcast %and3A_1140 : vector<16xi32> to vector<16xf32>
      %mul3A_1142 = arith.mulf %bitcast3A_1141, %get3A_163 : vector<16xf32>
      %add3A_1143 = arith.addf %add3A_1119, %mul3A_1142 : vector<16xf32>
      %reduce_sum3A_1144 = arith.constant true
      %reduce_sum3A_1145 = vector.broadcast %reduce_sum3A_1144 : i1 to vector<16xi1>
      %reduce_sum3A_1146 = tpu.scan <sum>, %add3A_1143 masked %reduce_sum3A_1145 : vector<16xf32>, vector<16xi1> -> vector<16xf32>
      %reduce_sum3A_1147 = vector.extract %reduce_sum3A_1146[15] : f32 from vector<16xf32>
      %broadcast_in_dim3A_1148 = vector.broadcast %reduce_sum3A_1147 : f32 to vector<16xf32>
      %mul3A_1149 = arith.mulf %broadcast_in_dim3A_1148, %convert_element_type3A_251 : vector<16xf32>
      %add3A_1150 = arith.addf %add3A_1091, %mul3A_1149 : vector<16xf32>
      %mul3A_1151 = arith.constant 16 : i32
      %mul3A_1152 = arith.muli %scan3A_265, %mul3A_1151 : i32
      %add3A_1153 = arith.constant 15 : i32
      %add3A_1154 = arith.addi %mul3A_1152, %add3A_1153 : i32
      %get3A_1155 = arith.index_cast %add3A_1154 : i32 to index
      %get3A_1156 = arith.constant 0 : index
      %get3A_1157 = tpu.vector_load %arg11[%get3A_1155, %get3A_1156] {strides = array<i32>} : memref<512x32xf32, #tpu.memory_space<vmem>>, vector<16xf32>,
      %get3A_1158 = arith.index_cast %add3A_1154 : i32 to index
      %get3A_1159 = arith.constant 0 : index
      %get3A_1160 = tpu.vector_load %arg12[%get3A_1158, %get3A_1159] {strides = array<i32>} : memref<512x32xf32, #tpu.memory_space<vmem>>, vector<16xf32>,
      %mul3A_1161 = arith.mulf %get3A_1157, %get3A_1160 : vector<16xf32>
      %bitcast3A_1162 = vector.bitcast %mul3A_1161 : vector<16xf32> to vector<16xi32>
      %add3A_1163 = arith.constant 32767 : i32
      %add3A_1164 = vector.broadcast %add3A_1163 : i32 to vector<16xi32>
      %add3A_1165 = arith.addi %bitcast3A_1162, %add3A_1164 : vector<16xi32>
      %shift_right_arithmetic3A_1166 = arith.constant 16 : i32
      %shift_right_arithmetic3A_1167 = vector.broadcast %shift_right_arithmetic3A_1166 : i32 to vector<16xi32>
      %shift_right_arithmetic3A_1168 = arith.shrsi %bitcast3A_1162, %shift_right_arithmetic3A_1167 : vector<16xi32>
      %and3A_1169 = arith.constant 1 : i32
      %and3A_1170 = vector.broadcast %and3A_1169 : i32 to vector<16xi32>
      %and3A_1171 = arith.andi %shift_right_arithmetic3A_1168, %and3A_1170 : vector<16xi32>
      %add3A_1172 = arith.addi %add3A_1165, %and3A_1171 : vector<16xi32>
      %and3A_1173 = arith.constant -65536 : i32
      %and3A_1174 = vector.broadcast %and3A_1173 : i32 to vector<16xi32>
      %and3A_1175 = arith.andi %add3A_1172, %and3A_1174 : vector<16xi32>
      %bitcast3A_1176 = vector.bitcast %and3A_1175 : vector<16xi32> to vector<16xf32>
      %mul3A_1177 = arith.mulf %bitcast3A_1176, %get3A_161 : vector<16xf32>
      %add3A_1178 = arith.addf %broadcast_in_dim3A_164, %mul3A_1177 : vector<16xf32>
      %get3A_1179 = arith.index_cast %add3A_1154 : i32 to index
      %get3A_1180 = arith.constant 16 : index
      %get3A_1181 = tpu.vector_load %arg11[%get3A_1179, %get3A_1180] {strides = array<i32>} : memref<512x32xf32, #tpu.memory_space<vmem>>, vector<16xf32>,
      %get3A_1182 = arith.index_cast %add3A_1154 : i32 to index
      %get3A_1183 = arith.constant 16 : index
      %get3A_1184 = tpu.vector_load %arg12[%get3A_1182, %get3A_1183] {strides = array<i32>} : memref<512x32xf32, #tpu.memory_space<vmem>>, vector<16xf32>,
      %mul3A_1185 = arith.mulf %get3A_1181, %get3A_1184 : vector<16xf32>
      %bitcast3A_1186 = vector.bitcast %mul3A_1185 : vector<16xf32> to vector<16xi32>
      %add3A_1187 = arith.constant 32767 : i32
      %add3A_1188 = vector.broadcast %add3A_1187 : i32 to vector<16xi32>
      %add3A_1189 = arith.addi %bitcast3A_1186, %add3A_1188 : vector<16xi32>
      %shift_right_arithmetic3A_1190 = arith.constant 16 : i32
      %shift_right_arithmetic3A_1191 = vector.broadcast %shift_right_arithmetic3A_1190 : i32 to vector<16xi32>
      %shift_right_arithmetic3A_1192 = arith.shrsi %bitcast3A_1186, %shift_right_arithmetic3A_1191 : vector<16xi32>
      %and3A_1193 = arith.constant 1 : i32
      %and3A_1194 = vector.broadcast %and3A_1193 : i32 to vector<16xi32>
      %and3A_1195 = arith.andi %shift_right_arithmetic3A_1192, %and3A_1194 : vector<16xi32>
      %add3A_1196 = arith.addi %add3A_1189, %and3A_1195 : vector<16xi32>
      %and3A_1197 = arith.constant -65536 : i32
      %and3A_1198 = vector.broadcast %and3A_1197 : i32 to vector<16xi32>
      %and3A_1199 = arith.andi %add3A_1196, %and3A_1198 : vector<16xi32>
      %bitcast3A_1200 = vector.bitcast %and3A_1199 : vector<16xi32> to vector<16xf32>
      %mul3A_1201 = arith.mulf %bitcast3A_1200, %get3A_163 : vector<16xf32>
      %add3A_1202 = arith.addf %add3A_1178, %mul3A_1201 : vector<16xf32>
      %reduce_sum3A_1203 = arith.constant true
      %reduce_sum3A_1204 = vector.broadcast %reduce_sum3A_1203 : i1 to vector<16xi1>
      %reduce_sum3A_1205 = tpu.scan <sum>, %add3A_1202 masked %reduce_sum3A_1204 : vector<16xf32>, vector<16xi1> -> vector<16xf32>
      %reduce_sum3A_1206 = vector.extract %reduce_sum3A_1205[15] : f32 from vector<16xf32>
      %broadcast_in_dim3A_1207 = vector.broadcast %reduce_sum3A_1206 : f32 to vector<16xf32>
      %mul3A_1208 = arith.mulf %broadcast_in_dim3A_1207, %convert_element_type3A_257 : vector<16xf32>
      %add3A_1209 = arith.addf %add3A_1150, %mul3A_1208 : vector<16xf32>
      %mul3A_1210 = arith.constant 16 : i32
      %mul3A_1211 = arith.muli %scan3A_265, %mul3A_1210 : i32
      %swap3A = arith.index_cast %mul3A_1211 : i32 to index
      %swap3A_1212 = tpu.vector_load %arg15[%swap3A] {strides = array<i32>} : memref<512xf32, #tpu.memory_space<vmem>>, vector<16xf32>,
      tpu.vector_store %arg15[%swap3A], %add3A_1209 {strides = array<i32>} : memref<512xf32, #tpu.memory_space<vmem>>, vector<16xf32>,
    }
    %scan3A_262 = arith.constant 32 : i32
    %mul3A_263 = arith.constant 512 : i32
    %mul3A_264 = arith.muli %add3A, %mul3A_263 : i32
    "tpu.region"() ({
      %run_scoped3A = tpu.sem_alloc : memref<!tpu.dma_semaphore, #tpu.memory_space<semaphore_mem>>
      %dma_start3A_265 = tpu.memref_slice %arg8[%mul3A_264] : memref<16384xf32, #tpu.memory_space<hbm>> -> memref<512xf32, #tpu.memory_space<hbm>>
      %dma_start3A_266 = tpu.memref_slice %arg8[%mul3A_264] : memref<16384xf32, #tpu.memory_space<hbm>> -> memref<512xf32, #tpu.memory_space<hbm>>
      tpu.enqueue_dma source(%arg15 : memref<512xf32, #tpu.memory_space<vmem>>) target(%dma_start3A_266 : memref<512xf32, #tpu.memory_space<hbm>>) target_semaphore(%run_scoped3A : memref<!tpu.dma_semaphore, #tpu.memory_space<semaphore_mem>>)
      %dma_wait3A_267 = tpu.memref_slice %arg8[%mul3A_264] : memref<16384xf32, #tpu.memory_space<hbm>> -> memref<512xf32, #tpu.memory_space<hbm>>
      %dma_wait3A_268 = tpu.memref_slice %arg8[%mul3A_264] : memref<16384xf32, #tpu.memory_space<hbm>> -> memref<512xf32, #tpu.memory_space<hbm>>
      tpu.wait_dma2 semaphore(%run_scoped3A : memref<!tpu.dma_semaphore, #tpu.memory_space<semaphore_mem>>) src(%arg15 : memref<512xf32, #tpu.memory_space<vmem>>) dst(%dma_wait3A_268 : memref<512xf32, #tpu.memory_space<hbm>>)
      tpu.yield
    }) : () -> ()
    return
  }
}

module attributes {stable_mosaic.version = 14 : i64} {
  func.func @_movie_pass_body(%arg0: i32, %arg1: memref<512x10000xf32, #tpu.memory_space<vmem>>, %arg2: memref<10000x32xf32, #tpu.memory_space<vmem>>, %arg3: memref<512x32xf32, #tpu.memory_space<vmem>>, %arg4: memref<32x32xf32, #tpu.memory_space<vmem>>, %arg5: memref<1x32xf32, #tpu.memory_space<vmem>>, %arg6: memref<512x32xf32, #tpu.memory_space<vmem>>) attributes {dimension_semantics = [#tpu.dimension_semantics<arbitrary>], iteration_bounds = array<i64: 10>, scalar_prefetch = 0 : i64, scratch_operands = 0 : i64, tpu.core_type = #tpu.core_type<tc>, window_params = [{transform_indices = @transform_0, window_bounds = array<i64: 512, 10000>}, {pipeline_mode = #tpu.pipeline_mode<synchronous>, transform_indices = @transform_1, window_bounds = array<i64: 10000, 32>}, {transform_indices = @transform_2, window_bounds = array<i64: 512, 32>}, {pipeline_mode = #tpu.pipeline_mode<synchronous>, transform_indices = @transform_3, window_bounds = array<i64: 32, 32>}, {pipeline_mode = #tpu.pipeline_mode<synchronous>, transform_indices = @transform_4, window_bounds = array<i64: 1, 32>}, {transform_indices = @transform_5, window_bounds = array<i64: 512, 32>}]} {
    %get3A = arith.constant 0 : index
    %get3A_0 = arith.constant 0 : index
    %get3A_1 = vector.load %arg1[%get3A, %get3A_0] : memref<512x10000xf32, #tpu.memory_space<vmem>>, vector<512x10000xf32>
    %get3A_2 = arith.constant 0 : index
    %get3A_3 = arith.constant 0 : index
    %get3A_4 = vector.load %arg2[%get3A_2, %get3A_3] : memref<10000x32xf32, #tpu.memory_space<vmem>>, vector<10000x32xf32>
    %dot_general3A = arith.constant dense<0.000000e+00> : vector<512x32xf32>
    %dot_general3A_5 = tpu.matmul %get3A_1, %get3A_4, %dot_general3A {dimension_numbers = #tpu.dot_dimension_numbers<[1], [0], [0], [1], [0, 0, 1, 1], [], []>, transpose_lhs_hint = false} : vector<512x10000xf32>, vector<10000x32xf32>, vector<512x32xf32> -> vector<512x32xf32>
    %get3A_6 = arith.constant 0 : index
    %get3A_7 = arith.constant 0 : index
    %get3A_8 = vector.load %arg5[%get3A_6, %get3A_7] : memref<1x32xf32, #tpu.memory_space<vmem>>, vector<1x32xf32>
    %get3A_9 = arith.constant 0 : index
    %get3A_10 = arith.constant 0 : index
    %get3A_11 = vector.load %arg4[%get3A_9, %get3A_10] : memref<32x32xf32, #tpu.memory_space<vmem>>, vector<32x32xf32>
    %dot_general3A_12 = arith.constant dense<0.000000e+00> : vector<512x32xf32>
    %dot_general3A_13 = tpu.matmul %dot_general3A_5, %get3A_11, %dot_general3A_12 {dimension_numbers = #tpu.dot_dimension_numbers<[1], [0], [0], [1], [0, 0, 1, 1], [], []>, transpose_lhs_hint = false} : vector<512x32xf32>, vector<32x32xf32>, vector<512x32xf32> -> vector<512x32xf32>
    %add3A = vector.broadcast %get3A_8 : vector<1x32xf32> to vector<512x32xf32>
    %add3A_14 = arith.addf %dot_general3A_13, %add3A : vector<512x32xf32>
    %get3A_15 = arith.constant 0 : index
    %get3A_16 = arith.constant 0 : index
    %get3A_17 = vector.load %arg3[%get3A_15, %get3A_16] : memref<512x32xf32, #tpu.memory_space<vmem>>, vector<512x32xf32>
    %get3A_18 = arith.constant 0 : index
    %get3A_19 = arith.constant 0 : index
    %get3A_20 = vector.load %arg4[%get3A_18, %get3A_19] : memref<32x32xf32, #tpu.memory_space<vmem>>, vector<32x32xf32>
    %dot_general3A_21 = arith.constant dense<0.000000e+00> : vector<512x32xf32>
    %dot_general3A_22 = tpu.matmul %get3A_17, %get3A_20, %dot_general3A_21 {dimension_numbers = #tpu.dot_dimension_numbers<[1], [0], [0], [1], [0, 0, 1, 1], [], []>, transpose_lhs_hint = false} : vector<512x32xf32>, vector<32x32xf32>, vector<512x32xf32> -> vector<512x32xf32>
    %add3A_23 = vector.broadcast %get3A_8 : vector<1x32xf32> to vector<512x32xf32>
    %add3A_24 = arith.addf %dot_general3A_22, %add3A_23 : vector<512x32xf32>
    %add3A_25 = arith.addf %add3A_14, %add3A_24 : vector<512x32xf32>
    %ge3A = arith.constant 0.000000e+00 : f32
    %ge3A_26 = vector.broadcast %ge3A : f32 to vector<512x32xf32>
    %ge3A_27 = arith.cmpf oge, %add3A_25, %ge3A_26 : vector<512x32xf32>
    %mul3A = arith.constant 0.00999999977 : f32
    %mul3A_28 = vector.broadcast %mul3A : f32 to vector<512x32xf32>
    %mul3A_29 = arith.mulf %mul3A_28, %add3A_25 : vector<512x32xf32>
    %select_n3A = arith.select %ge3A_27, %add3A_25, %mul3A_29 : vector<512x32xi1>, vector<512x32xf32>
    %swap3A = arith.constant 0 : index
    %swap3A_30 = arith.constant 0 : index
    %swap3A_31 = vector.load %arg6[%swap3A, %swap3A_30] : memref<512x32xf32, #tpu.memory_space<vmem>>, vector<512x32xf32>
    tpu.vector_store %arg6[%swap3A, %swap3A_30], %select_n3A {strides = array<i32>} : memref<512x32xf32, #tpu.memory_space<vmem>>, vector<512x32xf32>,
    return
  }
  func.func @transform_0(%arg0: i32) -> (i32, i32) {
    %c0_i32 = arith.constant 0 : i32
    %c0_i32_0 = arith.constant 0 : i32
    return %arg0, %c0_i32 : i32, i32
  }
  func.func @transform_1(%arg0: i32) -> (i32, i32) {
    %c0_i32 = arith.constant 0 : i32
    %c0_i32_0 = arith.constant 0 : i32
    %c0_i32_1 = arith.constant 0 : i32
    return %c0_i32, %c0_i32_0 : i32, i32
  }
  func.func @transform_2(%arg0: i32) -> (i32, i32) {
    %c0_i32 = arith.constant 0 : i32
    %c0_i32_0 = arith.constant 0 : i32
    return %arg0, %c0_i32 : i32, i32
  }
  func.func @transform_3(%arg0: i32) -> (i32, i32) {
    %c0_i32 = arith.constant 0 : i32
    %c0_i32_0 = arith.constant 0 : i32
    %c0_i32_1 = arith.constant 0 : i32
    return %c0_i32, %c0_i32_0 : i32, i32
  }
  func.func @transform_4(%arg0: i32) -> (i32, i32) {
    %c0_i32 = arith.constant 0 : i32
    %c0_i32_0 = arith.constant 0 : i32
    %c0_i32_1 = arith.constant 0 : i32
    return %c0_i32, %c0_i32_0 : i32, i32
  }
  func.func @transform_5(%arg0: i32) -> (i32, i32) {
    %c0_i32 = arith.constant 0 : i32
    %c0_i32_0 = arith.constant 0 : i32
    return %arg0, %c0_i32 : i32, i32
  }
}

module attributes {stable_mosaic.version = 14 : i64} {
  func.func @_user_pass_body(%arg0: i32, %arg1: memref<1024x5000xf32, #tpu.memory_space<vmem>>, %arg2: memref<5000x64xf32, #tpu.memory_space<vmem>>, %arg3: memref<1024x32xf32, #tpu.memory_space<vmem>>, %arg4: memref<2x32x32xf32, #tpu.memory_space<vmem>>, %arg5: memref<2x1x32xf32, #tpu.memory_space<vmem>>, %arg6: memref<1024x32xf32, #tpu.memory_space<vmem>>, %arg7: memref<1024x32xf32, #tpu.memory_space<vmem>>) attributes {dimension_semantics = [#tpu.dimension_semantics<arbitrary>], iteration_bounds = array<i64: 10>, scalar_prefetch = 0 : i64, scratch_operands = 0 : i64, tpu.core_type = #tpu.core_type<tc>, window_params = [{transform_indices = @transform_0, window_bounds = array<i64: 1024, 5000>}, {pipeline_mode = #tpu.pipeline_mode<synchronous>, transform_indices = @transform_1, window_bounds = array<i64: 5000, 64>}, {transform_indices = @transform_2, window_bounds = array<i64: 1024, 32>}, {pipeline_mode = #tpu.pipeline_mode<synchronous>, transform_indices = @transform_3, window_bounds = array<i64: 2, 32, 32>}, {pipeline_mode = #tpu.pipeline_mode<synchronous>, transform_indices = @transform_4, window_bounds = array<i64: 2, 1, 32>}, {transform_indices = @transform_5, window_bounds = array<i64: 1024, 32>}, {transform_indices = @transform_6, window_bounds = array<i64: 1024, 32>}]} {
    %get3A = arith.constant 0 : index
    %get3A_0 = arith.constant 0 : index
    %get3A_1 = vector.load %arg1[%get3A, %get3A_0] : memref<1024x5000xf32, #tpu.memory_space<vmem>>, vector<1024x5000xf32>
    %get3A_2 = arith.constant 0 : index
    %get3A_3 = arith.constant 0 : index
    %get3A_4 = vector.load %arg3[%get3A_2, %get3A_3] : memref<1024x32xf32, #tpu.memory_space<vmem>>, vector<1024x32xf32>
    %get3A_5 = arith.constant 0 : index
    %get3A_6 = arith.constant 0 : index
    %get3A_7 = vector.load %arg2[%get3A_5, %get3A_6] : memref<5000x64xf32, #tpu.memory_space<vmem>>, vector<5000x64xf32>
    %dot_general3A = arith.constant dense<0.000000e+00> : vector<1024x64xf32>
    %dot_general3A_8 = tpu.matmul %get3A_1, %get3A_7, %dot_general3A {dimension_numbers = #tpu.dot_dimension_numbers<[1], [0], [0], [1], [0, 0, 1, 1], [], []>, transpose_lhs_hint = false} : vector<1024x5000xf32>, vector<5000x64xf32>, vector<1024x64xf32> -> vector<1024x64xf32>
    %get3A_9 = arith.constant 0 : index
    %get3A_10 = arith.constant 0 : index
    %get3A_11 = arith.constant 0 : index
    %get3A_12 = vector.load %arg5[%get3A_9, %get3A_10, %get3A_11] : memref<2x1x32xf32, #tpu.memory_space<vmem>>, vector<1x1x32xf32>
    %get3A_13 = vector.shape_cast %get3A_12 : vector<1x1x32xf32> to vector<1x32xf32>
    %get3A_14 = arith.constant 1 : index
    %get3A_15 = arith.constant 0 : index
    %get3A_16 = arith.constant 0 : index
    %get3A_17 = vector.load %arg5[%get3A_14, %get3A_15, %get3A_16] : memref<2x1x32xf32, #tpu.memory_space<vmem>>, vector<1x1x32xf32>
    %get3A_18 = vector.shape_cast %get3A_17 : vector<1x1x32xf32> to vector<1x32xf32>
    %slice3A = vector.extract_strided_slice %dot_general3A_8 {offsets = [0, 0], sizes = [1024, 32], strides = [1, 1]} : vector<1024x64xf32> to vector<1024x32xf32>
    %get3A_19 = arith.constant 0 : index
    %get3A_20 = arith.constant 0 : index
    %get3A_21 = arith.constant 0 : index
    %get3A_22 = vector.load %arg4[%get3A_19, %get3A_20, %get3A_21] : memref<2x32x32xf32, #tpu.memory_space<vmem>>, vector<1x32x32xf32>
    %get3A_23 = vector.shape_cast %get3A_22 : vector<1x32x32xf32> to vector<32x32xf32>
    %dot_general3A_24 = arith.constant dense<0.000000e+00> : vector<1024x32xf32>
    %dot_general3A_25 = tpu.matmul %slice3A, %get3A_23, %dot_general3A_24 {dimension_numbers = #tpu.dot_dimension_numbers<[1], [0], [0], [1], [0, 0, 1, 1], [], []>, transpose_lhs_hint = false} : vector<1024x32xf32>, vector<32x32xf32>, vector<1024x32xf32> -> vector<1024x32xf32>
    %add3A = vector.broadcast %get3A_13 : vector<1x32xf32> to vector<1024x32xf32>
    %add3A_26 = arith.addf %dot_general3A_25, %add3A : vector<1024x32xf32>
    %get3A_27 = arith.constant 0 : index
    %get3A_28 = arith.constant 0 : index
    %get3A_29 = arith.constant 0 : index
    %get3A_30 = vector.load %arg4[%get3A_27, %get3A_28, %get3A_29] : memref<2x32x32xf32, #tpu.memory_space<vmem>>, vector<1x32x32xf32>
    %get3A_31 = vector.shape_cast %get3A_30 : vector<1x32x32xf32> to vector<32x32xf32>
    %dot_general3A_32 = arith.constant dense<0.000000e+00> : vector<1024x32xf32>
    %dot_general3A_33 = tpu.matmul %get3A_4, %get3A_31, %dot_general3A_32 {dimension_numbers = #tpu.dot_dimension_numbers<[1], [0], [0], [1], [0, 0, 1, 1], [], []>, transpose_lhs_hint = false} : vector<1024x32xf32>, vector<32x32xf32>, vector<1024x32xf32> -> vector<1024x32xf32>
    %add3A_34 = vector.broadcast %get3A_13 : vector<1x32xf32> to vector<1024x32xf32>
    %add3A_35 = arith.addf %dot_general3A_33, %add3A_34 : vector<1024x32xf32>
    %add3A_36 = arith.addf %add3A_26, %add3A_35 : vector<1024x32xf32>
    %ge3A = arith.constant 0.000000e+00 : f32
    %ge3A_37 = vector.broadcast %ge3A : f32 to vector<1024x32xf32>
    %ge3A_38 = arith.cmpf oge, %add3A_36, %ge3A_37 : vector<1024x32xf32>
    %mul3A = arith.constant 0.00999999977 : f32
    %mul3A_39 = vector.broadcast %mul3A : f32 to vector<1024x32xf32>
    %mul3A_40 = arith.mulf %mul3A_39, %add3A_36 : vector<1024x32xf32>
    %select_n3A = arith.select %ge3A_38, %add3A_36, %mul3A_40 : vector<1024x32xi1>, vector<1024x32xf32>
    %slice3A_41 = vector.extract_strided_slice %dot_general3A_8 {offsets = [0, 32], sizes = [1024, 32], strides = [1, 1]} : vector<1024x64xf32> to vector<1024x32xf32>
    %get3A_42 = arith.constant 1 : index
    %get3A_43 = arith.constant 0 : index
    %get3A_44 = arith.constant 0 : index
    %get3A_45 = vector.load %arg4[%get3A_42, %get3A_43, %get3A_44] : memref<2x32x32xf32, #tpu.memory_space<vmem>>, vector<1x32x32xf32>
    %get3A_46 = vector.shape_cast %get3A_45 : vector<1x32x32xf32> to vector<32x32xf32>
    %dot_general3A_47 = arith.constant dense<0.000000e+00> : vector<1024x32xf32>
    %dot_general3A_48 = tpu.matmul %slice3A_41, %get3A_46, %dot_general3A_47 {dimension_numbers = #tpu.dot_dimension_numbers<[1], [0], [0], [1], [0, 0, 1, 1], [], []>, transpose_lhs_hint = false} : vector<1024x32xf32>, vector<32x32xf32>, vector<1024x32xf32> -> vector<1024x32xf32>
    %add3A_49 = vector.broadcast %get3A_18 : vector<1x32xf32> to vector<1024x32xf32>
    %add3A_50 = arith.addf %dot_general3A_48, %add3A_49 : vector<1024x32xf32>
    %get3A_51 = arith.constant 1 : index
    %get3A_52 = arith.constant 0 : index
    %get3A_53 = arith.constant 0 : index
    %get3A_54 = vector.load %arg4[%get3A_51, %get3A_52, %get3A_53] : memref<2x32x32xf32, #tpu.memory_space<vmem>>, vector<1x32x32xf32>
    %get3A_55 = vector.shape_cast %get3A_54 : vector<1x32x32xf32> to vector<32x32xf32>
    %dot_general3A_56 = arith.constant dense<0.000000e+00> : vector<1024x32xf32>
    %dot_general3A_57 = tpu.matmul %select_n3A, %get3A_55, %dot_general3A_56 {dimension_numbers = #tpu.dot_dimension_numbers<[1], [0], [0], [1], [0, 0, 1, 1], [], []>, transpose_lhs_hint = false} : vector<1024x32xf32>, vector<32x32xf32>, vector<1024x32xf32> -> vector<1024x32xf32>
    %add3A_58 = vector.broadcast %get3A_18 : vector<1x32xf32> to vector<1024x32xf32>
    %add3A_59 = arith.addf %dot_general3A_57, %add3A_58 : vector<1024x32xf32>
    %add3A_60 = arith.addf %add3A_50, %add3A_59 : vector<1024x32xf32>
    %ge3A_61 = arith.constant 0.000000e+00 : f32
    %ge3A_62 = vector.broadcast %ge3A_61 : f32 to vector<1024x32xf32>
    %ge3A_63 = arith.cmpf oge, %add3A_60, %ge3A_62 : vector<1024x32xf32>
    %mul3A_64 = arith.constant 0.00999999977 : f32
    %mul3A_65 = vector.broadcast %mul3A_64 : f32 to vector<1024x32xf32>
    %mul3A_66 = arith.mulf %mul3A_65, %add3A_60 : vector<1024x32xf32>
    %select_n3A_67 = arith.select %ge3A_63, %add3A_60, %mul3A_66 : vector<1024x32xi1>, vector<1024x32xf32>
    %swap3A = arith.constant 0 : index
    %swap3A_68 = arith.constant 0 : index
    %swap3A_69 = vector.load %arg6[%swap3A, %swap3A_68] : memref<1024x32xf32, #tpu.memory_space<vmem>>, vector<1024x32xf32>
    tpu.vector_store %arg6[%swap3A, %swap3A_68], %select_n3A {strides = array<i32>} : memref<1024x32xf32, #tpu.memory_space<vmem>>, vector<1024x32xf32>,
    %swap3A_70 = arith.constant 0 : index
    %swap3A_71 = arith.constant 0 : index
    %swap3A_72 = vector.load %arg7[%swap3A_70, %swap3A_71] : memref<1024x32xf32, #tpu.memory_space<vmem>>, vector<1024x32xf32>
    tpu.vector_store %arg7[%swap3A_70, %swap3A_71], %select_n3A_67 {strides = array<i32>} : memref<1024x32xf32, #tpu.memory_space<vmem>>, vector<1024x32xf32>,
    return
  }
  func.func @transform_0(%arg0: i32) -> (i32, i32) {
    %c0_i32 = arith.constant 0 : i32
    %c0_i32_0 = arith.constant 0 : i32
    return %arg0, %c0_i32 : i32, i32
  }
  func.func @transform_1(%arg0: i32) -> (i32, i32) {
    %c0_i32 = arith.constant 0 : i32
    %c0_i32_0 = arith.constant 0 : i32
    %c0_i32_1 = arith.constant 0 : i32
    return %c0_i32, %c0_i32_0 : i32, i32
  }
  func.func @transform_2(%arg0: i32) -> (i32, i32) {
    %c0_i32 = arith.constant 0 : i32
    %c0_i32_0 = arith.constant 0 : i32
    return %arg0, %c0_i32 : i32, i32
  }
  func.func @transform_3(%arg0: i32) -> (i32, i32, i32) {
    %c0_i32 = arith.constant 0 : i32
    %c0_i32_0 = arith.constant 0 : i32
    %c0_i32_1 = arith.constant 0 : i32
    %c0_i32_2 = arith.constant 0 : i32
    return %c0_i32, %c0_i32_0, %c0_i32_1 : i32, i32, i32
  }
  func.func @transform_4(%arg0: i32) -> (i32, i32, i32) {
    %c0_i32 = arith.constant 0 : i32
    %c0_i32_0 = arith.constant 0 : i32
    %c0_i32_1 = arith.constant 0 : i32
    %c0_i32_2 = arith.constant 0 : i32
    return %c0_i32, %c0_i32_0, %c0_i32_1 : i32, i32, i32
  }
  func.func @transform_5(%arg0: i32) -> (i32, i32) {
    %c0_i32 = arith.constant 0 : i32
    %c0_i32_0 = arith.constant 0 : i32
    return %arg0, %c0_i32 : i32, i32
  }
  func.func @transform_6(%arg0: i32) -> (i32, i32) {
    %c0_i32 = arith.constant 0 : i32
    %c0_i32_0 = arith.constant 0 : i32
    return %arg0, %c0_i32 : i32, i32
  }
}

</mosaic_0001>

<sc_bundles>
// kernel: kernel.10.cloned.1.call-start
scs
__scs_entry_jumppad:
0x0: {  	(pc) =	sbr.rel $0x88, $3  }
0x1: {  	(tag) =	ssettag $0x0;
	lr =	simm.s32 $0x1  }
0x2: {  	[smem:$0x3F95] =	sst lr;
	_ =	strace $0xD0000000  }
0x3: {  	_ = 	snop  }
0x4: {  	_ = 	snop  }
0x5: {  	_ = 	snop  }
0x6: {  	_ = 	snop  }
0x7: {  	_ = 	snop  }
__scs_overlays_trampoline_lowered:
0x8: {  	[smem:$0x3FA4] =	sst s0  }
0x9: {  	[smem:$0x3FA5] =	sst s1  }
0xa: {  	[smem:$0x3FA6] =	sst s2  }
0xb: {  	[smem:$0x3FA7] =	sst s3  }
0xc: {  	[smem:$0x3FA8] =	sst s4  }
0xd: {  	[smem:$0x3FA9] =	sst s5  }
0xe: {  	[smem:$0x3FAA] =	sst s6  }
0xf: {  	[smem:$0x3FAB] =	sst s7  }
0x10: {  	[smem:$0x3FAC] =	sst s8  }
0x11: {  	[smem:$0x3FAD] =	sst s9;
	s0 =	simm.s32 @!p0 $0x0  }
0x12: {  	s1 =	sld [smem:$0x3F93];
	s0 =	simm.s32 @p0 $0x1  }
0x13: {  	[smem:$0x3FAE] =	sst s0;
	s0 =	simm.s32 @!p1 $0x0  }
0x14: {  	s2 =	sld [smem:$0x3F92];
	s0 =	simm.s32 @p1 $0x1  }
0x15: {  	[smem:$0x3FAF] =	sst s0;
	s0 =	simm.s32 @!p2 $0x0  }
0x16: {  	s3 =	sld [smem:$0x3FDB];
	s0 =	simm.s32 @p2 $0x1  }
0x17: {  	s4 =	simm.s32 $0x1BF5;
	[smem:$0x3FB1] =	sst s0  }
0x18: {  	s0 =	sld [smem:$0x3F94];
	_ =	swait.ge [sflag:s4], $0x0  }
0x19: {  	s7 =	sld [smem:$0x3F95]  }
0x1a: {  	s8 =	sadd.s32 $0xFFFFE003, lr  }
0x1b: {  	s9 =	sadd.s32 $0xFFFFFEF7, lr;
	s5 =	simm.s32 $0xFFFFFFFF;
	p2 =	slt.u32 s8, $0xFFFFF086  }
0x1c: {  	p1 =	slt.u32 s9, $0xF7A;
	s5 =	simm.s32 @!p2 $0x0  }
0x1d: {  	s5 =	simm.s32 @p1 $0x1;
	p0 =	seq.s32 s7, s2  }
0x1e: {  	s7 =	smul.u32 @!p0 $0xF7A, s2;
	p2 =	seq.s32 @!p0 s5, $0x0  }
0x1f: {  	s9 =	smul.u32 $0xF7A, s1;
	s8 =	simm.s32 @!p0 $0x1BF5;
	p2 =	por !p2, p0  }
0x20: {  	[sflag:s8] =	ssyncset.s32 @!p0 $0xFFFFF086;
	s6 =	sadd.s32 @!p0 s3, s7;
	s7 =	simm.s32 @!p0 $0x108  }
0x21: {  	s3 =	sadd.s32 s3, s9;
	s6 =	sadd.s32 @!p0 $0x88, s6;
	s7 =	simm.s32 @p2 $0x1082  }
0x22: {  	[simem:s7], [sflag:s8] =	dma.local @!p0 [hbm:s6], $0xF7A  }
0x23: {  	s9 =	sor.u32 $0xD0000000, s2;
	s6 =	simm.s32 $0x108;
	_ =	swait.ge @!p0 [sflag:s8], $0x0  }
0x24: {  	s3 =	sadd.s32 $0x88, s3;
	s6 =	simm.s32 @!p1 $0x1082;
	[sflag:s4] =	ssyncset.s32 $0xFFFFF086  }
0x25: {  	[simem:s6], [sflag:s4] =	dma.local [hbm:s3], $0xF7A  }
0x26: {  	[smem:$0x3F95] =	sst s1;
	(tag) =	ssettag s2;
	_ =	strace s9  }
0x27: {  	s1 =	sld [smem:$0x3FA5]  }
0x28: {  	s2 =	sld [smem:$0x3FA6]  }
0x29: {  	s4 =	sld [smem:$0x3FA8]  }
0x2a: {  	p0 =	seq.s32 s5, $0x0;
	s5 =	sld [smem:$0x3FA9]  }
0x2b: {  	s6 =	sld [smem:$0x3FAA]  }
0x2c: {  	s7 =	sld [smem:$0x3FAB]  }
0x2d: {  	s3 =	simm.s32 $0x108;
	s8 =	sld [smem:$0x3FAC]  }
0x2e: {  	s3 =	simm.s32 @!p0 $0x1082;
	s9 =	sld [smem:$0x3FAD]  }
0x2f: {  	lr =	sadd.s32 s0, s3;
	s0 =	sld [smem:$0x3FA4]  }
0x30: {  	s3 =	sld [smem:$0x3FA7]  }
0x31: {  	[smem:$0x3FB0] =	sst s10  }
0x32: {  	s10 =	sld [smem:$0x3FAE];
	_ =	sdelay $0x3  }
0x33: {  	p0 =	seq.s32 s10, $0x1;
	s10 =	sld [smem:$0x3FB0];
	_ =	sdelay $0x3  }
0x34: {  	[smem:$0x3FB0] =	sst s10  }
0x35: {  	s10 =	sld [smem:$0x3FAF];
	_ =	sdelay $0x3  }
0x36: {  	p1 =	seq.s32 s10, $0x1;
	s10 =	sld [smem:$0x3FB0];
	_ =	sdelay $0x3  }
0x37: {  	[smem:$0x3FB0] =	sst s10  }
0x38: {  	s10 =	sld [smem:$0x3FB1]  }
0x39: {  	_ = 	snop;
	(pc) =	sbr.ind lr, $3  }
0x3a: {  	_ = 	snop  }
0x3b: {  	_ = 	snop  }
0x3c: {  	p2 =	seq.s32 s10, $0x1;
	s10 =	sld [smem:$0x3FB0]  }
0x3d: {  	_ =	shalt  }
0x3e: {  	_ =	shalt  }
0x3f: {  	_ =	shalt  }
0x40: {  	_ =	shalt  }
0x41: {  	_ =	shalt  }
0x42: {  	_ =	shalt  }
0x43: {  	_ =	shalt  }
0x44: {  	_ =	shalt  }
0x45: {  	_ =	shalt  }
0x46: {  	_ =	shalt  }
0x47: {  	_ =	shalt  }
0x48: {  	_ =	shalt  }
0x49: {  	_ =	shalt  }
0x4a: {  	_ =	shalt  }
0x4b: {  	_ =	shalt  }
0x4c: {  	_ =	shalt  }
0x4d: {  	_ =	shalt  }
0x4e: {  	_ =	shalt  }
0x4f: {  	_ =	shalt  }
0x50: {  	_ =	shalt  }
0x51: {  	_ =	shalt  }
0x52: {  	_ =	shalt  }
0x53: {  	_ =	shalt  }
0x54: {  	_ =	shalt  }
0x55: {  	_ =	shalt  }
0x56: {  	_ =	shalt  }
0x57: {  	_ =	shalt  }
0x58: {  	_ =	shalt  }
0x59: {  	_ =	shalt  }
0x5a: {  	_ =	shalt  }
0x5b: {  	_ =	shalt  }
0x5c: {  	_ =	shalt  }
0x5d: {  	_ =	shalt  }
0x5e: {  	_ =	shalt  }
0x5f: {  	_ =	shalt  }
0x60: {  	_ =	shalt  }
0x61: {  	_ =	shalt  }
0x62: {  	_ =	shalt  }
0x63: {  	_ =	shalt  }
0x64: {  	_ =	shalt  }
0x65: {  	_ =	shalt  }
0x66: {  	_ =	shalt  }
0x67: {  	_ =	shalt  }
0x68: {  	_ =	shalt  }
0x69: {  	_ =	shalt  }
0x6a: {  	_ =	shalt  }
0x6b: {  	_ =	shalt  }
0x6c: {  	_ =	shalt  }
0x6d: {  	_ =	shalt  }
0x6e: {  	_ =	shalt  }
0x6f: {  	_ =	shalt  }
0x70: {  	_ =	shalt  }
0x71: {  	_ =	shalt  }
0x72: {  	_ =	shalt  }
0x73: {  	_ =	shalt  }
0x74: {  	_ =	shalt  }
0x75: {  	_ =	shalt  }
0x76: {  	_ =	shalt  }
0x77: {  	_ =	shalt  }
0x78: {  	_ =	shalt  }
0x79: {  	_ =	shalt  }
0x7a: {  	_ =	shalt  }
0x7b: {  	_ =	shalt  }
0x7c: {  	_ =	shalt  }
0x7d: {  	_ =	shalt  }
0x7e: {  	_ =	shalt  }
0x7f: {  	_ =	shalt  }
0x80: {  	_ =	shalt  }
0x81: {  	_ =	shalt  }
0x82: {  	_ =	shalt  }
0x83: {  	_ =	shalt  }
0x84: {  	_ =	shalt  }
0x85: {  	_ =	shalt  }
0x86: {  	_ =	shalt  }
0x87: {  	_ =	shalt  }
.Lfunc_end0:
.L_simem_size_0:
called_computation.1_lowered:
.L_overlay_start_0:
0x88: {  	s2 =	sld [smem:$0x3FD9]  }
0x89: {  	s3 =	sld [smem:$0x3FFE];
	_ =	sdelay $0x1  }
0x8a: {  	s1 =	srdreg.scid  }
0x8b: {  	s0 =	sand.u32 $0x1, s1  }
0x8c: {  	s17 =	sshll.u32 s0, $0xA;
	s2 =	sadd.s32 s3, s2  }
0x8d: {  	s2 =	sadd.s32 s2, s17  }
0x8e: {  	[smem:$0x3FBC] =	sst s2  }
0x8f: {  	_ = 	snop  }
0x90: {  	s2 =	sld [smem:$0x3FC7]  }
0x91: {  	s18 =	sld [smem:$0x3FC6]  }
0x92: {  	s4 =	sld [smem:$0x3FD0];
	(tm) =	ssettm $0x1  }
0x93: {  	s5 =	sld [smem:$0x3FFB];
	_ =	sdelay $0x3  }
0x94: {  	_ =	strace s5  }
0x95: {  	s5 =	sld [smem:$0x3FFC];
	_ =	sdelay $0x3  }
0x96: {  	_ =	strace s5  }
0x97: {  	s5 =	sld [smem:$0x3FFD];
	_ =	sdelay $0x3  }
0x98: {  	_ =	strace s5  }
0x99: {  	_ =	strace $0x8FFFFFFF  }
0x9a: {  	s19 =	sld [smem:$0x3FDB];
	_ =	sdelay $0x1  }
0x9b: {  	s6 =	simm.s32 $_scs_section_size  }
0x9c: {  	s7 =	simm.s32 $_size__tile_overlayer_lowered;
	s8 =	simm.s32 $_tile_overlayer_lowered  }
0x9d: {  	s22 =	simm.s32 $0x1BFF;
	s21 =	sshll.u32 s8, $0x1;
	s5 =	sadd.s32 s6, s19  }
0x9e: {  	s9 =	simm.s32 $0x0;
	s20 =	sshll.u32 s7, $0x1;
	s7 =	sadd.s32 s21, s5  }
0x9f: {  	[timem:s9], [sflag:s22] =	dma.local [hbm:s7], s20  }
0xa0: {  	_ =	swait.ge [sflag:s22], s20  }
0xa1: {  	s6 =	ssub.s32 $0x0, s20;
	[sflag:s22] =	ssyncset.done $0x0  }
0xa2: {  	[sflag:s22] =	ssyncadd.s32 s6;
	_ =	sdelay $0x1  }
0xa3: {  	s23 =	simm.s32 $0x1B8B  }
0xa4: {  	_ =	swait.ge [sflag:s23], $0x1  }
0xa5: {  	[sflag:s23] =	ssyncset.done $0x0  }
0xa6: {  	s25 =	simm.s32 $0x1B8E;
	s24 =	sld [smem:$0x3FFE];
	[sflag:s23] =	ssyncadd.s32 $0xFFFFFFFF  }
0xa7: {  	s26 =	simm.s32 $execute0_lowered;
	[smem:$0x3FD2] =	sst s25  }
0xa8: {  	s7 =	sshll.u32 s26, $0x1;
	_ =	strace $0x80000049;
	[dreg:$0x1] =	wrdreg $0xFFFFFFFF  }
0xa9: {  	s28 =	simm.s32 $_size_execute0_lowered;
	s5 =	sadd.s32 s5, s7;
	[dreg:$0x0] =	wrdreg $0x0  }
0xaa: {  	s7 =	sshll.u32 s28, $0x1;
	[dreg:$0x2] =	wrdreg s5  }
0xab: {  	[dreg:$0x3] =	wrdreg s7  }
0xac: {  	[dreg:$0x4] =	wrdreg $0xC0  }
0xad: {  	_ =	task [dreg:s9], $0x5FFFF  }
0xae: {  	[dreg:$0x1] =	wrdreg $0xFFFFFFFF  }
0xaf: {  	[dreg:$0x0] =	wrdreg $0x60  }
0xb0: {  	[dreg:$0x2] =	wrdreg s2  }
0xb1: {  	[dreg:$0x3] =	wrdreg s18  }
0xb2: {  	[dreg:$0x4] =	wrdreg s24  }
0xb3: {  	[dreg:$0x5] =	wrdreg s4  }
0xb4: {  	[dreg:$0x6] =	wrdreg $0x9  }
0xb5: {  	_ =	task.clear_ibuf [dreg:s9], $0x7FFFF;
	_ =	strace $0x90000049  }
0xb6: {  	s29 =	simm.s32 $0x9;
	_ =	strace $0x8000004B  }
0xb7: {  	_ =	swait.ge [sflag:s29], $0x1  }
0xb8: {  	[sflag:s29] =	ssyncadd.s32 $0xFFFFFFFF  }
0xb9: {  	_ =	strace $0x9000004B  }
0xba: {  	_ =	sfence  }
0xbb: {  	s30 =	sld [smem:$0x0];
	_ =	sdelay $0x2  }
0xbc: {  	s31 =	sshll.u32 s1, $0xD;
	s1 =	sshrl.u32 s1, $0x2  }
0xbd: {  	s3 =	sand.u32 $0x4000, s31;
	s1 =	sadd.s32 s1, s30  }
0xbe: {  	s0 =	sor.u32 s3, s0;
	s1 =	sshll.u32 s1, $0x11  }
0xbf: {  	s0 =	sor.u32 s1, s0  }
0xc0: {  	s0 =	sadd.s32 $0x8F2B, s0  }
0xc1: {  	[sflag:s0] =	ssyncadd.remote.s32 $0x1  }
0xc2: {  	_ =	sfence.sel $0xFFFF  }
0xc3: {  	[dreg:$0x0] =	wrdreg $0xFFFFFFFF;
	(pc) =	sbr.abs _section_cstart, $3  }
0xc4: {  	[dreg:$0x1] =	wrdreg $0xFFFFFFFF  }
0xc5: {  	_ =	task.clear_ibuf [dreg:s9], $0x2FFFF;
	_ =	strace $0x9FFFFFFF  }
0xc6: {  	(tm) =	ssettm $0x7FFFFFFF  }
0xc7: {  	_ =	shalt  }
tec
execute0_lowered:
.L_overlay_start_1:
0x0: {  	(tag) =	ssettag $0x1  }
0x1: {  	s0 =	rddreg [dreg:$0x0]  }
0x2: {  	s1 =	rddreg [dreg:$0x1]  }
0x3: {  	s6 =	rddreg [dreg:$0x2]  }
0x4: {  	s9 =	rddreg [dreg:$0x3];
	s2 =	simm.s32 $0x0;
	s3 =	srdreg.scid  }
0x5: {  	s4 =	stileid.u32;
	vm0 =	vcmask $0x300;
	s12 =	simm.s32 $0x200;
	s15 =	simm.s32 $0x80  }
0x6: {  	v14 =	vimm.f32 $0.0e+00;
	vm15 =	vcmask $0x704;
	vm4 =	vcmask $0xB08;
	s18 =	simm.s32 $0x100;
	s19 =	simm.s32 $0x2400;
	s20 =	simm.s32 $0x180  }
0x7: {  	vm1 =	vcmask $0xF0C;
	vm5 =	vcmask $0x1310;
	vm6 =	vcmask $0x1714;
	s21 =	simm.s32 $0x3400;
	s22 =	simm.s32 $0x4400;
	s23 =	simm.s32 $0x280  }
0x8: {  	vm7 =	vcmask $0x1B18;
	vm8 =	vcmask $0x1F1C;
	vm9 =	vcmask $0x2320;
	s24 =	simm.s32 $0x5400;
	s28 =	simm.s32 $0x380;
	s29 =	simm.s32 $0x7400  }
0x9: {  	vm10 =	vcmask $0x2724;
	vm11 =	vcmask $0x2B28;
	vm12 =	vcmask $0x2F2C;
	s30 =	simm.s32 $0x1;
	s31 =	simm.s32 $0x8660;
	[smem:$0x7FF] =	sst s2  }
0xa: {  	vm13 =	vcmask $0x3330;
	vm14 =	vcmask $0x3734;
	v15 =	vimm.f32 $1.000000000e+00;
	s5 =	sand.u32 $0x1, s3;
	s3 =	sadd.s32 $0x3D800, s6;
	s7 =	sshll.u32 s4, $0x7  }
0xb: {  	vm2 =	vcmask $0x3B00;
	s4 =	sadd.s32 $0x38800, s6;
	v0 =	vsel vm0, $0x3F800000, v14;
	v1 =	vsel vm15, $0x3F800000, v14;
	s8 =	sshll.u32 s5, $0x6;
	s25 =	ssub.s32 $0x2, s5  }
0xc: {  	v2 =	vsel vm4, $0x3F800000, v14;
	v3 =	vsel vm1, $0x3F800000, v14;
	v4 =	vsel vm5, $0x3F800000, v14;
	_ =	strace $0x8000004A;
	s10 =	sor.u32 s8, s7;
	s26 =	sshrl.u32 s25, $0x1  }
0xd: {  	v5 =	vsel vm6, $0x3F800000, v14;
	v6 =	vsel vm7, $0x3F800000, v14;
	v7 =	vsel vm8, $0x3F800000, v14;
	s5 =	sadd.s32 $0x37C00, s6;
	s8 =	sadd.s32 s10, s6;
	s11 =	ssub.s32 s25, s26  }
0xe: {  	v8 =	vsel vm9, $0x3F800000, v14;
	v9 =	vsel vm10, $0x3F800000, v14;
	v10 =	vsel vm11, $0x3F800000, v14;
	s6 =	sadd.s32 s0, s10;
	s7 =	sadd.s32 s1, s10;
	s9 =	sadd.s32 s9, s10  }
0xf: {  	v11 =	vsel vm12, $0x3F800000, v14;
	v12 =	vsel vm13, $0x3F800000, v14;
	vm15 =	vcmask $0x3B38;
	s25 =	simm.s32 $0x300;
	s26 =	simm.s32 $0x6400;
	s0 =	simm.s32 $0x0  }
0x10: {  	v13 =	vsel vm14, $0x3F800000, v14;
	v15 =	vsel vm2, $0x0, v15;
	v14 =	vsel vm15, $0x3F800000, v14;
	s8 =	sadd.s32 $0x38000, s8;
	s10 =	smax.u32 s11, $0x1;
	s11 =	simm.s32 $0x2  }
.LBB2_1:
0x11: {  	[tilespmem:s2], [sflag:$0x2] =	stream.linear.gather [hbm4b:s6+s2], $0x200, $0x38;
	[tilespmem:$0x8860] =	vst v63  }
0x12: {  	_ =	swait.ge [sflag:s11], $0x200  }
0x13: {  	[sflag:s11] =	ssyncset.done $0x0  }
0x14: {  	[sflag:s11] =	ssyncadd.s32 $0xFFFFFE00  }
0x15: {  	[tilespmem:s12], [sflag:$0x2] =	stream.linear.gather [hbm4b:s7+s2], $0x200, $0x38;
	[tilespmem:$0x8860] =	vst v63  }
0x16: {  	_ =	swait.ge [sflag:s11], $0x200  }
0x17: {  	[sflag:s11] =	ssyncset.done $0x0  }
0x18: {  	s1 =	simm.s32 $0x8400;
	[sflag:s11] =	ssyncadd.s32 $0xFFFFFE00  }
0x19: {  	[tilespmem:s1], [sflag:$0x2] =	stream.linear.gather [hbm4b:s5+s2], $0x60, $0x38;
	[tilespmem:$0x8860] =	vst v63  }
0x1a: {  	_ =	swait.ge [sflag:s11], $0x60  }
0x1b: {  	[sflag:s11] =	ssyncset.done $0x0  }
0x1c: {  	s14 =	simm.s32 $0x8460;
	[sflag:s11] =	ssyncadd.s32 $0xFFFFFFA0  }
0x1d: {  	[tilespmem:s14], [sflag:$0x2] =	stream.linear.gather [hbm4b:s8+s2], $0x200, $0x38;
	[tilespmem:$0x8860] =	vst v63  }
0x1e: {  	_ =	swait.ge [sflag:s11], $0x200  }
0x1f: {  	[sflag:s11] =	ssyncset.done $0x0  }
0x20: {  	s16 =	simm.s32 $0x400;
	[sflag:s11] =	ssyncadd.s32 $0xFFFFFE00  }
0x21: {  	[tilespmem:s16], [sflag:$0x1] =	stream.indirect.gather [hbm4b:s3+s15], $0x20, s2, s15, $0xb8;
	[tilespmem:$0x8860] =	vst v63  }
0x22: {  	s17 =	simm.s32 $0x1400  }
0x23: {  	[tilespmem:s17], [sflag:$0x1] =	stream.indirect.gather [hbm4b:s3+s15], $0x20, s15, s15, $0xb8;
	[tilespmem:$0x8860] =	vst v63  }
0x24: {  	_ = 	snop  }
0x25: {  	[tilespmem:s19], [sflag:$0x1] =	stream.indirect.gather [hbm4b:s3+s15], $0x20, s18, s15, $0xb8;
	[tilespmem:$0x8860] =	vst v63  }
0x26: {  	_ = 	snop  }
0x27: {  	[tilespmem:s21], [sflag:$0x1] =	stream.indirect.gather [hbm4b:s3+s15], $0x20, s20, s15, $0xb8;
	[tilespmem:$0x8860] =	vst v63  }
0x28: {  	_ = 	snop  }
0x29: {  	[tilespmem:s22], [sflag:$0x1] =	stream.indirect.gather [hbm4b:s4+s15], $0x20, s12, s15, $0xb8;
	[tilespmem:$0x8860] =	vst v63  }
0x2a: {  	_ = 	snop  }
0x2b: {  	[tilespmem:s24], [sflag:$0x1] =	stream.indirect.gather [hbm4b:s4+s15], $0x20, s23, s15, $0xb8;
	[tilespmem:$0x8860] =	vst v63  }
0x2c: {  	_ = 	snop  }
0x2d: {  	[tilespmem:s26], [sflag:$0x1] =	stream.indirect.gather [hbm4b:s4+s15], $0x20, s25, s15, $0xb8;
	[tilespmem:$0x8860] =	vst v63  }
0x2e: {  	_ = 	snop  }
0x2f: {  	[tilespmem:s29], [sflag:$0x1] =	stream.indirect.gather [hbm4b:s4+s15], $0x20, s28, s15, $0xb8;
	[tilespmem:$0x8860] =	vst v63  }
0x30: {  	_ =	swait.ge [sflag:s30], $0x1000  }
0x31: {  	[sflag:s30] =	ssyncset.done $0x0  }
0x32: {  	[sflag:s30] =	ssyncadd.s32 $0xFFFFF000  }
0x33: {  	_ =	swait.ge [sflag:s30], $0x1000  }
0x34: {  	[sflag:s30] =	ssyncset.done $0x0  }
0x35: {  	[sflag:s30] =	ssyncadd.s32 $0xFFFFF000  }
0x36: {  	_ =	swait.ge [sflag:s30], $0x1000  }
0x37: {  	[sflag:s30] =	ssyncset.done $0x0  }
0x38: {  	[sflag:s30] =	ssyncadd.s32 $0xFFFFF000  }
0x39: {  	_ =	swait.ge [sflag:s30], $0x1000  }
0x3a: {  	[sflag:s30] =	ssyncset.done $0x0  }
0x3b: {  	[sflag:s30] =	ssyncadd.s32 $0xFFFFF000  }
0x3c: {  	_ =	swait.ge [sflag:s30], $0x1000  }
0x3d: {  	[sflag:s30] =	ssyncset.done $0x0  }
0x3e: {  	[sflag:s30] =	ssyncadd.s32 $0xFFFFF000  }
0x3f: {  	_ =	swait.ge [sflag:s30], $0x1000  }
0x40: {  	[sflag:s30] =	ssyncset.done $0x0  }
0x41: {  	[sflag:s30] =	ssyncadd.s32 $0xFFFFF000  }
0x42: {  	_ =	swait.ge [sflag:s30], $0x1000  }
0x43: {  	[sflag:s30] =	ssyncset.done $0x0  }
0x44: {  	[sflag:s30] =	ssyncadd.s32 $0xFFFFF000  }
0x45: {  	_ =	swait.ge [sflag:s30], $0x1000  }
0x46: {  	[sflag:s30] =	ssyncset.done $0x0  }
0x47: {  	[sflag:s30] =	ssyncadd.s32 $0xFFFFF000  }
0x48: {  	v17 =	vld [tilespmem:$0x8440]  }
0x49: {  	s13 =	simm.s32 $0x500;
	v16 =	vld [tilespmem:$0x8450]  }
0x4a: {  	s1 =	simm.s32 $0x4500;
	v18 =	vld [tilespmem:s13+$0xF0]  }
0x4b: {  	v19 =	vld [tilespmem:s1+$0xF0]  }
0x4c: {  	v20 =	vld [tilespmem:s13+$0xD0]  }
0x4d: {  	v21 =	vld [tilespmem:s1+$0xD0]  }
0x4e: {  	v22 =	vld [tilespmem:s13+$0xE0]  }
0x4f: {  	v23 =	vld [tilespmem:s1+$0xE0]  }
0x50: {  	v24 =	vld [tilespmem:s13+$0xB0]  }
0x51: {  	v25 =	vld [tilespmem:s1+$0xB0]  }
0x52: {  	v27 =	vld [tilespmem:s13+$0x90]  }
0x53: {  	v63 =	vld [tilespmem:s13+$0xFFFFFFE0]  }
0x54: {  	v42 =	vld [tilespmem:s1+$0xFFFFFFE0]  }
0x55: {  	v28 =	vld [tilespmem:s1+$0x90]  }
0x56: {  	v26 =	vld [tilespmem:s13+$0xC0]  }
0x57: {  	v33 =	vld [tilespmem:s1+$0x80]  }
0x58: {  	v34 =	vld [tilespmem:s13+$0x50];
	v18 =	vmul.f32 v19, v18;
	v22 =	vmul.f32 v23, v22  }
0x59: {  	v57 =	vld [tilespmem:s1+$0x50];
	v20 =	vmul.f32 v21, v20;
	v54 =	vmul.f32 v42, v63  }
0x5a: {  	v19 =	vld [tilespmem:s1+$0xC0];
	v24 =	vmul.f32 v25, v24;
	v27 =	vmul.f32 v28, v27;
	v23 =	vshrl.u32 v18, $0x10  }
0x5b: {  	v25 =	vld [tilespmem:s13+$0x80];
	v30 =	vshrl.u32 v22, $0x10;
	v32 =	vshrl.u32 v20, $0x10;
	v42 =	vshrl.u32 v54, $0x10  }
0x5c: {  	v29 =	vld [tilespmem:s13+$0xA0];
	v23 =	vand.u32 $0x1, v23;
	v30 =	vand.u32 $0x1, v30;
	v32 =	vand.u32 $0x1, v32  }
0x5d: {  	v31 =	vld [tilespmem:s13+$0x70];
	v42 =	vand.u32 $0x1, v42;
	v18 =	vadd.s32 v23, v18;
	v21 =	vadd.s32 v30, v22  }
0x5e: {  	v23 =	vld [tilespmem:s1+$0xA0];
	v30 =	vshrl.u32 v24, $0x10;
	v20 =	vadd.s32 v32, v20;
	v32 =	vmul.f32 v57, v34  }
0x5f: {  	v36 =	vld [tilespmem:s13+$0x10];
	v18 =	vadd.s32 $0x7FFF, v18;
	v21 =	vadd.s32 $0x7FFF, v21;
	v30 =	vand.u32 $0x1, v30  }
0x60: {  	v22 =	vld [tilespmem:s1+$0x70];
	v19 =	vmul.f32 v19, v26;
	v25 =	vmul.f32 v33, v25;
	v33 =	vadd.s32 v42, v54  }
0x61: {  	v38 =	vld [tilespmem:s13+$0x20];
	v18 =	vand.u32 $0xFFFF0000, v18;
	v21 =	vand.u32 $0xFFFF0000, v21;
	v24 =	vadd.s32 v30, v24  }
0x62: {  	v58 =	vld [tilespmem:s1+$0x10];
	v33 =	vadd.s32 $0x7FFF, v33;
	v21 =	vmul.f32 v21, v17;
	v30 =	vmul.f32 v18, v16  }
0x63: {  	v26 =	vld [tilespmem:s1+$0x60];
	v18 =	vadd.s32 $0x7FFF, v24;
	v28 =	vshrl.u32 v19, $0x10;
	v23 =	vmul.f32 v23, v29  }
0x64: {  	v24 =	vld [tilespmem:s13+$0x60];
	v21 =	vadd.f32 $0.0e+00, v21;
	v29 =	vand.u32 $0xFFFF0000, v18;
	v18 =	vadd.s32 $0x7FFF, v20  }
0x65: {  	v40 =	vld [tilespmem:s13+$0x0];
	v22 =	vmul.f32 v22, v31;
	v31 =	vshrl.u32 v27, $0x10;
	v20 =	vshrl.u32 v23, $0x10  }
0x66: {  	v41 =	vld [tilespmem:s1+$0x0];
	v29 =	vmul.f32 v29, v16;
	v31 =	vand.u32 $0x1, v31;
	v20 =	vand.u32 $0x1, v20  }
0x67: {  	v37 =	vadd.f32 v30, v21;
	v21 =	vld [tilespmem:s13+$0x30];
	v35 =	vshrl.u32 v22, $0x10;
	v20 =	vadd.s32 v20, v23  }
0x68: {  	v30 =	vld [tilespmem:s1+$0x30];
	v27 =	vadd.s32 v31, v27;
	v35 =	vand.u32 $0x1, v35;
	v20 =	vadd.s32 $0x7FFF, v20  }
0x69: {  	v24 =	vmul.f32 v26, v24;
	v23 =	vand.u32 $0x1, v28;
	v28 =	vld [tilespmem:s13+$0x40];
	v20 =	vand.u32 $0xFFFF0000, v20  }
0x6a: {  	v22 =	vadd.s32 v35, v22;
	v19 =	vadd.s32 v23, v19;
	v23 =	vld [tilespmem:s1+$0x40];
	v31 =	vmul.f32 v20, v17  }
0x6b: {  	v22 =	vadd.s32 $0x7FFF, v22;
	v60 =	vshrl.u32 v24, $0x10;
	v20 =	vadd.s32 $0x7FFF, v27;
	v27 =	vld [tilespmem:s1+$0x20]  }
0x6c: {  	v61 =	vld [tilespmem:s1+$0xFFFFFFD0];
	v19 =	vadd.s32 $0x7FFF, v19;
	v22 =	vand.u32 $0xFFFF0000, v22;
	v31 =	vadd.f32 $0.0e+00, v31  }
0x6d: {  	v43 =	vld [tilespmem:s13+$0xFFFFFFB0];
	v35 =	vand.u32 $0x1, v60;
	v59 =	vmul.f32 v22, v16;
	v22 =	vshrl.u32 v25, $0x10  }
0x6e: {  	v53 =	vld [tilespmem:s13+$0xFFFFFFA0];
	v22 =	vand.u32 $0x1, v22;
	v39 =	vadd.f32 v29, v31;
	v31 =	vshrl.u32 v32, $0x10  }
0x6f: {  	v26 =	vld [tilespmem:s13+$0xFFFFFFF0];
	v22 =	vadd.s32 v22, v25;
	v23 =	vmul.f32 v23, v28;
	v31 =	vand.u32 $0x1, v31  }
0x70: {  	v29 =	vld [tilespmem:s1+$0xFFFFFFF0];
	v25 =	vmul.f32 v27, v38;
	v27 =	vmul.f32 v30, v21;
	v21 =	vadd.s32 v35, v24  }
0x71: {  	v56 =	vld [tilespmem:s13+$0xFFFFFF90];
	v24 =	vadd.s32 v31, v32;
	v31 =	vadd.s32 $0x7FFF, v21;
	v21 =	vadd.s32 $0x7FFF, v22  }
0x72: {  	v47 =	vld [tilespmem:s1+$0xFFFFFF60];
	v22 =	vshrl.u32 v25, $0x10;
	v62 =	vshrl.u32 v27, $0x10;
	v31 =	vand.u32 $0xFFFF0000, v31  }
0x73: {  	v60 =	vld [tilespmem:s13+$0xFFFFFF60];
	v22 =	vand.u32 $0x1, v22;
	v32 =	vand.u32 $0x1, v62;
	v31 =	vmul.f32 v31, v17  }
0x74: {  	v45 =	vld [tilespmem:s1+$0xFFFFFF90];
	v25 =	vadd.s32 v22, v25;
	v27 =	vadd.s32 v32, v27;
	v22 =	vadd.s32 $0x7FFF, v24  }
0x75: {  	v28 =	vld [tilespmem:s1+$0xFFFFFFA0];
	v26 =	vmul.f32 v29, v26;
	v24 =	vadd.s32 $0x7FFF, v25;
	v25 =	vadd.s32 $0x7FFF, v27  }
0x76: {  	v27 =	vadd.f32 $0.0e+00, v31;
	v31 =	vld [tilespmem:s1+$0xFFFFFFB0];
	v24 =	vand.u32 $0xFFFF0000, v24;
	v25 =	vand.u32 $0xFFFF0000, v25  }
0x77: {  	v57 =	vld [tilespmem:s13+$0xFFFFFF70];
	v29 =	vmul.f32 v24, v17;
	v52 =	vmul.f32 v25, v16;
	v25 =	vshrl.u32 v26, $0x10  }
0x78: {  	v47 =	vmul.f32 v47, v60;
	v30 =	vld [tilespmem:s13+$0xFFFFFFD0];
	v24 =	vmul.f32 v58, v36;
	v25 =	vand.u32 $0x1, v25  }
0x79: {  	v48 =	vadd.f32 v59, v27;
	v59 =	vld [tilespmem:s1+$0xFFFFFF70];
	v27 =	vadd.f32 $0.0e+00, v29;
	v29 =	vadd.s32 v25, v26  }
0x7a: {  	v34 =	vmul.f32 v28, v53;
	v26 =	vshrl.u32 v24, $0x10;
	v29 =	vadd.s32 $0x7FFF, v29  }
0x7b: {  	v25 =	vshrl.u32 v23, $0x10;
	v31 =	vmul.f32 v31, v43;
	v29 =	vand.u32 $0xFFFF0000, v29  }
0x7c: {  	v44 =	vld [tilespmem:s13+$0xFFFFFFC0];
	v32 =	vadd.f32 v52, v27;
	v27 =	vmul.f32 v41, v40;
	v58 =	vmul.f32 v29, v16  }
0x7d: {  	v51 =	vld [tilespmem:s1+$0xFFFFFF30];
	v43 =	vshrl.u32 v31, $0x10;
	v29 =	vmul.f32 v61, v30;
	v30 =	vand.u32 $0xFFFF0000, v33  }
0x7e: {  	v63 =	vld [tilespmem:s13+$0xFFFFFF30];
	v61 =	vshrl.u32 v34, $0x10;
	v40 =	vmul.f32 v59, v57;
	v33 =	vmul.f32 v45, v56  }
0x7f: {  	v55 =	vld [tilespmem:s1+$0xFFFFFFC0];
	v28 =	vshrl.u32 v27, $0x10;
	v43 =	vand.u32 $0x1, v43;
	v46 =	vmul.f32 v30, v17  }
0x80: {  	v49 =	vld [tilespmem:s13+$0xFFFFFF80];
	v35 =	vand.u32 $0x1, v61;
	v61 =	vshrl.u32 v47, $0x10;
	v31 =	vadd.s32 v43, v31  }
0x81: {  	v50 =	vld [tilespmem:s1+$0xFFFFFF50];
	v30 =	vshrl.u32 v29, $0x10;
	v34 =	vadd.s32 v35, v34;
	v53 =	vand.u32 $0x1, v61  }
0x82: {  	v52 =	vld [tilespmem:s1+$0xFFFFFF80];
	v31 =	vadd.s32 $0x7FFF, v31;
	v62 =	vadd.f32 $0.0e+00, v46;
	v34 =	vadd.s32 $0x7FFF, v34  }
0x83: {  	(xrf2) =	vadd.scan.msk.f32 $0xffff, v37;
	v43 =	vld [tilespmem:s13+$0xFFFFFF50];
	v46 =	vmul.f32 v51, v63;
	v63 =	vadd.s32 v53, v47;
	v31 =	vand.u32 $0xFFFF0000, v31  }
0x84: {  	v34 =	vand.u32 $0xFFFF0000, v34;
	v35 =	vadd.f32 v58, v62;
	v58 =	vshrl.u32 v40, $0x10  }
0x85: {  	v41 =	vld [tilespmem:s13+$0xFFFFFF20];
	v47 =	vadd.s32 $0x7FFF, v63;
	v34 =	vmul.f32 v34, v17;
	v59 =	vand.u32 $0x1, v58  }
0x86: {  	(xrf2) =	vadd.scan.msk.f32 $0xffff, v39;
	v57 =	vmul.f32 v31, v16;
	v31 =	vmul.f32 v55, v44;
	v44 =	vld [tilespmem:s1+$0xFFFFFF20];
	v36 =	vadd.s32 v59, v40  }
0x87: {  	v42 =	vld [tilespmem:s1+$0xFFFFFF00];
	v39 =	vmul.f32 v52, v49;
	v60 =	vadd.f32 $0.0e+00, v34;
	v62 =	vadd.s32 $0x7FFF, v36  }
0x88: {  	v38 =	vld [tilespmem:s13+$0xFFFFFF40];
	v34 =	vshrl.u32 v31, $0x10;
	v40 =	vmul.f32 v50, v43;
	v54 =	vand.u32 $0xFFFF0000, v62  }
0x89: {  	s14 =	simm.s32 $0x0;
	s16 =	simm.s32 $0x40;
	(xrf2) =	vadd.scan.msk.f32 $0xffff, v48;
	v45 =	vld [tilespmem:s13+$0xFFFFFF00];
	v36 =	vshrl.u32 v33, $0x10;
	v37 =	vadd.f32 v57, v60;
	v43 =	vmul.f32 v54, v16  }
.LBB2_2:
0x8a: {  	p0 =	sne.s32 s16, $0x7C0;
	v48 =	vld [tilespmem:s13+$0xFFFFFF10];
	v49 =	vshrl.u32 v46, $0x10;
	v50 =	vshrl.u32 v40, $0x10;
	v47 =	vand.u32 $0xFFFF0000, v47  }
0x8b: {  	v51 =	vld [tilespmem:s1+$0xFFFFFF10];
	v41 =	vmul.f32 v44, v41;
	v44 =	vand.u32 $0x1, v49;
	v47 =	vmul.f32 v47, v17  }
0x8c: {  	v49 =	vand.u32 $0x1, v50;
	v50 =	vshrl.u32 v39, $0x10;
	v44 =	vadd.s32 v44, v46;
	v46 =	vld [tilespmem:s1+$0xFFFFFF40];
	(xrf2) =	vadd.scan.msk.f32 $0xffff, v32  }
0x8d: {  	v52 =	vshrl.u32 v41, $0x10;
	v44 =	vadd.s32 $0x7FFF, v44;
	v47 =	vadd.f32 $0.0e+00, v47;
	v32, _, _ =	vpop (xrf2)  }
0x8e: {  	v42 =	vmul.f32 v42, v45;
	v45 =	vand.u32 $0x1, v52;
	v44 =	vand.u32 $0xFFFF0000, v44  }
0x8f: {  	v41 =	vadd.s32 v45, v41;
	v44 =	vmul.f32 v44, v16;
	v43 =	vadd.f32 v43, v47;
	(xrf2) =	vadd.scan.msk.f32 $0xffff, v35  }
0x90: {  	v45 =	vshrl.u32 v42, $0x10;
	v47 =	vmul.f32 v51, v48;
	v41 =	vadd.s32 $0x7FFF, v41;
	v35, _, _ =	vpop (xrf2)  }
0x91: {  	v45 =	vand.u32 $0x1, v45;
	v41 =	vand.u32 $0xFFFF0000, v41;
	v38 =	vmul.f32 v46, v38  }
0x92: {  	v42 =	vadd.s32 v45, v42;
	v45 =	vshrl.u32 v47, $0x10;
	v41 =	vmul.f32 v41, v17;
	(xrf2) =	vadd.scan.msk.f32 $0xffff, v37  }
0x93: {  	v42 =	vadd.s32 $0x7FFF, v42;
	v45 =	vand.u32 $0x1, v45;
	v46 =	vshrl.u32 v38, $0x10;
	v37, _, _ =	vpop (xrf2)  }
0x94: {  	v42 =	vand.u32 $0xFFFF0000, v42;
	v45 =	vadd.s32 v45, v47;
	v41 =	vadd.f32 $0.0e+00, v41  }
0x95: {  	v46 =	vand.u32 $0x1, v46;
	v42 =	vmul.f32 v42, v17;
	v45 =	vadd.s32 $0x7FFF, v45;
	(xrf2) =	vadd.scan.msk.f32 $0xffff, v43  }
0x96: {  	v43 =	vand.u32 $0xFFFF0000, v45;
	v41 =	vadd.f32 v44, v41;
	v44 =	vadd.s32 v46, v38;
	v38, _, _ =	vpop (xrf2)  }
0x97: {  	v42 =	vadd.f32 $0.0e+00, v42;
	v46 =	vmul.f32 v43, v16;
	v44 =	vadd.s32 $0x7FFF, v44  }
0x98: {  	v40 =	vadd.s32 v49, v40;
	v45 =	vand.u32 $0x1, v50;
	v44 =	vand.u32 $0xFFFF0000, v44;
	(xrf2) =	vadd.scan.msk.f32 $0xffff, v41  }
0x99: {  	v40 =	vadd.s32 $0x7FFF, v40;
	v41 =	vadd.f32 v46, v42;
	v42 =	vmul.f32 v44, v17;
	v43, _, _ =	vpop (xrf2)  }
0x9a: {  	v40 =	vand.u32 $0xFFFF0000, v40;
	v39 =	vadd.s32 v45, v39;
	v44 =	vand.u32 $0x1, v36  }
0x9b: {  	v40 =	vmul.f32 v40, v16;
	v39 =	vadd.s32 $0x7FFF, v39;
	v42 =	vadd.f32 $0.0e+00, v42;
	(xrf2) =	vadd.scan.msk.f32 $0xffff, v41  }
0x9c: {  	v34 =	vand.u32 $0x1, v34;
	v39 =	vand.u32 $0xFFFF0000, v39;
	v33 =	vadd.s32 v44, v33;
	v36, _, _ =	vpop (xrf2)  }
0x9d: {  	v41 =	vmul.f32 v39, v17;
	v33 =	vadd.s32 $0x7FFF, v33;
	v40 =	vadd.f32 v40, v42  }
0x9e: {  	v30 =	vand.u32 $0x1, v30;
	v31 =	vadd.s32 v34, v31;
	v33 =	vand.u32 $0xFFFF0000, v33  }
0x9f: {  	v31 =	vadd.s32 $0x7FFF, v31;
	v34 =	vadd.f32 $0.0e+00, v41;
	v33 =	vmul.f32 v33, v16;
	(xrf2) =	vadd.scan.msk.f32 $0xffff, v40;
	v39, _, _ =	vpop (xrf2)  }
0xa0: {  	v29 =	vadd.s32 v30, v29;
	v31 =	vand.u32 $0xFFFF0000, v31;
	v40 =	vand.u32 $0x1, v28  }
0xa1: {  	v29 =	vadd.s32 $0x7FFF, v29;
	v31 =	vmul.f32 v31, v17;
	v30 =	vadd.f32 v33, v34  }
0xa2: {  	v26 =	vand.u32 $0x1, v26;
	v29 =	vand.u32 $0xFFFF0000, v29;
	v27 =	vadd.s32 v40, v27;
	v28, _, _ =	vpop (xrf2)  }
0xa3: {  	v29 =	vmul.f32 v29, v16;
	v31 =	vadd.f32 $0.0e+00, v31;
	v27 =	vadd.s32 $0x7FFF, v27;
	(xrf2) =	vadd.scan.msk.f32 $0xffff, v30  }
0xa4: {  	s17 =	sshra.s32 s14, $0x2;
	v25 =	vand.u32 $0x1, v25;
	s14 =	smov.u32 s16;
	v24 =	vadd.s32 v26, v24;
	v27 =	vand.u32 $0xFFFF0000, v27  }
0xa5: {  	v24 =	vadd.s32 $0x7FFF, v24;
	v29 =	vadd.f32 v29, v31;
	v27 =	vmul.f32 v27, v17;
	v26 =	vld [tilespmem:s17+$0x8460];
	v30, _, _ =	vpop (xrf2)  }
0xa6: {  	v23 =	vadd.s32 v25, v23;
	v24 =	vand.u32 $0xFFFF0000, v24;
	v30 =	vbroadcast v30, $0xF  }
0xa7: {  	v23 =	vadd.s32 $0x7FFF, v23;
	v24 =	vmul.f32 v24, v16;
	v31 =	vadd.f32 $0.0e+00, v27;
	(xrf2) =	vadd.scan.msk.f32 $0xffff, v29  }
0xa8: {  	v23 =	vand.u32 $0xFFFF0000, v23;
	v28 =	vbroadcast v28, $0xF;
	v27 =	vmul.f32 v0, v30  }
0xa9: {  	v22 =	vand.u32 $0xFFFF0000, v22;
	v23 =	vmul.f32 v23, v17;
	v24 =	vadd.f32 v24, v31;
	v25, _, _ =	vpop (xrf2)  }
0xaa: {  	v26 =	vadd.f32 v27, v26;
	v27 =	vmul.f32 v1, v28;
	v25 =	vbroadcast v25, $0xF  }
0xab: {  	v21 =	vand.u32 $0xFFFF0000, v21;
	v22 =	vmul.f32 v22, v16;
	v28 =	vadd.f32 $0.0e+00, v23;
	(xrf2) =	vadd.scan.msk.f32 $0xffff, v24  }
0xac: {  	v24 =	vadd.f32 v27, v26;
	v25 =	vmul.f32 v2, v25;
	v26 =	vbroadcast v39, $0xF  }
0xad: {  	v20 =	vand.u32 $0xFFFF0000, v20;
	v21 =	vmul.f32 v21, v17;
	v22 =	vadd.f32 v22, v28;
	v23, _, _ =	vpop (xrf2)  }
0xae: {  	v24 =	vadd.f32 v25, v24;
	v25 =	vmul.f32 v3, v26;
	v23 =	vbroadcast v23, $0xF  }
0xaf: {  	v19 =	vand.u32 $0xFFFF0000, v19;
	v20 =	vmul.f32 v20, v16;
	v26 =	vadd.f32 $0.0e+00, v21;
	(xrf2) =	vadd.scan.msk.f32 $0xffff, v22  }
0xb0: {  	v22 =	vadd.f32 v25, v24;
	v23 =	vmul.f32 v4, v23;
	v24 =	vbroadcast v36, $0xF  }
0xb1: {  	v18 =	vand.u32 $0xFFFF0000, v18;
	v19 =	vmul.f32 v19, v17;
	v20 =	vadd.f32 v20, v26;
	v21, _, _ =	vpop (xrf2)  }
0xb2: {  	v22 =	vadd.f32 v23, v22;
	v23 =	vmul.f32 v5, v24;
	v21 =	vbroadcast v21, $0xF  }
0xb3: {  	v18 =	vmul.f32 v18, v16;
	v24 =	vadd.f32 $0.0e+00, v19;
	(xrf2) =	vadd.scan.msk.f32 $0xffff, v20  }
0xb4: {  	v20 =	vadd.f32 v23, v22;
	v21 =	vmul.f32 v6, v21;
	v22 =	vbroadcast v43, $0xF  }
0xb5: {  	v18 =	vadd.f32 v18, v24;
	v19, _, _ =	vpop (xrf2)  }
0xb6: {  	v20 =	vadd.f32 v21, v20;
	v22 =	vmul.f32 v7, v22;
	v19 =	vbroadcast v19, $0xF  }
0xb7: {  	(xrf2) =	vadd.scan.msk.f32 $0xffff, v18  }
0xb8: {  	v18 =	vadd.f32 v22, v20;
	v19 =	vmul.f32 v8, v19;
	v20 =	vbroadcast v38, $0xF  }
0xb9: {  	v21, _, _ =	vpop (xrf2)  }
0xba: {  	v18 =	vadd.f32 v19, v18;
	v19 =	vmul.f32 v9, v20;
	v20 =	vbroadcast v21, $0xF;
	_ =	sdelay $0x1  }
0xbb: {  	v18 =	vadd.f32 v19, v18;
	v19 =	vmul.f32 v10, v20;
	v20 =	vbroadcast v37, $0xF  }
0xbc: {  	v21, _, _ =	vpop (xrf2)  }
0xbd: {  	v18 =	vadd.f32 v19, v18;
	v19 =	vmul.f32 v11, v20;
	v20 =	vbroadcast v21, $0xF;
	_ =	sdelay $0x1  }
0xbe: {  	v18 =	vadd.f32 v19, v18;
	v19 =	vmul.f32 v12, v20;
	v20 =	vbroadcast v35, $0xF  }
0xbf: {  	v21, _, _ =	vpop (xrf2)  }
0xc0: {  	v18 =	vadd.f32 v19, v18;
	v19 =	vmul.f32 v13, v20;
	v20 =	vbroadcast v21, $0xF;
	_ =	sdelay $0x1  }
0xc1: {  	v18 =	vadd.f32 v19, v18;
	v19 =	vmul.f32 v14, v20;
	v20 =	vbroadcast v32, $0xF;
	_ =	sdelay $0x1  }
0xc2: {  	v18 =	vadd.f32 v19, v18;
	v19 =	vmul.f32 v15, v20;
	_ =	sdelay $0x1  }
0xc3: {  	v18 =	vadd.f32 v19, v18;
	_ =	sdelay $0x1  }
0xc4: {  	s13 =	sadd.s32 $0x200, s13;
	[tilespmem:s17+$0x8660] =	vst v18  }
0xc5: {  	s1 =	sadd.s32 $0x200, s1;
	v18 =	vld [tilespmem:s13+$0xF0]  }
0xc6: {  	v19 =	vld [tilespmem:s1+$0xF0]  }
0xc7: {  	v20 =	vld [tilespmem:s13+$0xD0]  }
0xc8: {  	v21 =	vld [tilespmem:s1+$0xD0]  }
0xc9: {  	v22 =	vld [tilespmem:s13+$0xE0]  }
0xca: {  	v23 =	vld [tilespmem:s1+$0xE0]  }
0xcb: {  	v24 =	vld [tilespmem:s13+$0xB0]  }
0xcc: {  	v25 =	vld [tilespmem:s1+$0xB0]  }
0xcd: {  	v18 =	vmul.f32 v19, v18;
	v26 =	vld [tilespmem:s13+$0xC0]  }
0xce: {  	v19 =	vld [tilespmem:s1+$0xC0]  }
0xcf: {  	v27 =	vld [tilespmem:s13+$0x90];
	v22 =	vmul.f32 v23, v22;
	v23 =	vshrl.u32 v18, $0x10  }
0xd0: {  	v28 =	vld [tilespmem:s1+$0x90];
	v23 =	vand.u32 $0x1, v23  }
0xd1: {  	v29 =	vld [tilespmem:s13+$0xA0];
	v30 =	vshrl.u32 v22, $0x10;
	v18 =	vadd.s32 v23, v18  }
0xd2: {  	v23 =	vld [tilespmem:s1+$0xA0];
	v30 =	vand.u32 $0x1, v30;
	v18 =	vadd.s32 $0x7FFF, v18  }
0xd3: {  	v20 =	vmul.f32 v21, v20;
	v24 =	vmul.f32 v25, v24;
	v31 =	vld [tilespmem:s13+$0x70];
	v21 =	vadd.s32 v30, v22  }
0xd4: {  	v18 =	vand.u32 $0xFFFF0000, v18;
	v22 =	vld [tilespmem:s1+$0x70];
	v21 =	vadd.s32 $0x7FFF, v21  }
0xd5: {  	v32 =	vshrl.u32 v20, $0x10;
	v30 =	vshrl.u32 v24, $0x10;
	v25 =	vld [tilespmem:s13+$0x80];
	v21 =	vand.u32 $0xFFFF0000, v21  }
0xd6: {  	v32 =	vand.u32 $0x1, v32;
	v30 =	vand.u32 $0x1, v30;
	v34 =	vld [tilespmem:s1+$0x80];
	v21 =	vmul.f32 v21, v17  }
0xd7: {  	v20 =	vadd.s32 v32, v20;
	v24 =	vadd.s32 v30, v24;
	v30 =	vmul.f32 v18, v16;
	v35 =	vld [tilespmem:s13+$0x50]  }
0xd8: {  	v18 =	vadd.s32 $0x7FFF, v24;
	v23 =	vmul.f32 v23, v29;
	v32 =	vld [tilespmem:s1+$0x50];
	v21 =	vadd.f32 $0.0e+00, v21  }
0xd9: {  	v19 =	vmul.f32 v19, v26;
	v29 =	vand.u32 $0xFFFF0000, v18;
	v18 =	vadd.s32 $0x7FFF, v20;
	v24 =	vld [tilespmem:s13+$0x60]  }
0xda: {  	v29 =	vmul.f32 v29, v16;
	v20 =	vshrl.u32 v23, $0x10;
	v26 =	vld [tilespmem:s1+$0x60];
	v33 =	vadd.f32 v30, v21  }
0xdb: {  	v27 =	vmul.f32 v28, v27;
	v28 =	vshrl.u32 v19, $0x10;
	v20 =	vand.u32 $0x1, v20;
	v21 =	vld [tilespmem:s13+$0x30]  }
0xdc: {  	v22 =	vmul.f32 v22, v31;
	v20 =	vadd.s32 v20, v23;
	v23 =	vand.u32 $0x1, v28;
	v30 =	vld [tilespmem:s1+$0x30]  }
0xdd: {  	v31 =	vshrl.u32 v27, $0x10;
	v20 =	vadd.s32 $0x7FFF, v20;
	v19 =	vadd.s32 v23, v19;
	v28 =	vld [tilespmem:s13+$0x40]  }
0xde: {  	v31 =	vand.u32 $0x1, v31;
	v36 =	vshrl.u32 v22, $0x10;
	v20 =	vand.u32 $0xFFFF0000, v20;
	v23 =	vld [tilespmem:s1+$0x40]  }
0xdf: {  	v27 =	vadd.s32 v31, v27;
	v36 =	vand.u32 $0x1, v36;
	v31 =	vmul.f32 v20, v17;
	v38 =	vld [tilespmem:s13+$0x10]  }
0xe0: {  	v22 =	vadd.s32 v36, v22;
	v19 =	vadd.s32 $0x7FFF, v19;
	v20 =	vadd.s32 $0x7FFF, v27;
	v39 =	vld [tilespmem:s13+$0x20]  }
0xe1: {  	v25 =	vmul.f32 v34, v25;
	v22 =	vadd.s32 $0x7FFF, v22;
	v31 =	vadd.f32 $0.0e+00, v31;
	v27 =	vld [tilespmem:s1+$0x20]  }
0xe2: {  	v32 =	vmul.f32 v32, v35;
	v24 =	vmul.f32 v26, v24;
	v22 =	vand.u32 $0xFFFF0000, v22;
	v34 =	vld [tilespmem:s1+$0x10]  }
0xe3: {  	v35 =	vmul.f32 v22, v16;
	v22 =	vshrl.u32 v25, $0x10;
	v37 =	vadd.f32 v29, v31;
	v26 =	vld [tilespmem:s13+$0xFFFFFFF0]  }
0xe4: {  	v36 =	vshrl.u32 v24, $0x10;
	v22 =	vand.u32 $0x1, v22;
	v31 =	vshrl.u32 v32, $0x10;
	v29 =	vld [tilespmem:s1+$0xFFFFFFF0]  }
0xe5: {  	v36 =	vand.u32 $0x1, v36;
	v22 =	vadd.s32 v22, v25;
	v31 =	vand.u32 $0x1, v31;
	v40 =	vld [tilespmem:s13+$0x0]  }
0xe6: {  	v41 =	vld [tilespmem:s1+$0x0];
	v25 =	vmul.f32 v27, v39;
	v27 =	vmul.f32 v30, v21;
	v21 =	vadd.s32 v36, v24  }
0xe7: {  	v24 =	vadd.s32 v31, v32;
	v30 =	vld [tilespmem:s13+$0xFFFFFFD0];
	v31 =	vadd.s32 $0x7FFF, v21;
	v21 =	vadd.s32 $0x7FFF, v22  }
0xe8: {  	v36 =	vld [tilespmem:s1+$0xFFFFFFD0];
	v22 =	vshrl.u32 v25, $0x10;
	v32 =	vshrl.u32 v27, $0x10;
	v31 =	vand.u32 $0xFFFF0000, v31  }
0xe9: {  	v39 =	vld [tilespmem:s13+$0xFFFFFFE0];
	v22 =	vand.u32 $0x1, v22;
	v32 =	vand.u32 $0x1, v32;
	v31 =	vmul.f32 v31, v17  }
0xea: {  	v42 =	vld [tilespmem:s1+$0xFFFFFFE0];
	v25 =	vadd.s32 v22, v25;
	v27 =	vadd.s32 v32, v27;
	v22 =	vadd.s32 $0x7FFF, v24  }
0xeb: {  	v43 =	vld [tilespmem:s13+$0xFFFFFFB0];
	v24 =	vadd.s32 $0x7FFF, v25;
	v25 =	vadd.s32 $0x7FFF, v27;
	v27 =	vadd.f32 $0.0e+00, v31  }
0xec: {  	v26 =	vmul.f32 v29, v26;
	v31 =	vld [tilespmem:s1+$0xFFFFFFB0];
	v24 =	vand.u32 $0xFFFF0000, v24;
	v25 =	vand.u32 $0xFFFF0000, v25  }
0xed: {  	v44 =	vld [tilespmem:s13+$0xFFFFFFC0];
	v29 =	vmul.f32 v24, v17;
	v32 =	vmul.f32 v25, v16;
	v48 =	vadd.f32 v35, v27  }
0xee: {  	v23 =	vmul.f32 v23, v28;
	v25 =	vshrl.u32 v26, $0x10;
	v24 =	vmul.f32 v34, v38;
	v35 =	vld [tilespmem:s13+$0xFFFFFFA0]  }
0xef: {  	v25 =	vand.u32 $0x1, v25;
	v28 =	vld [tilespmem:s1+$0xFFFFFFA0];
	v34 =	vmul.f32 v42, v39;
	v27 =	vadd.f32 $0.0e+00, v29  }
0xf0: {  	v29 =	vadd.s32 v25, v26;
	v26 =	vshrl.u32 v24, $0x10;
	v25 =	vshrl.u32 v23, $0x10;
	v38 =	vld [tilespmem:s1+$0xFFFFFFC0]  }
0xf1: {  	v29 =	vadd.s32 $0x7FFF, v29;
	v39 =	vld [tilespmem:s13+$0xFFFFFF90];
	v42 =	vshrl.u32 v34, $0x10;
	v32 =	vadd.f32 v32, v27  }
0xf2: {  	v29 =	vand.u32 $0xFFFF0000, v29;
	v27 =	vmul.f32 v41, v40;
	v45 =	vld [tilespmem:s1+$0xFFFFFF90];
	v42 =	vand.u32 $0x1, v42  }
0xf3: {  	v31 =	vmul.f32 v31, v43;
	v41 =	vmul.f32 v29, v16;
	v40 =	vld [tilespmem:s13+$0xFFFFFF70];
	v34 =	vadd.s32 v42, v34  }
0xf4: {  	v42 =	vld [tilespmem:s1+$0xFFFFFF70];
	v35 =	vmul.f32 v28, v35;
	v34 =	vadd.s32 $0x7FFF, v34;
	v28 =	vshrl.u32 v27, $0x10  }
0xf5: {  	v29 =	vmul.f32 v36, v30;
	v43 =	vshrl.u32 v31, $0x10;
	v49 =	vld [tilespmem:s13+$0xFFFFFF80];
	v30 =	vand.u32 $0xFFFF0000, v34  }
0xf6: {  	v43 =	vand.u32 $0x1, v43;
	v34 =	vld [tilespmem:s13+$0xFFFFFF60];
	v36 =	vshrl.u32 v35, $0x10;
	v46 =	vmul.f32 v30, v17  }
0xf7: {  	v31 =	vadd.s32 v43, v31;
	v30 =	vshrl.u32 v29, $0x10;
	v47 =	vld [tilespmem:s1+$0xFFFFFF60];
	v36 =	vand.u32 $0x1, v36  }
0xf8: {  	v31 =	vadd.s32 $0x7FFF, v31;
	v43 =	vld [tilespmem:s13+$0xFFFFFF50];
	v35 =	vadd.s32 v36, v35;
	v36 =	vadd.f32 $0.0e+00, v46  }
0xf9: {  	v31 =	vand.u32 $0xFFFF0000, v31;
	v50 =	vld [tilespmem:s1+$0xFFFFFF50];
	v40 =	vmul.f32 v42, v40;
	v35 =	vadd.s32 $0x7FFF, v35  }
0xfa: {  	v51 =	vmul.f32 v31, v16;
	v46 =	vld [tilespmem:s13+$0xFFFFFF30];
	v42 =	vand.u32 $0xFFFF0000, v35;
	v35 =	vadd.f32 v41, v36  }
0xfb: {  	v31 =	vmul.f32 v38, v44;
	v52 =	vld [tilespmem:s1+$0xFFFFFF30];
	v36 =	vshrl.u32 v40, $0x10;
	v42 =	vmul.f32 v42, v17;
	(xrf2) =	vadd.scan.msk.f32 $0xffff, v33  }
0xfc: {  	v33 =	vmul.f32 v45, v39;
	v47 =	vmul.f32 v47, v34;
	v34 =	vand.u32 $0x1, v36;
	v53 =	vld [tilespmem:s1+$0xFFFFFF80]  }
.Ltmp0:
0xfd: {  	v41 =	vld [tilespmem:s13+$0xFFFFFF20];
	v36 =	vadd.s32 v34, v40;
	v39 =	vadd.f32 $0.0e+00, v42;
	v34 =	vshrl.u32 v31, $0x10;
	(pc) =	sbr.rel @p0 .LBB2_2-.Ltmp0, $4  }
0xfe: {  	v44 =	vld [tilespmem:s1+$0xFFFFFF20];
	v40 =	vshrl.u32 v47, $0x10;
	v42 =	vadd.s32 $0x7FFF, v36;
	v36 =	vshrl.u32 v33, $0x10;
	(xrf2) =	vadd.scan.msk.f32 $0xffff, v37  }
0xff: {  	v38 =	vld [tilespmem:s13+$0xFFFFFF40];
	v45 =	vand.u32 $0x1, v40;
	v54 =	vand.u32 $0xFFFF0000, v42;
	v37 =	vadd.f32 v51, v39  }
0x100: {  	v40 =	vmul.f32 v50, v43;
	v42 =	vld [tilespmem:s1+$0xFFFFFF00];
	v46 =	vmul.f32 v52, v46;
	v39 =	vadd.s32 v45, v47  }
0x101: {  	s16 =	sadd.s32 $0x40, s16;
	v43 =	vmul.f32 v54, v16;
	v45 =	vld [tilespmem:s13+$0xFFFFFF00];
	v47 =	vadd.s32 $0x7FFF, v39;
	v39 =	vmul.f32 v53, v49;
	(xrf2) =	vadd.scan.msk.f32 $0xffff, v48  }
0x102: {  	v49 =	vshrl.u32 v46, $0x10  }
0x103: {  	v48 =	vld [tilespmem:s13+$0xFFFFFF10];
	v50 =	vshrl.u32 v40, $0x10;
	v47 =	vand.u32 $0xFFFF0000, v47;
	v41 =	vmul.f32 v44, v41  }
0x104: {  	v51 =	vld [tilespmem:s1+$0xFFFFFF10];
	v56 =	vand.u32 $0x1, v49;
	v47 =	vmul.f32 v47, v17;
	v58 =	vand.u32 $0x1, v50  }
0x105: {  	v57 =	vld [tilespmem:s1+$0xFFFFFF40];
	v59 =	vshrl.u32 v39, $0x10;
	v44 =	vadd.s32 v56, v46;
	v49 =	vadd.s32 v58, v40  }
0x106: {  	v52 =	vshrl.u32 v41, $0x10;
	v44 =	vadd.s32 $0x7FFF, v44;
	v47 =	vadd.f32 $0.0e+00, v47  }
0x107: {  	v42 =	vmul.f32 v42, v45;
	v60 =	vand.u32 $0x1, v52;
	v44 =	vand.u32 $0xFFFF0000, v44  }
0x108: {  	v53 =	vadd.s32 $0x7FFF, v49;
	v41 =	vadd.s32 v60, v41;
	v44 =	vmul.f32 v44, v16  }
0x109: {  	v43 =	vadd.f32 v43, v47;
	v62 =	vmul.f32 v51, v48;
	v61 =	vshrl.u32 v42, $0x10  }
0x10a: {  	v38 =	vmul.f32 v57, v38;
	v41 =	vadd.s32 $0x7FFF, v41;
	v45 =	vand.u32 $0x1, v61  }
0x10b: {  	v41 =	vand.u32 $0xFFFF0000, v41;
	v63 =	vshrl.u32 v62, $0x10;
	v42 =	vadd.s32 v45, v42  }
0x10c: {  	v46 =	vshrl.u32 v38, $0x10;
	v45 =	vand.u32 $0x1, v63;
	v42 =	vadd.s32 $0x7FFF, v42  }
0x10d: {  	v41 =	vmul.f32 v41, v17;
	v45 =	vadd.s32 v45, v62;
	v42 =	vand.u32 $0xFFFF0000, v42  }
0x10e: {  	v46 =	vand.u32 $0x1, v46;
	v45 =	vadd.s32 $0x7FFF, v45;
	v42 =	vmul.f32 v42, v17  }
0x10f: {  	(xrf2) =	vadd.scan.msk.f32 $0xffff, v32;
	v38 =	vadd.s32 v46, v38;
	v41 =	vadd.f32 $0.0e+00, v41;
	v45 =	vand.u32 $0xFFFF0000, v45  }
0x110: {  	(xrf2) =	vadd.scan.msk.f32 $0xffff, v35;
	v38 =	vadd.s32 $0x7FFF, v38;
	v32 =	vmul.f32 v45, v16;
	v47 =	vadd.f32 $0.0e+00, v42  }
0x111: {  	(xrf2) =	vadd.scan.msk.f32 $0xffff, v37;
	v37 =	vand.u32 $0xFFFF0000, v53;
	v48 =	vand.u32 $0xFFFF0000, v38;
	v41 =	vadd.f32 v44, v41  }
0x112: {  	v51 =	vand.u32 $0x1, v59;
	(xrf2) =	vadd.scan.msk.f32 $0xffff, v43;
	v52 =	vmul.f32 v48, v17;
	v32 =	vadd.f32 v32, v47  }
0x113: {  	v36 =	vand.u32 $0x1, v36;
	v37 =	vmul.f32 v37, v16;
	v54 =	vadd.s32 v51, v39;
	(xrf2) =	vadd.scan.msk.f32 $0xffff, v41  }
0x114: {  	v34 =	vand.u32 $0x1, v34;
	v38 =	vadd.s32 $0x7FFF, v54;
	v35 =	vadd.f32 $0.0e+00, v52;
	(xrf2) =	vadd.scan.msk.f32 $0xffff, v32  }
0x115: {  	v30 =	vand.u32 $0x1, v30;
	v33 =	vadd.s32 v36, v33;
	v55 =	vand.u32 $0xFFFF0000, v38  }
0x116: {  	v33 =	vadd.s32 $0x7FFF, v33;
	v36, _, _ =	vpop (xrf2);
	v35 =	vadd.f32 v37, v35;
	v32 =	vmul.f32 v55, v17  }
0x117: {  	v28 =	vand.u32 $0x1, v28;
	v31 =	vadd.s32 v34, v31;
	v33 =	vand.u32 $0xFFFF0000, v33;
	v37, _, _ =	vpop (xrf2)  }
0x118: {  	v31 =	vadd.s32 $0x7FFF, v31;
	v33 =	vmul.f32 v33, v16;
	v34, _, _ =	vpop (xrf2);
	(xrf2) =	vadd.scan.msk.f32 $0xffff, v35;
	v32 =	vadd.f32 $0.0e+00, v32  }
0x119: {  	v26 =	vand.u32 $0x1, v26;
	v29 =	vadd.s32 v30, v29;
	v31 =	vand.u32 $0xFFFF0000, v31;
	v56, _, _ =	vpop (xrf2)  }
0x11a: {  	v29 =	vadd.s32 $0x7FFF, v29;
	v31 =	vmul.f32 v31, v17;
	v57, _, _ =	vpop (xrf2);
	v32 =	vadd.f32 v33, v32  }
0x11b: {  	v25 =	vand.u32 $0x1, v25;
	v27 =	vadd.s32 v28, v27;
	v29 =	vand.u32 $0xFFFF0000, v29;
	v58, _, _ =	vpop (xrf2)  }
0x11c: {  	v27 =	vadd.s32 $0x7FFF, v27;
	v29 =	vmul.f32 v29, v16;
	v31 =	vadd.f32 $0.0e+00, v31;
	v59, _, _ =	vpop (xrf2);
	(xrf2) =	vadd.scan.msk.f32 $0xffff, v32  }
0x11d: {  	s17 =	sshra.s32 s14, $0x2;
	v22 =	vand.u32 $0xFFFF0000, v22;
	v24 =	vadd.s32 v26, v24;
	v27 =	vand.u32 $0xFFFF0000, v27;
	v60, _, _ =	vpop (xrf2)  }
0x11e: {  	v24 =	vadd.s32 $0x7FFF, v24;
	v27 =	vmul.f32 v27, v17;
	v61 =	vld [tilespmem:s17+$0x8460];
	v29 =	vadd.f32 v29, v31;
	v62, _, _ =	vpop (xrf2)  }
0x11f: {  	v23 =	vadd.s32 v25, v23;
	v24 =	vand.u32 $0xFFFF0000, v24;
	v31 =	vbroadcast v62, $0xF  }
0x120: {  	v23 =	vadd.s32 $0x7FFF, v23;
	v24 =	vmul.f32 v24, v16;
	v63 =	vadd.f32 $0.0e+00, v27;
	(xrf2) =	vadd.scan.msk.f32 $0xffff, v29  }
0x121: {  	v23 =	vand.u32 $0xFFFF0000, v23;
	v39 =	vbroadcast v60, $0xF;
	v38 =	vmul.f32 v0, v31  }
0x122: {  	v21 =	vand.u32 $0xFFFF0000, v21;
	v23 =	vmul.f32 v23, v17;
	v24 =	vadd.f32 v24, v63;
	v40, _, _ =	vpop (xrf2)  }
0x123: {  	v41 =	vmul.f32 v1, v39;
	v25 =	vbroadcast v40, $0xF;
	v26 =	vadd.f32 v38, v61  }
0x124: {  	v20 =	vand.u32 $0xFFFF0000, v20;
	v22 =	vmul.f32 v22, v16;
	v23 =	vadd.f32 $0.0e+00, v23;
	(xrf2) =	vadd.scan.msk.f32 $0xffff, v24  }
0x125: {  	v43 =	vbroadcast v59, $0xF;
	v25 =	vmul.f32 v2, v25;
	v42 =	vadd.f32 v41, v26  }
0x126: {  	v19 =	vand.u32 $0xFFFF0000, v19;
	v21 =	vmul.f32 v21, v17;
	v22 =	vadd.f32 v22, v23;
	v44, _, _ =	vpop (xrf2)  }
0x127: {  	v45 =	vmul.f32 v3, v43;
	v23 =	vbroadcast v44, $0xF;
	v24 =	vadd.f32 v25, v42  }
0x128: {  	v20 =	vmul.f32 v20, v16;
	v21 =	vadd.f32 $0.0e+00, v21;
	v17 =	vmul.f32 v19, v17;
	(xrf2) =	vadd.scan.msk.f32 $0xffff, v22  }
0x129: {  	v47 =	vbroadcast v58, $0xF;
	v23 =	vmul.f32 v4, v23;
	v46 =	vadd.f32 v45, v24  }
0x12a: {  	v18 =	vand.u32 $0xFFFF0000, v18;
	v20 =	vadd.f32 v20, v21;
	v17 =	vadd.f32 $0.0e+00, v17;
	v48, _, _ =	vpop (xrf2)  }
0x12b: {  	v50 =	vmul.f32 v5, v47;
	v19 =	vbroadcast v48, $0xF;
	v49 =	vadd.f32 v23, v46  }
0x12c: {  	v16 =	vmul.f32 v18, v16;
	(xrf2) =	vadd.scan.msk.f32 $0xffff, v20  }
0x12d: {  	v52 =	vbroadcast v57, $0xF;
	v19 =	vmul.f32 v6, v19;
	v51 =	vadd.f32 v50, v49  }
0x12e: {  	v16 =	vadd.f32 v16, v17;
	v17, _, _ =	vpop (xrf2)  }
0x12f: {  	v53 =	vmul.f32 v7, v52;
	v17 =	vbroadcast v17, $0xF;
	v18 =	vadd.f32 v19, v51  }
0x130: {  	(xrf2) =	vadd.scan.msk.f32 $0xffff, v16  }
0x131: {  	v54 =	vbroadcast v56, $0xF;
	v17 =	vmul.f32 v8, v17;
	v16 =	vadd.f32 v53, v18  }
0x132: {  	v55, _, _ =	vpop (xrf2)  }
0x133: {  	v56 =	vbroadcast v55, $0xF;
	v16 =	vadd.f32 v17, v16;
	v17 =	vmul.f32 v9, v54;
	_ =	sdelay $0x1  }
0x134: {  	v57 =	vbroadcast v34, $0xF;
	v16 =	vadd.f32 v17, v16;
	v17 =	vmul.f32 v10, v56  }
0x135: {  	v58, _, _ =	vpop (xrf2)  }
0x136: {  	v59 =	vbroadcast v58, $0xF;
	v16 =	vadd.f32 v17, v16;
	v17 =	vmul.f32 v11, v57;
	_ =	sdelay $0x1  }
0x137: {  	v60 =	vbroadcast v37, $0xF;
	v16 =	vadd.f32 v17, v16;
	v17 =	vmul.f32 v12, v59  }
0x138: {  	v61, _, _ =	vpop (xrf2)  }
0x139: {  	v62 =	vbroadcast v61, $0xF;
	v16 =	vadd.f32 v17, v16;
	v17 =	vmul.f32 v13, v60;
	_ =	sdelay $0x1  }
0x13a: {  	v63 =	vbroadcast v36, $0xF;
	v16 =	vadd.f32 v17, v16;
	v17 =	vmul.f32 v14, v62;
	_ =	sdelay $0x1  }
0x13b: {  	v16 =	vadd.f32 v17, v16;
	v17 =	vmul.f32 v15, v63;
	_ =	sdelay $0x1  }
0x13c: {  	s0 =	sadd.s32 $0x1, s0;
	v16 =	vadd.f32 v17, v16  }
0x13d: {  	p0 =	sne.s32 s0, s10  }
.Ltmp1:
0x13e: {  	[tilespmem:s17+$0x8660] =	vst v16;
	(pc) =	sbr.rel @p0 .LBB2_1-.Ltmp1, $4  }
0x13f: {  	[hbm4b:s9+s2] =	stream.linear.scatter [tilespmem:s31], [sflag:$0x2], $0x200, $0x38;
	[tilespmem:$0x8860] =	vst v63  }
0x140: {  	_ =	swait.ge [sflag:s11], $0x200  }
0x141: {  	[sflag:s11] =	ssyncset.done $0x0  }
0x142: {  	[sflag:s11] =	ssyncadd.s32 $0xFFFFFE00  }
0x143: {  	_ =	sfence.sel $0x180000  }
0x144: {  	[bflag:$0x0] =	sbarrier.arrive $0xFFFF  }
0x145: {  	_ =	strace $0x9000004A  }
0x146: {  	s0 =	stileid.u32;
	[bflag:$0x2] =	sbarrier.arrive $0xFFFF  }
0x147: {  	p0 =	sne.s32 s0, $0x0;
	s0 =	rddreg [dreg:$0x4]  }
0x148: {  	s0 =	sadd.s32 @!p0 $0x100000, s0  }
0x149: {  	[sflag:s0] =	ssyncadd.tile.s32 @!p0 $0x1;
	_ =	shalt  }
.Lfunc_end2:
_tile_overlayer_lowered:
.L_overlay_start_2:
0x14a: {  	(tag) =	ssettag $0x2  }
0x14b: {  	s0 =	rddreg [dreg:$0x0];
	s2 =	stileid.u32  }
0x14c: {  	s1 =	rddreg [dreg:$0x1];
	p0 =	sne.s32 s2, $0x0  }
0x14d: {  	s3 =	rddreg [dreg:$0x2];
	[bflag:$0x3] =	sbarrier.arrive $0xFFFF;
	s2 =	simm.s32 @!p0 $0x1C02  }
0x14e: {  	[timem:s3], [sflag:s2] =	dma.local @!p0 [hbm:s0], s1  }
0x14f: {  	s0 =	simm.s32 @!p0 $0x2  }
0x150: {  	_ =	swait.ge @!p0 [sflag:s0], s1  }
0x151: {  	s1 =	ssub.s32 @!p0 $0x0, s1;
	[sflag:s0] =	ssyncset.done @!p0 $0x0  }
0x152: {  	[sflag:s0] =	ssyncadd.s32 @!p0 s1  }
0x153: {  	[bflag:$0x3] =	sbarrier.arrive $0xFFFF  }
0x154: {  	_ =	shalt  }

// kernel: kernel.7.cloned.1.call-start
scs
__scs_entry_jumppad:
0x0: {  	(pc) =	sbr.rel $0x88, $3  }
0x1: {  	(tag) =	ssettag $0x0;
	lr =	simm.s32 $0x1  }
0x2: {  	[smem:$0x3F95] =	sst lr;
	_ =	strace $0xD0000000  }
0x3: {  	_ = 	snop  }
0x4: {  	_ = 	snop  }
0x5: {  	_ = 	snop  }
0x6: {  	_ = 	snop  }
0x7: {  	_ = 	snop  }
__scs_overlays_trampoline_lowered:
0x8: {  	[smem:$0x3FA4] =	sst s0  }
0x9: {  	[smem:$0x3FA5] =	sst s1  }
0xa: {  	[smem:$0x3FA6] =	sst s2  }
0xb: {  	[smem:$0x3FA7] =	sst s3  }
0xc: {  	[smem:$0x3FA8] =	sst s4  }
0xd: {  	[smem:$0x3FA9] =	sst s5  }
0xe: {  	[smem:$0x3FAA] =	sst s6  }
0xf: {  	[smem:$0x3FAB] =	sst s7  }
0x10: {  	[smem:$0x3FAC] =	sst s8  }
0x11: {  	[smem:$0x3FAD] =	sst s9;
	s0 =	simm.s32 @!p0 $0x0  }
0x12: {  	s1 =	sld [smem:$0x3F93];
	s0 =	simm.s32 @p0 $0x1  }
0x13: {  	[smem:$0x3FAE] =	sst s0;
	s0 =	simm.s32 @!p1 $0x0  }
0x14: {  	s2 =	sld [smem:$0x3F92];
	s0 =	simm.s32 @p1 $0x1  }
0x15: {  	[smem:$0x3FAF] =	sst s0;
	s0 =	simm.s32 @!p2 $0x0  }
0x16: {  	s3 =	sld [smem:$0x3FDB];
	s0 =	simm.s32 @p2 $0x1  }
0x17: {  	s4 =	simm.s32 $0x1BF5;
	[smem:$0x3FB1] =	sst s0  }
0x18: {  	s0 =	sld [smem:$0x3F94];
	_ =	swait.ge [sflag:s4], $0x0  }
0x19: {  	s7 =	sld [smem:$0x3F95]  }
0x1a: {  	s8 =	sadd.s32 $0xFFFFE003, lr  }
0x1b: {  	s9 =	sadd.s32 $0xFFFFFEF7, lr;
	s5 =	simm.s32 $0xFFFFFFFF;
	p2 =	slt.u32 s8, $0xFFFFF086  }
0x1c: {  	p1 =	slt.u32 s9, $0xF7A;
	s5 =	simm.s32 @!p2 $0x0  }
0x1d: {  	s5 =	simm.s32 @p1 $0x1;
	p0 =	seq.s32 s7, s2  }
0x1e: {  	s7 =	smul.u32 @!p0 $0xF7A, s2;
	p2 =	seq.s32 @!p0 s5, $0x0  }
0x1f: {  	s9 =	smul.u32 $0xF7A, s1;
	s8 =	simm.s32 @!p0 $0x1BF5;
	p2 =	por !p2, p0  }
0x20: {  	[sflag:s8] =	ssyncset.s32 @!p0 $0xFFFFF086;
	s6 =	sadd.s32 @!p0 s3, s7;
	s7 =	simm.s32 @!p0 $0x108  }
0x21: {  	s3 =	sadd.s32 s3, s9;
	s6 =	sadd.s32 @!p0 $0x88, s6;
	s7 =	simm.s32 @p2 $0x1082  }
0x22: {  	[simem:s7], [sflag:s8] =	dma.local @!p0 [hbm:s6], $0xF7A  }
0x23: {  	s9 =	sor.u32 $0xD0000000, s2;
	s6 =	simm.s32 $0x108;
	_ =	swait.ge @!p0 [sflag:s8], $0x0  }
0x24: {  	s3 =	sadd.s32 $0x88, s3;
	s6 =	simm.s32 @!p1 $0x1082;
	[sflag:s4] =	ssyncset.s32 $0xFFFFF086  }
0x25: {  	[simem:s6], [sflag:s4] =	dma.local [hbm:s3], $0xF7A  }
0x26: {  	[smem:$0x3F95] =	sst s1;
	(tag) =	ssettag s2;
	_ =	strace s9  }
0x27: {  	s1 =	sld [smem:$0x3FA5]  }
0x28: {  	s2 =	sld [smem:$0x3FA6]  }
0x29: {  	s4 =	sld [smem:$0x3FA8]  }
0x2a: {  	p0 =	seq.s32 s5, $0x0;
	s5 =	sld [smem:$0x3FA9]  }
0x2b: {  	s6 =	sld [smem:$0x3FAA]  }
0x2c: {  	s7 =	sld [smem:$0x3FAB]  }
0x2d: {  	s3 =	simm.s32 $0x108;
	s8 =	sld [smem:$0x3FAC]  }
0x2e: {  	s3 =	simm.s32 @!p0 $0x1082;
	s9 =	sld [smem:$0x3FAD]  }
0x2f: {  	lr =	sadd.s32 s0, s3;
	s0 =	sld [smem:$0x3FA4]  }
0x30: {  	s3 =	sld [smem:$0x3FA7]  }
0x31: {  	[smem:$0x3FB0] =	sst s10  }
0x32: {  	s10 =	sld [smem:$0x3FAE];
	_ =	sdelay $0x3  }
0x33: {  	p0 =	seq.s32 s10, $0x1;
	s10 =	sld [smem:$0x3FB0];
	_ =	sdelay $0x3  }
0x34: {  	[smem:$0x3FB0] =	sst s10  }
0x35: {  	s10 =	sld [smem:$0x3FAF];
	_ =	sdelay $0x3  }
0x36: {  	p1 =	seq.s32 s10, $0x1;
	s10 =	sld [smem:$0x3FB0];
	_ =	sdelay $0x3  }
0x37: {  	[smem:$0x3FB0] =	sst s10  }
0x38: {  	s10 =	sld [smem:$0x3FB1]  }
0x39: {  	_ = 	snop;
	(pc) =	sbr.ind lr, $3  }
0x3a: {  	_ = 	snop  }
0x3b: {  	_ = 	snop  }
0x3c: {  	p2 =	seq.s32 s10, $0x1;
	s10 =	sld [smem:$0x3FB0]  }
0x3d: {  	_ =	shalt  }
0x3e: {  	_ =	shalt  }
0x3f: {  	_ =	shalt  }
0x40: {  	_ =	shalt  }
0x41: {  	_ =	shalt  }
0x42: {  	_ =	shalt  }
0x43: {  	_ =	shalt  }
0x44: {  	_ =	shalt  }
0x45: {  	_ =	shalt  }
0x46: {  	_ =	shalt  }
0x47: {  	_ =	shalt  }
0x48: {  	_ =	shalt  }
0x49: {  	_ =	shalt  }
0x4a: {  	_ =	shalt  }
0x4b: {  	_ =	shalt  }
0x4c: {  	_ =	shalt  }
0x4d: {  	_ =	shalt  }
0x4e: {  	_ =	shalt  }
0x4f: {  	_ =	shalt  }
0x50: {  	_ =	shalt  }
0x51: {  	_ =	shalt  }
0x52: {  	_ =	shalt  }
0x53: {  	_ =	shalt  }
0x54: {  	_ =	shalt  }
0x55: {  	_ =	shalt  }
0x56: {  	_ =	shalt  }
0x57: {  	_ =	shalt  }
0x58: {  	_ =	shalt  }
0x59: {  	_ =	shalt  }
0x5a: {  	_ =	shalt  }
0x5b: {  	_ =	shalt  }
0x5c: {  	_ =	shalt  }
0x5d: {  	_ =	shalt  }
0x5e: {  	_ =	shalt  }
0x5f: {  	_ =	shalt  }
0x60: {  	_ =	shalt  }
0x61: {  	_ =	shalt  }
0x62: {  	_ =	shalt  }
0x63: {  	_ =	shalt  }
0x64: {  	_ =	shalt  }
0x65: {  	_ =	shalt  }
0x66: {  	_ =	shalt  }
0x67: {  	_ =	shalt  }
0x68: {  	_ =	shalt  }
0x69: {  	_ =	shalt  }
0x6a: {  	_ =	shalt  }
0x6b: {  	_ =	shalt  }
0x6c: {  	_ =	shalt  }
0x6d: {  	_ =	shalt  }
0x6e: {  	_ =	shalt  }
0x6f: {  	_ =	shalt  }
0x70: {  	_ =	shalt  }
0x71: {  	_ =	shalt  }
0x72: {  	_ =	shalt  }
0x73: {  	_ =	shalt  }
0x74: {  	_ =	shalt  }
0x75: {  	_ =	shalt  }
0x76: {  	_ =	shalt  }
0x77: {  	_ =	shalt  }
0x78: {  	_ =	shalt  }
0x79: {  	_ =	shalt  }
0x7a: {  	_ =	shalt  }
0x7b: {  	_ =	shalt  }
0x7c: {  	_ =	shalt  }
0x7d: {  	_ =	shalt  }
0x7e: {  	_ =	shalt  }
0x7f: {  	_ =	shalt  }
0x80: {  	_ =	shalt  }
0x81: {  	_ =	shalt  }
0x82: {  	_ =	shalt  }
0x83: {  	_ =	shalt  }
0x84: {  	_ =	shalt  }
0x85: {  	_ =	shalt  }
0x86: {  	_ =	shalt  }
0x87: {  	_ =	shalt  }
.Lfunc_end0:
.L_simem_size_0:
called_computation_lowered:
.L_overlay_start_0:
0x88: {  	s2 =	sld [smem:$0x3FD9]  }
0x89: {  	s3 =	sld [smem:$0x3FFE];
	_ =	sdelay $0x1  }
0x8a: {  	s1 =	srdreg.scid  }
0x8b: {  	s0 =	sand.u32 $0x1, s1  }
0x8c: {  	s17 =	sshll.u32 s0, $0xA;
	s2 =	sadd.s32 s3, s2  }
0x8d: {  	s2 =	sadd.s32 s2, s17  }
0x8e: {  	[smem:$0x3FBC] =	sst s2  }
0x8f: {  	_ = 	snop  }
0x90: {  	s2 =	sld [smem:$0x3FC7]  }
0x91: {  	s18 =	sld [smem:$0x3FC6];
	(tm) =	ssettm $0x1  }
0x92: {  	s4 =	sld [smem:$0x3FFB];
	_ =	sdelay $0x3  }
0x93: {  	_ =	strace s4  }
0x94: {  	s4 =	sld [smem:$0x3FFC];
	_ =	sdelay $0x3  }
0x95: {  	_ =	strace s4  }
0x96: {  	s4 =	sld [smem:$0x3FFD];
	_ =	sdelay $0x3  }
0x97: {  	_ =	strace s4  }
0x98: {  	_ =	strace $0x8FFFFFFF  }
0x99: {  	s19 =	sld [smem:$0x3FDB];
	_ =	sdelay $0x1  }
0x9a: {  	s5 =	simm.s32 $_scs_section_size  }
0x9b: {  	s6 =	simm.s32 $_size__tile_overlayer_lowered;
	s7 =	simm.s32 $_tile_overlayer_lowered  }
0x9c: {  	s22 =	simm.s32 $0x1BFF;
	s21 =	sshll.u32 s7, $0x1;
	s4 =	sadd.s32 s5, s19  }
0x9d: {  	s8 =	simm.s32 $0x0;
	s20 =	sshll.u32 s6, $0x1;
	s6 =	sadd.s32 s21, s4  }
0x9e: {  	[timem:s8], [sflag:s22] =	dma.local [hbm:s6], s20  }
0x9f: {  	_ =	swait.ge [sflag:s22], s20  }
0xa0: {  	s5 =	ssub.s32 $0x0, s20;
	[sflag:s22] =	ssyncset.done $0x0  }
0xa1: {  	[sflag:s22] =	ssyncadd.s32 s5;
	_ =	sdelay $0x1  }
0xa2: {  	s23 =	simm.s32 $0x1B8B  }
0xa3: {  	_ =	swait.ge [sflag:s23], $0x1  }
0xa4: {  	[sflag:s23] =	ssyncset.done $0x0  }
0xa5: {  	s25 =	simm.s32 $0x1B8E;
	s24 =	sld [smem:$0x3FFE];
	[sflag:s23] =	ssyncadd.s32 $0xFFFFFFFF  }
0xa6: {  	s26 =	simm.s32 $execute0_lowered;
	[smem:$0x3FD2] =	sst s25  }
0xa7: {  	s6 =	sshll.u32 s26, $0x1;
	_ =	strace $0x80000046;
	[dreg:$0x1] =	wrdreg $0xFFFFFFFF  }
0xa8: {  	s28 =	simm.s32 $_size_execute0_lowered;
	s4 =	sadd.s32 s4, s6;
	[dreg:$0x0] =	wrdreg $0x0  }
0xa9: {  	s6 =	sshll.u32 s28, $0x1;
	[dreg:$0x2] =	wrdreg s4  }
0xaa: {  	[dreg:$0x3] =	wrdreg s6  }
0xab: {  	[dreg:$0x4] =	wrdreg $0xC0  }
0xac: {  	_ =	task [dreg:s8], $0x5FFFF  }
0xad: {  	[dreg:$0x1] =	wrdreg $0xFFFFFFFF  }
0xae: {  	[dreg:$0x0] =	wrdreg $0x60  }
0xaf: {  	[dreg:$0x2] =	wrdreg s2  }
0xb0: {  	[dreg:$0x3] =	wrdreg s18  }
0xb1: {  	[dreg:$0x4] =	wrdreg s24  }
0xb2: {  	[dreg:$0x5] =	wrdreg $0x9  }
0xb3: {  	_ =	task.clear_ibuf [dreg:s8], $0x6FFFF;
	_ =	strace $0x90000046  }
0xb4: {  	s29 =	simm.s32 $0x9;
	_ =	strace $0x80000048  }
0xb5: {  	_ =	swait.ge [sflag:s29], $0x1  }
0xb6: {  	[sflag:s29] =	ssyncadd.s32 $0xFFFFFFFF  }
0xb7: {  	_ =	strace $0x90000048  }
0xb8: {  	_ =	sfence  }
0xb9: {  	s30 =	sld [smem:$0x0];
	_ =	sdelay $0x2  }
0xba: {  	s31 =	sshll.u32 s1, $0xD;
	s1 =	sshrl.u32 s1, $0x2  }
0xbb: {  	s3 =	sand.u32 $0x4000, s31;
	s1 =	sadd.s32 s1, s30  }
0xbc: {  	s0 =	sor.u32 s3, s0;
	s1 =	sshll.u32 s1, $0x11  }
0xbd: {  	s0 =	sor.u32 s1, s0  }
0xbe: {  	s0 =	sadd.s32 $0x8F2B, s0  }
0xbf: {  	[sflag:s0] =	ssyncadd.remote.s32 $0x1  }
0xc0: {  	_ =	sfence.sel $0xFFFF  }
0xc1: {  	[dreg:$0x0] =	wrdreg $0xFFFFFFFF;
	(pc) =	sbr.abs _section_cstart, $3  }
0xc2: {  	[dreg:$0x1] =	wrdreg $0xFFFFFFFF  }
0xc3: {  	_ =	task.clear_ibuf [dreg:s8], $0x2FFFF;
	_ =	strace $0x9FFFFFFF  }
0xc4: {  	(tm) =	ssettm $0x7FFFFFFF  }
0xc5: {  	_ =	shalt  }
tec
execute0_lowered:
.L_overlay_start_1:
0x0: {  	(tag) =	ssettag $0x1  }
0x1: {  	s0 =	rddreg [dreg:$0x0]  }
0x2: {  	s3 =	rddreg [dreg:$0x1]  }
0x3: {  	s9 =	rddreg [dreg:$0x2];
	s1 =	simm.s32 $0x0  }
0x4: {  	s7 =	srdreg.scid;
	s8 =	stileid.u32;
	s14 =	simm.s32 $0x200  }
0x5: {  	vm0 =	vcmask $0x300;
	v0 =	vimm.f32 $0.0e+00;
	s17 =	simm.s32 $0x80;
	s20 =	simm.s32 $0x100;
	s22 =	simm.s32 $0x180  }
0x6: {  	vm15 =	vcmask $0x704;
	vm4 =	vcmask $0xB08;
	vm1 =	vcmask $0xF0C;
	s30 =	simm.s32 $0x280;
	s15 =	simm.s32 $0x380;
	s16 =	simm.s32 $0xB400  }
0x7: {  	vm5 =	vcmask $0x1310;
	vm6 =	vcmask $0x1714;
	vm7 =	vcmask $0x1B18;
	s18 =	simm.s32 $0xC400;
	s19 =	simm.s32 $0xD400;
	s21 =	simm.s32 $0xE400  }
0x8: {  	vm8 =	vcmask $0x1F1C;
	vm9 =	vcmask $0x2320;
	vm10 =	vcmask $0x2724;
	s23 =	simm.s32 $0xF400;
	s24 =	simm.s32 $0x1;
	s25 =	simm.s32 $0x10470  }
0x9: {  	vm11 =	vcmask $0x2B28;
	vm12 =	vcmask $0x2F2C;
	s26 =	simm.s32 $0x0;
	[smem:$0x7FF] =	sst s1;
	s2 =	sadd.s32 $0x69000, s9;
	v1 =	vsel vm0, $0x3F800000, v0  }
0xa: {  	vm13 =	vcmask $0x3330;
	s4 =	sadd.s32 $0x2DE00, s9;
	s5 =	sadd.s32 $0x28E00, s9;
	v57 =	vsel vm15, $0x3F800000, v0;
	_ =	strace $0x80000047;
	[tilespmem:$0x1FF90] =	vst v1  }
0xb: {  	vm14 =	vcmask $0x3734;
	v63 =	vimm.f32 $1.000000000e+00;
	s6 =	sadd.s32 $0x64000, s9;
	s7 =	sand.u32 $0x1, s7;
	s8 =	sshll.u32 s8, $0x7;
	v58 =	vsel vm4, $0x3F800000, v0;
	[tilespmem:$0x1FFA0] =	vst v57  }
0xc: {  	vm2 =	vcmask $0x3B00;
	v59 =	vsel vm1, $0x3F800000, v0;
	v60 =	vsel vm5, $0x3F800000, v0;
	s10 =	sshll.u32 s7, $0x6;
	s11 =	ssub.s32 $0x2, s7;
	s7 =	sadd.s32 $0x37C00, s9;
	[tilespmem:$0x1FFB0] =	vst v58  }
0xd: {  	v61 =	vsel vm6, $0x3F800000, v0;
	v62 =	vsel vm7, $0x3F800000, v0;
	v7 =	vsel vm8, $0x3F800000, v0;
	[tilespmem:$0x1FFC0] =	vst v59;
	s10 =	sor.u32 s10, s8;
	s12 =	sshrl.u32 s11, $0x1;
	s8 =	sadd.s32 $0x37E00, s9  }
0xe: {  	v8 =	vsel vm9, $0x3F800000, v0;
	v9 =	vsel vm10, $0x3F800000, v0;
	v10 =	vsel vm11, $0x3F800000, v0;
	[tilespmem:$0x1FFD0] =	vst v60;
	s13 =	sadd.s32 s10, s9;
	s12 =	ssub.s32 s11, s12;
	s9 =	sadd.s32 s0, s10  }
0xf: {  	v11 =	vsel vm12, $0x3F800000, v0;
	v12 =	vsel vm13, $0x3F800000, v0;
	vm15 =	vcmask $0x3B38;
	[tilespmem:$0x1FFE0] =	vst v61;
	s10 =	sadd.s32 s3, s10;
	s0 =	simm.s32 $0x300;
	s3 =	simm.s32 $0xA400  }
0x10: {  	v13 =	vsel vm14, $0x3F800000, v0;
	v15 =	vsel vm2, $0x0, v63;
	[tilespmem:$0x1FFF0] =	vst v62;
	v14 =	vsel vm15, $0x3F800000, v0;
	s11 =	sadd.s32 $0x38000, s13;
	s12 =	smax.u32 s12, $0x1;
	s13 =	simm.s32 $0x2  }
.LBB2_1:
0x11: {  	[tilespmem:s1], [sflag:$0x2] =	stream.linear.gather [hbm4b:s9+s1], $0x200, $0x38;
	[tilespmem:$0x10670] =	vst v63  }
0x12: {  	_ =	swait.ge [sflag:s13], $0x200  }
0x13: {  	[sflag:s13] =	ssyncset.done $0x0  }
0x14: {  	[sflag:s13] =	ssyncadd.s32 $0xFFFFFE00  }
0x15: {  	[tilespmem:s14], [sflag:$0x2] =	stream.linear.gather [hbm4b:s10+s1], $0x200, $0x38;
	[tilespmem:$0x10670] =	vst v63  }
0x16: {  	_ =	swait.ge [sflag:s13], $0x200  }
0x17: {  	[sflag:s13] =	ssyncset.done $0x0  }
0x18: {  	s28 =	simm.s32 $0x10400;
	[sflag:s13] =	ssyncadd.s32 $0xFFFFFE00  }
0x19: {  	[tilespmem:s28], [sflag:$0x2] =	stream.linear.gather [hbm4b:s7+s1], $0x60, $0x38;
	[tilespmem:$0x10670] =	vst v63  }
0x1a: {  	_ =	swait.ge [sflag:s13], $0x60  }
0x1b: {  	[sflag:s13] =	ssyncset.done $0x0  }
0x1c: {  	s28 =	simm.s32 $0x10460;
	[sflag:s13] =	ssyncadd.s32 $0xFFFFFFA0  }
0x1d: {  	[tilespmem:s28], [sflag:$0x2] =	stream.linear.gather [hbm4b:s8+s1], $0x10, $0x38;
	[tilespmem:$0x10670] =	vst v63  }
0x1e: {  	_ =	swait.ge [sflag:s13], $0x10  }
0x1f: {  	[sflag:s13] =	ssyncset.done $0x0  }
0x20: {  	s28 =	simm.s32 $0x400;
	[sflag:s13] =	ssyncadd.s32 $0xFFFFFFF0  }
0x21: {  	[tilespmem:s28], [sflag:$0x1] =	stream.indirect.gather [hbm4b:s2+s17], $0x20, s1, s17, $0xb8;
	[tilespmem:$0x10670] =	vst v63  }
0x22: {  	s28 =	simm.s32 $0x1400  }
0x23: {  	[tilespmem:s28], [sflag:$0x1] =	stream.indirect.gather [hbm4b:s2+s17], $0x20, s17, s17, $0xb8;
	[tilespmem:$0x10670] =	vst v63  }
0x24: {  	s28 =	simm.s32 $0x2400  }
0x25: {  	[tilespmem:s28], [sflag:$0x1] =	stream.indirect.gather [hbm4b:s2+s17], $0x20, s20, s17, $0xb8;
	[tilespmem:$0x10670] =	vst v63  }
0x26: {  	s28 =	simm.s32 $0x3400  }
0x27: {  	[tilespmem:s28], [sflag:$0x1] =	stream.indirect.gather [hbm4b:s2+s17], $0x20, s22, s17, $0xb8;
	[tilespmem:$0x10670] =	vst v63  }
0x28: {  	s28 =	simm.s32 $0x4400  }
0x29: {  	[tilespmem:s28], [sflag:$0x1] =	stream.indirect.gather [hbm4b:s4+s17], $0x20, s1, s17, $0xb8;
	[tilespmem:$0x10670] =	vst v63  }
0x2a: {  	s28 =	simm.s32 $0x5400  }
0x2b: {  	[tilespmem:s28], [sflag:$0x1] =	stream.indirect.gather [hbm4b:s4+s17], $0x20, s17, s17, $0xb8;
	[tilespmem:$0x10670] =	vst v63  }
0x2c: {  	s28 =	simm.s32 $0x6400  }
0x2d: {  	[tilespmem:s28], [sflag:$0x1] =	stream.indirect.gather [hbm4b:s4+s17], $0x20, s20, s17, $0xb8;
	[tilespmem:$0x10670] =	vst v63  }
0x2e: {  	s28 =	simm.s32 $0x7400  }
0x2f: {  	[tilespmem:s28], [sflag:$0x1] =	stream.indirect.gather [hbm4b:s4+s17], $0x20, s22, s17, $0xb8;
	[tilespmem:$0x10670] =	vst v63  }
0x30: {  	s28 =	simm.s32 $0x8400  }
0x31: {  	[tilespmem:s28], [sflag:$0x1] =	stream.indirect.gather [hbm4b:s5+s17], $0x20, s14, s17, $0xb8;
	[tilespmem:$0x10670] =	vst v63  }
0x32: {  	s28 =	simm.s32 $0x9400  }
0x33: {  	[tilespmem:s28], [sflag:$0x1] =	stream.indirect.gather [hbm4b:s5+s17], $0x20, s30, s17, $0xb8;
	[tilespmem:$0x10670] =	vst v63  }
0x34: {  	_ = 	snop  }
0x35: {  	[tilespmem:s3], [sflag:$0x1] =	stream.indirect.gather [hbm4b:s5+s17], $0x20, s0, s17, $0xb8;
	[tilespmem:$0x10670] =	vst v63  }
0x36: {  	_ = 	snop  }
0x37: {  	[tilespmem:s16], [sflag:$0x1] =	stream.indirect.gather [hbm4b:s5+s17], $0x20, s15, s17, $0xb8;
	[tilespmem:$0x10670] =	vst v63  }
0x38: {  	_ = 	snop  }
0x39: {  	[tilespmem:s18], [sflag:$0x1] =	stream.indirect.gather [hbm4b:s6+s17], $0x20, s14, s17, $0xb8;
	[tilespmem:$0x10670] =	vst v63  }
0x3a: {  	_ = 	snop  }
0x3b: {  	[tilespmem:s19], [sflag:$0x1] =	stream.indirect.gather [hbm4b:s6+s17], $0x20, s30, s17, $0xb8;
	[tilespmem:$0x10670] =	vst v63  }
0x3c: {  	_ = 	snop  }
0x3d: {  	[tilespmem:s21], [sflag:$0x1] =	stream.indirect.gather [hbm4b:s6+s17], $0x20, s0, s17, $0xb8;
	[tilespmem:$0x10670] =	vst v63  }
0x3e: {  	_ = 	snop  }
0x3f: {  	[tilespmem:s23], [sflag:$0x1] =	stream.indirect.gather [hbm4b:s6+s17], $0x20, s15, s17, $0xb8;
	[tilespmem:$0x10670] =	vst v63  }
0x40: {  	_ =	swait.ge [sflag:s24], $0x1000  }
0x41: {  	[sflag:s24] =	ssyncset.done $0x0  }
0x42: {  	[sflag:s24] =	ssyncadd.s32 $0xFFFFF000  }
0x43: {  	_ =	swait.ge [sflag:s24], $0x1000  }
0x44: {  	[sflag:s24] =	ssyncset.done $0x0  }
0x45: {  	[sflag:s24] =	ssyncadd.s32 $0xFFFFF000  }
0x46: {  	_ =	swait.ge [sflag:s24], $0x1000  }
0x47: {  	[sflag:s24] =	ssyncset.done $0x0  }
0x48: {  	[sflag:s24] =	ssyncadd.s32 $0xFFFFF000  }
0x49: {  	_ =	swait.ge [sflag:s24], $0x1000  }
0x4a: {  	[sflag:s24] =	ssyncset.done $0x0  }
0x4b: {  	[sflag:s24] =	ssyncadd.s32 $0xFFFFF000  }
0x4c: {  	_ =	swait.ge [sflag:s24], $0x1000  }
0x4d: {  	[sflag:s24] =	ssyncset.done $0x0  }
0x4e: {  	[sflag:s24] =	ssyncadd.s32 $0xFFFFF000  }
0x4f: {  	_ =	swait.ge [sflag:s24], $0x1000  }
0x50: {  	[sflag:s24] =	ssyncset.done $0x0  }
0x51: {  	[sflag:s24] =	ssyncadd.s32 $0xFFFFF000  }
0x52: {  	_ =	swait.ge [sflag:s24], $0x1000  }
0x53: {  	[sflag:s24] =	ssyncset.done $0x0  }
0x54: {  	[sflag:s24] =	ssyncadd.s32 $0xFFFFF000  }
0x55: {  	_ =	swait.ge [sflag:s24], $0x1000  }
0x56: {  	[sflag:s24] =	ssyncset.done $0x0  }
0x57: {  	[sflag:s24] =	ssyncadd.s32 $0xFFFFF000  }
0x58: {  	_ =	swait.ge [sflag:s24], $0x1000  }
0x59: {  	[sflag:s24] =	ssyncset.done $0x0  }
0x5a: {  	[sflag:s24] =	ssyncadd.s32 $0xFFFFF000  }
0x5b: {  	_ =	swait.ge [sflag:s24], $0x1000  }
0x5c: {  	[sflag:s24] =	ssyncset.done $0x0  }
0x5d: {  	[sflag:s24] =	ssyncadd.s32 $0xFFFFF000  }
0x5e: {  	_ =	swait.ge [sflag:s24], $0x1000  }
0x5f: {  	[sflag:s24] =	ssyncset.done $0x0  }
0x60: {  	[sflag:s24] =	ssyncadd.s32 $0xFFFFF000  }
0x61: {  	_ =	swait.ge [sflag:s24], $0x1000  }
0x62: {  	[sflag:s24] =	ssyncset.done $0x0  }
0x63: {  	[sflag:s24] =	ssyncadd.s32 $0xFFFFF000  }
0x64: {  	_ =	swait.ge [sflag:s24], $0x1000  }
0x65: {  	[sflag:s24] =	ssyncset.done $0x0  }
0x66: {  	[sflag:s24] =	ssyncadd.s32 $0xFFFFF000  }
0x67: {  	_ =	swait.ge [sflag:s24], $0x1000  }
0x68: {  	[sflag:s24] =	ssyncset.done $0x0  }
0x69: {  	[sflag:s24] =	ssyncadd.s32 $0xFFFFF000  }
0x6a: {  	_ =	swait.ge [sflag:s24], $0x1000  }
0x6b: {  	[sflag:s24] =	ssyncset.done $0x0  }
0x6c: {  	[sflag:s24] =	ssyncadd.s32 $0xFFFFF000  }
0x6d: {  	_ =	swait.ge [sflag:s24], $0x1000  }
0x6e: {  	[sflag:s24] =	ssyncset.done $0x0  }
0x6f: {  	[sflag:s24] =	ssyncadd.s32 $0xFFFFF000  }
0x70: {  	v17 =	vld [tilespmem:$0x10400]  }
0x71: {  	s28 =	simm.s32 $0x0;
	v16 =	vld [tilespmem:$0x10430]  }
0x72: {  	v0 =	vld [tilespmem:s28+$0x45F0]  }
0x73: {  	v1 =	vld [tilespmem:s28+$0xC5F0]  }
0x74: {  	v2 =	vld [tilespmem:s28+$0x45D0]  }
0x75: {  	v18 =	vld [tilespmem:s28+$0xC5D0]  }
0x76: {  	v19 =	vld [tilespmem:s28+$0x45E0]  }
0x77: {  	v20 =	vld [tilespmem:s28+$0xC5E0]  }
0x78: {  	v21 =	vld [tilespmem:s28+$0x45B0]  }
0x79: {  	v22 =	vld [tilespmem:s28+$0x45C0]  }
0x7a: {  	v24 =	vld [tilespmem:s28+$0xC5C0]  }
0x7b: {  	v25 =	vld [tilespmem:s28+$0x85F0]  }
0x7c: {  	v27 =	vld [tilespmem:s28+$0x4590]  }
0x7d: {  	v30 =	vld [tilespmem:s28+$0xC5A0]  }
0x7e: {  	v32 =	vld [tilespmem:s28+$0xC570]  }
0x7f: {  	v0 =	vmul.f32 v1, v0;
	v1 =	vld [tilespmem:s28+$0xC5B0];
	v2 =	vmul.f32 v18, v2  }
0x80: {  	v33 =	vld [tilespmem:s28+$0x4580];
	v19 =	vmul.f32 v20, v19  }
0x81: {  	v36 =	vld [tilespmem:s28+$0x5C0];
	v23 =	vshrl.u32 v0, $0x10;
	v20 =	vshrl.u32 v2, $0x10  }
0x82: {  	v26 =	vshrl.u32 v19, $0x10;
	v18 =	vand.u32 $0x1, v23;
	v23 =	vld [tilespmem:s28+$0x5F0];
	v20 =	vand.u32 $0x1, v20  }
0x83: {  	v0 =	vadd.s32 v18, v0;
	v18 =	vld [tilespmem:$0x10420];
	v2 =	vadd.s32 v20, v2;
	v20 =	vand.u32 $0x1, v26  }
0x84: {  	v52 =	vld [tilespmem:s28+$0x85C0];
	v0 =	vadd.s32 $0x7FFF, v0;
	v1 =	vmul.f32 v1, v21;
	v2 =	vadd.s32 $0x7FFF, v2  }
0x85: {  	v19 =	vadd.s32 v20, v19;
	v20 =	vmul.f32 v24, v22;
	v24 =	vld [tilespmem:s28+$0x85E0];
	v0 =	vand.u32 $0xFFFF0000, v0  }
0x86: {  	v4 =	vand.u32 $0xFFFF0000, v2;
	v2 =	vld [tilespmem:s28+$0x5E0];
	v19 =	vadd.s32 $0x7FFF, v19;
	v0 =	vmul.f32 v0, v16  }
0x87: {  	v26 =	vld [tilespmem:s28+$0xC590];
	v22 =	vshrl.u32 v1, $0x10;
	v19 =	vand.u32 $0xFFFF0000, v19;
	v23 =	vmul.f32 v25, v23  }
0x88: {  	v28 =	vshrl.u32 v20, $0x10;
	v25 =	vld [tilespmem:s28+$0x45A0];
	v22 =	vand.u32 $0x1, v22;
	v29 =	vmul.f32 v19, v18  }
0x89: {  	v46 =	vld [tilespmem:s28+$0x560];
	v1 =	vadd.s32 v22, v1;
	v22 =	vand.u32 $0x1, v28;
	v28 =	vshrl.u32 v23, $0x10  }
0x8a: {  	v19 =	vld [tilespmem:$0x10410];
	v1 =	vadd.s32 $0x7FFF, v1;
	v20 =	vadd.s32 v22, v20;
	v22 =	vand.u32 $0x1, v28  }
0x8b: {  	v1 =	vand.u32 $0xFFFF0000, v1;
	v28 =	vld [tilespmem:s28+$0x5D0];
	v31 =	vadd.s32 $0x7FFF, v20;
	v2 =	vmul.f32 v24, v2  }
0x8c: {  	v20 =	vadd.s32 v22, v23;
	v23 =	vmul.f32 v26, v27;
	v26 =	vld [tilespmem:s28+$0x85D0];
	v1 =	vmul.f32 v1, v16  }
0x8d: {  	v22 =	vand.u32 $0xFFFF0000, v31;
	v27 =	vld [tilespmem:s28+$0x4570];
	v24 =	vadd.s32 $0x7FFF, v20;
	v25 =	vmul.f32 v30, v25  }
0x8e: {  	v47 =	vld [tilespmem:s28+$0x8560];
	v30 =	vshrl.u32 v2, $0x10;
	v24 =	vand.u32 $0xFFFF0000, v24;
	v31 =	vshrl.u32 v23, $0x10  }
0x8f: {  	v20 =	vld [tilespmem:$0x10460];
	v30 =	vand.u32 $0x1, v30;
	v31 =	vand.u32 $0x1, v31;
	v24 =	vmul.f32 v24, v19  }
0x90: {  	v2 =	vadd.s32 v30, v2;
	v30 =	vld [tilespmem:s28+$0xC580];
	v23 =	vadd.s32 v31, v23;
	v31 =	vshrl.u32 v25, $0x10  }
0x91: {  	v2 =	vadd.s32 $0x7FFF, v2;
	v31 =	vand.u32 $0x1, v31;
	v26 =	vmul.f32 v26, v28;
	v28 =	vld [tilespmem:s28+$0x5B0]  }
0x92: {  	v2 =	vand.u32 $0xFFFF0000, v2;
	v27 =	vmul.f32 v32, v27;
	v25 =	vadd.s32 v31, v25;
	v31 =	vld [tilespmem:s28+$0x85B0]  }
0x93: {  	v53 =	vld [tilespmem:s28+$0x4550];
	v32 =	vmul.f32 v47, v46;
	v2 =	vmul.f32 v2, v17;
	v25 =	vadd.s32 $0x7FFF, v25  }
0x94: {  	v38 =	vld [tilespmem:s28+$0x5A0];
	v34 =	vshrl.u32 v26, $0x10;
	v35 =	vshrl.u32 v27, $0x10;
	v25 =	vand.u32 $0xFFFF0000, v25  }
0x95: {  	v55 =	vld [tilespmem:s28+$0xC560];
	v34 =	vand.u32 $0x1, v34;
	v2 =	vadd.f32 v2, v20;
	v30 =	vmul.f32 v30, v33  }
0x96: {  	v56 =	vld [tilespmem:s28+$0x590];
	v54 =	vand.u32 $0x1, v35;
	v26 =	vadd.s32 v34, v26;
	v37 =	vmul.f32 v25, v18  }
0x97: {  	v25 =	vadd.s32 $0x7FFF, v26;
	v26 =	vld [tilespmem:s28+$0xC550];
	v2 =	vadd.f32 v24, v2;
	v28 =	vmul.f32 v31, v28  }
0x98: {  	v24 =	vand.u32 $0xFFFF0000, v25;
	v25 =	vadd.s32 v54, v27;
	v27 =	vshrl.u32 v30, $0x10;
	v31 =	vld [tilespmem:s28+$0x85A0]  }
0x99: {  	v58 =	vld [tilespmem:s28+$0x4530];
	v2 =	vadd.f32 v29, v2;
	v25 =	vadd.s32 $0x7FFF, v25;
	v27 =	vand.u32 $0x1, v27  }
0x9a: {  	v59 =	vld [tilespmem:s28+$0xC540];
	v29 =	vshrl.u32 v28, $0x10;
	v25 =	vand.u32 $0xFFFF0000, v25;
	v27 =	vadd.s32 v27, v30  }
0x9b: {  	v51 =	vld [tilespmem:s28+$0x550];
	v29 =	vand.u32 $0x1, v29;
	v35 =	vmul.f32 v25, v16;
	v25 =	vadd.s32 $0x7FFF, v27  }
0x9c: {  	v30 =	vadd.f32 v0, v2;
	v2 =	vld [tilespmem:s28+$0x8590];
	v27 =	vadd.s32 v29, v28;
	v26 =	vmul.f32 v26, v53  }
0x9d: {  	v28 =	vld [tilespmem:s28+$0x4560];
	v29 =	vmul.f32 v52, v36;
	v27 =	vadd.s32 $0x7FFF, v27;
	v31 =	vmul.f32 v31, v38  }
0x9e: {  	v52 =	vld [tilespmem:s28+$0x8550];
	v53 =	vshrl.u32 v32, $0x10;
	v27 =	vand.u32 $0xFFFF0000, v27;
	v0 =	vshrl.u32 v26, $0x10  }
0x9f: {  	v39 =	vld [tilespmem:s28+$0x8570];
	v36 =	vshrl.u32 v29, $0x10;
	v57 =	vmul.f32 v27, v19;
	v27 =	vshrl.u32 v31, $0x10  }
0xa0: {  	v43 =	vld [tilespmem:s28+$0xC4F0];
	v0 =	vand.u32 $0x1, v0;
	v36 =	vand.u32 $0x1, v36;
	v27 =	vand.u32 $0x1, v27  }
0xa1: {  	v54 =	vld [tilespmem:s28+$0x44F0];
	v0 =	vadd.s32 v0, v26;
	v2 =	vmul.f32 v2, v56;
	v26 =	vadd.s32 v27, v31  }
0xa2: {  	v27 =	vadd.s32 v36, v29;
	v29 =	vld [tilespmem:s28+$0xC530];
	v28 =	vmul.f32 v55, v28;
	v26 =	vadd.s32 $0x7FFF, v26  }
0xa3: {  	v0 =	vadd.s32 $0x7FFF, v0;
	v31 =	vld [tilespmem:s28+$0x4540];
	v34 =	vmul.f32 v52, v51;
	v26 =	vand.u32 $0xFFFF0000, v26  }
0xa4: {  	v63 =	vld [tilespmem:s28+$0x580];
	v0 =	vand.u32 $0xFFFF0000, v0;
	v60 =	vshrl.u32 v28, $0x10;
	v61 =	vmul.f32 v26, v17  }
0xa5: {  	v48 =	vld [tilespmem:s28+$0x8580];
	v62 =	vshrl.u32 v2, $0x10;
	v26 =	vmul.f32 v0, v16;
	v36 =	vand.u32 $0x1, v60  }
0xa6: {  	v0 =	vld [tilespmem:s28+$0x570];
	v28 =	vadd.s32 v36, v28;
	v36 =	vand.u32 $0x1, v62;
	v33 =	vadd.f32 v61, v20  }
0xa7: {  	v42 =	vld [tilespmem:s28+$0x4520];
	v29 =	vmul.f32 v29, v58;
	v28 =	vadd.s32 $0x7FFF, v28;
	v2 =	vadd.s32 v36, v2  }
0xa8: {  	v50 =	vld [tilespmem:s28+$0xC520];
	v31 =	vmul.f32 v59, v31;
	v61 =	vmul.f32 v43, v54;
	v28 =	vand.u32 $0xFFFF0000, v28  }
0xa9: {  	v58 =	vld [tilespmem:s28+$0xC500];
	v2 =	vadd.s32 $0x7FFF, v2;
	v33 =	vadd.f32 v57, v33;
	v45 =	vshrl.u32 v29, $0x10  }
0xaa: {  	v41 =	vmul.f32 v28, v18;
	v49 =	vshrl.u32 v31, $0x10;
	v57 =	vld [tilespmem:s28+$0x4500];
	v28 =	vand.u32 $0x1, v45  }
0xab: {  	v59 =	vld [tilespmem:s28+$0x530];
	v0 =	vmul.f32 v39, v0;
	v33 =	vadd.f32 v37, v33;
	v29 =	vadd.s32 v28, v29  }
0xac: {  	v45 =	vld [tilespmem:s28+$0x8530];
	v28 =	vand.u32 $0xFFFF0000, v2;
	v37 =	vand.u32 $0x1, v49;
	v29 =	vadd.s32 $0x7FFF, v29  }
0xad: {  	v2 =	vld [tilespmem:s28+$0x4510];
	v39 =	vshrl.u32 v0, $0x10;
	v33 =	vadd.f32 v1, v33;
	v29 =	vand.u32 $0xFFFF0000, v29  }
0xae: {  	v1 =	vld [tilespmem:s28+$0xC510];
	v40 =	vmul.f32 v29, v16;
	v29 =	vadd.s32 v37, v31;
	v31 =	vand.u32 $0x1, v39  }
0xaf: {  	v37 =	vmul.f32 v50, v42;
	v50 =	vshrl.u32 v34, $0x10;
	v42 =	vmul.f32 v58, v57  }
0xb0: {  	v0 =	vadd.s32 v31, v0;
	v31 =	vmul.f32 v48, v63;
	v43 =	vand.u32 $0x1, v50  }
0xb1: {  	v47 =	vld [tilespmem:s28+$0x8520];
	v52 =	vmul.f32 v45, v59;
	v0 =	vadd.s32 $0x7FFF, v0;
	v60 =	vshrl.u32 v37, $0x10  }
0xb2: {  	v63 =	vld [tilespmem:s28+$0x520];
	v34 =	vadd.s32 v43, v34;
	v54 =	vshrl.u32 v42, $0x10;
	v0 =	vand.u32 $0xFFFF0000, v0  }
0xb3: {  	v55 =	vshrl.u32 v31, $0x10;
	v1 =	vmul.f32 v1, v2;
	v2 =	vand.u32 $0x1, v53  }
0xb4: {  	v0 =	vmul.f32 v0, v19;
	v56 =	vand.u32 $0x1, v55;
	v55 =	vand.u32 $0x1, v54  }
0xb5: {  	v46 =	vld [tilespmem:s28+$0x540];
	v2 =	vadd.s32 v2, v32;
	v31 =	vadd.s32 v56, v31;
	v32 =	vand.u32 $0x1, v60  }
0xb6: {  	v51 =	vld [tilespmem:s28+$0xC4D0];
	v56 =	vshrl.u32 v52, $0x10;
	v44 =	vshrl.u32 v1, $0x10;
	v2 =	vadd.s32 $0x7FFF, v2  }
0xb7: {  	v62 =	vld [tilespmem:s28+$0x8540];
	v37 =	vadd.s32 v32, v37;
	v39 =	vmul.f32 v47, v63;
	v57 =	vand.u32 $0x1, v56  }
0xb8: {  	v58 =	vld [tilespmem:s28+$0x8510];
	v44 =	vand.u32 $0x1, v44;
	v2 =	vand.u32 $0xFFFF0000, v2;
	v36 =	vadd.s32 v57, v52  }
0xb9: {  	v48 =	vld [tilespmem:s28+$0x44D0];
	v1 =	vadd.s32 v44, v1;
	v2 =	vmul.f32 v2, v17;
	v59 =	vshrl.u32 v39, $0x10  }
0xba: {  	v53 =	vld [tilespmem:s28+$0x44E0];
	v36 =	vadd.s32 $0x7FFF, v36;
	v1 =	vadd.s32 $0x7FFF, v1;
	v44 =	vand.u32 $0x1, v59  }
0xbb: {  	v56 =	vld [tilespmem:s28+$0xC4C0];
	v36 =	vand.u32 $0xFFFF0000, v36;
	v2 =	vadd.f32 v2, v20;
	v32 =	vand.u32 $0xFFFF0000, v1  }
0xbc: {  	v1 =	vadd.s32 $0x7FFF, v37;
	v37 =	vmul.f32 v62, v46;
	v39 =	vadd.s32 v44, v39;
	v62 =	vld [tilespmem:s28+$0x44C0]  }
0xbd: {  	v60 =	vld [tilespmem:s28+$0x44B0];
	v63 =	vmul.f32 v36, v19;
	v1 =	vand.u32 $0xFFFF0000, v1;
	v39 =	vadd.s32 $0x7FFF, v39  }
0xbe: {  	v57 =	vld [tilespmem:s28+$0x84F0];
	v0 =	vadd.f32 v0, v2;
	v2 =	vshrl.u32 v61, $0x10;
	v39 =	vand.u32 $0xFFFF0000, v39  }
0xbf: {  	v59 =	vld [tilespmem:s28+$0x4E0];
	v1 =	vmul.f32 v1, v18;
	v2 =	vand.u32 $0x1, v2;
	v39 =	vmul.f32 v39, v17  }
0xc0: {  	v0 =	vadd.f32 v41, v0;
	v2 =	vadd.s32 v2, v61;
	v61 =	vld [tilespmem:s28+$0xC4B0];
	v41 =	vmul.f32 v51, v48  }
0xc1: {  	v51 =	vld [tilespmem:s28+$0x4F0];
	v2 =	vadd.s32 $0x7FFF, v2;
	v39 =	vadd.f32 v39, v20;
	v43 =	vmul.f32 v56, v62  }
0xc2: {  	v62 =	vld [tilespmem:s28+$0x84E0];
	v38 =	vadd.f32 v35, v0;
	v2 =	vand.u32 $0xFFFF0000, v2;
	v35 =	vadd.s32 v55, v42  }
0xc3: {  	v0 =	vld [tilespmem:s28+$0xC4E0];
	v55 =	vshrl.u32 v37, $0x10;
	v49 =	vshrl.u32 v41, $0x10;
	v45 =	vmul.f32 v2, v16  }
0xc4: {  	v54 =	vld [tilespmem:s28+$0xC490];
	v49 =	vand.u32 $0x1, v49;
	v36 =	vand.u32 $0x1, v55;
	v39 =	vadd.f32 v63, v39  }
0xc5: {  	v2 =	vld [tilespmem:s28+$0x510];
	v63 =	vshrl.u32 v43, $0x10;
	v41 =	vadd.s32 v49, v41;
	v36 =	vadd.s32 v36, v37  }
0xc6: {  	v52 =	vld [tilespmem:s28+$0x500];
	v41 =	vadd.s32 $0x7FFF, v41;
	v46 =	vmul.f32 v61, v60;
	v1 =	vadd.f32 v1, v39  }
0xc7: {  	v42 =	vld [tilespmem:s28+$0x8500];
	v49 =	vmul.f32 v57, v51;
	v51 =	vand.u32 $0x1, v63;
	v37 =	vand.u32 $0xFFFF0000, v41  }
0xc8: {  	v43 =	vadd.s32 v51, v43;
	v44 =	vmul.f32 v62, v59;
	v62 =	vld [tilespmem:s28+$0xC470];
	v0 =	vmul.f32 v0, v53  }
0xc9: {  	v53 =	vld [tilespmem:s28+$0x4490];
	v61 =	vshrl.u32 v46, $0x10;
	v41 =	vadd.f32 v40, v1;
	v55 =	vshrl.u32 v49, $0x10  }
0xca: {  	v1 =	vld [tilespmem:s28+$0xC4A0];
	v43 =	vadd.s32 $0x7FFF, v43;
	v2 =	vmul.f32 v58, v2;
	v47 =	vand.u32 $0x1, v61  }
0xcb: {  	v56 =	vand.u32 $0x1, v55;
	v48 =	vshrl.u32 v44, $0x10;
	v55 =	vld [tilespmem:s28+$0xC480];
	v50 =	vshrl.u32 v0, $0x10  }
0xcc: {  	v46 =	vadd.s32 v47, v46;
	v47 =	vld [tilespmem:s28+$0x4D0];
	v50 =	vand.u32 $0x1, v50;
	v58 =	vshrl.u32 v2, $0x10  }
0xcd: {  	v0 =	vadd.s32 v50, v0;
	v60 =	vand.u32 $0x1, v58;
	v50 =	vadd.s32 $0x7FFF, v46;
	v58 =	vld [tilespmem:s28+$0x4470]  }
0xce: {  	v46 =	vadd.s32 v56, v49;
	v39 =	vadd.s32 v60, v2;
	v2 =	vld [tilespmem:s28+$0x44A0];
	v61 =	vmul.f32 v54, v53  }
0xcf: {  	v49 =	vmul.f32 v42, v52;
	v52 =	vld [tilespmem:s28+$0x4480];
	v0 =	vadd.s32 $0x7FFF, v0;
	v40 =	vand.u32 $0xFFFF0000, v50  }
0xd0: {  	v57 =	vadd.s32 $0x7FFF, v46;
	v46 =	vld [tilespmem:s28+$0x84D0];
	v0 =	vand.u32 $0xFFFF0000, v0;
	v53 =	vshrl.u32 v61, $0x10  }
0xd1: {  	v56 =	vld [tilespmem:s28+$0x4C0];
	v50 =	vmul.f32 v40, v16;
	v40 =	vand.u32 $0xFFFF0000, v43;
	v53 =	vand.u32 $0x1, v53  }
0xd2: {  	v43 =	vand.u32 $0xFFFF0000, v57;
	v59 =	vshrl.u32 v49, $0x10;
	v51 =	vadd.s32 v53, v61;
	v53 =	vld [tilespmem:s28+$0x4B0]  }
0xd3: {  	v63 =	vmul.f32 v43, v19;
	v61 =	vld [tilespmem:s28+$0x84B0];
	v1 =	vmul.f32 v1, v2;
	v2 =	vand.u32 $0x1, v48  }
0xd4: {  	v43 =	vand.u32 $0x1, v59;
	v59 =	vmul.f32 v55, v52;
	v52 =	vld [tilespmem:s28+$0x84A0];
	v2 =	vadd.s32 v2, v44  }
0xd5: {  	v0 =	vmul.f32 v0, v18;
	v46 =	vmul.f32 v46, v47;
	v47 =	vld [tilespmem:s28+$0x84C0];
	v2 =	vadd.s32 $0x7FFF, v2  }
0xd6: {  	v43 =	vadd.s32 v43, v49;
	v48 =	vmul.f32 v62, v58;
	v58 =	vld [tilespmem:s28+$0x4A0];
	v2 =	vand.u32 $0xFFFF0000, v2  }
0xd7: {  	v51 =	vadd.s32 $0x7FFF, v51;
	v60 =	vshrl.u32 v1, $0x10;
	v2 =	vmul.f32 v2, v17  }
0xd8: {  	v42 =	vand.u32 $0xFFFF0000, v51;
	v62 =	vshrl.u32 v48, $0x10;
	v54 =	vand.u32 $0x1, v60  }
0xd9: {  	v57 =	vshrl.u32 v46, $0x10;
	v1 =	vadd.s32 v54, v1;
	v2 =	vadd.f32 v2, v20  }
0xda: {  	v57 =	vand.u32 $0x1, v57;
	v53 =	vmul.f32 v61, v53;
	v1 =	vadd.s32 $0x7FFF, v1  }
0xdb: {  	v47 =	vmul.f32 v47, v56;
	v52 =	vmul.f32 v52, v58;
	v2 =	vadd.f32 v63, v2  }
0xdc: {  	v51 =	vld [tilespmem:s28+$0x4450];
	v1 =	vand.u32 $0xFFFF0000, v1;
	v63 =	vand.u32 $0x1, v62;
	v62 =	vshrl.u32 v59, $0x10  }
0xdd: {  	v44 =	vadd.s32 v63, v48;
	v63 =	vand.u32 $0x1, v62;
	v0 =	vadd.f32 v0, v2;
	v2 =	vld [tilespmem:s28+$0xC450]  }
0xde: {  	v54 =	vld [tilespmem:s28+$0x4460];
	v60 =	vadd.s32 $0x7FFF, v44;
	v44 =	vadd.s32 v57, v46;
	v57 =	vshrl.u32 v53, $0x10  }
0xdf: {  	v61 =	vand.u32 $0xFFFF0000, v60;
	v60 =	vshrl.u32 v47, $0x10;
	v46 =	vadd.f32 v45, v0;
	v0 =	vld [tilespmem:s28+$0xC460]  }
0xe0: {  	v56 =	vld [tilespmem:s28+$0x4430];
	v49 =	vmul.f32 v61, v16;
	v45 =	vadd.s32 v63, v59;
	v59 =	vand.u32 $0x1, v57  }
0xe1: {  	v58 =	vld [tilespmem:s28+$0xC430];
	v61 =	vshrl.u32 v52, $0x10;
	v55 =	vand.u32 $0x1, v60;
	v48 =	vadd.s32 v59, v53  }
0xe2: {  	v62 =	vand.u32 $0x1, v61;
	v48 =	vadd.s32 $0x7FFF, v48;
	v2 =	vmul.f32 v2, v51  }
0xe3: {  	v53 =	vld [tilespmem:s28+$0x490];
	v47 =	vadd.s32 v55, v47;
	v48 =	vand.u32 $0xFFFF0000, v48;
	v51 =	vadd.s32 v62, v52  }
0xe4: {  	v55 =	vld [tilespmem:s28+$0x4440];
	v51 =	vadd.s32 $0x7FFF, v51;
	v0 =	vmul.f32 v0, v54;
	v63 =	vshrl.u32 v2, $0x10  }
0xe5: {  	v52 =	vmul.f32 v48, v19;
	v54 =	vld [tilespmem:s28+$0x8490];
	v51 =	vand.u32 $0xFFFF0000, v51;
	v48 =	vand.u32 $0x1, v63  }
0xe6: {  	v59 =	vld [tilespmem:s28+$0xC440];
	v61 =	vmul.f32 v51, v17;
	v51 =	vmul.f32 v58, v56;
	v60 =	vshrl.u32 v0, $0x10  }
0xe7: {  	v1 =	vmul.f32 v1, v18;
	v56 =	vld [tilespmem:s28+$0x8470];
	v2 =	vadd.s32 v48, v2;
	v57 =	vand.u32 $0x1, v60  }
0xe8: {  	v60 =	vld [tilespmem:s28+$0x470];
	v2 =	vadd.s32 $0x7FFF, v2;
	v58 =	vshrl.u32 v51, $0x10;
	v0 =	vadd.s32 v57, v0  }
0xe9: {  	v57 =	vld [tilespmem:s28+$0x480];
	v48 =	vand.u32 $0xFFFF0000, v2;
	v58 =	vand.u32 $0x1, v58;
	v0 =	vadd.s32 $0x7FFF, v0  }
0xea: {  	v2 =	vld [tilespmem:s28+$0x8480];
	v53 =	vmul.f32 v54, v53;
	v54 =	vadd.f32 v61, v20;
	v0 =	vand.u32 $0xFFFF0000, v0  }
0xeb: {  	v45 =	vadd.s32 $0x7FFF, v45;
	v51 =	vadd.s32 v58, v51;
	v21 =	vmul.f32 v0, v18  }
0xec: {  	v61 =	vld [tilespmem:s28+$0x460];
	v62 =	vshrl.u32 v53, $0x10;
	v52 =	vadd.f32 v52, v54;
	v54 =	vmul.f32 v59, v55  }
0xed: {  	v55 =	vld [tilespmem:s28+$0x8460];
	v58 =	vand.u32 $0x1, v62;
	v62 =	vadd.s32 $0x7FFF, v51;
	v56 =	vmul.f32 v56, v60  }
0xee: {  	v59 =	vld [tilespmem:s28+$0x4410];
	v51 =	vadd.s32 v58, v53;
	v1 =	vadd.f32 v1, v52;
	v53 =	vand.u32 $0xFFFF0000, v62  }
0xef: {  	v60 =	vld [tilespmem:s28+$0x4420];
	v58 =	vshrl.u32 v54, $0x10;
	v2 =	vmul.f32 v2, v57;
	v53 =	vmul.f32 v53, v16  }
0xf0: {  	v52 =	vld [tilespmem:s28+$0xC410];
	v58 =	vand.u32 $0x1, v58;
	v62 =	vshrl.u32 v56, $0x10;
	v1 =	vadd.f32 v50, v1  }
0xf1: {  	(xrf2) =	vadd.scan.msk.f32 $0xffff, v30;
	v50 =	vld [tilespmem:s28+$0xC420];
	v54 =	vadd.s32 v58, v54;
	v63 =	vand.u32 $0x1, v62;
	v57 =	vshrl.u32 v2, $0x10  }
0xf2: {  	(xrf2) =	vadd.scan.msk.f32 $0xffff, v33;
	v58 =	vld [tilespmem:s28+$0x450];
	v54 =	vadd.s32 $0x7FFF, v54;
	v55 =	vmul.f32 v55, v61;
	v56 =	vadd.s32 v63, v56  }
0xf3: {  	(xrf2) =	vadd.scan.msk.f32 $0xffff, v38;
	v62 =	vld [tilespmem:s28+$0x8450];
	v57 =	vand.u32 $0x1, v57;
	v54 =	vand.u32 $0xFFFF0000, v54;
	v56 =	vadd.s32 $0x7FFF, v56  }
0xf4: {  	(xrf2) =	vadd.scan.msk.f32 $0xffff, v41;
	v2 =	vadd.s32 v57, v2;
	v57 =	vld [tilespmem:s28+$0x430];
	v61 =	vshrl.u32 v55, $0x10;
	v56 =	vand.u32 $0xFFFF0000, v56  }
0xf5: {  	(xrf2) =	vadd.scan.msk.f32 $0xffff, v46;
	v52 =	vmul.f32 v52, v59;
	v2 =	vadd.s32 $0x7FFF, v2;
	v59 =	vld [tilespmem:s28+$0x8430];
	v61 =	vand.u32 $0x1, v61  }
0xf6: {  	v0 =	vld [tilespmem:s28+$0xC400];
	(xrf2) =	vadd.scan.msk.f32 $0xffff, v1;
	v1 =	vmul.f32 v54, v18;
	v56 =	vmul.f32 v56, v19;
	v55 =	vadd.s32 v61, v55  }
0xf7: {  	v50 =	vmul.f32 v50, v60;
	v60 =	vld [tilespmem:s28+$0x4400];
	v61 =	vshrl.u32 v52, $0x10;
	v55 =	vadd.s32 $0x7FFF, v55  }
0xf8: {  	v58 =	vmul.f32 v62, v58;
	v62 =	vld [tilespmem:s28+$0x8420];
	v61 =	vand.u32 $0x1, v61;
	v55 =	vand.u32 $0xFFFF0000, v55  }
0xf9: {  	v63 =	vshrl.u32 v50, $0x10;
	v52 =	vadd.s32 v61, v52;
	v61 =	vld [tilespmem:s28+$0x420];
	v55 =	vmul.f32 v55, v17  }
0xfa: {  	v2 =	vand.u32 $0xFFFF0000, v2;
	v63 =	vand.u32 $0x1, v63;
	v57 =	vmul.f32 v59, v57  }
0xfb: {  	v59 =	vshrl.u32 v58, $0x10;
	v50 =	vadd.s32 v63, v50;
	v55 =	vadd.f32 v55, v20  }
0xfc: {  	v59 =	vand.u32 $0x1, v59;
	v50 =	vadd.s32 $0x7FFF, v50;
	v0 =	vmul.f32 v0, v60;
	v60 =	vld [tilespmem:s28+$0x400]  }
0xfd: {  	v58 =	vadd.s32 v59, v58;
	v59 =	vshrl.u32 v57, $0x10;
	v55 =	vadd.f32 v56, v55;
	v56 =	vld [tilespmem:s28+$0x8400]  }
0xfe: {  	v50 =	vand.u32 $0xFFFF0000, v50;
	v59 =	vand.u32 $0x1, v59;
	v61 =	vmul.f32 v62, v61;
	v62 =	vld [tilespmem:s28+$0x8410]  }
0xff: {  	v57 =	vadd.s32 v59, v57;
	v59 =	vshrl.u32 v0, $0x10;
	v21 =	vadd.f32 v21, v55;
	v55 =	vld [tilespmem:s28+$0x410]  }
0x100: {  	v63 =	vld [tilespmem:s28+$0x440];
	v58 =	vadd.s32 $0x7FFF, v58;
	v50 =	vmul.f32 v50, v18;
	v59 =	vand.u32 $0x1, v59  }
0x101: {  	v0 =	vadd.s32 v59, v0;
	v59 =	vshrl.u32 v61, $0x10;
	v21 =	vadd.f32 v49, v21;
	v49 =	vld [tilespmem:s28+$0x8440]  }
0x102: {  	v57 =	vadd.s32 $0x7FFF, v57;
	v59 =	vand.u32 $0x1, v59;
	v56 =	vmul.f32 v56, v60  }
0x103: {  	v57 =	vand.u32 $0xFFFF0000, v57;
	v0 =	vadd.s32 $0x7FFF, v0;
	v59 =	vadd.s32 v59, v61  }
0x104: {  	v59 =	vadd.s32 $0x7FFF, v59;
	v60 =	vshrl.u32 v56, $0x10;
	v55 =	vmul.f32 v62, v55  }
0x105: {  	v57 =	vmul.f32 v57, v19;
	v59 =	vand.u32 $0xFFFF0000, v59;
	v60 =	vand.u32 $0x1, v60  }
0x106: {  	v49 =	vmul.f32 v49, v63;
	v56 =	vadd.s32 v60, v56;
	v60 =	vshrl.u32 v55, $0x10  }
0x107: {  	v59 =	vmul.f32 v59, v17;
	v56 =	vadd.s32 $0x7FFF, v56;
	v60 =	vand.u32 $0x1, v60  }
0x108: {  	v61 =	vshrl.u32 v49, $0x10;
	v56 =	vand.u32 $0xFFFF0000, v56;
	v55 =	vadd.s32 v60, v55  }
0x109: {  	v56 =	vmul.f32 v56, v17;
	v55 =	vadd.s32 $0x7FFF, v55;
	v60 =	vand.u32 $0x1, v61  }
0x10a: {  	v59 =	vadd.f32 v59, v20;
	v55 =	vand.u32 $0xFFFF0000, v55;
	v49 =	vadd.s32 v60, v49  }
0x10b: {  	v30 =	vadd.f32 v56, v20;
	v55 =	vmul.f32 v55, v19;
	v49 =	vadd.s32 $0x7FFF, v49  }
0x10c: {  	v0 =	vand.u32 $0xFFFF0000, v0;
	v57 =	vadd.f32 v57, v59;
	v49 =	vand.u32 $0xFFFF0000, v49  }
0x10d: {  	v0 =	vmul.f32 v0, v18;
	v30 =	vadd.f32 v55, v30;
	v61 =	vmul.f32 v49, v17  }
0x10e: {  	v52 =	vadd.s32 $0x7FFF, v52;
	v63 =	vand.u32 $0xFFFF0000, v58;
	v60 =	vadd.f32 v50, v57  }
0x10f: {  	v50 =	vmul.f32 v63, v19;
	v0 =	vadd.f32 v0, v30;
	v30 =	vadd.f32 v61, v20  }
0x110: {  	v54 =	vadd.s32 $0x7FFF, v47;
	v2 =	vmul.f32 v2, v17;
	v52 =	vand.u32 $0xFFFF0000, v52  }
0x111: {  	(xrf2) =	vadd.scan.msk.f32 $0xffff, v21;
	v62 =	vmul.f32 v52, v16;
	v52 =	vadd.s32 $0x7FFF, v51;
	v21 =	vadd.f32 v50, v30  }
0x112: {  	v2 =	vadd.f32 v2, v20;
	v33 =	vadd.f32 v53, v60;
	v53 =	vand.u32 $0xFFFF0000, v52  }
0x113: {  	v0 =	vadd.f32 v62, v0;
	v1 =	vadd.f32 v1, v21;
	v21 =	vmul.f32 v53, v19  }
0x114: {  	v45 =	vand.u32 $0xFFFF0000, v45;
	v56 =	vadd.s32 $0x7FFF, v44;
	v55 =	vand.u32 $0xFFFF0000, v54;
	(xrf2) =	vadd.scan.msk.f32 $0xffff, v33  }
0x115: {  	(xrf2) =	vadd.scan.msk.f32 $0xffff, v0;
	v0 =	vmul.f32 v45, v18;
	v2 =	vadd.f32 v21, v2;
	v21 =	vmul.f32 v55, v17  }
0x116: {  	v38 =	vand.u32 $0xFFFF0000, v56;
	v30 =	vmul.f32 v48, v16  }
0x117: {  	v0 =	vadd.f32 v0, v2;
	v2 =	vadd.f32 v21, v20;
	v21 =	vmul.f32 v38, v19  }
0x118: {  	v1 =	vadd.f32 v30, v1  }
0x119: {  	v57, _, _ =	vpop (xrf2);
	v61 =	vmul.f32 v40, v18;
	v2 =	vadd.f32 v21, v2  }
0x11a: {  	v58 =	vmul.f32 v42, v16;
	v30, _, _ =	vpop (xrf2)  }
0x11b: {  	v37 =	vmul.f32 v37, v16;
	v60, _, _ =	vpop (xrf2);
	v2 =	vadd.f32 v61, v2  }
0x11c: {  	(xrf2) =	vadd.scan.msk.f32 $0xffff, v1;
	v1, _, _ =	vpop (xrf2);
	v0 =	vadd.f32 v58, v0  }
0x11d: {  	v63, _, _ =	vpop (xrf2);
	v2 =	vadd.f32 v37, v2  }
0x11e: {  	v45, _, _ =	vpop (xrf2);
	(xrf2) =	vadd.scan.msk.f32 $0xffff, v0  }
0x11f: {  	v46, _, _ =	vpop (xrf2);
	(xrf2) =	vadd.scan.msk.f32 $0xffff, v2;
	v2 =	vld [tilespmem:$0x1FF90]  }
0x120: {  	v0, _, _ =	vpop (xrf2)  }
0x121: {  	v3 =	vld [tilespmem:$0x1FFA0];
	v48, _, _ =	vpop (xrf2)  }
0x122: {  	v37 =	vbroadcast v48, $0xF;
	_ =	sdelay $0x1  }
0x123: {  	v36 =	vadd.s32 $0x7FFF, v36;
	v0 =	vbroadcast v0, $0xF;
	v2 =	vmul.f32 v2, v37  }
0x124: {  	v34 =	vadd.s32 $0x7FFF, v34;
	v36 =	vand.u32 $0xFFFF0000, v36  }
0x125: {  	v59 =	vadd.s32 $0x7FFF, v43;
	v0 =	vmul.f32 v3, v0;
	v2 =	vadd.f32 $0.0e+00, v2  }
0x126: {  	v34 =	vand.u32 $0xFFFF0000, v34;
	v36 =	vmul.f32 v36, v17;
	v62 =	vand.u32 $0xFFFF0000, v59  }
0x127: {  	v39 =	vadd.s32 $0x7FFF, v39;
	v21 =	vmul.f32 v62, v17;
	v0 =	vadd.f32 v0, v2;
	v2 =	vld [tilespmem:$0x1FFB0]  }
0x128: {  	v34 =	vmul.f32 v34, v19;
	v39 =	vand.u32 $0xFFFF0000, v39;
	v49 =	vadd.f32 v36, v20  }
0x129: {  	v35 =	vadd.s32 $0x7FFF, v35;
	v47 =	vmul.f32 v39, v19;
	v21 =	vadd.f32 v21, v20;
	v51, _, _ =	vpop (xrf2)  }
0x12a: {  	v35 =	vand.u32 $0xFFFF0000, v35;
	v50 =	vadd.f32 v34, v49;
	v34 =	vbroadcast v51, $0xF  }
0x12b: {  	v35 =	vmul.f32 v35, v18;
	v21 =	vadd.f32 v47, v21  }
0x12c: {  	v2 =	vmul.f32 v2, v34  }
0x12d: {  	v32 =	vmul.f32 v32, v16;
	v21 =	vadd.f32 v35, v21  }
0x12e: {  	v0 =	vadd.f32 v2, v0;
	v2 =	vld [tilespmem:$0x1FFC0]  }
0x12f: {  	v29 =	vadd.s32 $0x7FFF, v29;
	v21 =	vadd.f32 v32, v21  }
0x130: {  	v29 =	vand.u32 $0xFFFF0000, v29  }
0x131: {  	v29 =	vmul.f32 v29, v18;
	(xrf2) =	vadd.scan.msk.f32 $0xffff, v21;
	v21 =	vbroadcast v46, $0xF;
	_ =	sdelay $0x1  }
0x132: {  	v29 =	vadd.f32 v29, v50;
	v2 =	vmul.f32 v2, v21;
	_ =	sdelay $0x1  }
0x133: {  	v0 =	vadd.f32 v2, v0;
	v2 =	vld [tilespmem:$0x1FFD0];
	_ =	sdelay $0x1  }
0x134: {  	v26 =	vadd.f32 v26, v29;
	v29, _, _ =	vpop (xrf2)  }
0x135: {  	v21 =	vbroadcast v29, $0xF  }
0x136: {  	v31 =	vadd.s32 $0x7FFF, v31  }
0x137: {  	v31 =	vand.u32 $0xFFFF0000, v31;
	v2 =	vmul.f32 v2, v21  }
0x138: {  	v31 =	vmul.f32 v31, v17  }
0x139: {  	v0 =	vadd.f32 v2, v0;
	v2 =	vld [tilespmem:$0x1FFE0]  }
0x13a: {  	v25 =	vand.u32 $0xFFFF0000, v25;
	v28 =	vmul.f32 v28, v19;
	v31 =	vadd.f32 v31, v20  }
0x13b: {  	v23 =	vadd.s32 $0x7FFF, v23;
	v25 =	vmul.f32 v25, v18  }
0x13c: {  	v27 =	vadd.s32 $0x7FFF, v27;
	v28 =	vadd.f32 v28, v31;
	v21 =	vbroadcast v45, $0xF  }
0x13d: {  	v23 =	vand.u32 $0xFFFF0000, v23;
	v27 =	vand.u32 $0xFFFF0000, v27  }
0x13e: {  	v27 =	vmul.f32 v27, v17;
	v25 =	vadd.f32 v25, v28;
	v2 =	vmul.f32 v2, v21  }
0x13f: {  	v23 =	vmul.f32 v23, v16  }
0x140: {  	v24 =	vmul.f32 v24, v19;
	v27 =	vadd.f32 v27, v20;
	v0 =	vadd.f32 v2, v0;
	v2 =	vld [tilespmem:$0x1FFF0]  }
0x141: {  	(xrf2) =	vadd.scan.msk.f32 $0xffff, v26  }
0x142: {  	v22 =	vmul.f32 v22, v18;
	v24 =	vadd.f32 v24, v27;
	v23 =	vadd.f32 v23, v25;
	v25, _, _ =	vpop (xrf2)  }
0x143: {  	v21 =	vbroadcast v25, $0xF  }
0x144: {  	v22 =	vadd.f32 v22, v24;
	v24 =	vmul.f32 v4, v16  }
0x145: {  	(xrf2) =	vadd.scan.msk.f32 $0xffff, v23;
	v2 =	vmul.f32 v2, v21;
	v21 =	vbroadcast v63, $0xF  }
0x146: {  	v22 =	vadd.f32 v24, v22;
	v23, _, _ =	vpop (xrf2)  }
0x147: {  	v0 =	vadd.f32 v2, v0;
	v2 =	vmul.f32 v7, v21;
	v21 =	vbroadcast v23, $0xF;
	_ =	sdelay $0x1  }
0x148: {  	(xrf2) =	vadd.scan.msk.f32 $0xffff, v22  }
0x149: {  	v1 =	vbroadcast v1, $0xF;
	v0 =	vadd.f32 v2, v0;
	v2 =	vmul.f32 v8, v21  }
0x14a: {  	v21, _, _ =	vpop (xrf2)  }
0x14b: {  	v1 =	vmul.f32 v9, v1;
	v0 =	vadd.f32 v2, v0;
	v2 =	vbroadcast v21, $0xF;
	_ =	sdelay $0x1  }
0x14c: {  	v0 =	vadd.f32 v1, v0;
	v1 =	vmul.f32 v10, v2;
	v2 =	vbroadcast v60, $0xF  }
0x14d: {  	v21, _, _ =	vpop (xrf2)  }
0x14e: {  	v0 =	vadd.f32 v1, v0;
	v1 =	vmul.f32 v11, v2;
	v2 =	vbroadcast v21, $0xF;
	_ =	sdelay $0x1  }
0x14f: {  	v0 =	vadd.f32 v1, v0;
	v1 =	vmul.f32 v12, v2;
	v2 =	vbroadcast v30, $0xF  }
0x150: {  	v21, _, _ =	vpop (xrf2)  }
0x151: {  	v0 =	vadd.f32 v1, v0;
	v1 =	vmul.f32 v13, v2;
	v2 =	vbroadcast v21, $0xF;
	_ =	sdelay $0x1  }
0x152: {  	v0 =	vadd.f32 v1, v0;
	v1 =	vmul.f32 v14, v2;
	v2 =	vbroadcast v57, $0xF;
	_ =	sdelay $0x1  }
0x153: {  	v0 =	vadd.f32 v1, v0;
	v1 =	vmul.f32 v15, v2;
	_ =	sdelay $0x1  }
0x154: {  	v0 =	vadd.f32 v1, v0;
	_ =	sdelay $0x1  }
0x155: {  	s28 =	simm.s32 $0x200;
	[tilespmem:s25+$0x0] =	vst v0  }
0x156: {  	v0 =	vld [tilespmem:s28+$0x45F0]  }
0x157: {  	v1 =	vld [tilespmem:s28+$0xC5F0]  }
0x158: {  	v2 =	vld [tilespmem:s28+$0x45D0]  }
0x159: {  	v21 =	vld [tilespmem:s28+$0xC5D0]  }
0x15a: {  	v22 =	vld [tilespmem:s28+$0x45E0]  }
0x15b: {  	v23 =	vld [tilespmem:s28+$0xC5E0]  }
0x15c: {  	v24 =	vld [tilespmem:s28+$0x45B0]  }
0x15d: {  	v25 =	vld [tilespmem:s28+$0x45C0]  }
0x15e: {  	v61 =	vld [tilespmem:s28+$0x5A0]  }
0x15f: {  	v62 =	vld [tilespmem:s28+$0x85A0]  }
0x160: {  	v27 =	vld [tilespmem:s28+$0xC5C0];
	v0 =	vmul.f32 v1, v0  }
0x161: {  	v1 =	vld [tilespmem:s28+$0xC5B0]  }
0x162: {  	v2 =	vmul.f32 v21, v2;
	v26 =	vshrl.u32 v0, $0x10  }
0x163: {  	v22 =	vmul.f32 v23, v22;
	v21 =	vand.u32 $0x1, v26  }
0x164: {  	v23 =	vld [tilespmem:s28+$0x85F0];
	v63 =	vmul.f32 v62, v61;
	v0 =	vadd.s32 v21, v0;
	v21 =	vshrl.u32 v2, $0x10  }
0x165: {  	v28 =	vshrl.u32 v22, $0x10;
	v26 =	vld [tilespmem:s28+$0x5F0];
	v0 =	vadd.s32 $0x7FFF, v0;
	v21 =	vand.u32 $0x1, v21  }
0x166: {  	v29 =	vld [tilespmem:s28+$0x4590];
	v1 =	vmul.f32 v1, v24;
	v24 =	vmul.f32 v27, v25;
	v0 =	vand.u32 $0xFFFF0000, v0  }
0x167: {  	v52 =	vld [tilespmem:s28+$0xC5A0];
	v2 =	vadd.s32 v21, v2;
	v21 =	vand.u32 $0x1, v28;
	v0 =	vmul.f32 v0, v16  }
0x168: {  	v27 =	vld [tilespmem:s28+$0x85E0];
	v2 =	vadd.s32 $0x7FFF, v2;
	v22 =	vadd.s32 v21, v22;
	v25 =	vshrl.u32 v1, $0x10  }
0x169: {  	v28 =	vld [tilespmem:s28+$0xC590];
	v30 =	vshrl.u32 v24, $0x10;
	v21 =	vand.u32 $0xFFFF0000, v2;
	v22 =	vadd.s32 $0x7FFF, v22  }
0x16a: {  	v2 =	vld [tilespmem:s28+$0x5E0];
	v23 =	vmul.f32 v23, v26;
	v25 =	vand.u32 $0x1, v25;
	v22 =	vand.u32 $0xFFFF0000, v22  }
0x16b: {  	v26 =	vld [tilespmem:s28+$0x45A0];
	v1 =	vadd.s32 v25, v1;
	v31 =	vmul.f32 v22, v18;
	v22 =	vand.u32 $0x1, v30  }
0x16c: {  	v25 =	vshrl.u32 v23, $0x10;
	v1 =	vadd.s32 $0x7FFF, v1;
	v22 =	vadd.s32 v22, v24  }
0x16d: {  	v24 =	vand.u32 $0x1, v25;
	v1 =	vand.u32 $0xFFFF0000, v1;
	v25 =	vld [tilespmem:s28+$0x5D0];
	v22 =	vadd.s32 $0x7FFF, v22  }
0x16e: {  	v23 =	vadd.s32 v24, v23;
	v24 =	vmul.f32 v28, v29;
	v28 =	vld [tilespmem:s28+$0x85D0];
	v1 =	vmul.f32 v1, v16  }
0x16f: {  	v53 =	vld [tilespmem:s28+$0xC570];
	v2 =	vmul.f32 v27, v2;
	v23 =	vadd.s32 $0x7FFF, v23;
	v22 =	vand.u32 $0xFFFF0000, v22  }
0x170: {  	v27 =	vld [tilespmem:s28+$0x4570];
	v26 =	vmul.f32 v52, v26;
	v23 =	vand.u32 $0xFFFF0000, v23;
	v29 =	vshrl.u32 v24, $0x10  }
0x171: {  	v30 =	vshrl.u32 v2, $0x10;
	v29 =	vand.u32 $0x1, v29;
	v54 =	vmul.f32 v23, v19  }
0x172: {  	v55 =	vld [tilespmem:s28+$0x4580];
	v30 =	vand.u32 $0x1, v30;
	v23 =	vadd.s32 v29, v24;
	v24 =	vshrl.u32 v26, $0x10  }
0x173: {  	v29 =	vld [tilespmem:s28+$0xC580];
	v2 =	vadd.s32 v30, v2;
	v24 =	vand.u32 $0x1, v24;
	v25 =	vmul.f32 v28, v25  }
0x174: {  	v23 =	vadd.s32 $0x7FFF, v23;
	v28 =	vld [tilespmem:s28+$0x5B0];
	v2 =	vadd.s32 $0x7FFF, v2;
	v24 =	vadd.s32 v24, v26  }
0x175: {  	v26 =	vld [tilespmem:s28+$0x85B0];
	v23 =	vand.u32 $0xFFFF0000, v23;
	v27 =	vmul.f32 v53, v27;
	v2 =	vand.u32 $0xFFFF0000, v2  }
0x176: {  	v56 =	vld [tilespmem:s28+$0x5C0];
	v24 =	vadd.s32 $0x7FFF, v24;
	v30 =	vshrl.u32 v25, $0x10;
	v23 =	vmul.f32 v23, v16  }
0x177: {  	v57 =	vld [tilespmem:s28+$0x85C0];
	v2 =	vmul.f32 v2, v17;
	v24 =	vand.u32 $0xFFFF0000, v24;
	v30 =	vand.u32 $0x1, v30  }
0x178: {  	v40 =	vld [tilespmem:s28+$0x590];
	v59 =	vshrl.u32 v27, $0x10;
	v25 =	vadd.s32 v30, v25;
	v58 =	vmul.f32 v24, v18  }
0x179: {  	v30 =	vld [tilespmem:s28+$0x4550];
	v29 =	vmul.f32 v29, v55;
	v60 =	vand.u32 $0x1, v59;
	v2 =	vadd.f32 v2, v20  }
0x17a: {  	v24 =	vadd.s32 $0x7FFF, v25;
	v25 =	vld [tilespmem:s28+$0xC550];
	v27 =	vadd.s32 v60, v27;
	v26 =	vmul.f32 v26, v28  }
0x17b: {  	v42 =	vld [tilespmem:s28+$0x4530];
	v28 =	vshrl.u32 v29, $0x10;
	v27 =	vadd.s32 $0x7FFF, v27;
	v2 =	vadd.f32 v54, v2  }
0x17c: {  	v45 =	vld [tilespmem:s28+$0x8570];
	v24 =	vand.u32 $0xFFFF0000, v24;
	v28 =	vand.u32 $0x1, v28;
	v27 =	vand.u32 $0xFFFF0000, v27  }
0x17d: {  	v47 =	vld [tilespmem:s28+$0x580];
	v28 =	vadd.s32 v28, v29;
	v2 =	vadd.f32 v31, v2;
	v31 =	vshrl.u32 v26, $0x10  }
0x17e: {  	v50 =	vld [tilespmem:s28+$0x560];
	v33 =	vmul.f32 v27, v16;
	v27 =	vadd.s32 $0x7FFF, v28;
	v29 =	vand.u32 $0x1, v31  }
0x17f: {  	v28 =	vld [tilespmem:s28+$0x4560];
	v27 =	vand.u32 $0xFFFF0000, v27;
	v30 =	vmul.f32 v25, v30;
	v26 =	vadd.s32 v29, v26  }
0x180: {  	v31 =	vld [tilespmem:s28+$0xC560];
	v29 =	vmul.f32 v57, v56;
	v25 =	vmul.f32 v27, v18;
	v26 =	vadd.s32 $0x7FFF, v26  }
0x181: {  	v3 =	vadd.f32 v0, v2;
	v2 =	vld [tilespmem:s28+$0x8590];
	v0 =	vshrl.u32 v30, $0x10;
	v26 =	vand.u32 $0xFFFF0000, v26  }
0x182: {  	v51 =	vld [tilespmem:s28+$0x8580];
	v27 =	vshrl.u32 v29, $0x10;
	v0 =	vand.u32 $0x1, v0;
	v41 =	vmul.f32 v26, v19  }
0x183: {  	v62 =	vld [tilespmem:s28+$0xC4F0];
	v26 =	vshrl.u32 v63, $0x10;
	v27 =	vand.u32 $0x1, v27;
	v0 =	vadd.s32 v0, v30  }
0x184: {  	v30 =	vld [tilespmem:s28+$0x4540];
	v26 =	vand.u32 $0x1, v26;
	v27 =	vadd.s32 v27, v29;
	v0 =	vadd.s32 $0x7FFF, v0  }
0x185: {  	v29 =	vld [tilespmem:s28+$0xC530];
	v28 =	vmul.f32 v31, v28;
	v26 =	vadd.s32 v26, v63;
	v0 =	vand.u32 $0xFFFF0000, v0  }
0x186: {  	v31 =	vld [tilespmem:s28+$0xC540];
	v27 =	vadd.s32 $0x7FFF, v27;
	v2 =	vmul.f32 v2, v40;
	v26 =	vadd.s32 $0x7FFF, v26  }
0x187: {  	v55 =	vld [tilespmem:s28+$0x4520];
	v43 =	vshrl.u32 v28, $0x10;
	v27 =	vand.u32 $0xFFFF0000, v27;
	v26 =	vand.u32 $0xFFFF0000, v26  }
0x188: {  	v60 =	vld [tilespmem:s28+$0x44F0];
	v32 =	vand.u32 $0x1, v43;
	v46 =	vshrl.u32 v2, $0x10;
	v44 =	vmul.f32 v26, v17  }
0x189: {  	v26 =	vmul.f32 v0, v16;
	v0 =	vld [tilespmem:s28+$0x570];
	v28 =	vadd.s32 v32, v28;
	v32 =	vand.u32 $0x1, v46  }
0x18a: {  	v56 =	vld [tilespmem:s28+$0xC520];
	v29 =	vmul.f32 v29, v42;
	v28 =	vadd.s32 $0x7FFF, v28;
	v2 =	vadd.s32 v32, v2  }
0x18b: {  	v30 =	vmul.f32 v31, v30;
	v31 =	vld [tilespmem:s28+$0x8560];
	v34 =	vadd.f32 v44, v20;
	v28 =	vand.u32 $0xFFFF0000, v28  }
0x18c: {  	v57 =	vld [tilespmem:s28+$0x550];
	v2 =	vadd.s32 $0x7FFF, v2;
	v49 =	vshrl.u32 v29, $0x10;
	v40 =	vmul.f32 v28, v18  }
0x18d: {  	v63 =	vld [tilespmem:s28+$0x4500];
	v52 =	vshrl.u32 v30, $0x10;
	v48 =	vadd.f32 v41, v34;
	v28 =	vand.u32 $0x1, v49  }
0x18e: {  	v53 =	vand.u32 $0x1, v52;
	v52 =	vld [tilespmem:s28+$0xC500];
	v29 =	vadd.s32 v28, v29;
	v0 =	vmul.f32 v45, v0  }
0x18f: {  	v28 =	vand.u32 $0xFFFF0000, v2;
	v2 =	vld [tilespmem:s28+$0x4510];
	v32 =	vadd.f32 v58, v48;
	v29 =	vadd.s32 $0x7FFF, v29  }
0x190: {  	v31 =	vmul.f32 v31, v50;
	v58 =	vld [tilespmem:s28+$0x8550];
	v29 =	vand.u32 $0xFFFF0000, v29;
	v54 =	vshrl.u32 v0, $0x10  }
0x191: {  	v34 =	vadd.f32 v1, v32;
	v1 =	vld [tilespmem:s28+$0xC510];
	v39 =	vmul.f32 v29, v16;
	v29 =	vadd.s32 v53, v30  }
0x192: {  	v30 =	vand.u32 $0x1, v54;
	v59 =	vshrl.u32 v31, $0x10;
	v32 =	vmul.f32 v56, v55;
	v53 =	vld [tilespmem:s28+$0x530]  }
0x193: {  	v54 =	vld [tilespmem:s28+$0x8530];
	v29 =	vadd.s32 $0x7FFF, v29;
	v0 =	vadd.s32 v30, v0;
	v30 =	vmul.f32 v51, v47  }
0x194: {  	v37 =	vmul.f32 v52, v63;
	v29 =	vand.u32 $0xFFFF0000, v29;
	v0 =	vadd.s32 $0x7FFF, v0  }
0x195: {  	v55 =	vld [tilespmem:s28+$0x540];
	v56 =	vmul.f32 v62, v60;
	v29 =	vmul.f32 v29, v18;
	v0 =	vand.u32 $0xFFFF0000, v0  }
0x196: {  	v60 =	vld [tilespmem:s28+$0x8520];
	v61 =	vshrl.u32 v30, $0x10;
	v35 =	vmul.f32 v58, v57;
	v41 =	vshrl.u32 v37, $0x10  }
0x197: {  	v58 =	vld [tilespmem:s28+$0x520];
	v0 =	vmul.f32 v0, v19;
	v1 =	vmul.f32 v1, v2;
	v2 =	vand.u32 $0x1, v59  }
0x198: {  	v57 =	vld [tilespmem:s28+$0x8540];
	v59 =	vshrl.u32 v35, $0x10;
	v63 =	vmul.f32 v54, v53;
	v2 =	vadd.s32 v2, v31  }
0x199: {  	v31 =	vand.u32 $0x1, v61;
	v51 =	vshrl.u32 v1, $0x10;
	v2 =	vadd.s32 $0x7FFF, v2  }
0x19a: {  	v30 =	vadd.s32 v31, v30;
	v31 =	vshrl.u32 v32, $0x10;
	v52 =	vshrl.u32 v63, $0x10  }
0x19b: {  	v43 =	vand.u32 $0x1, v51;
	v2 =	vand.u32 $0xFFFF0000, v2;
	v31 =	vand.u32 $0x1, v31  }
0x19c: {  	v50 =	vld [tilespmem:s28+$0x44E0];
	v30 =	vadd.s32 $0x7FFF, v30;
	v51 =	vand.u32 $0x1, v41;
	v53 =	vmul.f32 v60, v58  }
0x19d: {  	v62 =	vld [tilespmem:s28+$0xC4D0];
	v41 =	vand.u32 $0x1, v52;
	v42 =	vmul.f32 v57, v55;
	v2 =	vmul.f32 v2, v17  }
0x19e: {  	v54 =	vld [tilespmem:s28+$0x8510];
	v1 =	vadd.s32 v43, v1;
	v32 =	vadd.s32 v31, v32;
	v36 =	vadd.s32 v41, v63  }
0x19f: {  	v61 =	vld [tilespmem:s28+$0x44D0];
	v1 =	vadd.s32 $0x7FFF, v1;
	v58 =	vshrl.u32 v53, $0x10;
	v2 =	vadd.f32 v2, v20  }
0x1a0: {  	v60 =	vld [tilespmem:s28+$0xC4B0];
	v36 =	vadd.s32 $0x7FFF, v36;
	v31 =	vand.u32 $0xFFFF0000, v1;
	v1 =	vadd.s32 $0x7FFF, v32  }
0x1a1: {  	v57 =	vld [tilespmem:s28+$0x84F0];
	v32 =	vand.u32 $0x1, v59;
	v43 =	vand.u32 $0x1, v58;
	v0 =	vadd.f32 v0, v2  }
0x1a2: {  	v59 =	vld [tilespmem:s28+$0x44B0];
	v36 =	vand.u32 $0xFFFF0000, v36;
	v1 =	vand.u32 $0xFFFF0000, v1;
	v2 =	vshrl.u32 v56, $0x10  }
0x1a3: {  	v63 =	vld [tilespmem:s28+$0xC4C0];
	v32 =	vadd.s32 v32, v35;
	v2 =	vand.u32 $0x1, v2;
	v0 =	vadd.f32 v40, v0  }
0x1a4: {  	v2 =	vadd.s32 v2, v56;
	v40 =	vmul.f32 v62, v61;
	v61 =	vadd.s32 v43, v53;
	v56 =	vld [tilespmem:s28+$0x4F0]  }
0x1a5: {  	v36 =	vmul.f32 v36, v19;
	v62 =	vshrl.u32 v42, $0x10;
	v35 =	vadd.s32 $0x7FFF, v61;
	v61 =	vld [tilespmem:s28+$0x4E0]  }
0x1a6: {  	v1 =	vmul.f32 v1, v18;
	v2 =	vadd.s32 $0x7FFF, v2;
	v43 =	vand.u32 $0x1, v62;
	v62 =	vld [tilespmem:s28+$0x84E0]  }
0x1a7: {  	v59 =	vmul.f32 v60, v59;
	v38 =	vadd.f32 v33, v0;
	v0 =	vld [tilespmem:s28+$0xC4E0];
	v2 =	vand.u32 $0xFFFF0000, v2  }
0x1a8: {  	v33 =	vadd.s32 v51, v37;
	v37 =	vld [tilespmem:s28+$0x44C0];
	v49 =	vshrl.u32 v40, $0x10;
	v35 =	vand.u32 $0xFFFF0000, v35  }
0x1a9: {  	v45 =	vmul.f32 v2, v16;
	v2 =	vld [tilespmem:s28+$0x510];
	v33 =	vadd.s32 $0x7FFF, v33;
	v35 =	vmul.f32 v35, v17  }
0x1aa: {  	v49 =	vand.u32 $0x1, v49;
	v47 =	vshrl.u32 v59, $0x10;
	v33 =	vand.u32 $0xFFFF0000, v33  }
0x1ab: {  	v40 =	vadd.s32 v49, v40;
	v47 =	vand.u32 $0x1, v47;
	v58 =	vadd.f32 v35, v20  }
0x1ac: {  	v53 =	vld [tilespmem:s28+$0x8500];
	v40 =	vadd.s32 $0x7FFF, v40;
	v35 =	vadd.s32 v43, v42;
	v49 =	vmul.f32 v57, v56  }
0x1ad: {  	v51 =	vld [tilespmem:s28+$0x4C0];
	v0 =	vmul.f32 v0, v50;
	v41 =	vadd.f32 v36, v58;
	v48 =	vmul.f32 v63, v37  }
0x1ae: {  	v43 =	vld [tilespmem:s28+$0x4490];
	v36 =	vand.u32 $0xFFFF0000, v40;
	v40 =	vmul.f32 v62, v61;
	v2 =	vmul.f32 v54, v2  }
0x1af: {  	v63 =	vld [tilespmem:s28+$0xC490];
	v55 =	vshrl.u32 v0, $0x10;
	v1 =	vadd.f32 v1, v41;
	v56 =	vshrl.u32 v48, $0x10  }
0x1b0: {  	v62 =	vld [tilespmem:s28+$0x4470];
	v61 =	vshrl.u32 v40, $0x10;
	v50 =	vand.u32 $0x1, v55;
	v60 =	vshrl.u32 v2, $0x10  }
0x1b1: {  	v55 =	vadd.s32 v47, v59;
	v58 =	vand.u32 $0x1, v56;
	v0 =	vadd.s32 v50, v0;
	v50 =	vld [tilespmem:s28+$0x500]  }
0x1b2: {  	v59 =	vshrl.u32 v49, $0x10;
	v46 =	vand.u32 $0x1, v60;
	v42 =	vadd.f32 v39, v1;
	v1 =	vld [tilespmem:s28+$0xC4A0]  }
0x1b3: {  	v57 =	vadd.s32 $0x7FFF, v55;
	v47 =	vand.u32 $0x1, v59;
	v37 =	vadd.s32 v46, v2;
	v2 =	vld [tilespmem:s28+$0x44A0]  }
0x1b4: {  	v0 =	vadd.s32 $0x7FFF, v0;
	v39 =	vand.u32 $0xFFFF0000, v57;
	v41 =	vmul.f32 v63, v43;
	v63 =	vld [tilespmem:s28+$0xC470]  }
0x1b5: {  	v46 =	vadd.s32 v58, v48;
	v47 =	vadd.s32 v47, v49;
	v57 =	vld [tilespmem:s28+$0x84C0];
	v0 =	vand.u32 $0xFFFF0000, v0  }
0x1b6: {  	v48 =	vld [tilespmem:s28+$0x4D0];
	v46 =	vadd.s32 $0x7FFF, v46;
	v52 =	vmul.f32 v39, v16;
	v60 =	vadd.s32 $0x7FFF, v47  }
0x1b7: {  	v47 =	vld [tilespmem:s28+$0x84D0];
	v0 =	vmul.f32 v0, v18;
	v39 =	vand.u32 $0xFFFF0000, v46;
	v46 =	vand.u32 $0xFFFF0000, v60  }
0x1b8: {  	v59 =	vshrl.u32 v41, $0x10;
	v46 =	vmul.f32 v46, v19;
	v50 =	vmul.f32 v53, v50  }
0x1b9: {  	v53 =	vand.u32 $0x1, v59;
	v1 =	vmul.f32 v1, v2;
	v2 =	vand.u32 $0x1, v61  }
0x1ba: {  	v41 =	vadd.s32 v53, v41;
	v43 =	vmul.f32 v63, v62;
	v51 =	vmul.f32 v57, v51  }
0x1bb: {  	v55 =	vld [tilespmem:s28+$0xC480];
	v2 =	vadd.s32 v2, v40;
	v58 =	vshrl.u32 v50, $0x10;
	v41 =	vadd.s32 $0x7FFF, v41  }
0x1bc: {  	v49 =	vld [tilespmem:s28+$0x4480];
	v47 =	vmul.f32 v47, v48;
	v60 =	vshrl.u32 v1, $0x10;
	v2 =	vadd.s32 $0x7FFF, v2  }
0x1bd: {  	v53 =	vld [tilespmem:s28+$0x4B0];
	v61 =	vand.u32 $0x1, v58;
	v54 =	vand.u32 $0x1, v60;
	v2 =	vand.u32 $0xFFFF0000, v2  }
0x1be: {  	v62 =	vshrl.u32 v43, $0x10;
	v1 =	vadd.s32 v54, v1;
	v2 =	vmul.f32 v2, v17;
	v54 =	vld [tilespmem:s28+$0x84B0]  }
0x1bf: {  	v40 =	vand.u32 $0xFFFF0000, v41;
	v41 =	vadd.s32 v61, v50;
	v60 =	vand.u32 $0x1, v62  }
0x1c0: {  	v63 =	vshrl.u32 v47, $0x10;
	v43 =	vadd.s32 v60, v43;
	v2 =	vadd.f32 v2, v20  }
0x1c1: {  	v58 =	vld [tilespmem:s28+$0x4A0];
	v61 =	vand.u32 $0x1, v63;
	v1 =	vadd.s32 $0x7FFF, v1;
	v62 =	vadd.s32 $0x7FFF, v43  }
0x1c2: {  	v43 =	vadd.s32 v61, v47;
	v2 =	vadd.f32 v46, v2;
	v46 =	vmul.f32 v55, v49;
	v49 =	vld [tilespmem:s28+$0x84A0]  }
0x1c3: {  	v50 =	vld [tilespmem:s28+$0x4450];
	v1 =	vand.u32 $0xFFFF0000, v1;
	v63 =	vand.u32 $0xFFFF0000, v62;
	v53 =	vmul.f32 v54, v53  }
0x1c4: {  	v1 =	vmul.f32 v1, v18;
	v48 =	vmul.f32 v63, v16;
	v0 =	vadd.f32 v0, v2;
	v2 =	vld [tilespmem:s28+$0xC450]  }
0x1c5: {  	v63 =	vshrl.u32 v51, $0x10;
	v54 =	vld [tilespmem:s28+$0x4460];
	v59 =	vshrl.u32 v46, $0x10;
	v61 =	vshrl.u32 v53, $0x10  }
0x1c6: {  	v60 =	vand.u32 $0x1, v59;
	v47 =	vadd.f32 v45, v0;
	v0 =	vld [tilespmem:s28+$0xC460];
	v62 =	vand.u32 $0x1, v61  }
0x1c7: {  	v56 =	vld [tilespmem:s28+$0x4430];
	v45 =	vadd.s32 v60, v46;
	v49 =	vmul.f32 v49, v58;
	v46 =	vadd.s32 v62, v53  }
0x1c8: {  	v55 =	vand.u32 $0x1, v63;
	v45 =	vadd.s32 $0x7FFF, v45;
	v58 =	vld [tilespmem:s28+$0xC430];
	v46 =	vadd.s32 $0x7FFF, v46  }
0x1c9: {  	v60 =	vshrl.u32 v49, $0x10;
	v46 =	vand.u32 $0xFFFF0000, v46;
	v2 =	vmul.f32 v2, v50  }
0x1ca: {  	v53 =	vld [tilespmem:s28+$0x490];
	v45 =	vand.u32 $0xFFFF0000, v45;
	v61 =	vand.u32 $0x1, v60;
	v50 =	vmul.f32 v46, v19  }
0x1cb: {  	v0 =	vmul.f32 v0, v54;
	v54 =	vld [tilespmem:s28+$0x8490];
	v49 =	vadd.s32 v61, v49;
	v62 =	vshrl.u32 v2, $0x10  }
0x1cc: {  	v59 =	vld [tilespmem:s28+$0xC440];
	v46 =	vadd.s32 v55, v51;
	v49 =	vadd.s32 $0x7FFF, v49;
	v55 =	vand.u32 $0x1, v62  }
0x1cd: {  	v51 =	vld [tilespmem:s28+$0x4440];
	v56 =	vmul.f32 v58, v56;
	v63 =	vshrl.u32 v0, $0x10;
	v49 =	vand.u32 $0xFFFF0000, v49  }
0x1ce: {  	v60 =	vld [tilespmem:s28+$0x470];
	v2 =	vadd.s32 v55, v2;
	v57 =	vand.u32 $0x1, v63;
	v49 =	vmul.f32 v49, v17  }
0x1cf: {  	v61 =	vld [tilespmem:s28+$0x460];
	v2 =	vadd.s32 $0x7FFF, v2;
	v44 =	vshrl.u32 v56, $0x10;
	v0 =	vadd.s32 v57, v0  }
0x1d0: {  	v57 =	vld [tilespmem:s28+$0x8470];
	v0 =	vadd.s32 $0x7FFF, v0;
	v53 =	vmul.f32 v54, v53;
	v54 =	vadd.f32 v49, v20  }
0x1d1: {  	v58 =	vld [tilespmem:s28+$0x480];
	v49 =	vand.u32 $0xFFFF0000, v2;
	v2 =	vand.u32 $0x1, v44;
	v0 =	vand.u32 $0xFFFF0000, v0  }
0x1d2: {  	v2 =	vadd.s32 v2, v56;
	v56 =	vmul.f32 v59, v51;
	v59 =	vld [tilespmem:s28+$0x8460];
	v54 =	vadd.f32 v50, v54  }
0x1d3: {  	v55 =	vmul.f32 v0, v18;
	v0 =	vld [tilespmem:s28+$0x8480];
	v44 =	vshrl.u32 v53, $0x10;
	v2 =	vadd.s32 $0x7FFF, v2  }
0x1d4: {  	v62 =	vld [tilespmem:s28+$0x4410];
	v44 =	vand.u32 $0x1, v44;
	v2 =	vand.u32 $0xFFFF0000, v2;
	v1 =	vadd.f32 v1, v54  }
0x1d5: {  	v50 =	vadd.s32 v44, v53;
	v54 =	vld [tilespmem:s28+$0xC410];
	v44 =	vshrl.u32 v56, $0x10;
	v57 =	vmul.f32 v57, v60  }
0x1d6: {  	v60 =	vld [tilespmem:s28+$0x4420];
	v51 =	vmul.f32 v2, v16;
	v2 =	vand.u32 $0x1, v44;
	v53 =	vadd.f32 v52, v1  }
0x1d7: {  	v1 =	vld [tilespmem:s28+$0xC420];
	v2 =	vadd.s32 v2, v56;
	v44 =	vshrl.u32 v57, $0x10;
	v56 =	vmul.f32 v59, v61  }
0x1d8: {  	v0 =	vmul.f32 v0, v58;
	v2 =	vadd.s32 $0x7FFF, v2;
	v61 =	vand.u32 $0x1, v44  }
0x1d9: {  	v52 =	vand.u32 $0xFFFF0000, v2;
	v2 =	vadd.s32 v61, v57;
	v58 =	vshrl.u32 v56, $0x10  }
0x1da: {  	v44 =	vld [tilespmem:s28+$0x450];
	v63 =	vshrl.u32 v0, $0x10;
	v2 =	vadd.s32 $0x7FFF, v2;
	v58 =	vand.u32 $0x1, v58  }
0x1db: {  	v57 =	vand.u32 $0x1, v63;
	v63 =	vld [tilespmem:s28+$0x8450];
	v2 =	vand.u32 $0xFFFF0000, v2;
	v59 =	vadd.s32 v58, v56  }
0x1dc: {  	v61 =	vld [tilespmem:s28+$0x430];
	v0 =	vadd.s32 v57, v0;
	v57 =	vmul.f32 v54, v62;
	v1 =	vmul.f32 v1, v60  }
0x1dd: {  	v56 =	vadd.s32 $0x7FFF, v59;
	v4 =	vmul.f32 v2, v19;
	v54 =	vadd.s32 $0x7FFF, v0;
	v0 =	vld [tilespmem:s28+$0x8430]  }
0x1de: {  	v58 =	vld [tilespmem:s28+$0x4400];
	v56 =	vand.u32 $0xFFFF0000, v56;
	v60 =	vshrl.u32 v57, $0x10;
	v62 =	vshrl.u32 v1, $0x10  }
0x1df: {  	v59 =	vld [tilespmem:s28+$0xC400];
	v56 =	vmul.f32 v56, v17;
	v60 =	vand.u32 $0x1, v60;
	v62 =	vand.u32 $0x1, v62  }
0x1e0: {  	v57 =	vadd.s32 v60, v57;
	v60 =	vld [tilespmem:s28+$0x420];
	v1 =	vadd.s32 v62, v1;
	v63 =	vmul.f32 v63, v44  }
0x1e1: {  	v62 =	vld [tilespmem:s28+$0x8420];
	v44 =	vadd.f32 v56, v20;
	v57 =	vadd.s32 $0x7FFF, v57;
	v1 =	vadd.s32 $0x7FFF, v1  }
0x1e2: {  	v56 =	vand.u32 $0xFFFF0000, v57;
	v57 =	vld [tilespmem:s28+$0x440];
	v0 =	vmul.f32 v0, v61;
	v2 =	vshrl.u32 v63, $0x10  }
0x1e3: {  	s31 =	simm.s32 $0x1000;
	s29 =	simm.s32 $0x10470;
	(xrf2) =	vadd.scan.msk.f32 $0xffff, v3;
	v61 =	vand.u32 $0xFFFF0000, v1;
	v1 =	vadd.f32 v4, v44;
	v44 =	vld [tilespmem:s28+$0x8400];
	v2 =	vand.u32 $0x1, v2  }
.LBB2_2:
0x1e4: {  	v3 =	vld [tilespmem:s28+$0x400]  }
0x1e5: {  	v2 =	vadd.s32 v2, v63  }
0x1e6: {  	v63 =	vshrl.u32 v0, $0x10;
	v2 =	vadd.s32 $0x7FFF, v2;
	v1 =	vadd.f32 v55, v1  }
0x1e7: {  	(xrf2) =	vadd.scan.msk.f32 $0xffff, v34;
	v34 =	vld [tilespmem:s28+$0x8410];
	v58 =	vmul.f32 v59, v58;
	v60 =	vmul.f32 v62, v60;
	v62 =	vand.u32 $0x1, v63  }
0x1e8: {  	v1 =	vadd.f32 v48, v1;
	v59 =	vmul.f32 v61, v18;
	v61 =	vld [tilespmem:s28+$0x410];
	v0 =	vadd.s32 v62, v0  }
0x1e9: {  	v62 =	vld [tilespmem:s28+$0x8440];
	v3 =	vmul.f32 v44, v3;
	v55 =	vshrl.u32 v58, $0x10;
	v0 =	vadd.s32 $0x7FFF, v0  }
0x1ea: {  	v63 =	vshrl.u32 v60, $0x10;
	v55 =	vand.u32 $0x1, v55;
	v0 =	vand.u32 $0xFFFF0000, v0  }
0x1eb: {  	v58 =	vadd.s32 v55, v58;
	v55 =	vand.u32 $0x1, v63;
	v0 =	vmul.f32 v0, v19  }
0x1ec: {  	(xrf2) =	vadd.scan.msk.f32 $0xffff, v38;
	v44 =	vadd.s32 $0x7FFF, v58;
	v38 =	vadd.s32 v55, v60;
	v58 =	vshrl.u32 v3, $0x10  }
0x1ed: {  	v55 =	vmul.f32 v34, v61;
	v4 =	vadd.s32 $0x7FFF, v38;
	v60 =	vand.u32 $0x1, v58  }
0x1ee: {  	v63 =	vmul.f32 v62, v57;
	v61 =	vand.u32 $0xFFFF0000, v4;
	v3 =	vadd.s32 v60, v3  }
0x1ef: {  	(xrf2) =	vadd.scan.msk.f32 $0xffff, v42;
	v5 =	vshrl.u32 v55, $0x10;
	v42 =	vmul.f32 v61, v17;
	v3 =	vadd.s32 $0x7FFF, v3  }
0x1f0: {  	v4 =	vand.u32 $0x1, v5;
	v57 =	vshrl.u32 v63, $0x10;
	v3 =	vand.u32 $0xFFFF0000, v3  }
0x1f1: {  	v55 =	vadd.s32 v4, v55;
	v58 =	vand.u32 $0x1, v57;
	v5 =	vadd.f32 v42, v20  }
0x1f2: {  	v34, _, _ =	vpop (xrf2);
	(xrf2) =	vadd.scan.msk.f32 $0xffff, v47;
	v3 =	vmul.f32 v3, v17;
	v47 =	vadd.s32 $0x7FFF, v55;
	v4 =	vadd.s32 v58, v63  }
0x1f3: {  	v47 =	vand.u32 $0xFFFF0000, v47;
	v48 =	vadd.s32 $0x7FFF, v4;
	v0 =	vadd.f32 v0, v5  }
0x1f4: {  	v3 =	vadd.f32 v3, v20;
	v47 =	vmul.f32 v47, v19;
	v48 =	vand.u32 $0xFFFF0000, v48  }
0x1f5: {  	v2 =	vand.u32 $0xFFFF0000, v2;
	v4 =	vand.u32 $0xFFFF0000, v44;
	v48 =	vmul.f32 v48, v17  }
0x1f6: {  	v60 =	vmul.f32 v4, v18;
	v0 =	vadd.f32 v59, v0;
	v3 =	vadd.f32 v47, v3  }
0x1f7: {  	v2 =	vmul.f32 v2, v19;
	v38, _, _ =	vpop (xrf2);
	(xrf2) =	vadd.scan.msk.f32 $0xffff, v53;
	v61 =	vadd.f32 v48, v20  }
0x1f8: {  	v42, _, _ =	vpop (xrf2);
	(xrf2) =	vadd.scan.msk.f32 $0xffff, v1;
	v1 =	vmul.f32 v56, v16;
	v0 =	vadd.f32 v51, v0;
	v4 =	vadd.f32 v60, v3  }
0x1f9: {  	v50 =	vadd.s32 $0x7FFF, v50;
	v43 =	vadd.s32 $0x7FFF, v43;
	v63 =	vand.u32 $0xFFFF0000, v54  }
0x1fa: {  	v44, _, _ =	vpop (xrf2);
	(xrf2) =	vadd.scan.msk.f32 $0xffff, v0;
	v0 =	vadd.f32 v1, v4;
	v1 =	vadd.f32 v2, v61;
	v2 =	vmul.f32 v63, v17  }
0x1fb: {  	v40 =	vmul.f32 v40, v16;
	v62 =	vmul.f32 v52, v18;
	v55 =	vand.u32 $0xFFFF0000, v50  }
0x1fc: {  	v56 =	vmul.f32 v55, v19;
	v4 =	vadd.s32 $0x7FFF, v46;
	v2 =	vadd.f32 v2, v20  }
0x1fd: {  	v54 =	vmul.f32 v49, v16;
	v57 =	vand.u32 $0xFFFF0000, v4;
	v1 =	vadd.f32 v62, v1  }
0x1fe: {  	v3, _, _ =	vpop (xrf2);
	(xrf2) =	vadd.scan.msk.f32 $0xffff, v0;
	v0 =	vmul.f32 v45, v18;
	v45 =	vmul.f32 v57, v17;
	v2 =	vadd.f32 v56, v2  }
0x1ff: {  	v41 =	vadd.s32 $0x7FFF, v41;
	v43 =	vand.u32 $0xFFFF0000, v43;
	v4 =	vadd.f32 v54, v1  }
0x200: {  	v43 =	vmul.f32 v43, v19;
	v0 =	vadd.f32 v0, v2;
	v2 =	vadd.f32 v45, v20  }
0x201: {  	v39 =	vmul.f32 v39, v18;
	v37 =	vadd.s32 $0x7FFF, v37;
	v58, _, _ =	vpop (xrf2);
	(xrf2) =	vadd.scan.msk.f32 $0xffff, v4;
	v4 =	vand.u32 $0xFFFF0000, v41  }
0x202: {  	v37 =	vand.u32 $0xFFFF0000, v37;
	v59 =	vmul.f32 v4, v17;
	v2 =	vadd.f32 v43, v2  }
0x203: {  	v35 =	vadd.s32 $0x7FFF, v35;
	v37 =	vmul.f32 v37, v19;
	v0 =	vadd.f32 v40, v0  }
0x204: {  	v1, _, _ =	vpop (xrf2);
	v4 =	vmul.f32 v36, v16;
	v61 =	vadd.f32 v59, v20;
	v2 =	vadd.f32 v39, v2  }
0x205: {  	v32 =	vadd.s32 $0x7FFF, v32;
	v62 =	vand.u32 $0xFFFF0000, v35;
	v60, _, _ =	vpop (xrf2);
	(xrf2) =	vadd.scan.msk.f32 $0xffff, v0;
	v0 =	vmul.f32 v33, v18  }
0x206: {  	v33 =	vmul.f32 v62, v17;
	v63 =	vadd.f32 v37, v61;
	v2 =	vadd.f32 v4, v2  }
0x207: {  	v31 =	vmul.f32 v31, v16;
	v32 =	vand.u32 $0xFFFF0000, v32  }
0x208: {  	v40, _, _ =	vpop (xrf2);
	v33 =	vadd.f32 v33, v20;
	v4 =	vmul.f32 v32, v19;
	v0 =	vadd.f32 v0, v63;
	(xrf2) =	vadd.scan.msk.f32 $0xffff, v2;
	v2 =	vld [tilespmem:$0x1FF90];
	_ =	sdelay $0x1  }
0x209: {  	v0 =	vadd.f32 v31, v0;
	v31 =	vadd.f32 v4, v33;
	v4 =	vld [tilespmem:$0x1FFA0]  }
0x20a: {  	v36 =	vbroadcast v40, $0xF;
	_ =	sdelay $0x1  }
0x20b: {  	v43 =	vbroadcast v60, $0xF;
	v2 =	vmul.f32 v2, v36;
	_ =	sdelay $0x1  }
0x20c: {  	v47 =	vmul.f32 v4, v43;
	v2 =	vadd.f32 $0.0e+00, v2;
	_ =	sdelay $0x1  }
0x20d: {  	v45, _, _ =	vpop (xrf2);
	(xrf2) =	vadd.scan.msk.f32 $0xffff, v0;
	v0 =	vadd.f32 v47, v2;
	v2 =	vld [tilespmem:$0x1FFB0];
	_ =	sdelay $0x2  }
0x20e: {  	v32 =	vbroadcast v45, $0xF;
	_ =	sdelay $0x1  }
0x20f: {  	v2 =	vmul.f32 v2, v32;
	_ =	sdelay $0x1  }
0x210: {  	v0 =	vadd.f32 v2, v0;
	v2 =	vld [tilespmem:$0x1FFC0];
	_ =	sdelay $0x2  }
0x211: {  	v1 =	vbroadcast v1, $0xF;
	_ =	sdelay $0x1  }
0x212: {  	v1 =	vmul.f32 v2, v1;
	_ =	sdelay $0x1  }
0x213: {  	v0 =	vadd.f32 v1, v0;
	v1 =	vld [tilespmem:$0x1FFD0];
	_ =	sdelay $0x1  }
0x214: {  	v4 =	vadd.f32 v29, v31;
	v29, _, _ =	vpop (xrf2)  }
0x215: {  	v2 =	vbroadcast v29, $0xF;
	_ =	sdelay $0x1  }
0x216: {  	v1 =	vmul.f32 v1, v2;
	_ =	sdelay $0x1  }
0x217: {  	v30 =	vand.u32 $0xFFFF0000, v30;
	v0 =	vadd.f32 v1, v0;
	v1 =	vld [tilespmem:$0x1FFE0]  }
0x218: {  	v30 =	vmul.f32 v30, v17;
	_ =	sdelay $0x1  }
0x219: {  	v28 =	vmul.f32 v28, v19;
	v30 =	vadd.f32 v30, v20;
	v2 =	vbroadcast v58, $0xF  }
0x21a: {  	v27 =	vmul.f32 v27, v17  }
0x21b: {  	v28 =	vadd.f32 v28, v30;
	v26 =	vadd.f32 v26, v4;
	v1 =	vmul.f32 v1, v2  }
0x21c: {  	v27 =	vadd.f32 v27, v20  }
0x21d: {  	v24 =	vmul.f32 v24, v19;
	v4 =	vadd.f32 v25, v28;
	(xrf2) =	vadd.scan.msk.f32 $0xffff, v26;
	v0 =	vadd.f32 v1, v0;
	v1 =	vld [tilespmem:$0x1FFF0];
	_ =	sdelay $0x1  }
0x21e: {  	v22 =	vmul.f32 v22, v18;
	v24 =	vadd.f32 v24, v27;
	v23 =	vadd.f32 v23, v4;
	v25, _, _ =	vpop (xrf2)  }
0x21f: {  	v2 =	vbroadcast v25, $0xF  }
0x220: {  	v22 =	vadd.f32 v22, v24;
	v4 =	vmul.f32 v21, v16;
	(xrf2) =	vadd.scan.msk.f32 $0xffff, v23  }
0x221: {  	v1 =	vmul.f32 v1, v2;
	v2 =	vbroadcast v3, $0xF  }
0x222: {  	v21, _, _ =	vpop (xrf2);
	v3 =	vadd.f32 v4, v22  }
0x223: {  	v0 =	vadd.f32 v1, v0;
	v1 =	vmul.f32 v7, v2;
	v2 =	vbroadcast v21, $0xF  }
0x224: {  	(xrf2) =	vadd.scan.msk.f32 $0xffff, v3  }
0x225: {  	v0 =	vadd.f32 v1, v0;
	v1 =	vmul.f32 v8, v2;
	v2 =	vbroadcast v44, $0xF  }
0x226: {  	v3, _, _ =	vpop (xrf2)  }
0x227: {  	v0 =	vadd.f32 v1, v0;
	v1 =	vmul.f32 v9, v2;
	v2 =	vbroadcast v3, $0xF;
	_ =	sdelay $0x1  }
0x228: {  	v0 =	vadd.f32 v1, v0;
	v1 =	vmul.f32 v10, v2;
	v2 =	vbroadcast v42, $0xF  }
0x229: {  	v3, _, _ =	vpop (xrf2)  }
0x22a: {  	v0 =	vadd.f32 v1, v0;
	v1 =	vmul.f32 v11, v2;
	v2 =	vbroadcast v3, $0xF;
	_ =	sdelay $0x1  }
0x22b: {  	v0 =	vadd.f32 v1, v0;
	v1 =	vmul.f32 v12, v2;
	v2 =	vbroadcast v38, $0xF  }
0x22c: {  	v3, _, _ =	vpop (xrf2)  }
0x22d: {  	v0 =	vadd.f32 v1, v0;
	v1 =	vmul.f32 v13, v2;
	v2 =	vbroadcast v3, $0xF;
	_ =	sdelay $0x1  }
0x22e: {  	v0 =	vadd.f32 v1, v0;
	v1 =	vmul.f32 v14, v2;
	v2 =	vbroadcast v34, $0xF;
	_ =	sdelay $0x1  }
0x22f: {  	v0 =	vadd.f32 v1, v0;
	v1 =	vmul.f32 v15, v2;
	_ =	sdelay $0x1  }
0x230: {  	v0 =	vadd.f32 v1, v0  }
0x231: {  	s29 =	sadd.s32 $0x10, s29  }
0x232: {  	s28 =	sshra.s32 s31, $0x2;
	[tilespmem:s29+$0x0] =	vst v0  }
0x233: {  	v0 =	vld [tilespmem:s28+$0x45F0]  }
0x234: {  	v1 =	vld [tilespmem:s28+$0xC5F0]  }
0x235: {  	v2 =	vld [tilespmem:s28+$0x45D0]  }
0x236: {  	v3 =	vld [tilespmem:s28+$0xC5D0]  }
0x237: {  	v21 =	vld [tilespmem:s28+$0x45E0]  }
0x238: {  	v22 =	vld [tilespmem:s28+$0xC5E0]  }
0x239: {  	v23 =	vld [tilespmem:s28+$0x45B0]  }
0x23a: {  	v24 =	vld [tilespmem:s28+$0x45C0]  }
0x23b: {  	v0 =	vmul.f32 v1, v0;
	v1 =	vld [tilespmem:s28+$0xC5B0]  }
0x23c: {  	v27 =	vld [tilespmem:s28+$0xC5C0]  }
0x23d: {  	v2 =	vmul.f32 v3, v2;
	v21 =	vmul.f32 v22, v21;
	v25 =	vshrl.u32 v0, $0x10  }
0x23e: {  	v22 =	vld [tilespmem:s28+$0x85F0];
	v3 =	vand.u32 $0x1, v25  }
0x23f: {  	v26 =	vshrl.u32 v21, $0x10;
	v25 =	vld [tilespmem:s28+$0x5F0];
	v0 =	vadd.s32 v3, v0;
	v3 =	vshrl.u32 v2, $0x10  }
0x240: {  	v28 =	vld [tilespmem:s28+$0x4590];
	v0 =	vadd.s32 $0x7FFF, v0;
	v3 =	vand.u32 $0x1, v3;
	v1 =	vmul.f32 v1, v23  }
0x241: {  	v30 =	vld [tilespmem:s28+$0xC5A0];
	v23 =	vmul.f32 v27, v24;
	v0 =	vand.u32 $0xFFFF0000, v0;
	v2 =	vadd.s32 v3, v2  }
0x242: {  	v27 =	vld [tilespmem:s28+$0x85E0];
	v3 =	vand.u32 $0x1, v26;
	v26 =	vmul.f32 v0, v16;
	v2 =	vadd.s32 $0x7FFF, v2  }
0x243: {  	v0 =	vld [tilespmem:s28+$0xC590];
	v3 =	vadd.s32 v3, v21;
	v24 =	vshrl.u32 v1, $0x10;
	v21 =	vand.u32 $0xFFFF0000, v2  }
0x244: {  	v2 =	vld [tilespmem:s28+$0x5E0];
	v3 =	vadd.s32 $0x7FFF, v3;
	v22 =	vmul.f32 v22, v25;
	v24 =	vand.u32 $0x1, v24  }
0x245: {  	v29 =	vshrl.u32 v23, $0x10;
	v25 =	vld [tilespmem:s28+$0x45A0];
	v3 =	vand.u32 $0xFFFF0000, v3;
	v1 =	vadd.s32 v24, v1  }
0x246: {  	v31 =	vld [tilespmem:s28+$0x5D0];
	v24 =	vand.u32 $0x1, v29;
	v3 =	vmul.f32 v3, v18;
	v29 =	vshrl.u32 v22, $0x10  }
0x247: {  	v48 =	vld [tilespmem:s28+$0x4580];
	v1 =	vadd.s32 $0x7FFF, v1;
	v23 =	vadd.s32 v24, v23;
	v24 =	vand.u32 $0x1, v29  }
0x248: {  	v50 =	vld [tilespmem:s28+$0x5C0];
	v1 =	vand.u32 $0xFFFF0000, v1;
	v23 =	vadd.s32 $0x7FFF, v23;
	v0 =	vmul.f32 v0, v28  }
0x249: {  	v22 =	vadd.s32 v24, v22;
	v24 =	vld [tilespmem:s28+$0x85D0];
	v29 =	vmul.f32 v1, v16;
	v2 =	vmul.f32 v27, v2  }
0x24a: {  	v27 =	vadd.s32 $0x7FFF, v22;
	v22 =	vand.u32 $0xFFFF0000, v23;
	v23 =	vld [tilespmem:s28+$0x4570];
	v25 =	vmul.f32 v30, v25  }
0x24b: {  	v30 =	vld [tilespmem:s28+$0xC570];
	v1 =	vand.u32 $0xFFFF0000, v27;
	v27 =	vshrl.u32 v0, $0x10;
	v28 =	vshrl.u32 v2, $0x10  }
0x24c: {  	v45 =	vld [tilespmem:s28+$0x560];
	v27 =	vand.u32 $0x1, v27;
	v1 =	vmul.f32 v1, v19;
	v28 =	vand.u32 $0x1, v28  }
0x24d: {  	v47 =	vld [tilespmem:s28+$0x8560];
	v0 =	vadd.s32 v27, v0;
	v27 =	vshrl.u32 v25, $0x10;
	v2 =	vadd.s32 v28, v2  }
0x24e: {  	v28 =	vld [tilespmem:s28+$0xC580];
	v27 =	vand.u32 $0x1, v27;
	v24 =	vmul.f32 v24, v31;
	v0 =	vadd.s32 $0x7FFF, v0  }
0x24f: {  	v31 =	vld [tilespmem:s28+$0x5B0];
	v2 =	vadd.s32 $0x7FFF, v2;
	v25 =	vadd.s32 v27, v25;
	v0 =	vand.u32 $0xFFFF0000, v0  }
0x250: {  	v27 =	vld [tilespmem:s28+$0x85B0];
	v30 =	vmul.f32 v30, v23;
	v2 =	vand.u32 $0xFFFF0000, v2;
	v25 =	vadd.s32 $0x7FFF, v25  }
0x251: {  	v51 =	vld [tilespmem:s28+$0x85C0];
	v49 =	vshrl.u32 v24, $0x10;
	v23 =	vmul.f32 v0, v16;
	v2 =	vmul.f32 v2, v17  }
0x252: {  	v52 =	vld [tilespmem:s28+$0x4550];
	v25 =	vand.u32 $0xFFFF0000, v25;
	v33 =	vand.u32 $0x1, v49;
	v53 =	vshrl.u32 v30, $0x10  }
0x253: {  	v54 =	vld [tilespmem:s28+$0x5A0];
	v49 =	vmul.f32 v47, v45;
	v24 =	vadd.s32 v33, v24;
	v2 =	vadd.f32 v2, v20  }
0x254: {  	v0 =	vmul.f32 v25, v18;
	v25 =	vld [tilespmem:s28+$0xC550];
	v24 =	vadd.s32 $0x7FFF, v24;
	v28 =	vmul.f32 v28, v48  }
0x255: {  	v55 =	vld [tilespmem:s28+$0xC560];
	v27 =	vmul.f32 v27, v31;
	v1 =	vadd.f32 v1, v2;
	v2 =	vand.u32 $0x1, v53  }
0x256: {  	v24 =	vand.u32 $0xFFFF0000, v24;
	v31 =	vld [tilespmem:s28+$0x85A0];
	v2 =	vadd.s32 v2, v30;
	v30 =	vshrl.u32 v28, $0x10  }
0x257: {  	v56 =	vld [tilespmem:s28+$0x590];
	v1 =	vadd.f32 v3, v1;
	v2 =	vadd.s32 $0x7FFF, v2;
	v3 =	vand.u32 $0x1, v30  }
0x258: {  	v57 =	vld [tilespmem:s28+$0x4530];
	v30 =	vshrl.u32 v27, $0x10;
	v2 =	vand.u32 $0xFFFF0000, v2;
	v3 =	vadd.s32 v3, v28  }
0x259: {  	v58 =	vld [tilespmem:s28+$0x4540];
	v28 =	vand.u32 $0x1, v30;
	v30 =	vmul.f32 v25, v52;
	v33 =	vmul.f32 v2, v16  }
0x25a: {  	v61 =	vld [tilespmem:s28+$0x8570];
	v2 =	vadd.s32 $0x7FFF, v3;
	v3 =	vadd.s32 v28, v27;
	v28 =	vmul.f32 v51, v50  }
0x25b: {  	v27 =	vld [tilespmem:s28+$0x4560];
	v31 =	vmul.f32 v31, v54;
	v44 =	vadd.f32 v26, v1;
	v3 =	vadd.s32 $0x7FFF, v3  }
0x25c: {  	v47 =	vld [tilespmem:s28+$0x44D0];
	v2 =	vand.u32 $0xFFFF0000, v2;
	v1 =	vshrl.u32 v30, $0x10;
	v3 =	vand.u32 $0xFFFF0000, v3  }
0x25d: {  	v53 =	vld [tilespmem:s28+$0xC4F0];
	v25 =	vmul.f32 v2, v18;
	v26 =	vshrl.u32 v31, $0x10;
	v35 =	vshrl.u32 v28, $0x10  }
0x25e: {  	v1 =	vand.u32 $0x1, v1;
	v2 =	vmul.f32 v3, v19;
	v3 =	vld [tilespmem:s28+$0x8590];
	v26 =	vand.u32 $0x1, v26  }
0x25f: {  	v35 =	vand.u32 $0x1, v35;
	v1 =	vadd.s32 v1, v30;
	v30 =	vld [tilespmem:s28+$0xC530];
	v26 =	vadd.s32 v26, v31  }
0x260: {  	v52 =	vld [tilespmem:s28+$0x44F0];
	v28 =	vadd.s32 v35, v28;
	v1 =	vadd.s32 $0x7FFF, v1;
	v31 =	vmul.f32 v55, v27  }
0x261: {  	v26 =	vadd.s32 $0x7FFF, v26;
	v1 =	vand.u32 $0xFFFF0000, v1;
	v27 =	vadd.s32 $0x7FFF, v28;
	v28 =	vld [tilespmem:s28+$0xC540]  }
0x262: {  	v50 =	vld [tilespmem:s28+$0x550];
	v26 =	vand.u32 $0xFFFF0000, v26;
	v27 =	vand.u32 $0xFFFF0000, v27;
	v59 =	vshrl.u32 v31, $0x10  }
0x263: {  	v51 =	vld [tilespmem:s28+$0x8550];
	v60 =	vmul.f32 v26, v17;
	v3 =	vmul.f32 v3, v56;
	v35 =	vand.u32 $0x1, v59  }
0x264: {  	v26 =	vmul.f32 v1, v16;
	v1 =	vld [tilespmem:s28+$0x570];
	v30 =	vmul.f32 v30, v57;
	v31 =	vadd.s32 v35, v31  }
0x265: {  	v54 =	vld [tilespmem:s28+$0x4500];
	v32 =	vadd.f32 v60, v20;
	v60 =	vmul.f32 v53, v52;
	v62 =	vshrl.u32 v3, $0x10  }
0x266: {  	v56 =	vld [tilespmem:s28+$0xC500];
	v31 =	vadd.s32 $0x7FFF, v31;
	v43 =	vshrl.u32 v30, $0x10;
	v46 =	vmul.f32 v28, v58  }
0x267: {  	v52 =	vld [tilespmem:s28+$0xC4D0];
	v35 =	vand.u32 $0x1, v62;
	v31 =	vand.u32 $0xFFFF0000, v31;
	v2 =	vadd.f32 v2, v32  }
0x268: {  	v57 =	vld [tilespmem:s28+$0x530];
	v3 =	vadd.s32 v35, v3;
	v38 =	vmul.f32 v31, v18;
	v31 =	vand.u32 $0x1, v43  }
0x269: {  	v58 =	vld [tilespmem:s28+$0x8530];
	v1 =	vmul.f32 v61, v1;
	v35 =	vmul.f32 v51, v50;
	v3 =	vadd.s32 $0x7FFF, v3  }
0x26a: {  	v0 =	vadd.f32 v0, v2;
	v2 =	vadd.s32 v31, v30;
	v31 =	vshrl.u32 v46, $0x10  }
0x26b: {  	v63 =	vld [tilespmem:s28+$0x580];
	v37 =	vmul.f32 v56, v54;
	v28 =	vand.u32 $0xFFFF0000, v3;
	v2 =	vadd.s32 $0x7FFF, v2  }
0x26c: {  	v30 =	vld [tilespmem:s28+$0x8580];
	v62 =	vshrl.u32 v35, $0x10;
	v52 =	vmul.f32 v52, v47;
	v34 =	vadd.f32 v29, v0  }
0x26d: {  	v3 =	vld [tilespmem:s28+$0x4510];
	v2 =	vand.u32 $0xFFFF0000, v2;
	v29 =	vand.u32 $0x1, v31;
	v31 =	vshrl.u32 v1, $0x10  }
0x26e: {  	v0 =	vld [tilespmem:s28+$0xC510];
	v41 =	vand.u32 $0x1, v62;
	v53 =	vmul.f32 v58, v57;
	v39 =	vmul.f32 v2, v16  }
0x26f: {  	v48 =	vld [tilespmem:s28+$0x4520];
	v2 =	vadd.s32 v29, v46;
	v29 =	vand.u32 $0x1, v31;
	v32 =	vadd.s32 v41, v35  }
0x270: {  	v31 =	vld [tilespmem:s28+$0xC520];
	v2 =	vadd.s32 $0x7FFF, v2;
	v1 =	vadd.s32 v29, v1;
	v57 =	vshrl.u32 v53, $0x10  }
0x271: {  	v2 =	vand.u32 $0xFFFF0000, v2;
	v1 =	vadd.s32 $0x7FFF, v1;
	v30 =	vmul.f32 v30, v63  }
0x272: {  	v61 =	vld [tilespmem:s28+$0x520];
	v29 =	vmul.f32 v2, v18;
	v2 =	vshrl.u32 v49, $0x10;
	v1 =	vand.u32 $0xFFFF0000, v1  }
0x273: {  	v63 =	vld [tilespmem:s28+$0x8520];
	v0 =	vmul.f32 v0, v3;
	v2 =	vand.u32 $0x1, v2;
	v3 =	vshrl.u32 v30, $0x10  }
0x274: {  	v1 =	vmul.f32 v1, v19;
	v2 =	vadd.s32 v2, v49;
	v3 =	vand.u32 $0x1, v3  }
0x275: {  	v31 =	vmul.f32 v31, v48;
	v48 =	vshrl.u32 v52, $0x10;
	v55 =	vshrl.u32 v0, $0x10  }
0x276: {  	v2 =	vadd.s32 $0x7FFF, v2;
	v3 =	vadd.s32 v3, v30;
	v48 =	vand.u32 $0x1, v48  }
0x277: {  	v54 =	vld [tilespmem:s28+$0x44E0];
	v42 =	vand.u32 $0x1, v55;
	v2 =	vand.u32 $0xFFFF0000, v2;
	v30 =	vshrl.u32 v31, $0x10  }
0x278: {  	v62 =	vld [tilespmem:s28+$0x44B0];
	v55 =	vshrl.u32 v37, $0x10;
	v58 =	vmul.f32 v63, v61;
	v2 =	vmul.f32 v2, v17  }
0x279: {  	v46 =	vld [tilespmem:s28+$0x540];
	v0 =	vadd.s32 v42, v0;
	v59 =	vand.u32 $0x1, v30;
	v30 =	vadd.s32 $0x7FFF, v3  }
0x27a: {  	v63 =	vld [tilespmem:s28+$0xC4B0];
	v56 =	vand.u32 $0x1, v55;
	v0 =	vadd.s32 $0x7FFF, v0;
	v2 =	vadd.f32 v2, v20  }
0x27b: {  	v55 =	vld [tilespmem:s28+$0xC4C0];
	v3 =	vadd.s32 v59, v31;
	v59 =	vand.u32 $0x1, v57;
	v61 =	vshrl.u32 v58, $0x10  }
0x27c: {  	v31 =	vand.u32 $0xFFFF0000, v0;
	v0 =	vadd.s32 $0x7FFF, v3;
	v3 =	vld [tilespmem:s28+$0x8540];
	v1 =	vadd.f32 v1, v2  }
0x27d: {  	v36 =	vadd.s32 v59, v53;
	v41 =	vand.u32 $0x1, v61;
	v59 =	vld [tilespmem:s28+$0x84F0];
	v2 =	vshrl.u32 v60, $0x10  }
0x27e: {  	v53 =	vadd.s32 v41, v58;
	v58 =	vld [tilespmem:s28+$0x4F0];
	v2 =	vand.u32 $0x1, v2;
	v1 =	vadd.f32 v38, v1  }
0x27f: {  	v0 =	vand.u32 $0xFFFF0000, v0;
	v36 =	vadd.s32 $0x7FFF, v36;
	v2 =	vadd.s32 v2, v60;
	v60 =	vld [tilespmem:s28+$0x8510]  }
0x280: {  	v0 =	vmul.f32 v0, v18;
	v2 =	vadd.s32 $0x7FFF, v2;
	v38 =	vadd.f32 v33, v1;
	v1 =	vld [tilespmem:s28+$0xC4E0]  }
0x281: {  	v36 =	vand.u32 $0xFFFF0000, v36;
	v2 =	vand.u32 $0xFFFF0000, v2;
	v33 =	vadd.s32 v56, v37;
	v37 =	vld [tilespmem:s28+$0x44C0]  }
0x282: {  	v35 =	vadd.s32 $0x7FFF, v53;
	v61 =	vmul.f32 v63, v62;
	v45 =	vmul.f32 v2, v16;
	v2 =	vld [tilespmem:s28+$0x510]  }
0x283: {  	v35 =	vand.u32 $0xFFFF0000, v35;
	v3 =	vmul.f32 v3, v46;
	v46 =	vadd.s32 v48, v52  }
0x284: {  	v36 =	vmul.f32 v36, v19;
	v35 =	vmul.f32 v35, v17;
	v46 =	vadd.s32 $0x7FFF, v46  }
0x285: {  	v56 =	vshrl.u32 v61, $0x10;
	v48 =	vmul.f32 v59, v58;
	v33 =	vadd.s32 $0x7FFF, v33  }
0x286: {  	v51 =	vld [tilespmem:s28+$0x8500];
	v33 =	vand.u32 $0xFFFF0000, v33;
	v1 =	vmul.f32 v1, v54;
	v54 =	vshrl.u32 v3, $0x10  }
0x287: {  	v63 =	vld [tilespmem:s28+$0x4E0];
	v47 =	vmul.f32 v55, v37;
	v41 =	vand.u32 $0x1, v54;
	v2 =	vmul.f32 v60, v2  }
0x288: {  	v60 =	vadd.f32 v35, v20;
	v57 =	vshrl.u32 v1, $0x10;
	v35 =	vadd.s32 v41, v3;
	v3 =	vld [tilespmem:s28+$0x4490]  }
0x289: {  	v58 =	vshrl.u32 v47, $0x10;
	v49 =	vand.u32 $0x1, v57;
	v62 =	vshrl.u32 v2, $0x10;
	v57 =	vld [tilespmem:s28+$0x84E0]  }
0x28a: {  	v40 =	vadd.f32 v36, v60;
	v36 =	vand.u32 $0xFFFF0000, v46;
	v60 =	vand.u32 $0x1, v58;
	v58 =	vld [tilespmem:s28+$0xC470]  }
0x28b: {  	v46 =	vand.u32 $0x1, v56;
	v1 =	vadd.s32 v49, v1;
	v49 =	vld [tilespmem:s28+$0x500];
	v42 =	vand.u32 $0x1, v62  }
0x28c: {  	v41 =	vadd.s32 v46, v61;
	v61 =	vshrl.u32 v48, $0x10;
	v0 =	vadd.f32 v0, v40;
	v40 =	vld [tilespmem:s28+$0xC490]  }
0x28d: {  	v1 =	vadd.s32 $0x7FFF, v1;
	v37 =	vadd.s32 v42, v2;
	v2 =	vld [tilespmem:s28+$0x44A0];
	v59 =	vadd.s32 $0x7FFF, v41  }
0x28e: {  	v41 =	vadd.s32 v60, v47;
	v46 =	vand.u32 $0x1, v61;
	v42 =	vadd.f32 v39, v0;
	v0 =	vld [tilespmem:s28+$0xC4A0]  }
0x28f: {  	v47 =	vld [tilespmem:s28+$0x4D0];
	v1 =	vand.u32 $0xFFFF0000, v1;
	v41 =	vadd.s32 $0x7FFF, v41;
	v46 =	vadd.s32 v46, v48  }
0x290: {  	v1 =	vmul.f32 v1, v18;
	v39 =	vand.u32 $0xFFFF0000, v59;
	v43 =	vmul.f32 v57, v63;
	v63 =	vld [tilespmem:s28+$0x84D0]  }
0x291: {  	v62 =	vadd.s32 $0x7FFF, v46;
	v52 =	vmul.f32 v39, v16;
	v39 =	vand.u32 $0xFFFF0000, v41;
	v57 =	vld [tilespmem:s28+$0x4470]  }
0x292: {  	v49 =	vmul.f32 v51, v49;
	v56 =	vshrl.u32 v43, $0x10;
	v3 =	vmul.f32 v40, v3  }
0x293: {  	v41 =	vand.u32 $0xFFFF0000, v62;
	v0 =	vmul.f32 v0, v2;
	v2 =	vand.u32 $0x1, v56  }
0x294: {  	v55 =	vld [tilespmem:s28+$0x4C0];
	v59 =	vshrl.u32 v49, $0x10;
	v60 =	vshrl.u32 v3, $0x10;
	v2 =	vadd.s32 v2, v43  }
0x295: {  	v54 =	vld [tilespmem:s28+$0xC480];
	v43 =	vmul.f32 v41, v19;
	v51 =	vand.u32 $0x1, v60;
	v41 =	vand.u32 $0x1, v59  }
0x296: {  	v48 =	vld [tilespmem:s28+$0x4480];
	v50 =	vmul.f32 v58, v57;
	v46 =	vmul.f32 v63, v47;
	v2 =	vadd.s32 $0x7FFF, v2  }
0x297: {  	v57 =	vld [tilespmem:s28+$0x4A0];
	v61 =	vshrl.u32 v0, $0x10;
	v3 =	vadd.s32 v51, v3;
	v2 =	vand.u32 $0xFFFF0000, v2  }
0x298: {  	v51 =	vld [tilespmem:s28+$0x4B0];
	v53 =	vand.u32 $0x1, v61;
	v3 =	vadd.s32 $0x7FFF, v3;
	v2 =	vmul.f32 v2, v17  }
0x299: {  	v62 =	vshrl.u32 v50, $0x10;
	v63 =	vshrl.u32 v46, $0x10;
	v0 =	vadd.s32 v53, v0;
	v53 =	vld [tilespmem:s28+$0x84B0]  }
0x29a: {  	v40 =	vand.u32 $0xFFFF0000, v3;
	v61 =	vand.u32 $0x1, v63;
	v63 =	vld [tilespmem:s28+$0x84A0];
	v2 =	vadd.f32 v2, v20  }
0x29b: {  	v3 =	vld [tilespmem:s28+$0x84C0];
	v60 =	vand.u32 $0x1, v62;
	v62 =	vmul.f32 v54, v48;
	v0 =	vadd.s32 $0x7FFF, v0  }
0x29c: {  	v41 =	vadd.s32 v41, v49;
	v0 =	vand.u32 $0xFFFF0000, v0;
	v2 =	vadd.f32 v43, v2  }
0x29d: {  	v58 =	vshrl.u32 v62, $0x10;
	v0 =	vmul.f32 v0, v18;
	v43 =	vadd.s32 v60, v50  }
0x29e: {  	v49 =	vld [tilespmem:s28+$0x4450];
	v59 =	vand.u32 $0x1, v58;
	v56 =	vadd.s32 $0x7FFF, v43;
	v1 =	vadd.f32 v1, v2  }
0x29f: {  	v51 =	vmul.f32 v53, v51;
	v43 =	vadd.s32 v61, v46;
	v46 =	vld [tilespmem:s28+$0x4460];
	v53 =	vmul.f32 v63, v57  }
0x2a0: {  	v3 =	vmul.f32 v3, v55;
	v48 =	vand.u32 $0xFFFF0000, v56;
	v47 =	vadd.f32 v45, v1;
	v1 =	vld [tilespmem:s28+$0xC460]  }
0x2a1: {  	v2 =	vld [tilespmem:s28+$0xC450];
	v48 =	vmul.f32 v48, v16;
	v60 =	vshrl.u32 v51, $0x10;
	v63 =	vshrl.u32 v53, $0x10  }
0x2a2: {  	v45 =	vadd.s32 v59, v62;
	v61 =	vand.u32 $0x1, v60;
	v62 =	vshrl.u32 v3, $0x10  }
0x2a3: {  	v55 =	vld [tilespmem:s28+$0x4430];
	v60 =	vand.u32 $0x1, v63;
	v45 =	vadd.s32 $0x7FFF, v45;
	v50 =	vadd.s32 v61, v51  }
0x2a4: {  	v57 =	vld [tilespmem:s28+$0xC430];
	v54 =	vand.u32 $0x1, v62;
	v53 =	vadd.s32 v60, v53;
	v45 =	vand.u32 $0xFFFF0000, v45  }
0x2a5: {  	v51 =	vld [tilespmem:s28+$0x490];
	v50 =	vadd.s32 $0x7FFF, v50;
	v53 =	vadd.s32 $0x7FFF, v53;
	v1 =	vmul.f32 v1, v46  }
0x2a6: {  	v61 =	vld [tilespmem:s28+$0x8490];
	v50 =	vand.u32 $0xFFFF0000, v50;
	v2 =	vmul.f32 v2, v49;
	v53 =	vand.u32 $0xFFFF0000, v53  }
0x2a7: {  	v58 =	vld [tilespmem:s28+$0xC440];
	v50 =	vmul.f32 v50, v19;
	v53 =	vmul.f32 v53, v17;
	v63 =	vshrl.u32 v1, $0x10  }
0x2a8: {  	v59 =	vld [tilespmem:s28+$0x480];
	v46 =	vadd.s32 v54, v3;
	v62 =	vshrl.u32 v2, $0x10;
	v56 =	vand.u32 $0x1, v63  }
0x2a9: {  	v3 =	vld [tilespmem:s28+$0x4440];
	v54 =	vand.u32 $0x1, v62;
	v53 =	vadd.f32 v53, v20;
	v1 =	vadd.s32 v56, v1  }
0x2aa: {  	v2 =	vadd.s32 v54, v2;
	v54 =	vld [tilespmem:s28+$0x470];
	v56 =	vmul.f32 v57, v55;
	v1 =	vadd.s32 $0x7FFF, v1  }
0x2ab: {  	v51 =	vmul.f32 v61, v51;
	v53 =	vadd.f32 v50, v53;
	v57 =	vld [tilespmem:s28+$0x8470];
	v1 =	vand.u32 $0xFFFF0000, v1  }
0x2ac: {  	v2 =	vadd.s32 $0x7FFF, v2;
	v60 =	vshrl.u32 v56, $0x10;
	v55 =	vmul.f32 v1, v18;
	v1 =	vld [tilespmem:s28+$0x8480]  }
0x2ad: {  	v49 =	vand.u32 $0xFFFF0000, v2;
	v0 =	vadd.f32 v0, v53;
	v2 =	vand.u32 $0x1, v60;
	v60 =	vld [tilespmem:s28+$0x460]  }
0x2ae: {  	v61 =	vshrl.u32 v51, $0x10;
	v3 =	vmul.f32 v58, v3;
	v2 =	vadd.s32 v2, v56;
	v56 =	vld [tilespmem:s28+$0x8460]  }
0x2af: {  	v58 =	vand.u32 $0x1, v61;
	v53 =	vadd.f32 v52, v0;
	v0 =	vld [tilespmem:s28+$0xC420];
	v2 =	vadd.s32 $0x7FFF, v2  }
0x2b0: {  	v63 =	vshrl.u32 v3, $0x10;
	v54 =	vmul.f32 v57, v54;
	v57 =	vld [tilespmem:s28+$0x4420];
	v2 =	vand.u32 $0xFFFF0000, v2  }
0x2b1: {  	v62 =	vld [tilespmem:s28+$0xC410];
	v50 =	vadd.s32 v58, v51;
	v51 =	vmul.f32 v2, v16;
	v2 =	vand.u32 $0x1, v63  }
0x2b2: {  	v61 =	vld [tilespmem:s28+$0x4410];
	v2 =	vadd.s32 v2, v3;
	v3 =	vshrl.u32 v54, $0x10;
	v1 =	vmul.f32 v1, v59  }
0x2b3: {  	v2 =	vadd.s32 $0x7FFF, v2;
	v56 =	vmul.f32 v56, v60;
	v3 =	vand.u32 $0x1, v3  }
0x2b4: {  	v52 =	vand.u32 $0xFFFF0000, v2;
	v2 =	vadd.s32 v3, v54;
	v3 =	vshrl.u32 v1, $0x10  }
0x2b5: {  	v4 =	vld [tilespmem:s28+$0x8450];
	v0 =	vmul.f32 v0, v57;
	v60 =	vshrl.u32 v56, $0x10;
	v2 =	vadd.s32 $0x7FFF, v2  }
0x2b6: {  	v63 =	vld [tilespmem:s28+$0x450];
	v3 =	vand.u32 $0x1, v3;
	v54 =	vand.u32 $0x1, v60;
	v2 =	vand.u32 $0xFFFF0000, v2  }
0x2b7: {  	v5 =	vld [tilespmem:s28+$0x430];
	v1 =	vadd.s32 v3, v1;
	v3 =	vmul.f32 v62, v61;
	v54 =	vadd.s32 v54, v56  }
0x2b8: {  	(xrf2) =	vadd.scan.msk.f32 $0xffff, v44;
	v44 =	vld [tilespmem:s28+$0x8400];
	v57 =	vshrl.u32 v0, $0x10;
	v6 =	vmul.f32 v2, v19;
	v56 =	vadd.s32 $0x7FFF, v54  }
0x2b9: {  	p0 =	sne.s32 s31, $0xF800;
	v2 =	vld [tilespmem:s28+$0x8430];
	v54 =	vadd.s32 $0x7FFF, v1;
	v1 =	vshrl.u32 v3, $0x10;
	v56 =	vand.u32 $0xFFFF0000, v56  }
.Ltmp0:
0x2ba: {  	v58 =	vld [tilespmem:s28+$0x4400];
	v57 =	vand.u32 $0x1, v57;
	v1 =	vand.u32 $0x1, v1;
	v56 =	vmul.f32 v56, v17;
	(pc) =	sbr.rel @p0 .LBB2_2-.Ltmp0, $4  }
0x2bb: {  	v59 =	vld [tilespmem:s28+$0xC400];
	v63 =	vmul.f32 v4, v63;
	v0 =	vadd.s32 v57, v0;
	v1 =	vadd.s32 v1, v3  }
0x2bc: {  	v60 =	vld [tilespmem:s28+$0x420];
	v0 =	vadd.s32 $0x7FFF, v0;
	v1 =	vadd.s32 $0x7FFF, v1;
	v3 =	vadd.f32 v56, v20  }
0x2bd: {  	v62 =	vld [tilespmem:s28+$0x8420];
	v61 =	vand.u32 $0xFFFF0000, v0;
	v56 =	vand.u32 $0xFFFF0000, v1;
	v1 =	vshrl.u32 v63, $0x10  }
0x2be: {  	s31 =	sadd.s32 $0x800, s31;
	v57 =	vld [tilespmem:s28+$0x440];
	v0 =	vmul.f32 v2, v5;
	v2 =	vand.u32 $0x1, v1;
	v1 =	vadd.f32 v6, v3  }
0x2bf: {  	v3 =	vld [tilespmem:s28+$0x400]  }
0x2c0: {  	v4 =	vld [tilespmem:s28+$0x410]  }
0x2c1: {  	v6 =	vld [tilespmem:s28+$0x8410];
	_ =	sdelay $0x1  }
0x2c2: {  	v2 =	vadd.s32 v2, v63;
	v5 =	vmul.f32 v62, v60  }
0x2c3: {  	v58 =	vmul.f32 v59, v58;
	v1 =	vadd.f32 v55, v1;
	v2 =	vadd.s32 $0x7FFF, v2;
	v62 =	vld [tilespmem:s28+$0x8440]  }
0x2c4: {  	v2 =	vand.u32 $0xFFFF0000, v2;
	v60 =	vshrl.u32 v0, $0x10;
	v59 =	vshrl.u32 v5, $0x10  }
0x2c5: {  	v3 =	vmul.f32 v44, v3;
	v4 =	vmul.f32 v6, v4;
	v59 =	vand.u32 $0x1, v59  }
0x2c6: {  	v6 =	vshrl.u32 v58, $0x10;
	v5 =	vadd.s32 v59, v5;
	v59 =	vand.u32 $0x1, v60  }
0x2c7: {  	v6 =	vand.u32 $0x1, v6;
	v60 =	vadd.s32 v59, v0;
	v5 =	vadd.s32 $0x7FFF, v5  }
0x2c8: {  	v63 =	vmul.f32 v62, v57;
	v59 =	vshrl.u32 v3, $0x10;
	v5 =	vand.u32 $0xFFFF0000, v5  }
0x2c9: {  	v0 =	vadd.s32 $0x7FFF, v60;
	v55 =	vand.u32 $0x1, v59;
	v60 =	vmul.f32 v61, v18  }
0x2ca: {  	v61 =	vshrl.u32 v4, $0x10;
	v5 =	vmul.f32 v5, v17;
	v0 =	vand.u32 $0xFFFF0000, v0  }
0x2cb: {  	v3 =	vadd.s32 v55, v3;
	v55 =	vand.u32 $0x1, v61;
	v0 =	vmul.f32 v0, v19  }
0x2cc: {  	v3 =	vadd.s32 $0x7FFF, v3;
	v4 =	vadd.s32 v55, v4;
	v5 =	vadd.f32 v5, v20  }
0x2cd: {  	v6 =	vadd.s32 v6, v58;
	v3 =	vand.u32 $0xFFFF0000, v3;
	v4 =	vadd.s32 $0x7FFF, v4  }
0x2ce: {  	v3 =	vmul.f32 v3, v17;
	v0 =	vadd.f32 v0, v5;
	v5 =	vshrl.u32 v63, $0x10  }
0x2cf: {  	v6 =	vadd.s32 $0x7FFF, v6;
	v4 =	vand.u32 $0xFFFF0000, v4;
	v5 =	vand.u32 $0x1, v5  }
0x2d0: {  	v4 =	vmul.f32 v4, v19;
	v3 =	vadd.f32 v3, v20;
	v5 =	vadd.s32 v5, v63  }
0x2d1: {  	v1 =	vadd.f32 v48, v1;
	v6 =	vand.u32 $0xFFFF0000, v6;
	v5 =	vadd.s32 $0x7FFF, v5  }
0x2d2: {  	(xrf2) =	vadd.scan.msk.f32 $0xffff, v34;
	v3 =	vadd.f32 v4, v3;
	v4 =	vmul.f32 v6, v18;
	v5 =	vand.u32 $0xFFFF0000, v5  }
0x2d3: {  	(xrf2) =	vadd.scan.msk.f32 $0xffff, v38;
	v2 =	vmul.f32 v2, v19;
	v62 =	vadd.s32 $0x7FFF, v50;
	v5 =	vmul.f32 v5, v17  }
0x2d4: {  	(xrf2) =	vadd.scan.msk.f32 $0xffff, v42;
	v0 =	vadd.f32 v60, v0;
	v3 =	vadd.f32 v4, v3;
	v4 =	vmul.f32 v56, v16  }
0x2d5: {  	(xrf2) =	vadd.scan.msk.f32 $0xffff, v47;
	v47 =	vmul.f32 v49, v16;
	v38 =	vand.u32 $0xFFFF0000, v62;
	v5 =	vadd.f32 v5, v20  }
0x2d6: {  	v6 =	vmul.f32 v52, v18;
	v0 =	vadd.f32 v51, v0;
	v63 =	vadd.f32 v4, v3  }
0x2d7: {  	(xrf2) =	vadd.scan.msk.f32 $0xffff, v53;
	v4 =	vadd.s32 $0x7FFF, v46;
	v2 =	vadd.f32 v2, v5;
	v5 =	vand.u32 $0xFFFF0000, v54  }
0x2d8: {  	(xrf2) =	vadd.scan.msk.f32 $0xffff, v1;
	v3 =	vmul.f32 v38, v19;
	v4 =	vand.u32 $0xFFFF0000, v4;
	v5 =	vmul.f32 v5, v17  }
0x2d9: {  	v49 =	vadd.s32 $0x7FFF, v41;
	(xrf2) =	vadd.scan.msk.f32 $0xffff, v0;
	v48 =	vmul.f32 v4, v17;
	v42 =	vadd.f32 v6, v2  }
0x2da: {  	(xrf2) =	vadd.scan.msk.f32 $0xffff, v63;
	v6 =	vadd.s32 $0x7FFF, v43;
	v44 =	vadd.f32 v5, v20;
	v5 =	vmul.f32 v45, v18  }
0x2db: {  	v4 =	vmul.f32 v40, v16;
	v1 =	vadd.f32 v48, v20;
	v6 =	vand.u32 $0xFFFF0000, v6  }
0x2dc: {  	v0 =	vadd.f32 v47, v42;
	v6 =	vmul.f32 v6, v19;
	v2 =	vadd.f32 v3, v44;
	v3, _, _ =	vpop (xrf2)  }
0x2dd: {  	v37 =	vadd.s32 $0x7FFF, v37;
	v50 =	vand.u32 $0xFFFF0000, v49;
	v34, _, _ =	vpop (xrf2)  }
0x2de: {  	(xrf2) =	vadd.scan.msk.f32 $0xffff, v0;
	v1 =	vadd.f32 v6, v1;
	v6 =	vand.u32 $0xFFFF0000, v37;
	v2 =	vadd.f32 v5, v2;
	v5, _, _ =	vpop (xrf2)  }
0x2df: {  	v0 =	vmul.f32 v50, v17;
	v6 =	vmul.f32 v6, v19;
	v51, _, _ =	vpop (xrf2)  }
0x2e0: {  	v39 =	vmul.f32 v39, v18;
	v35 =	vadd.s32 $0x7FFF, v35;
	v2 =	vadd.f32 v4, v2;
	v4, _, _ =	vpop (xrf2)  }
0x2e1: {  	v36 =	vmul.f32 v36, v16;
	v35 =	vand.u32 $0xFFFF0000, v35;
	v0 =	vadd.f32 v0, v20;
	v52, _, _ =	vpop (xrf2)  }
0x2e2: {  	v32 =	vadd.s32 $0x7FFF, v32;
	v35 =	vmul.f32 v35, v17;
	v58 =	vld [tilespmem:$0x1FF90];
	v1 =	vadd.f32 v39, v1;
	(xrf2) =	vadd.scan.msk.f32 $0xffff, v2;
	v53, _, _ =	vpop (xrf2)  }
0x2e3: {  	v33 =	vmul.f32 v33, v18;
	v32 =	vand.u32 $0xFFFF0000, v32;
	v0 =	vadd.f32 v6, v0;
	v6, _, _ =	vpop (xrf2)  }
0x2e4: {  	v32 =	vmul.f32 v32, v19;
	v57 =	vadd.f32 v35, v20;
	v62 =	vld [tilespmem:$0x1FFA0];
	v1 =	vadd.f32 v36, v1;
	v54, _, _ =	vpop (xrf2)  }
0x2e5: {  	v55 =	vbroadcast v54, $0xF  }
0x2e6: {  	v59 =	vadd.f32 v32, v57;
	v32 =	vld [tilespmem:$0x1FFB0];
	v56 =	vmul.f32 v31, v16;
	v0 =	vadd.f32 v33, v0;
	(xrf2) =	vadd.scan.msk.f32 $0xffff, v1  }
0x2e7: {  	v30 =	vand.u32 $0xFFFF0000, v30;
	v6 =	vbroadcast v6, $0xF;
	v33 =	vmul.f32 v58, v55  }
0x2e8: {  	v30 =	vmul.f32 v30, v17;
	v35 =	vld [tilespmem:$0x1FFC0];
	v0 =	vadd.f32 v56, v0;
	v60, _, _ =	vpop (xrf2)  }
0x2e9: {  	v6 =	vmul.f32 v62, v6;
	v31 =	vbroadcast v60, $0xF;
	v61 =	vadd.f32 $0.0e+00, v33  }
0x2ea: {  	v28 =	vmul.f32 v28, v19;
	v63 =	vadd.f32 v30, v20;
	v40 =	vld [tilespmem:$0x1FFD0];
	v1 =	vadd.f32 v29, v59  }
0x2eb: {  	v2 =	vbroadcast v53, $0xF;
	(xrf2) =	vadd.scan.msk.f32 $0xffff, v0;
	v29 =	vmul.f32 v32, v31;
	v6 =	vadd.f32 v6, v61  }
0x2ec: {  	v43 =	vld [tilespmem:$0x1FFE0];
	v17 =	vmul.f32 v27, v17;
	v1 =	vadd.f32 v26, v1;
	v0 =	vadd.f32 v28, v63;
	v33, _, _ =	vpop (xrf2)  }
0x2ed: {  	v2 =	vmul.f32 v35, v2;
	v6 =	vadd.f32 v29, v6;
	v26 =	vbroadcast v33, $0xF  }
0x2ee: {  	v17 =	vadd.f32 v17, v20;
	v36 =	vmul.f32 v24, v19;
	v0 =	vadd.f32 v25, v0  }
0x2ef: {  	v45 =	vld [tilespmem:$0x1FFF0];
	(xrf2) =	vadd.scan.msk.f32 $0xffff, v1;
	v39 =	vadd.f32 v2, v6;
	v2 =	vmul.f32 v40, v26;
	v6 =	vbroadcast v52, $0xF  }
0x2f0: {  	v41 =	vmul.f32 v22, v18;
	v17 =	vadd.f32 v36, v17;
	v0 =	vadd.f32 v23, v0;
	v42, _, _ =	vpop (xrf2)  }
0x2f1: {  	v1 =	vadd.f32 v2, v39;
	v2 =	vmul.f32 v43, v6;
	v6 =	vbroadcast v42, $0xF;
	_ =	sdelay $0x1  }
0x2f2: {  	v16 =	vmul.f32 v21, v16;
	v17 =	vadd.f32 v41, v17;
	(xrf2) =	vadd.scan.msk.f32 $0xffff, v0  }
0x2f3: {  	v46 =	vbroadcast v4, $0xF;
	v44 =	vadd.f32 v2, v1;
	v1 =	vmul.f32 v45, v6  }
0x2f4: {  	v4 =	vadd.f32 v16, v17;
	v6, _, _ =	vpop (xrf2)  }
0x2f5: {  	v47 =	vmul.f32 v7, v46;
	v0 =	vadd.f32 v1, v44;
	v48 =	vbroadcast v6, $0xF  }
0x2f6: {  	(xrf2) =	vadd.scan.msk.f32 $0xffff, v4  }
0x2f7: {  	v50 =	vbroadcast v51, $0xF;
	v0 =	vadd.f32 v47, v0;
	v49 =	vmul.f32 v8, v48  }
0x2f8: {  	v4, _, _ =	vpop (xrf2)  }
0x2f9: {  	v51 =	vmul.f32 v9, v50;
	v52 =	vbroadcast v4, $0xF;
	v0 =	vadd.f32 v49, v0;
	_ =	sdelay $0x1  }
0x2fa: {  	v54 =	vbroadcast v5, $0xF;
	v53 =	vmul.f32 v10, v52;
	v0 =	vadd.f32 v51, v0  }
0x2fb: {  	v4, _, _ =	vpop (xrf2)  }
0x2fc: {  	v55 =	vmul.f32 v11, v54;
	v56 =	vbroadcast v4, $0xF;
	v0 =	vadd.f32 v53, v0;
	_ =	sdelay $0x1  }
0x2fd: {  	v58 =	vbroadcast v34, $0xF;
	v57 =	vmul.f32 v12, v56;
	v0 =	vadd.f32 v55, v0  }
0x2fe: {  	v4, _, _ =	vpop (xrf2)  }
0x2ff: {  	v59 =	vmul.f32 v13, v58;
	v60 =	vbroadcast v4, $0xF;
	v0 =	vadd.f32 v57, v0;
	_ =	sdelay $0x1  }
0x300: {  	v62 =	vbroadcast v3, $0xF;
	v61 =	vmul.f32 v14, v60;
	v0 =	vadd.f32 v59, v0;
	_ =	sdelay $0x1  }
0x301: {  	v63 =	vmul.f32 v15, v62;
	v0 =	vadd.f32 v61, v0;
	_ =	sdelay $0x1  }
0x302: {  	s26 =	sadd.s32 $0x1, s26;
	v0 =	vadd.f32 v63, v0  }
0x303: {  	s31 =	sadd.s32 $0x10, s29;
	p0 =	sne.s32 s26, s12  }
.Ltmp1:
0x304: {  	[tilespmem:s31+$0x0] =	vst v0;
	(pc) =	sbr.rel @p0 .LBB2_1-.Ltmp1, $4  }
0x305: {  	[hbm4b:s11+s1] =	stream.linear.scatter [tilespmem:s25], [sflag:$0x2], $0x200, $0x38;
	[tilespmem:$0x10670] =	vst v63  }
0x306: {  	_ =	swait.ge [sflag:s13], $0x200  }
0x307: {  	[sflag:s13] =	ssyncset.done $0x0  }
0x308: {  	[sflag:s13] =	ssyncadd.s32 $0xFFFFFE00  }
0x309: {  	_ =	sfence.sel $0x180000  }
0x30a: {  	[bflag:$0x0] =	sbarrier.arrive $0xFFFF  }
0x30b: {  	_ =	strace $0x90000047  }
0x30c: {  	s0 =	stileid.u32;
	[bflag:$0x2] =	sbarrier.arrive $0xFFFF  }
0x30d: {  	p0 =	sne.s32 s0, $0x0;
	s0 =	rddreg [dreg:$0x3]  }
0x30e: {  	s0 =	sadd.s32 @!p0 $0x100000, s0  }
0x30f: {  	[sflag:s0] =	ssyncadd.tile.s32 @!p0 $0x1;
	_ =	shalt  }
.Lfunc_end2:
_tile_overlayer_lowered:
.L_overlay_start_2:
0x310: {  	(tag) =	ssettag $0x2  }
0x311: {  	s0 =	rddreg [dreg:$0x0];
	s2 =	stileid.u32  }
0x312: {  	s1 =	rddreg [dreg:$0x1];
	p0 =	sne.s32 s2, $0x0  }
0x313: {  	s3 =	rddreg [dreg:$0x2];
	[bflag:$0x3] =	sbarrier.arrive $0xFFFF;
	s2 =	simm.s32 @!p0 $0x1C02  }
0x314: {  	[timem:s3], [sflag:s2] =	dma.local @!p0 [hbm:s0], s1  }
0x315: {  	s0 =	simm.s32 @!p0 $0x2  }
0x316: {  	_ =	swait.ge @!p0 [sflag:s0], s1  }
0x317: {  	s1 =	ssub.s32 @!p0 $0x0, s1;
	[sflag:s0] =	ssyncset.done @!p0 $0x0  }
0x318: {  	[sflag:s0] =	ssyncadd.s32 @!p0 s1  }
0x319: {  	[bflag:$0x3] =	sbarrier.arrive $0xFFFF  }
0x31a: {  	_ =	shalt  }

</sc_bundles>
